<compile_context>
chip_gen: v7x
topology: tpu7x:2x2x1
jax: 0.10.2.dev20260603
libtpu: 0.0.44.dev20260713+nightly
codegen_flags: <defaults>
</compile_context>

<pallas_src>
import jax
import jax.numpy as jnp
from jax import lax
from jax.experimental import pallas as pl
from jax.experimental.pallas import tpu as pltpu
from jax.experimental.pallas import tpu_sc as plsc

N = 10000
E = 320000
D_IN = 128
H = 32
D_OUT = 64

NP = 10240
NTILES = 16
SEG = NP // NTILES
CH = 512
EPT = E // NTILES
NB = 4
NCH = 40
EPTP = NCH * CH
HALF = 16


def _rsqrt_approx(d):
    i = lax.bitcast_convert_type(d, jnp.int32)
    i = jnp.int32(0x5F3759DF) - lax.shift_right_logical(i, 1)
    y = lax.bitcast_convert_type(i, jnp.float32)
    for _ in range(3):
        y = y * (jnp.float32(1.5) - jnp.float32(0.5) * d * y * y)
    return y



def _mm1_body(x_ref, w_ref, o_ref):
    x = x_ref[...]
    w = w_ref[...]
    o_ref[0] = jnp.dot(x, w[:, :HALF], preferred_element_type=jnp.float32)
    o_ref[1] = jnp.dot(x, w[:, HALF:], preferred_element_type=jnp.float32)


def _mm1(x, W1):
    bm = NP
    return pl.pallas_call(
        _mm1_body,
        grid=(NP // bm,),
        in_specs=[
            pl.BlockSpec((bm, D_IN), lambda i: (i, 0)),
            pl.BlockSpec((D_IN, H), lambda i: (0, 0)),
        ],
        out_specs=pl.BlockSpec((2, bm, HALF), lambda i: (0, i, 0)),
        out_shape=jax.ShapeDtypeStruct((2, NP, HALF), jnp.float32),
    )(x, W1)



def _hist_body(src_hbm, dst_hbm,
               deg_hbm,
               idx_v, ones_v, dv_v,
               h_s,
               sem):
    c = lax.axis_index("c")
    t = lax.axis_index("s")
    base = t * SEG

    @pl.when(c == 0)
    def _():
        pltpu.sync_copy(src_hbm.at[t], idx_v.at[pl.ds(0, EPT)])

    @pl.when(c == 1)
    def _():
        pltpu.sync_copy(dst_hbm.at[t], idx_v.at[pl.ds(0, EPT)])
    lane = lax.iota(jnp.int32, 16)
    for k in range((EPTP - EPT) // 16):
        idx_v[pl.ds(EPT + k * 16, 16)] = jnp.int32(N + (k * 16) % 240) + lane

    for k in range(CH // 16):
        ones_v[pl.ds(k * 16, 16)] = jnp.ones((16,), jnp.float32)

    def _z1d(k, carry):
        dv_v[pl.ds(k * 16, 16)] = jnp.zeros((16,), jnp.float32)
        return carry
    lax.fori_loop(0, SEG // 16, _z1d, 0)
    pltpu.sync_copy(dv_v, h_s.at[pl.ds(base, SEG)])
    plsc.subcore_barrier()

    def _hist(j, carry):
        pltpu.async_copy(ones_v, h_s.at[idx_v.at[pl.ds(j * CH, CH)]],
                         sem, add=True)
        return carry
    lax.fori_loop(0, NCH, _hist, 0)

    def _hdrain(j, carry):
        pltpu.make_async_copy(ones_v, h_s.at[idx_v.at[pl.ds(0, CH)]],
                              sem).wait()
        return carry
    lax.fori_loop(0, NCH, _hdrain, 0)
    plsc.subcore_barrier()

    pltpu.sync_copy(h_s.at[pl.ds(base, SEG)], dv_v)
    pltpu.sync_copy(dv_v, deg_hbm.at[c, pl.ds(base, SEG)])


_hist_k = pl.kernel(
    _hist_body,
    out_type=jax.ShapeDtypeStruct((2, NP), jnp.float32),
    mesh=plsc.VectorSubcoreMesh(core_axis_name="c", subcore_axis_name="s"),
    compiler_params=pltpu.CompilerParams(use_tc_tiling_on_sc=False),
    scratch_types=[
        pltpu.VMEM((EPTP,), jnp.int32),
        pltpu.VMEM((CH,), jnp.float32),
        pltpu.VMEM((SEG,), jnp.float32),
        pltpu.VMEM_SHARED((NP,), jnp.float32),
        pltpu.SemaphoreType.DMA,
    ],
)



def _msg_body(y1_hbm, src_hbm, dst_hbm, b1_hbm, deg_hbm,
              out_hbm,
              src_v, dst_v, buf_v, zbuf_v, ebuf_v,
              nsrc_v, ndst_v, dv_v, b1_v,
              z_s, agg_s,
              sem, gsem, ssem):
    c = lax.axis_index("c")
    t = lax.axis_index("s")
    base = t * SEG

    pltpu.sync_copy(src_hbm.at[t], src_v.at[pl.ds(0, EPT)])
    pltpu.sync_copy(dst_hbm.at[t], dst_v.at[pl.ds(0, EPT)])
    pltpu.sync_copy(b1_hbm.at[pl.ds(c * HALF, HALF)], b1_v)
    pltpu.sync_copy(y1_hbm.at[pl.ds(c * NP + base, SEG)], buf_v)
    lane = lax.iota(jnp.int32, 16)
    for k in range((EPTP - EPT) // 16):
        pv = jnp.int32(N + (k * 16) % 240) + lane
        src_v[pl.ds(EPT + k * 16, 16)] = pv
        dst_v[pl.ds(EPT + k * 16, 16)] = pv

    def _zrow(r, carry):
        zbuf_v[r, :] = jnp.zeros((16,), jnp.float32)
        return carry
    lax.fori_loop(0, SEG, _zrow, 0)

    def _norms(out_ref):
        def body(k, carry):
            d = jnp.maximum(dv_v[pl.ds(k * 16, 16)], jnp.float32(1.0))
            out_ref[pl.ds(k * 16, 16)] = _rsqrt_approx(d)
            return carry
        lax.fori_loop(0, SEG // 16, body, 0)

    pltpu.sync_copy(deg_hbm.at[0, pl.ds(base, SEG)], dv_v)
    _norms(nsrc_v)
    pltpu.sync_copy(deg_hbm.at[1, pl.ds(base, SEG)], dv_v)
    _norms(ndst_v)

    def _scale(k, carry):
        nv = nsrc_v[pl.ds(k * 16, 16)]
        for l in range(16):
            r = k * 16 + l
            buf_v[r, :] = buf_v[r, :] * nv[l]
        return carry
    lax.fori_loop(0, SEG // 16, _scale, 0)
    pltpu.sync_copy(buf_v, z_s.at[pl.ds(base, SEG)])
    pltpu.sync_copy(zbuf_v, agg_s.at[pl.ds(base, SEG)])
    plsc.subcore_barrier()

    def _g_issue(j, b):
        pltpu.async_copy(z_s.at[src_v.at[pl.ds(j * CH, CH)]], ebuf_v.at[b],
                         gsem.at[b])

    def _g_wait(b):
        pltpu.make_async_copy(z_s.at[src_v.at[pl.ds(0, CH)]], ebuf_v.at[b],
                              gsem.at[b]).wait()

    def _s_issue(j, b):
        pltpu.async_copy(ebuf_v.at[b], agg_s.at[dst_v.at[pl.ds(j * CH, CH)]],
                         ssem.at[b], add=True)

    def _s_wait(b):
        pltpu.make_async_copy(ebuf_v.at[b], agg_s.at[dst_v.at[pl.ds(0, CH)]],
                              ssem.at[b]).wait()

    def _edges():
        for b in range(NB):
            _g_issue(b, b)
        for b in range(NB - 1):
            _g_wait(b)
            _s_issue(b, b)

        def _body(o, carry):
            for b in range(NB):
                j = NB + o * NB + b
                _s_wait(b)
                _g_issue(j, b)
                b1 = (b + NB - 1) % NB
                _g_wait(b1)
                _s_issue(j - 1, b1)
            return carry
        lax.fori_loop(0, (NCH - NB) // NB, _body, 0)

        _g_wait((NCH - 1) % NB)
        _s_issue(NCH - 1, (NCH - 1) % NB)
        for b in range(NB):
            _s_wait(b)

    _edges()
    plsc.subcore_barrier()

    pltpu.sync_copy(agg_s.at[pl.ds(base, SEG)], buf_v)
    b1row = b1_v[...]

    def _mid(k, carry):
        nvd = ndst_v[pl.ds(k * 16, 16)]
        nvs = nsrc_v[pl.ds(k * 16, 16)]
        for l in range(16):
            r = k * 16 + l
            h = jnp.maximum(buf_v[r, :] * nvd[l] + b1row, jnp.float32(0.0))
            buf_v[r, :] = h * nvs[l]
        return carry
    lax.fori_loop(0, SEG // 16, _mid, 0)
    pltpu.sync_copy(buf_v, z_s.at[pl.ds(base, SEG)])
    pltpu.sync_copy(zbuf_v, agg_s.at[pl.ds(base, SEG)])
    plsc.subcore_barrier()

    _edges()
    plsc.subcore_barrier()

    pltpu.sync_copy(agg_s.at[pl.ds(base, SEG)], buf_v)
    pltpu.sync_copy(buf_v, out_hbm.at[pl.ds(c * NP + base, SEG)])


_msgpass = pl.kernel(
    _msg_body,
    out_type=jax.ShapeDtypeStruct((2 * NP, HALF), jnp.float32),
    mesh=plsc.VectorSubcoreMesh(core_axis_name="c", subcore_axis_name="s"),
    compiler_params=pltpu.CompilerParams(use_tc_tiling_on_sc=False),
    scratch_types=[
        pltpu.VMEM((EPTP,), jnp.int32),
        pltpu.VMEM((EPTP,), jnp.int32),
        pltpu.VMEM((SEG, HALF), jnp.float32),
        pltpu.VMEM((SEG, HALF), jnp.float32),
        pltpu.VMEM((NB, CH, HALF), jnp.float32),
        pltpu.VMEM((SEG,), jnp.float32),
        pltpu.VMEM((SEG,), jnp.float32),
        pltpu.VMEM((SEG,), jnp.float32),
        pltpu.VMEM((HALF,), jnp.float32),
        pltpu.VMEM_SHARED((NP, HALF), jnp.float32),
        pltpu.VMEM_SHARED((NP, HALF), jnp.float32),
        pltpu.SemaphoreType.DMA,
        pltpu.SemaphoreType.DMA((NB,)),
        pltpu.SemaphoreType.DMA((NB,)),
    ],
)



def _fin_body(a_ref, d_ref, w_ref, b_ref, o_ref):
    a2 = a_ref[...]
    a = jnp.concatenate([a2[0], a2[1]], axis=1)
    nd = lax.rsqrt(jnp.maximum(d_ref[...], jnp.float32(1.0)))
    o = jnp.dot(a * nd, w_ref[...], preferred_element_type=jnp.float32)
    o = o + b_ref[...]
    m = jnp.max(o, axis=1, keepdims=True)
    e = o - m
    lse = jnp.log(jnp.sum(jnp.exp(e), axis=1, keepdims=True))
    o_ref[...] = e - lse


def _final(agg, deg, W2, b2):
    bm = NP
    return pl.pallas_call(
        _fin_body,
        grid=(NP // bm,),
        in_specs=[
            pl.BlockSpec((2, bm, HALF), lambda i: (0, i, 0)),
            pl.BlockSpec((bm, 1), lambda i: (i, 0)),
            pl.BlockSpec((H, D_OUT), lambda i: (0, 0)),
            pl.BlockSpec((1, D_OUT), lambda i: (0, 0)),
        ],
        out_specs=pl.BlockSpec((bm, D_OUT), lambda i: (i, 0)),
        out_shape=jax.ShapeDtypeStruct((N, D_OUT), jnp.float32),
    )(agg, deg, W2, b2)



@jax.jit
def kernel(x, edge_index, W1, b1, W2, b2):
    srcr = edge_index[0].reshape(NTILES, EPT)
    dstr = edge_index[1].reshape(NTILES, EPT)
    deg = _hist_k(srcr, dstr)
    y1 = _mm1(x, W1).reshape(2 * NP, HALF)
    agg = _msgpass(y1, srcr, dstr, b1, deg)
    return _final(agg.reshape(2, NP, HALF), deg[1].reshape(NP, 1),
                  W2, b2.reshape(1, D_OUT))

# --- scband reference (transcript-rebuilt; emitter-appended) ---
"""Pipeline reference for scband-gcn-65549790871804 (READ-ONLY COPY).

The authoritative reference and input builder live on the scoring server;
editing this copy changes nothing except your own understanding.
"""

import jax, jax.numpy as jnp
import numpy as np

N = 10000
E = 320000
D_IN = 128
H = 32
D_OUT = 64


def setup_inputs(seed: int = 0) -> dict:
    key = jax.random.key(seed)
    k1, k2, k3, k4, k5, k6 = jax.random.split(key, 6)
    x = jax.random.normal(k1, (N, D_IN), dtype=jnp.float32)
    edge_index = jax.random.randint(k2, (2, E), 0, N, dtype=jnp.int32)
    W1 = jax.random.normal(k3, (D_IN, H), dtype=jnp.float32) * (1.0 / np.sqrt(D_IN))
    b1 = jnp.zeros((H,), dtype=jnp.float32)
    W2 = jax.random.normal(k4, (H, D_OUT), dtype=jnp.float32) * (1.0 / np.sqrt(H))
    b2 = jnp.zeros((D_OUT,), dtype=jnp.float32)
    return {"x": x, "edge_index": edge_index, "W1": W1, "b1": b1, "W2": W2, "b2": b2}


def _gcn_layer(x, src, dst, W, b):
    # DGL GraphConv with norm='both': h = D_in^{-1/2} A D_out^{-1/2} x W + b
    deg_out = jnp.zeros((N,), jnp.float32).at[src].add(1.0)
    deg_in = jnp.zeros((N,), jnp.float32).at[dst].add(1.0)
    norm_src = jax.lax.rsqrt(jnp.maximum(deg_out, 1.0))
    norm_dst = jax.lax.rsqrt(jnp.maximum(deg_in, 1.0))
    x_scaled = x * norm_src[:, None]
    msgs = jnp.take(x_scaled, src, axis=0)
    agg = jnp.zeros((N, x.shape[1]), x.dtype).at[dst].add(msgs)
    agg = agg * norm_dst[:, None]
    return agg @ W + b


def reference(x, edge_index, W1, b1, W2, b2):
    src = edge_index[0]
    dst = edge_index[1]
    h = jax.nn.relu(_gcn_layer(x, src, dst, W1, b1))
    # dropout is identity in eval mode (training=False)
    out = _gcn_layer(h, src, dst, W2, b2)
    return jax.nn.log_softmax(out, axis=1)

if __name__ == "__main__":
    import jax
    _d = setup_inputs()
    print(jax.jit(kernel)(*tuple(_d.values())))

</pallas_src>

<mosaic_0001>
#map = affine_map<(d0, d1) -> (0, 0)>
module attributes {stable_mosaic.version = 14 : i64} {
  func.func @_hist_body(%arg0: i32, %arg1: i32, %arg2: memref<16x20000xi32, #tpu.memory_space<hbm>>, %arg3: memref<16x20000xi32, #tpu.memory_space<hbm>>, %arg4: memref<2x10240xf32, #tpu.memory_space<hbm>>, %arg5: memref<20480xi32, #tpu.memory_space<vmem>>, %arg6: memref<512xf32, #tpu.memory_space<vmem>>, %arg7: memref<640xf32, #tpu.memory_space<vmem>>, %arg8: memref<10240xf32, #tpu.memory_space<vmem_shared>>, %arg9: memref<!tpu.dma_semaphore, #tpu.memory_space<semaphore_mem>>) attributes {dimension_semantics = [#tpu.dimension_semantics<core_parallel>, #tpu.dimension_semantics<subcore_parallel>], iteration_bounds = array<i64: 2, 16>, scalar_prefetch = 0 : i64, scratch_operands = 5 : i64, tpu.core_type = #tpu.core_type<sc_vector_subcore>, window_params = [{transform_indices = #map}, {transform_indices = #map}, {transform_indices = #map}]} {
    %mul3A = arith.constant 640 : i32
    %mul3A_0 = arith.muli %arg1, %mul3A : i32
    %eq3A = arith.constant 0 : i32
    %eq3A_1 = arith.cmpi eq, %arg0, %eq3A : i32
    %convert_element_type3A = arith.extui %eq3A_1 : i1 to i32
    %cond3A = arith.constant 0 : i32
    %cond3A_2 = arith.cmpi ne, %convert_element_type3A, %cond3A : i32
    scf.if %cond3A_2 {
      "tpu.region"() ({
        %run_scoped3A = tpu.sem_alloc : memref<!tpu.dma_semaphore, #tpu.memory_space<semaphore_mem>>
        %dma_start3A = arith.constant 0 : i32
        %dma_start3A_425 = tpu.memref_slice %arg5[%dma_start3A] : memref<20480xi32, #tpu.memory_space<vmem>> -> memref<20000xi32, #tpu.memory_space<vmem>>
        %dma_start3A_426 = arith.constant 0 : i32
        %dma_start3A_427 = tpu.memref_slice %arg2[%arg1, %dma_start3A_426] : memref<16x20000xi32, #tpu.memory_space<hbm>> -> memref<1x20000xi32, #tpu.memory_space<hbm>>
        %dma_start3A_428 = tpu.memref_squeeze %dma_start3A_427 : memref<1x20000xi32, #tpu.memory_space<hbm>> -> memref<20000xi32, #tpu.memory_space<hbm>>
        %dma_start3A_429 = arith.constant 0 : i32
        %dma_start3A_430 = tpu.memref_slice %arg5[%dma_start3A_429] : memref<20480xi32, #tpu.memory_space<vmem>> -> memref<20000xi32, #tpu.memory_space<vmem>>
        %dma_start3A_431 = arith.constant 0 : i32
        %dma_start3A_432 = tpu.memref_slice %arg2[%arg1, %dma_start3A_431] : memref<16x20000xi32, #tpu.memory_space<hbm>> -> memref<1x20000xi32, #tpu.memory_space<hbm>>
        %dma_start3A_433 = tpu.memref_squeeze %dma_start3A_432 : memref<1x20000xi32, #tpu.memory_space<hbm>> -> memref<20000xi32, #tpu.memory_space<hbm>>
        tpu.enqueue_dma source(%dma_start3A_433 : memref<20000xi32, #tpu.memory_space<hbm>>) target(%dma_start3A_430 : memref<20000xi32, #tpu.memory_space<vmem>>) target_semaphore(%run_scoped3A : memref<!tpu.dma_semaphore, #tpu.memory_space<semaphore_mem>>)
        %dma_wait3A = arith.constant 0 : i32
        %dma_wait3A_434 = tpu.memref_slice %arg5[%dma_wait3A] : memref<20480xi32, #tpu.memory_space<vmem>> -> memref<20000xi32, #tpu.memory_space<vmem>>
        %dma_wait3A_435 = arith.constant 0 : i32
        %dma_wait3A_436 = tpu.memref_slice %arg2[%arg1, %dma_wait3A_435] : memref<16x20000xi32, #tpu.memory_space<hbm>> -> memref<1x20000xi32, #tpu.memory_space<hbm>>
        %dma_wait3A_437 = tpu.memref_squeeze %dma_wait3A_436 : memref<1x20000xi32, #tpu.memory_space<hbm>> -> memref<20000xi32, #tpu.memory_space<hbm>>
        %dma_wait3A_438 = arith.constant 0 : i32
        %dma_wait3A_439 = tpu.memref_slice %arg5[%dma_wait3A_438] : memref<20480xi32, #tpu.memory_space<vmem>> -> memref<20000xi32, #tpu.memory_space<vmem>>
        %dma_wait3A_440 = arith.constant 0 : i32
        %dma_wait3A_441 = tpu.memref_slice %arg2[%arg1, %dma_wait3A_440] : memref<16x20000xi32, #tpu.memory_space<hbm>> -> memref<1x20000xi32, #tpu.memory_space<hbm>>
        %dma_wait3A_442 = tpu.memref_squeeze %dma_wait3A_441 : memref<1x20000xi32, #tpu.memory_space<hbm>> -> memref<20000xi32, #tpu.memory_space<hbm>>
        tpu.wait_dma2 semaphore(%run_scoped3A : memref<!tpu.dma_semaphore, #tpu.memory_space<semaphore_mem>>) src(%dma_wait3A_442 : memref<20000xi32, #tpu.memory_space<hbm>>) dst(%dma_wait3A_439 : memref<20000xi32, #tpu.memory_space<vmem>>)
        tpu.yield
      }) : () -> ()
    } else {
    }
    %eq3A_3 = arith.constant 1 : i32
    %eq3A_4 = arith.cmpi eq, %arg0, %eq3A_3 : i32
    %convert_element_type3A_5 = arith.extui %eq3A_4 : i1 to i32
    %cond3A_6 = arith.constant 0 : i32
    %cond3A_7 = arith.cmpi ne, %convert_element_type3A_5, %cond3A_6 : i32
    scf.if %cond3A_7 {
      "tpu.region"() ({
        %run_scoped3A = tpu.sem_alloc : memref<!tpu.dma_semaphore, #tpu.memory_space<semaphore_mem>>
        %dma_start3A = arith.constant 0 : i32
        %dma_start3A_425 = tpu.memref_slice %arg5[%dma_start3A] : memref<20480xi32, #tpu.memory_space<vmem>> -> memref<20000xi32, #tpu.memory_space<vmem>>
        %dma_start3A_426 = arith.constant 0 : i32
        %dma_start3A_427 = tpu.memref_slice %arg3[%arg1, %dma_start3A_426] : memref<16x20000xi32, #tpu.memory_space<hbm>> -> memref<1x20000xi32, #tpu.memory_space<hbm>>
        %dma_start3A_428 = tpu.memref_squeeze %dma_start3A_427 : memref<1x20000xi32, #tpu.memory_space<hbm>> -> memref<20000xi32, #tpu.memory_space<hbm>>
        %dma_start3A_429 = arith.constant 0 : i32
        %dma_start3A_430 = tpu.memref_slice %arg5[%dma_start3A_429] : memref<20480xi32, #tpu.memory_space<vmem>> -> memref<20000xi32, #tpu.memory_space<vmem>>
        %dma_start3A_431 = arith.constant 0 : i32
        %dma_start3A_432 = tpu.memref_slice %arg3[%arg1, %dma_start3A_431] : memref<16x20000xi32, #tpu.memory_space<hbm>> -> memref<1x20000xi32, #tpu.memory_space<hbm>>
        %dma_start3A_433 = tpu.memref_squeeze %dma_start3A_432 : memref<1x20000xi32, #tpu.memory_space<hbm>> -> memref<20000xi32, #tpu.memory_space<hbm>>
        tpu.enqueue_dma source(%dma_start3A_433 : memref<20000xi32, #tpu.memory_space<hbm>>) target(%dma_start3A_430 : memref<20000xi32, #tpu.memory_space<vmem>>) target_semaphore(%run_scoped3A : memref<!tpu.dma_semaphore, #tpu.memory_space<semaphore_mem>>)
        %dma_wait3A = arith.constant 0 : i32
        %dma_wait3A_434 = tpu.memref_slice %arg5[%dma_wait3A] : memref<20480xi32, #tpu.memory_space<vmem>> -> memref<20000xi32, #tpu.memory_space<vmem>>
        %dma_wait3A_435 = arith.constant 0 : i32
        %dma_wait3A_436 = tpu.memref_slice %arg3[%arg1, %dma_wait3A_435] : memref<16x20000xi32, #tpu.memory_space<hbm>> -> memref<1x20000xi32, #tpu.memory_space<hbm>>
        %dma_wait3A_437 = tpu.memref_squeeze %dma_wait3A_436 : memref<1x20000xi32, #tpu.memory_space<hbm>> -> memref<20000xi32, #tpu.memory_space<hbm>>
        %dma_wait3A_438 = arith.constant 0 : i32
        %dma_wait3A_439 = tpu.memref_slice %arg5[%dma_wait3A_438] : memref<20480xi32, #tpu.memory_space<vmem>> -> memref<20000xi32, #tpu.memory_space<vmem>>
        %dma_wait3A_440 = arith.constant 0 : i32
        %dma_wait3A_441 = tpu.memref_slice %arg3[%arg1, %dma_wait3A_440] : memref<16x20000xi32, #tpu.memory_space<hbm>> -> memref<1x20000xi32, #tpu.memory_space<hbm>>
        %dma_wait3A_442 = tpu.memref_squeeze %dma_wait3A_441 : memref<1x20000xi32, #tpu.memory_space<hbm>> -> memref<20000xi32, #tpu.memory_space<hbm>>
        tpu.wait_dma2 semaphore(%run_scoped3A : memref<!tpu.dma_semaphore, #tpu.memory_space<semaphore_mem>>) src(%dma_wait3A_442 : memref<20000xi32, #tpu.memory_space<hbm>>) dst(%dma_wait3A_439 : memref<20000xi32, #tpu.memory_space<vmem>>)
        tpu.yield
      }) : () -> ()
    } else {
    }
    %iota3A = tpu.iota {dimensions = array<i32: 0>} : vector<16xi32>
    %add3A = arith.constant 10000 : i32
    %add3A_8 = vector.broadcast %add3A : i32 to vector<16xi32>
    %add3A_9 = arith.addi %add3A_8, %iota3A : vector<16xi32>
    %swap3A = arith.constant 20000 : index
    %swap3A_10 = tpu.vector_load %arg5[%swap3A] {strides = array<i32>} : memref<20480xi32, #tpu.memory_space<vmem>>, vector<16xi32>,
    %swap3A_11 = vector.shape_cast %swap3A_10 : vector<16xi32> to vector<16xi32>
    %swap3A_12 = vector.shape_cast %add3A_9 : vector<16xi32> to vector<16xi32>
    tpu.vector_store %arg5[%swap3A], %swap3A_12 {strides = array<i32>} : memref<20480xi32, #tpu.memory_space<vmem>>, vector<16xi32>,
    %add3A_13 = arith.constant 10016 : i32
    %add3A_14 = vector.broadcast %add3A_13 : i32 to vector<16xi32>
    %add3A_15 = arith.addi %add3A_14, %iota3A : vector<16xi32>
    %swap3A_16 = arith.constant 20016 : index
    %swap3A_17 = tpu.vector_load %arg5[%swap3A_16] {strides = array<i32>} : memref<20480xi32, #tpu.memory_space<vmem>>, vector<16xi32>,
    %swap3A_18 = vector.shape_cast %swap3A_17 : vector<16xi32> to vector<16xi32>
    %swap3A_19 = vector.shape_cast %add3A_15 : vector<16xi32> to vector<16xi32>
    tpu.vector_store %arg5[%swap3A_16], %swap3A_19 {strides = array<i32>} : memref<20480xi32, #tpu.memory_space<vmem>>, vector<16xi32>,
    %add3A_20 = arith.constant 10032 : i32
    %add3A_21 = vector.broadcast %add3A_20 : i32 to vector<16xi32>
    %add3A_22 = arith.addi %add3A_21, %iota3A : vector<16xi32>
    %swap3A_23 = arith.constant 20032 : index
    %swap3A_24 = tpu.vector_load %arg5[%swap3A_23] {strides = array<i32>} : memref<20480xi32, #tpu.memory_space<vmem>>, vector<16xi32>,
    %swap3A_25 = vector.shape_cast %swap3A_24 : vector<16xi32> to vector<16xi32>
    %swap3A_26 = vector.shape_cast %add3A_22 : vector<16xi32> to vector<16xi32>
    tpu.vector_store %arg5[%swap3A_23], %swap3A_26 {strides = array<i32>} : memref<20480xi32, #tpu.memory_space<vmem>>, vector<16xi32>,
    %add3A_27 = arith.constant 10048 : i32
    %add3A_28 = vector.broadcast %add3A_27 : i32 to vector<16xi32>
    %add3A_29 = arith.addi %add3A_28, %iota3A : vector<16xi32>
    %swap3A_30 = arith.constant 20048 : index
    %swap3A_31 = tpu.vector_load %arg5[%swap3A_30] {strides = array<i32>} : memref<20480xi32, #tpu.memory_space<vmem>>, vector<16xi32>,
    %swap3A_32 = vector.shape_cast %swap3A_31 : vector<16xi32> to vector<16xi32>
    %swap3A_33 = vector.shape_cast %add3A_29 : vector<16xi32> to vector<16xi32>
    tpu.vector_store %arg5[%swap3A_30], %swap3A_33 {strides = array<i32>} : memref<20480xi32, #tpu.memory_space<vmem>>, vector<16xi32>,
    %add3A_34 = arith.constant 10064 : i32
    %add3A_35 = vector.broadcast %add3A_34 : i32 to vector<16xi32>
    %add3A_36 = arith.addi %add3A_35, %iota3A : vector<16xi32>
    %swap3A_37 = arith.constant 20064 : index
    %swap3A_38 = tpu.vector_load %arg5[%swap3A_37] {strides = array<i32>} : memref<20480xi32, #tpu.memory_space<vmem>>, vector<16xi32>,
    %swap3A_39 = vector.shape_cast %swap3A_38 : vector<16xi32> to vector<16xi32>
    %swap3A_40 = vector.shape_cast %add3A_36 : vector<16xi32> to vector<16xi32>
    tpu.vector_store %arg5[%swap3A_37], %swap3A_40 {strides = array<i32>} : memref<20480xi32, #tpu.memory_space<vmem>>, vector<16xi32>,
    %add3A_41 = arith.constant 10080 : i32
    %add3A_42 = vector.broadcast %add3A_41 : i32 to vector<16xi32>
    %add3A_43 = arith.addi %add3A_42, %iota3A : vector<16xi32>
    %swap3A_44 = arith.constant 20080 : index
    %swap3A_45 = tpu.vector_load %arg5[%swap3A_44] {strides = array<i32>} : memref<20480xi32, #tpu.memory_space<vmem>>, vector<16xi32>,
    %swap3A_46 = vector.shape_cast %swap3A_45 : vector<16xi32> to vector<16xi32>
    %swap3A_47 = vector.shape_cast %add3A_43 : vector<16xi32> to vector<16xi32>
    tpu.vector_store %arg5[%swap3A_44], %swap3A_47 {strides = array<i32>} : memref<20480xi32, #tpu.memory_space<vmem>>, vector<16xi32>,
    %add3A_48 = arith.constant 10096 : i32
    %add3A_49 = vector.broadcast %add3A_48 : i32 to vector<16xi32>
    %add3A_50 = arith.addi %add3A_49, %iota3A : vector<16xi32>
    %swap3A_51 = arith.constant 20096 : index
    %swap3A_52 = tpu.vector_load %arg5[%swap3A_51] {strides = array<i32>} : memref<20480xi32, #tpu.memory_space<vmem>>, vector<16xi32>,
    %swap3A_53 = vector.shape_cast %swap3A_52 : vector<16xi32> to vector<16xi32>
    %swap3A_54 = vector.shape_cast %add3A_50 : vector<16xi32> to vector<16xi32>
    tpu.vector_store %arg5[%swap3A_51], %swap3A_54 {strides = array<i32>} : memref<20480xi32, #tpu.memory_space<vmem>>, vector<16xi32>,
    %add3A_55 = arith.constant 10112 : i32
    %add3A_56 = vector.broadcast %add3A_55 : i32 to vector<16xi32>
    %add3A_57 = arith.addi %add3A_56, %iota3A : vector<16xi32>
    %swap3A_58 = arith.constant 20112 : index
    %swap3A_59 = tpu.vector_load %arg5[%swap3A_58] {strides = array<i32>} : memref<20480xi32, #tpu.memory_space<vmem>>, vector<16xi32>,
    %swap3A_60 = vector.shape_cast %swap3A_59 : vector<16xi32> to vector<16xi32>
    %swap3A_61 = vector.shape_cast %add3A_57 : vector<16xi32> to vector<16xi32>
    tpu.vector_store %arg5[%swap3A_58], %swap3A_61 {strides = array<i32>} : memref<20480xi32, #tpu.memory_space<vmem>>, vector<16xi32>,
    %add3A_62 = arith.constant 10128 : i32
    %add3A_63 = vector.broadcast %add3A_62 : i32 to vector<16xi32>
    %add3A_64 = arith.addi %add3A_63, %iota3A : vector<16xi32>
    %swap3A_65 = arith.constant 20128 : index
    %swap3A_66 = tpu.vector_load %arg5[%swap3A_65] {strides = array<i32>} : memref<20480xi32, #tpu.memory_space<vmem>>, vector<16xi32>,
    %swap3A_67 = vector.shape_cast %swap3A_66 : vector<16xi32> to vector<16xi32>
    %swap3A_68 = vector.shape_cast %add3A_64 : vector<16xi32> to vector<16xi32>
    tpu.vector_store %arg5[%swap3A_65], %swap3A_68 {strides = array<i32>} : memref<20480xi32, #tpu.memory_space<vmem>>, vector<16xi32>,
    %add3A_69 = arith.constant 10144 : i32
    %add3A_70 = vector.broadcast %add3A_69 : i32 to vector<16xi32>
    %add3A_71 = arith.addi %add3A_70, %iota3A : vector<16xi32>
    %swap3A_72 = arith.constant 20144 : index
    %swap3A_73 = tpu.vector_load %arg5[%swap3A_72] {strides = array<i32>} : memref<20480xi32, #tpu.memory_space<vmem>>, vector<16xi32>,
    %swap3A_74 = vector.shape_cast %swap3A_73 : vector<16xi32> to vector<16xi32>
    %swap3A_75 = vector.shape_cast %add3A_71 : vector<16xi32> to vector<16xi32>
    tpu.vector_store %arg5[%swap3A_72], %swap3A_75 {strides = array<i32>} : memref<20480xi32, #tpu.memory_space<vmem>>, vector<16xi32>,
    %add3A_76 = arith.constant 10160 : i32
    %add3A_77 = vector.broadcast %add3A_76 : i32 to vector<16xi32>
    %add3A_78 = arith.addi %add3A_77, %iota3A : vector<16xi32>
    %swap3A_79 = arith.constant 20160 : index
    %swap3A_80 = tpu.vector_load %arg5[%swap3A_79] {strides = array<i32>} : memref<20480xi32, #tpu.memory_space<vmem>>, vector<16xi32>,
    %swap3A_81 = vector.shape_cast %swap3A_80 : vector<16xi32> to vector<16xi32>
    %swap3A_82 = vector.shape_cast %add3A_78 : vector<16xi32> to vector<16xi32>
    tpu.vector_store %arg5[%swap3A_79], %swap3A_82 {strides = array<i32>} : memref<20480xi32, #tpu.memory_space<vmem>>, vector<16xi32>,
    %add3A_83 = arith.constant 10176 : i32
    %add3A_84 = vector.broadcast %add3A_83 : i32 to vector<16xi32>
    %add3A_85 = arith.addi %add3A_84, %iota3A : vector<16xi32>
    %swap3A_86 = arith.constant 20176 : index
    %swap3A_87 = tpu.vector_load %arg5[%swap3A_86] {strides = array<i32>} : memref<20480xi32, #tpu.memory_space<vmem>>, vector<16xi32>,
    %swap3A_88 = vector.shape_cast %swap3A_87 : vector<16xi32> to vector<16xi32>
    %swap3A_89 = vector.shape_cast %add3A_85 : vector<16xi32> to vector<16xi32>
    tpu.vector_store %arg5[%swap3A_86], %swap3A_89 {strides = array<i32>} : memref<20480xi32, #tpu.memory_space<vmem>>, vector<16xi32>,
    %add3A_90 = arith.constant 10192 : i32
    %add3A_91 = vector.broadcast %add3A_90 : i32 to vector<16xi32>
    %add3A_92 = arith.addi %add3A_91, %iota3A : vector<16xi32>
    %swap3A_93 = arith.constant 20192 : index
    %swap3A_94 = tpu.vector_load %arg5[%swap3A_93] {strides = array<i32>} : memref<20480xi32, #tpu.memory_space<vmem>>, vector<16xi32>,
    %swap3A_95 = vector.shape_cast %swap3A_94 : vector<16xi32> to vector<16xi32>
    %swap3A_96 = vector.shape_cast %add3A_92 : vector<16xi32> to vector<16xi32>
    tpu.vector_store %arg5[%swap3A_93], %swap3A_96 {strides = array<i32>} : memref<20480xi32, #tpu.memory_space<vmem>>, vector<16xi32>,
    %add3A_97 = arith.constant 10208 : i32
    %add3A_98 = vector.broadcast %add3A_97 : i32 to vector<16xi32>
    %add3A_99 = arith.addi %add3A_98, %iota3A : vector<16xi32>
    %swap3A_100 = arith.constant 20208 : index
    %swap3A_101 = tpu.vector_load %arg5[%swap3A_100] {strides = array<i32>} : memref<20480xi32, #tpu.memory_space<vmem>>, vector<16xi32>,
    %swap3A_102 = vector.shape_cast %swap3A_101 : vector<16xi32> to vector<16xi32>
    %swap3A_103 = vector.shape_cast %add3A_99 : vector<16xi32> to vector<16xi32>
    tpu.vector_store %arg5[%swap3A_100], %swap3A_103 {strides = array<i32>} : memref<20480xi32, #tpu.memory_space<vmem>>, vector<16xi32>,
    %add3A_104 = arith.constant 10224 : i32
    %add3A_105 = vector.broadcast %add3A_104 : i32 to vector<16xi32>
    %add3A_106 = arith.addi %add3A_105, %iota3A : vector<16xi32>
    %swap3A_107 = arith.constant 20224 : index
    %swap3A_108 = tpu.vector_load %arg5[%swap3A_107] {strides = array<i32>} : memref<20480xi32, #tpu.memory_space<vmem>>, vector<16xi32>,
    %swap3A_109 = vector.shape_cast %swap3A_108 : vector<16xi32> to vector<16xi32>
    %swap3A_110 = vector.shape_cast %add3A_106 : vector<16xi32> to vector<16xi32>
    tpu.vector_store %arg5[%swap3A_107], %swap3A_110 {strides = array<i32>} : memref<20480xi32, #tpu.memory_space<vmem>>, vector<16xi32>,
    %add3A_111 = arith.constant 10000 : i32
    %add3A_112 = vector.broadcast %add3A_111 : i32 to vector<16xi32>
    %add3A_113 = arith.addi %add3A_112, %iota3A : vector<16xi32>
    %swap3A_114 = arith.constant 20240 : index
    %swap3A_115 = tpu.vector_load %arg5[%swap3A_114] {strides = array<i32>} : memref<20480xi32, #tpu.memory_space<vmem>>, vector<16xi32>,
    %swap3A_116 = vector.shape_cast %swap3A_115 : vector<16xi32> to vector<16xi32>
    %swap3A_117 = vector.shape_cast %add3A_113 : vector<16xi32> to vector<16xi32>
    tpu.vector_store %arg5[%swap3A_114], %swap3A_117 {strides = array<i32>} : memref<20480xi32, #tpu.memory_space<vmem>>, vector<16xi32>,
    %add3A_118 = arith.constant 10016 : i32
    %add3A_119 = vector.broadcast %add3A_118 : i32 to vector<16xi32>
    %add3A_120 = arith.addi %add3A_119, %iota3A : vector<16xi32>
    %swap3A_121 = arith.constant 20256 : index
    %swap3A_122 = tpu.vector_load %arg5[%swap3A_121] {strides = array<i32>} : memref<20480xi32, #tpu.memory_space<vmem>>, vector<16xi32>,
    %swap3A_123 = vector.shape_cast %swap3A_122 : vector<16xi32> to vector<16xi32>
    %swap3A_124 = vector.shape_cast %add3A_120 : vector<16xi32> to vector<16xi32>
    tpu.vector_store %arg5[%swap3A_121], %swap3A_124 {strides = array<i32>} : memref<20480xi32, #tpu.memory_space<vmem>>, vector<16xi32>,
    %add3A_125 = arith.constant 10032 : i32
    %add3A_126 = vector.broadcast %add3A_125 : i32 to vector<16xi32>
    %add3A_127 = arith.addi %add3A_126, %iota3A : vector<16xi32>
    %swap3A_128 = arith.constant 20272 : index
    %swap3A_129 = tpu.vector_load %arg5[%swap3A_128] {strides = array<i32>} : memref<20480xi32, #tpu.memory_space<vmem>>, vector<16xi32>,
    %swap3A_130 = vector.shape_cast %swap3A_129 : vector<16xi32> to vector<16xi32>
    %swap3A_131 = vector.shape_cast %add3A_127 : vector<16xi32> to vector<16xi32>
    tpu.vector_store %arg5[%swap3A_128], %swap3A_131 {strides = array<i32>} : memref<20480xi32, #tpu.memory_space<vmem>>, vector<16xi32>,
    %add3A_132 = arith.constant 10048 : i32
    %add3A_133 = vector.broadcast %add3A_132 : i32 to vector<16xi32>
    %add3A_134 = arith.addi %add3A_133, %iota3A : vector<16xi32>
    %swap3A_135 = arith.constant 20288 : index
    %swap3A_136 = tpu.vector_load %arg5[%swap3A_135] {strides = array<i32>} : memref<20480xi32, #tpu.memory_space<vmem>>, vector<16xi32>,
    %swap3A_137 = vector.shape_cast %swap3A_136 : vector<16xi32> to vector<16xi32>
    %swap3A_138 = vector.shape_cast %add3A_134 : vector<16xi32> to vector<16xi32>
    tpu.vector_store %arg5[%swap3A_135], %swap3A_138 {strides = array<i32>} : memref<20480xi32, #tpu.memory_space<vmem>>, vector<16xi32>,
    %add3A_139 = arith.constant 10064 : i32
    %add3A_140 = vector.broadcast %add3A_139 : i32 to vector<16xi32>
    %add3A_141 = arith.addi %add3A_140, %iota3A : vector<16xi32>
    %swap3A_142 = arith.constant 20304 : index
    %swap3A_143 = tpu.vector_load %arg5[%swap3A_142] {strides = array<i32>} : memref<20480xi32, #tpu.memory_space<vmem>>, vector<16xi32>,
    %swap3A_144 = vector.shape_cast %swap3A_143 : vector<16xi32> to vector<16xi32>
    %swap3A_145 = vector.shape_cast %add3A_141 : vector<16xi32> to vector<16xi32>
    tpu.vector_store %arg5[%swap3A_142], %swap3A_145 {strides = array<i32>} : memref<20480xi32, #tpu.memory_space<vmem>>, vector<16xi32>,
    %add3A_146 = arith.constant 10080 : i32
    %add3A_147 = vector.broadcast %add3A_146 : i32 to vector<16xi32>
    %add3A_148 = arith.addi %add3A_147, %iota3A : vector<16xi32>
    %swap3A_149 = arith.constant 20320 : index
    %swap3A_150 = tpu.vector_load %arg5[%swap3A_149] {strides = array<i32>} : memref<20480xi32, #tpu.memory_space<vmem>>, vector<16xi32>,
    %swap3A_151 = vector.shape_cast %swap3A_150 : vector<16xi32> to vector<16xi32>
    %swap3A_152 = vector.shape_cast %add3A_148 : vector<16xi32> to vector<16xi32>
    tpu.vector_store %arg5[%swap3A_149], %swap3A_152 {strides = array<i32>} : memref<20480xi32, #tpu.memory_space<vmem>>, vector<16xi32>,
    %add3A_153 = arith.constant 10096 : i32
    %add3A_154 = vector.broadcast %add3A_153 : i32 to vector<16xi32>
    %add3A_155 = arith.addi %add3A_154, %iota3A : vector<16xi32>
    %swap3A_156 = arith.constant 20336 : index
    %swap3A_157 = tpu.vector_load %arg5[%swap3A_156] {strides = array<i32>} : memref<20480xi32, #tpu.memory_space<vmem>>, vector<16xi32>,
    %swap3A_158 = vector.shape_cast %swap3A_157 : vector<16xi32> to vector<16xi32>
    %swap3A_159 = vector.shape_cast %add3A_155 : vector<16xi32> to vector<16xi32>
    tpu.vector_store %arg5[%swap3A_156], %swap3A_159 {strides = array<i32>} : memref<20480xi32, #tpu.memory_space<vmem>>, vector<16xi32>,
    %add3A_160 = arith.constant 10112 : i32
    %add3A_161 = vector.broadcast %add3A_160 : i32 to vector<16xi32>
    %add3A_162 = arith.addi %add3A_161, %iota3A : vector<16xi32>
    %swap3A_163 = arith.constant 20352 : index
    %swap3A_164 = tpu.vector_load %arg5[%swap3A_163] {strides = array<i32>} : memref<20480xi32, #tpu.memory_space<vmem>>, vector<16xi32>,
    %swap3A_165 = vector.shape_cast %swap3A_164 : vector<16xi32> to vector<16xi32>
    %swap3A_166 = vector.shape_cast %add3A_162 : vector<16xi32> to vector<16xi32>
    tpu.vector_store %arg5[%swap3A_163], %swap3A_166 {strides = array<i32>} : memref<20480xi32, #tpu.memory_space<vmem>>, vector<16xi32>,
    %add3A_167 = arith.constant 10128 : i32
    %add3A_168 = vector.broadcast %add3A_167 : i32 to vector<16xi32>
    %add3A_169 = arith.addi %add3A_168, %iota3A : vector<16xi32>
    %swap3A_170 = arith.constant 20368 : index
    %swap3A_171 = tpu.vector_load %arg5[%swap3A_170] {strides = array<i32>} : memref<20480xi32, #tpu.memory_space<vmem>>, vector<16xi32>,
    %swap3A_172 = vector.shape_cast %swap3A_171 : vector<16xi32> to vector<16xi32>
    %swap3A_173 = vector.shape_cast %add3A_169 : vector<16xi32> to vector<16xi32>
    tpu.vector_store %arg5[%swap3A_170], %swap3A_173 {strides = array<i32>} : memref<20480xi32, #tpu.memory_space<vmem>>, vector<16xi32>,
    %add3A_174 = arith.constant 10144 : i32
    %add3A_175 = vector.broadcast %add3A_174 : i32 to vector<16xi32>
    %add3A_176 = arith.addi %add3A_175, %iota3A : vector<16xi32>
    %swap3A_177 = arith.constant 20384 : index
    %swap3A_178 = tpu.vector_load %arg5[%swap3A_177] {strides = array<i32>} : memref<20480xi32, #tpu.memory_space<vmem>>, vector<16xi32>,
    %swap3A_179 = vector.shape_cast %swap3A_178 : vector<16xi32> to vector<16xi32>
    %swap3A_180 = vector.shape_cast %add3A_176 : vector<16xi32> to vector<16xi32>
    tpu.vector_store %arg5[%swap3A_177], %swap3A_180 {strides = array<i32>} : memref<20480xi32, #tpu.memory_space<vmem>>, vector<16xi32>,
    %add3A_181 = arith.constant 10160 : i32
    %add3A_182 = vector.broadcast %add3A_181 : i32 to vector<16xi32>
    %add3A_183 = arith.addi %add3A_182, %iota3A : vector<16xi32>
    %swap3A_184 = arith.constant 20400 : index
    %swap3A_185 = tpu.vector_load %arg5[%swap3A_184] {strides = array<i32>} : memref<20480xi32, #tpu.memory_space<vmem>>, vector<16xi32>,
    %swap3A_186 = vector.shape_cast %swap3A_185 : vector<16xi32> to vector<16xi32>
    %swap3A_187 = vector.shape_cast %add3A_183 : vector<16xi32> to vector<16xi32>
    tpu.vector_store %arg5[%swap3A_184], %swap3A_187 {strides = array<i32>} : memref<20480xi32, #tpu.memory_space<vmem>>, vector<16xi32>,
    %add3A_188 = arith.constant 10176 : i32
    %add3A_189 = vector.broadcast %add3A_188 : i32 to vector<16xi32>
    %add3A_190 = arith.addi %add3A_189, %iota3A : vector<16xi32>
    %swap3A_191 = arith.constant 20416 : index
    %swap3A_192 = tpu.vector_load %arg5[%swap3A_191] {strides = array<i32>} : memref<20480xi32, #tpu.memory_space<vmem>>, vector<16xi32>,
    %swap3A_193 = vector.shape_cast %swap3A_192 : vector<16xi32> to vector<16xi32>
    %swap3A_194 = vector.shape_cast %add3A_190 : vector<16xi32> to vector<16xi32>
    tpu.vector_store %arg5[%swap3A_191], %swap3A_194 {strides = array<i32>} : memref<20480xi32, #tpu.memory_space<vmem>>, vector<16xi32>,
    %add3A_195 = arith.constant 10192 : i32
    %add3A_196 = vector.broadcast %add3A_195 : i32 to vector<16xi32>
    %add3A_197 = arith.addi %add3A_196, %iota3A : vector<16xi32>
    %swap3A_198 = arith.constant 20432 : index
    %swap3A_199 = tpu.vector_load %arg5[%swap3A_198] {strides = array<i32>} : memref<20480xi32, #tpu.memory_space<vmem>>, vector<16xi32>,
    %swap3A_200 = vector.shape_cast %swap3A_199 : vector<16xi32> to vector<16xi32>
    %swap3A_201 = vector.shape_cast %add3A_197 : vector<16xi32> to vector<16xi32>
    tpu.vector_store %arg5[%swap3A_198], %swap3A_201 {strides = array<i32>} : memref<20480xi32, #tpu.memory_space<vmem>>, vector<16xi32>,
    %add3A_202 = arith.constant 10208 : i32
    %add3A_203 = vector.broadcast %add3A_202 : i32 to vector<16xi32>
    %add3A_204 = arith.addi %add3A_203, %iota3A : vector<16xi32>
    %swap3A_205 = arith.constant 20448 : index
    %swap3A_206 = tpu.vector_load %arg5[%swap3A_205] {strides = array<i32>} : memref<20480xi32, #tpu.memory_space<vmem>>, vector<16xi32>,
    %swap3A_207 = vector.shape_cast %swap3A_206 : vector<16xi32> to vector<16xi32>
    %swap3A_208 = vector.shape_cast %add3A_204 : vector<16xi32> to vector<16xi32>
    tpu.vector_store %arg5[%swap3A_205], %swap3A_208 {strides = array<i32>} : memref<20480xi32, #tpu.memory_space<vmem>>, vector<16xi32>,
    %add3A_209 = arith.constant 10224 : i32
    %add3A_210 = vector.broadcast %add3A_209 : i32 to vector<16xi32>
    %add3A_211 = arith.addi %add3A_210, %iota3A : vector<16xi32>
    %swap3A_212 = arith.constant 20464 : index
    %swap3A_213 = tpu.vector_load %arg5[%swap3A_212] {strides = array<i32>} : memref<20480xi32, #tpu.memory_space<vmem>>, vector<16xi32>,
    %swap3A_214 = vector.shape_cast %swap3A_213 : vector<16xi32> to vector<16xi32>
    %swap3A_215 = vector.shape_cast %add3A_211 : vector<16xi32> to vector<16xi32>
    tpu.vector_store %arg5[%swap3A_212], %swap3A_215 {strides = array<i32>} : memref<20480xi32, #tpu.memory_space<vmem>>, vector<16xi32>,
    %broadcast_in_dim3A = arith.constant 1.000000e+00 : f32
    %broadcast_in_dim3A_216 = vector.broadcast %broadcast_in_dim3A : f32 to vector<16xf32>
    %swap3A_217 = arith.constant 0 : index
    %swap3A_218 = tpu.vector_load %arg6[%swap3A_217] {strides = array<i32>} : memref<512xf32, #tpu.memory_space<vmem>>, vector<16xf32>,
    %swap3A_219 = vector.shape_cast %swap3A_218 : vector<16xf32> to vector<16xf32>
    %swap3A_220 = vector.shape_cast %broadcast_in_dim3A_216 : vector<16xf32> to vector<16xf32>
    tpu.vector_store %arg6[%swap3A_217], %swap3A_220 {strides = array<i32>} : memref<512xf32, #tpu.memory_space<vmem>>, vector<16xf32>,
    %broadcast_in_dim3A_221 = arith.constant 1.000000e+00 : f32
    %broadcast_in_dim3A_222 = vector.broadcast %broadcast_in_dim3A_221 : f32 to vector<16xf32>
    %swap3A_223 = arith.constant 16 : index
    %swap3A_224 = tpu.vector_load %arg6[%swap3A_223] {strides = array<i32>} : memref<512xf32, #tpu.memory_space<vmem>>, vector<16xf32>,
    %swap3A_225 = vector.shape_cast %swap3A_224 : vector<16xf32> to vector<16xf32>
    %swap3A_226 = vector.shape_cast %broadcast_in_dim3A_222 : vector<16xf32> to vector<16xf32>
    tpu.vector_store %arg6[%swap3A_223], %swap3A_226 {strides = array<i32>} : memref<512xf32, #tpu.memory_space<vmem>>, vector<16xf32>,
    %broadcast_in_dim3A_227 = arith.constant 1.000000e+00 : f32
    %broadcast_in_dim3A_228 = vector.broadcast %broadcast_in_dim3A_227 : f32 to vector<16xf32>
    %swap3A_229 = arith.constant 32 : index
    %swap3A_230 = tpu.vector_load %arg6[%swap3A_229] {strides = array<i32>} : memref<512xf32, #tpu.memory_space<vmem>>, vector<16xf32>,
    %swap3A_231 = vector.shape_cast %swap3A_230 : vector<16xf32> to vector<16xf32>
    %swap3A_232 = vector.shape_cast %broadcast_in_dim3A_228 : vector<16xf32> to vector<16xf32>
    tpu.vector_store %arg6[%swap3A_229], %swap3A_232 {strides = array<i32>} : memref<512xf32, #tpu.memory_space<vmem>>, vector<16xf32>,
    %broadcast_in_dim3A_233 = arith.constant 1.000000e+00 : f32
    %broadcast_in_dim3A_234 = vector.broadcast %broadcast_in_dim3A_233 : f32 to vector<16xf32>
    %swap3A_235 = arith.constant 48 : index
    %swap3A_236 = tpu.vector_load %arg6[%swap3A_235] {strides = array<i32>} : memref<512xf32, #tpu.memory_space<vmem>>, vector<16xf32>,
    %swap3A_237 = vector.shape_cast %swap3A_236 : vector<16xf32> to vector<16xf32>
    %swap3A_238 = vector.shape_cast %broadcast_in_dim3A_234 : vector<16xf32> to vector<16xf32>
    tpu.vector_store %arg6[%swap3A_235], %swap3A_238 {strides = array<i32>} : memref<512xf32, #tpu.memory_space<vmem>>, vector<16xf32>,
    %broadcast_in_dim3A_239 = arith.constant 1.000000e+00 : f32
    %broadcast_in_dim3A_240 = vector.broadcast %broadcast_in_dim3A_239 : f32 to vector<16xf32>
    %swap3A_241 = arith.constant 64 : index
    %swap3A_242 = tpu.vector_load %arg6[%swap3A_241] {strides = array<i32>} : memref<512xf32, #tpu.memory_space<vmem>>, vector<16xf32>,
    %swap3A_243 = vector.shape_cast %swap3A_242 : vector<16xf32> to vector<16xf32>
    %swap3A_244 = vector.shape_cast %broadcast_in_dim3A_240 : vector<16xf32> to vector<16xf32>
    tpu.vector_store %arg6[%swap3A_241], %swap3A_244 {strides = array<i32>} : memref<512xf32, #tpu.memory_space<vmem>>, vector<16xf32>,
    %broadcast_in_dim3A_245 = arith.constant 1.000000e+00 : f32
    %broadcast_in_dim3A_246 = vector.broadcast %broadcast_in_dim3A_245 : f32 to vector<16xf32>
    %swap3A_247 = arith.constant 80 : index
    %swap3A_248 = tpu.vector_load %arg6[%swap3A_247] {strides = array<i32>} : memref<512xf32, #tpu.memory_space<vmem>>, vector<16xf32>,
    %swap3A_249 = vector.shape_cast %swap3A_248 : vector<16xf32> to vector<16xf32>
    %swap3A_250 = vector.shape_cast %broadcast_in_dim3A_246 : vector<16xf32> to vector<16xf32>
    tpu.vector_store %arg6[%swap3A_247], %swap3A_250 {strides = array<i32>} : memref<512xf32, #tpu.memory_space<vmem>>, vector<16xf32>,
    %broadcast_in_dim3A_251 = arith.constant 1.000000e+00 : f32
    %broadcast_in_dim3A_252 = vector.broadcast %broadcast_in_dim3A_251 : f32 to vector<16xf32>
    %swap3A_253 = arith.constant 96 : index
    %swap3A_254 = tpu.vector_load %arg6[%swap3A_253] {strides = array<i32>} : memref<512xf32, #tpu.memory_space<vmem>>, vector<16xf32>,
    %swap3A_255 = vector.shape_cast %swap3A_254 : vector<16xf32> to vector<16xf32>
    %swap3A_256 = vector.shape_cast %broadcast_in_dim3A_252 : vector<16xf32> to vector<16xf32>
    tpu.vector_store %arg6[%swap3A_253], %swap3A_256 {strides = array<i32>} : memref<512xf32, #tpu.memory_space<vmem>>, vector<16xf32>,
    %broadcast_in_dim3A_257 = arith.constant 1.000000e+00 : f32
    %broadcast_in_dim3A_258 = vector.broadcast %broadcast_in_dim3A_257 : f32 to vector<16xf32>
    %swap3A_259 = arith.constant 112 : index
    %swap3A_260 = tpu.vector_load %arg6[%swap3A_259] {strides = array<i32>} : memref<512xf32, #tpu.memory_space<vmem>>, vector<16xf32>,
    %swap3A_261 = vector.shape_cast %swap3A_260 : vector<16xf32> to vector<16xf32>
    %swap3A_262 = vector.shape_cast %broadcast_in_dim3A_258 : vector<16xf32> to vector<16xf32>
    tpu.vector_store %arg6[%swap3A_259], %swap3A_262 {strides = array<i32>} : memref<512xf32, #tpu.memory_space<vmem>>, vector<16xf32>,
    %broadcast_in_dim3A_263 = arith.constant 1.000000e+00 : f32
    %broadcast_in_dim3A_264 = vector.broadcast %broadcast_in_dim3A_263 : f32 to vector<16xf32>
    %swap3A_265 = arith.constant 128 : index
    %swap3A_266 = tpu.vector_load %arg6[%swap3A_265] {strides = array<i32>} : memref<512xf32, #tpu.memory_space<vmem>>, vector<16xf32>,
    %swap3A_267 = vector.shape_cast %swap3A_266 : vector<16xf32> to vector<16xf32>
    %swap3A_268 = vector.shape_cast %broadcast_in_dim3A_264 : vector<16xf32> to vector<16xf32>
    tpu.vector_store %arg6[%swap3A_265], %swap3A_268 {strides = array<i32>} : memref<512xf32, #tpu.memory_space<vmem>>, vector<16xf32>,
    %broadcast_in_dim3A_269 = arith.constant 1.000000e+00 : f32
    %broadcast_in_dim3A_270 = vector.broadcast %broadcast_in_dim3A_269 : f32 to vector<16xf32>
    %swap3A_271 = arith.constant 144 : index
    %swap3A_272 = tpu.vector_load %arg6[%swap3A_271] {strides = array<i32>} : memref<512xf32, #tpu.memory_space<vmem>>, vector<16xf32>,
    %swap3A_273 = vector.shape_cast %swap3A_272 : vector<16xf32> to vector<16xf32>
    %swap3A_274 = vector.shape_cast %broadcast_in_dim3A_270 : vector<16xf32> to vector<16xf32>
    tpu.vector_store %arg6[%swap3A_271], %swap3A_274 {strides = array<i32>} : memref<512xf32, #tpu.memory_space<vmem>>, vector<16xf32>,
    %broadcast_in_dim3A_275 = arith.constant 1.000000e+00 : f32
    %broadcast_in_dim3A_276 = vector.broadcast %broadcast_in_dim3A_275 : f32 to vector<16xf32>
    %swap3A_277 = arith.constant 160 : index
    %swap3A_278 = tpu.vector_load %arg6[%swap3A_277] {strides = array<i32>} : memref<512xf32, #tpu.memory_space<vmem>>, vector<16xf32>,
    %swap3A_279 = vector.shape_cast %swap3A_278 : vector<16xf32> to vector<16xf32>
    %swap3A_280 = vector.shape_cast %broadcast_in_dim3A_276 : vector<16xf32> to vector<16xf32>
    tpu.vector_store %arg6[%swap3A_277], %swap3A_280 {strides = array<i32>} : memref<512xf32, #tpu.memory_space<vmem>>, vector<16xf32>,
    %broadcast_in_dim3A_281 = arith.constant 1.000000e+00 : f32
    %broadcast_in_dim3A_282 = vector.broadcast %broadcast_in_dim3A_281 : f32 to vector<16xf32>
    %swap3A_283 = arith.constant 176 : index
    %swap3A_284 = tpu.vector_load %arg6[%swap3A_283] {strides = array<i32>} : memref<512xf32, #tpu.memory_space<vmem>>, vector<16xf32>,
    %swap3A_285 = vector.shape_cast %swap3A_284 : vector<16xf32> to vector<16xf32>
    %swap3A_286 = vector.shape_cast %broadcast_in_dim3A_282 : vector<16xf32> to vector<16xf32>
    tpu.vector_store %arg6[%swap3A_283], %swap3A_286 {strides = array<i32>} : memref<512xf32, #tpu.memory_space<vmem>>, vector<16xf32>,
    %broadcast_in_dim3A_287 = arith.constant 1.000000e+00 : f32
    %broadcast_in_dim3A_288 = vector.broadcast %broadcast_in_dim3A_287 : f32 to vector<16xf32>
    %swap3A_289 = arith.constant 192 : index
    %swap3A_290 = tpu.vector_load %arg6[%swap3A_289] {strides = array<i32>} : memref<512xf32, #tpu.memory_space<vmem>>, vector<16xf32>,
    %swap3A_291 = vector.shape_cast %swap3A_290 : vector<16xf32> to vector<16xf32>
    %swap3A_292 = vector.shape_cast %broadcast_in_dim3A_288 : vector<16xf32> to vector<16xf32>
    tpu.vector_store %arg6[%swap3A_289], %swap3A_292 {strides = array<i32>} : memref<512xf32, #tpu.memory_space<vmem>>, vector<16xf32>,
    %broadcast_in_dim3A_293 = arith.constant 1.000000e+00 : f32
    %broadcast_in_dim3A_294 = vector.broadcast %broadcast_in_dim3A_293 : f32 to vector<16xf32>
    %swap3A_295 = arith.constant 208 : index
    %swap3A_296 = tpu.vector_load %arg6[%swap3A_295] {strides = array<i32>} : memref<512xf32, #tpu.memory_space<vmem>>, vector<16xf32>,
    %swap3A_297 = vector.shape_cast %swap3A_296 : vector<16xf32> to vector<16xf32>
    %swap3A_298 = vector.shape_cast %broadcast_in_dim3A_294 : vector<16xf32> to vector<16xf32>
    tpu.vector_store %arg6[%swap3A_295], %swap3A_298 {strides = array<i32>} : memref<512xf32, #tpu.memory_space<vmem>>, vector<16xf32>,
    %broadcast_in_dim3A_299 = arith.constant 1.000000e+00 : f32
    %broadcast_in_dim3A_300 = vector.broadcast %broadcast_in_dim3A_299 : f32 to vector<16xf32>
    %swap3A_301 = arith.constant 224 : index
    %swap3A_302 = tpu.vector_load %arg6[%swap3A_301] {strides = array<i32>} : memref<512xf32, #tpu.memory_space<vmem>>, vector<16xf32>,
    %swap3A_303 = vector.shape_cast %swap3A_302 : vector<16xf32> to vector<16xf32>
    %swap3A_304 = vector.shape_cast %broadcast_in_dim3A_300 : vector<16xf32> to vector<16xf32>
    tpu.vector_store %arg6[%swap3A_301], %swap3A_304 {strides = array<i32>} : memref<512xf32, #tpu.memory_space<vmem>>, vector<16xf32>,
    %broadcast_in_dim3A_305 = arith.constant 1.000000e+00 : f32
    %broadcast_in_dim3A_306 = vector.broadcast %broadcast_in_dim3A_305 : f32 to vector<16xf32>
    %swap3A_307 = arith.constant 240 : index
    %swap3A_308 = tpu.vector_load %arg6[%swap3A_307] {strides = array<i32>} : memref<512xf32, #tpu.memory_space<vmem>>, vector<16xf32>,
    %swap3A_309 = vector.shape_cast %swap3A_308 : vector<16xf32> to vector<16xf32>
    %swap3A_310 = vector.shape_cast %broadcast_in_dim3A_306 : vector<16xf32> to vector<16xf32>
    tpu.vector_store %arg6[%swap3A_307], %swap3A_310 {strides = array<i32>} : memref<512xf32, #tpu.memory_space<vmem>>, vector<16xf32>,
    %broadcast_in_dim3A_311 = arith.constant 1.000000e+00 : f32
    %broadcast_in_dim3A_312 = vector.broadcast %broadcast_in_dim3A_311 : f32 to vector<16xf32>
    %swap3A_313 = arith.constant 256 : index
    %swap3A_314 = tpu.vector_load %arg6[%swap3A_313] {strides = array<i32>} : memref<512xf32, #tpu.memory_space<vmem>>, vector<16xf32>,
    %swap3A_315 = vector.shape_cast %swap3A_314 : vector<16xf32> to vector<16xf32>
    %swap3A_316 = vector.shape_cast %broadcast_in_dim3A_312 : vector<16xf32> to vector<16xf32>
    tpu.vector_store %arg6[%swap3A_313], %swap3A_316 {strides = array<i32>} : memref<512xf32, #tpu.memory_space<vmem>>, vector<16xf32>,
    %broadcast_in_dim3A_317 = arith.constant 1.000000e+00 : f32
    %broadcast_in_dim3A_318 = vector.broadcast %broadcast_in_dim3A_317 : f32 to vector<16xf32>
    %swap3A_319 = arith.constant 272 : index
    %swap3A_320 = tpu.vector_load %arg6[%swap3A_319] {strides = array<i32>} : memref<512xf32, #tpu.memory_space<vmem>>, vector<16xf32>,
    %swap3A_321 = vector.shape_cast %swap3A_320 : vector<16xf32> to vector<16xf32>
    %swap3A_322 = vector.shape_cast %broadcast_in_dim3A_318 : vector<16xf32> to vector<16xf32>
    tpu.vector_store %arg6[%swap3A_319], %swap3A_322 {strides = array<i32>} : memref<512xf32, #tpu.memory_space<vmem>>, vector<16xf32>,
    %broadcast_in_dim3A_323 = arith.constant 1.000000e+00 : f32
    %broadcast_in_dim3A_324 = vector.broadcast %broadcast_in_dim3A_323 : f32 to vector<16xf32>
    %swap3A_325 = arith.constant 288 : index
    %swap3A_326 = tpu.vector_load %arg6[%swap3A_325] {strides = array<i32>} : memref<512xf32, #tpu.memory_space<vmem>>, vector<16xf32>,
    %swap3A_327 = vector.shape_cast %swap3A_326 : vector<16xf32> to vector<16xf32>
    %swap3A_328 = vector.shape_cast %broadcast_in_dim3A_324 : vector<16xf32> to vector<16xf32>
    tpu.vector_store %arg6[%swap3A_325], %swap3A_328 {strides = array<i32>} : memref<512xf32, #tpu.memory_space<vmem>>, vector<16xf32>,
    %broadcast_in_dim3A_329 = arith.constant 1.000000e+00 : f32
    %broadcast_in_dim3A_330 = vector.broadcast %broadcast_in_dim3A_329 : f32 to vector<16xf32>
    %swap3A_331 = arith.constant 304 : index
    %swap3A_332 = tpu.vector_load %arg6[%swap3A_331] {strides = array<i32>} : memref<512xf32, #tpu.memory_space<vmem>>, vector<16xf32>,
    %swap3A_333 = vector.shape_cast %swap3A_332 : vector<16xf32> to vector<16xf32>
    %swap3A_334 = vector.shape_cast %broadcast_in_dim3A_330 : vector<16xf32> to vector<16xf32>
    tpu.vector_store %arg6[%swap3A_331], %swap3A_334 {strides = array<i32>} : memref<512xf32, #tpu.memory_space<vmem>>, vector<16xf32>,
    %broadcast_in_dim3A_335 = arith.constant 1.000000e+00 : f32
    %broadcast_in_dim3A_336 = vector.broadcast %broadcast_in_dim3A_335 : f32 to vector<16xf32>
    %swap3A_337 = arith.constant 320 : index
    %swap3A_338 = tpu.vector_load %arg6[%swap3A_337] {strides = array<i32>} : memref<512xf32, #tpu.memory_space<vmem>>, vector<16xf32>,
    %swap3A_339 = vector.shape_cast %swap3A_338 : vector<16xf32> to vector<16xf32>
    %swap3A_340 = vector.shape_cast %broadcast_in_dim3A_336 : vector<16xf32> to vector<16xf32>
    tpu.vector_store %arg6[%swap3A_337], %swap3A_340 {strides = array<i32>} : memref<512xf32, #tpu.memory_space<vmem>>, vector<16xf32>,
    %broadcast_in_dim3A_341 = arith.constant 1.000000e+00 : f32
    %broadcast_in_dim3A_342 = vector.broadcast %broadcast_in_dim3A_341 : f32 to vector<16xf32>
    %swap3A_343 = arith.constant 336 : index
    %swap3A_344 = tpu.vector_load %arg6[%swap3A_343] {strides = array<i32>} : memref<512xf32, #tpu.memory_space<vmem>>, vector<16xf32>,
    %swap3A_345 = vector.shape_cast %swap3A_344 : vector<16xf32> to vector<16xf32>
    %swap3A_346 = vector.shape_cast %broadcast_in_dim3A_342 : vector<16xf32> to vector<16xf32>
    tpu.vector_store %arg6[%swap3A_343], %swap3A_346 {strides = array<i32>} : memref<512xf32, #tpu.memory_space<vmem>>, vector<16xf32>,
    %broadcast_in_dim3A_347 = arith.constant 1.000000e+00 : f32
    %broadcast_in_dim3A_348 = vector.broadcast %broadcast_in_dim3A_347 : f32 to vector<16xf32>
    %swap3A_349 = arith.constant 352 : index
    %swap3A_350 = tpu.vector_load %arg6[%swap3A_349] {strides = array<i32>} : memref<512xf32, #tpu.memory_space<vmem>>, vector<16xf32>,
    %swap3A_351 = vector.shape_cast %swap3A_350 : vector<16xf32> to vector<16xf32>
    %swap3A_352 = vector.shape_cast %broadcast_in_dim3A_348 : vector<16xf32> to vector<16xf32>
    tpu.vector_store %arg6[%swap3A_349], %swap3A_352 {strides = array<i32>} : memref<512xf32, #tpu.memory_space<vmem>>, vector<16xf32>,
    %broadcast_in_dim3A_353 = arith.constant 1.000000e+00 : f32
    %broadcast_in_dim3A_354 = vector.broadcast %broadcast_in_dim3A_353 : f32 to vector<16xf32>
    %swap3A_355 = arith.constant 368 : index
    %swap3A_356 = tpu.vector_load %arg6[%swap3A_355] {strides = array<i32>} : memref<512xf32, #tpu.memory_space<vmem>>, vector<16xf32>,
    %swap3A_357 = vector.shape_cast %swap3A_356 : vector<16xf32> to vector<16xf32>
    %swap3A_358 = vector.shape_cast %broadcast_in_dim3A_354 : vector<16xf32> to vector<16xf32>
    tpu.vector_store %arg6[%swap3A_355], %swap3A_358 {strides = array<i32>} : memref<512xf32, #tpu.memory_space<vmem>>, vector<16xf32>,
    %broadcast_in_dim3A_359 = arith.constant 1.000000e+00 : f32
    %broadcast_in_dim3A_360 = vector.broadcast %broadcast_in_dim3A_359 : f32 to vector<16xf32>
    %swap3A_361 = arith.constant 384 : index
    %swap3A_362 = tpu.vector_load %arg6[%swap3A_361] {strides = array<i32>} : memref<512xf32, #tpu.memory_space<vmem>>, vector<16xf32>,
    %swap3A_363 = vector.shape_cast %swap3A_362 : vector<16xf32> to vector<16xf32>
    %swap3A_364 = vector.shape_cast %broadcast_in_dim3A_360 : vector<16xf32> to vector<16xf32>
    tpu.vector_store %arg6[%swap3A_361], %swap3A_364 {strides = array<i32>} : memref<512xf32, #tpu.memory_space<vmem>>, vector<16xf32>,
    %broadcast_in_dim3A_365 = arith.constant 1.000000e+00 : f32
    %broadcast_in_dim3A_366 = vector.broadcast %broadcast_in_dim3A_365 : f32 to vector<16xf32>
    %swap3A_367 = arith.constant 400 : index
    %swap3A_368 = tpu.vector_load %arg6[%swap3A_367] {strides = array<i32>} : memref<512xf32, #tpu.memory_space<vmem>>, vector<16xf32>,
    %swap3A_369 = vector.shape_cast %swap3A_368 : vector<16xf32> to vector<16xf32>
    %swap3A_370 = vector.shape_cast %broadcast_in_dim3A_366 : vector<16xf32> to vector<16xf32>
    tpu.vector_store %arg6[%swap3A_367], %swap3A_370 {strides = array<i32>} : memref<512xf32, #tpu.memory_space<vmem>>, vector<16xf32>,
    %broadcast_in_dim3A_371 = arith.constant 1.000000e+00 : f32
    %broadcast_in_dim3A_372 = vector.broadcast %broadcast_in_dim3A_371 : f32 to vector<16xf32>
    %swap3A_373 = arith.constant 416 : index
    %swap3A_374 = tpu.vector_load %arg6[%swap3A_373] {strides = array<i32>} : memref<512xf32, #tpu.memory_space<vmem>>, vector<16xf32>,
    %swap3A_375 = vector.shape_cast %swap3A_374 : vector<16xf32> to vector<16xf32>
    %swap3A_376 = vector.shape_cast %broadcast_in_dim3A_372 : vector<16xf32> to vector<16xf32>
    tpu.vector_store %arg6[%swap3A_373], %swap3A_376 {strides = array<i32>} : memref<512xf32, #tpu.memory_space<vmem>>, vector<16xf32>,
    %broadcast_in_dim3A_377 = arith.constant 1.000000e+00 : f32
    %broadcast_in_dim3A_378 = vector.broadcast %broadcast_in_dim3A_377 : f32 to vector<16xf32>
    %swap3A_379 = arith.constant 432 : index
    %swap3A_380 = tpu.vector_load %arg6[%swap3A_379] {strides = array<i32>} : memref<512xf32, #tpu.memory_space<vmem>>, vector<16xf32>,
    %swap3A_381 = vector.shape_cast %swap3A_380 : vector<16xf32> to vector<16xf32>
    %swap3A_382 = vector.shape_cast %broadcast_in_dim3A_378 : vector<16xf32> to vector<16xf32>
    tpu.vector_store %arg6[%swap3A_379], %swap3A_382 {strides = array<i32>} : memref<512xf32, #tpu.memory_space<vmem>>, vector<16xf32>,
    %broadcast_in_dim3A_383 = arith.constant 1.000000e+00 : f32
    %broadcast_in_dim3A_384 = vector.broadcast %broadcast_in_dim3A_383 : f32 to vector<16xf32>
    %swap3A_385 = arith.constant 448 : index
    %swap3A_386 = tpu.vector_load %arg6[%swap3A_385] {strides = array<i32>} : memref<512xf32, #tpu.memory_space<vmem>>, vector<16xf32>,
    %swap3A_387 = vector.shape_cast %swap3A_386 : vector<16xf32> to vector<16xf32>
    %swap3A_388 = vector.shape_cast %broadcast_in_dim3A_384 : vector<16xf32> to vector<16xf32>
    tpu.vector_store %arg6[%swap3A_385], %swap3A_388 {strides = array<i32>} : memref<512xf32, #tpu.memory_space<vmem>>, vector<16xf32>,
    %broadcast_in_dim3A_389 = arith.constant 1.000000e+00 : f32
    %broadcast_in_dim3A_390 = vector.broadcast %broadcast_in_dim3A_389 : f32 to vector<16xf32>
    %swap3A_391 = arith.constant 464 : index
    %swap3A_392 = tpu.vector_load %arg6[%swap3A_391] {strides = array<i32>} : memref<512xf32, #tpu.memory_space<vmem>>, vector<16xf32>,
    %swap3A_393 = vector.shape_cast %swap3A_392 : vector<16xf32> to vector<16xf32>
    %swap3A_394 = vector.shape_cast %broadcast_in_dim3A_390 : vector<16xf32> to vector<16xf32>
    tpu.vector_store %arg6[%swap3A_391], %swap3A_394 {strides = array<i32>} : memref<512xf32, #tpu.memory_space<vmem>>, vector<16xf32>,
    %broadcast_in_dim3A_395 = arith.constant 1.000000e+00 : f32
    %broadcast_in_dim3A_396 = vector.broadcast %broadcast_in_dim3A_395 : f32 to vector<16xf32>
    %swap3A_397 = arith.constant 480 : index
    %swap3A_398 = tpu.vector_load %arg6[%swap3A_397] {strides = array<i32>} : memref<512xf32, #tpu.memory_space<vmem>>, vector<16xf32>,
    %swap3A_399 = vector.shape_cast %swap3A_398 : vector<16xf32> to vector<16xf32>
    %swap3A_400 = vector.shape_cast %broadcast_in_dim3A_396 : vector<16xf32> to vector<16xf32>
    tpu.vector_store %arg6[%swap3A_397], %swap3A_400 {strides = array<i32>} : memref<512xf32, #tpu.memory_space<vmem>>, vector<16xf32>,
    %broadcast_in_dim3A_401 = arith.constant 1.000000e+00 : f32
    %broadcast_in_dim3A_402 = vector.broadcast %broadcast_in_dim3A_401 : f32 to vector<16xf32>
    %swap3A_403 = arith.constant 496 : index
    %swap3A_404 = tpu.vector_load %arg6[%swap3A_403] {strides = array<i32>} : memref<512xf32, #tpu.memory_space<vmem>>, vector<16xf32>,
    %swap3A_405 = vector.shape_cast %swap3A_404 : vector<16xf32> to vector<16xf32>
    %swap3A_406 = vector.shape_cast %broadcast_in_dim3A_402 : vector<16xf32> to vector<16xf32>
    tpu.vector_store %arg6[%swap3A_403], %swap3A_406 {strides = array<i32>} : memref<512xf32, #tpu.memory_space<vmem>>, vector<16xf32>,
    %scan3A = arith.constant 0 : i32
    %scan3A_407 = arith.constant 0 : i32
    %scan3A_408 = arith.constant 40 : i32
    %scan3A_409 = arith.addi %scan3A_407, %scan3A_408 : i32
    %scan3A_410 = arith.constant 1 : i32
    scf.for %scan3A_425 = %scan3A_407 to %scan3A_409 step %scan3A_410  : i32 {
      %broadcast_in_dim3A_426 = arith.constant 0.000000e+00 : f32
      %broadcast_in_dim3A_427 = vector.broadcast %broadcast_in_dim3A_426 : f32 to vector<16xf32>
      %mul3A_428 = arith.constant 16 : i32
      %mul3A_429 = arith.muli %scan3A_425, %mul3A_428 : i32
      %swap3A_430 = arith.index_cast %mul3A_429 : i32 to index
      %swap3A_431 = tpu.vector_load %arg7[%swap3A_430] {strides = array<i32>} : memref<640xf32, #tpu.memory_space<vmem>>, vector<16xf32>,
      %swap3A_432 = vector.shape_cast %swap3A_431 : vector<16xf32> to vector<16xf32>
      %swap3A_433 = vector.shape_cast %broadcast_in_dim3A_427 : vector<16xf32> to vector<16xf32>
      tpu.vector_store %arg7[%swap3A_430], %swap3A_433 {strides = array<i32>} : memref<640xf32, #tpu.memory_space<vmem>>, vector<16xf32>,
    }
    %scan3A_411 = arith.constant 40 : i32
    "tpu.region"() ({
      %run_scoped3A = tpu.sem_alloc : memref<!tpu.dma_semaphore, #tpu.memory_space<semaphore_mem>>
      %dma_start3A = tpu.memref_slice %arg8[%mul3A_0] : memref<10240xf32, #tpu.memory_space<vmem_shared>> -> memref<640xf32, #tpu.memory_space<vmem_shared>>
      %dma_start3A_425 = tpu.memref_slice %arg8[%mul3A_0] : memref<10240xf32, #tpu.memory_space<vmem_shared>> -> memref<640xf32, #tpu.memory_space<vmem_shared>>
      tpu.enqueue_dma source(%arg7 : memref<640xf32, #tpu.memory_space<vmem>>) target(%dma_start3A_425 : memref<640xf32, #tpu.memory_space<vmem_shared>>) target_semaphore(%run_scoped3A : memref<!tpu.dma_semaphore, #tpu.memory_space<semaphore_mem>>)
      %dma_wait3A = tpu.memref_slice %arg8[%mul3A_0] : memref<10240xf32, #tpu.memory_space<vmem_shared>> -> memref<640xf32, #tpu.memory_space<vmem_shared>>
      %dma_wait3A_426 = tpu.memref_slice %arg8[%mul3A_0] : memref<10240xf32, #tpu.memory_space<vmem_shared>> -> memref<640xf32, #tpu.memory_space<vmem_shared>>
      tpu.wait_dma2 semaphore(%run_scoped3A : memref<!tpu.dma_semaphore, #tpu.memory_space<semaphore_mem>>) src(%arg7 : memref<640xf32, #tpu.memory_space<vmem>>) dst(%dma_wait3A_426 : memref<640xf32, #tpu.memory_space<vmem_shared>>)
      tpu.yield
    }) : () -> ()
    %barrier3A = arith.constant 0 : index
    tpu.barrier barrier_id(%barrier3A)
    %scan3A_412 = arith.constant 0 : i32
    %scan3A_413 = arith.constant 0 : i32
    %scan3A_414 = arith.constant 40 : i32
    %scan3A_415 = arith.addi %scan3A_413, %scan3A_414 : i32
    %scan3A_416 = arith.constant 1 : i32
    scf.for %scan3A_425 = %scan3A_413 to %scan3A_415 step %scan3A_416  : i32 {
      %mul3A_426 = arith.constant 512 : i32
      %mul3A_427 = arith.muli %scan3A_425, %mul3A_426 : i32
      %dma_start3A = tpu.memref_slice %arg5[%mul3A_427] : memref<20480xi32, #tpu.memory_space<vmem>> -> memref<512xi32, #tpu.memory_space<vmem>>
      %dma_start3A_428 = arith.constant 0 : i32
      %dma_start3A_429 = tpu.memref_slice %arg8[%dma_start3A_428] : memref<10240xf32, #tpu.memory_space<vmem_shared>> -> memref<10240xf32, #tpu.memory_space<vmem_shared>>
      tpu.enqueue_indirect_dma source(%arg6 : memref<512xf32, #tpu.memory_space<vmem>>) target(%dma_start3A_429 : memref<10240xf32, #tpu.memory_space<vmem_shared>>) offsets(%dma_start3A : memref<512xi32, #tpu.memory_space<vmem>>) semaphore(%arg9 : memref<!tpu.dma_semaphore, #tpu.memory_space<semaphore_mem>>) {add = true}
    }
    %scan3A_417 = arith.constant 40 : i32
    %scan3A_418 = arith.constant 0 : i32
    %scan3A_419 = arith.constant 0 : i32
    %scan3A_420 = arith.constant 40 : i32
    %scan3A_421 = arith.addi %scan3A_419, %scan3A_420 : i32
    %scan3A_422 = arith.constant 1 : i32
    scf.for %scan3A_425 = %scan3A_419 to %scan3A_421 step %scan3A_422  : i32 {
      %dma_wait3A = arith.constant 0 : i32
      %dma_wait3A_426 = tpu.memref_slice %arg5[%dma_wait3A] : memref<20480xi32, #tpu.memory_space<vmem>> -> memref<512xi32, #tpu.memory_space<vmem>>
      %dma_wait3A_427 = arith.constant 0 : i32
      %dma_wait3A_428 = tpu.memref_slice %arg8[%dma_wait3A_427] : memref<10240xf32, #tpu.memory_space<vmem_shared>> -> memref<10240xf32, #tpu.memory_space<vmem_shared>>
      tpu.wait_indirect_dma semaphore(%arg9 : memref<!tpu.dma_semaphore, #tpu.memory_space<semaphore_mem>>) src(%arg6 : memref<512xf32, #tpu.memory_space<vmem>>) dst(%dma_wait3A_428 : memref<10240xf32, #tpu.memory_space<vmem_shared>>)
    }
    %scan3A_423 = arith.constant 40 : i32
    %barrier3A_424 = arith.constant 0 : index
    tpu.barrier barrier_id(%barrier3A_424)
    "tpu.region"() ({
      %run_scoped3A = tpu.sem_alloc : memref<!tpu.dma_semaphore, #tpu.memory_space<semaphore_mem>>
      %dma_start3A = tpu.memref_slice %arg8[%mul3A_0] : memref<10240xf32, #tpu.memory_space<vmem_shared>> -> memref<640xf32, #tpu.memory_space<vmem_shared>>
      %dma_start3A_425 = tpu.memref_slice %arg8[%mul3A_0] : memref<10240xf32, #tpu.memory_space<vmem_shared>> -> memref<640xf32, #tpu.memory_space<vmem_shared>>
      tpu.enqueue_dma source(%dma_start3A_425 : memref<640xf32, #tpu.memory_space<vmem_shared>>) target(%arg7 : memref<640xf32, #tpu.memory_space<vmem>>) target_semaphore(%run_scoped3A : memref<!tpu.dma_semaphore, #tpu.memory_space<semaphore_mem>>)
      %dma_wait3A = tpu.memref_slice %arg8[%mul3A_0] : memref<10240xf32, #tpu.memory_space<vmem_shared>> -> memref<640xf32, #tpu.memory_space<vmem_shared>>
      %dma_wait3A_426 = tpu.memref_slice %arg8[%mul3A_0] : memref<10240xf32, #tpu.memory_space<vmem_shared>> -> memref<640xf32, #tpu.memory_space<vmem_shared>>
      tpu.wait_dma2 semaphore(%run_scoped3A : memref<!tpu.dma_semaphore, #tpu.memory_space<semaphore_mem>>) src(%dma_wait3A_426 : memref<640xf32, #tpu.memory_space<vmem_shared>>) dst(%arg7 : memref<640xf32, #tpu.memory_space<vmem>>)
      tpu.yield
    }) : () -> ()
    "tpu.region"() ({
      %run_scoped3A = tpu.sem_alloc : memref<!tpu.dma_semaphore, #tpu.memory_space<semaphore_mem>>
      %dma_start3A = tpu.memref_slice %arg4[%arg0, %mul3A_0] : memref<2x10240xf32, #tpu.memory_space<hbm>> -> memref<1x640xf32, #tpu.memory_space<hbm>>
      %dma_start3A_425 = tpu.memref_squeeze %dma_start3A : memref<1x640xf32, #tpu.memory_space<hbm>> -> memref<640xf32, #tpu.memory_space<hbm>>
      %dma_start3A_426 = tpu.memref_slice %arg4[%arg0, %mul3A_0] : memref<2x10240xf32, #tpu.memory_space<hbm>> -> memref<1x640xf32, #tpu.memory_space<hbm>>
      %dma_start3A_427 = tpu.memref_squeeze %dma_start3A_426 : memref<1x640xf32, #tpu.memory_space<hbm>> -> memref<640xf32, #tpu.memory_space<hbm>>
      tpu.enqueue_dma source(%arg7 : memref<640xf32, #tpu.memory_space<vmem>>) target(%dma_start3A_427 : memref<640xf32, #tpu.memory_space<hbm>>) target_semaphore(%run_scoped3A : memref<!tpu.dma_semaphore, #tpu.memory_space<semaphore_mem>>)
      %dma_wait3A = tpu.memref_slice %arg4[%arg0, %mul3A_0] : memref<2x10240xf32, #tpu.memory_space<hbm>> -> memref<1x640xf32, #tpu.memory_space<hbm>>
      %dma_wait3A_428 = tpu.memref_squeeze %dma_wait3A : memref<1x640xf32, #tpu.memory_space<hbm>> -> memref<640xf32, #tpu.memory_space<hbm>>
      %dma_wait3A_429 = tpu.memref_slice %arg4[%arg0, %mul3A_0] : memref<2x10240xf32, #tpu.memory_space<hbm>> -> memref<1x640xf32, #tpu.memory_space<hbm>>
      %dma_wait3A_430 = tpu.memref_squeeze %dma_wait3A_429 : memref<1x640xf32, #tpu.memory_space<hbm>> -> memref<640xf32, #tpu.memory_space<hbm>>
      tpu.wait_dma2 semaphore(%run_scoped3A : memref<!tpu.dma_semaphore, #tpu.memory_space<semaphore_mem>>) src(%arg7 : memref<640xf32, #tpu.memory_space<vmem>>) dst(%dma_wait3A_430 : memref<640xf32, #tpu.memory_space<hbm>>)
      tpu.yield
    }) : () -> ()
    return
  }
}

#map = affine_map<(d0, d1) -> (0, 0)>
#map1 = affine_map<(d0, d1) -> (0)>
module attributes {stable_mosaic.version = 14 : i64} {
  func.func @_msg_body(%arg0: i32, %arg1: i32, %arg2: memref<20480x16xf32, #tpu.memory_space<hbm>>, %arg3: memref<16x20000xi32, #tpu.memory_space<hbm>>, %arg4: memref<16x20000xi32, #tpu.memory_space<hbm>>, %arg5: memref<32xf32, #tpu.memory_space<hbm>>, %arg6: memref<2x10240xf32, #tpu.memory_space<hbm>>, %arg7: memref<20480x16xf32, #tpu.memory_space<hbm>>, %arg8: memref<20480xi32, #tpu.memory_space<vmem>>, %arg9: memref<20480xi32, #tpu.memory_space<vmem>>, %arg10: memref<640x16xf32, #tpu.memory_space<vmem>>, %arg11: memref<640x16xf32, #tpu.memory_space<vmem>>, %arg12: memref<4x512x16xf32, #tpu.memory_space<vmem>>, %arg13: memref<640xf32, #tpu.memory_space<vmem>>, %arg14: memref<640xf32, #tpu.memory_space<vmem>>, %arg15: memref<640xf32, #tpu.memory_space<vmem>>, %arg16: memref<16xf32, #tpu.memory_space<vmem>>, %arg17: memref<10240x16xf32, #tpu.memory_space<vmem_shared>>, %arg18: memref<10240x16xf32, #tpu.memory_space<vmem_shared>>, %arg19: memref<!tpu.dma_semaphore, #tpu.memory_space<semaphore_mem>>, %arg20: memref<4x!tpu.dma_semaphore, #tpu.memory_space<semaphore_mem>>, %arg21: memref<4x!tpu.dma_semaphore, #tpu.memory_space<semaphore_mem>>) attributes {dimension_semantics = [#tpu.dimension_semantics<core_parallel>, #tpu.dimension_semantics<subcore_parallel>], iteration_bounds = array<i64: 2, 16>, scalar_prefetch = 0 : i64, scratch_operands = 14 : i64, tpu.core_type = #tpu.core_type<sc_vector_subcore>, window_params = [{transform_indices = #map}, {transform_indices = #map}, {transform_indices = #map}, {transform_indices = #map1}, {transform_indices = #map}, {transform_indices = #map}]} {
    %mul3A = arith.constant 640 : i32
    %mul3A_0 = arith.muli %arg1, %mul3A : i32
    "tpu.region"() ({
      %run_scoped3A_798 = tpu.sem_alloc : memref<!tpu.dma_semaphore, #tpu.memory_space<semaphore_mem>>
      %dma_start3A_799 = arith.constant 0 : i32
      %dma_start3A_800 = tpu.memref_slice %arg8[%dma_start3A_799] : memref<20480xi32, #tpu.memory_space<vmem>> -> memref<20000xi32, #tpu.memory_space<vmem>>
      %dma_start3A_801 = arith.constant 0 : i32
      %dma_start3A_802 = tpu.memref_slice %arg3[%arg1, %dma_start3A_801] : memref<16x20000xi32, #tpu.memory_space<hbm>> -> memref<1x20000xi32, #tpu.memory_space<hbm>>
      %dma_start3A_803 = tpu.memref_squeeze %dma_start3A_802 : memref<1x20000xi32, #tpu.memory_space<hbm>> -> memref<20000xi32, #tpu.memory_space<hbm>>
      %dma_start3A_804 = arith.constant 0 : i32
      %dma_start3A_805 = tpu.memref_slice %arg8[%dma_start3A_804] : memref<20480xi32, #tpu.memory_space<vmem>> -> memref<20000xi32, #tpu.memory_space<vmem>>
      %dma_start3A_806 = arith.constant 0 : i32
      %dma_start3A_807 = tpu.memref_slice %arg3[%arg1, %dma_start3A_806] : memref<16x20000xi32, #tpu.memory_space<hbm>> -> memref<1x20000xi32, #tpu.memory_space<hbm>>
      %dma_start3A_808 = tpu.memref_squeeze %dma_start3A_807 : memref<1x20000xi32, #tpu.memory_space<hbm>> -> memref<20000xi32, #tpu.memory_space<hbm>>
      tpu.enqueue_dma source(%dma_start3A_808 : memref<20000xi32, #tpu.memory_space<hbm>>) target(%dma_start3A_805 : memref<20000xi32, #tpu.memory_space<vmem>>) target_semaphore(%run_scoped3A_798 : memref<!tpu.dma_semaphore, #tpu.memory_space<semaphore_mem>>)
      %dma_wait3A_809 = arith.constant 0 : i32
      %dma_wait3A_810 = tpu.memref_slice %arg8[%dma_wait3A_809] : memref<20480xi32, #tpu.memory_space<vmem>> -> memref<20000xi32, #tpu.memory_space<vmem>>
      %dma_wait3A_811 = arith.constant 0 : i32
      %dma_wait3A_812 = tpu.memref_slice %arg3[%arg1, %dma_wait3A_811] : memref<16x20000xi32, #tpu.memory_space<hbm>> -> memref<1x20000xi32, #tpu.memory_space<hbm>>
      %dma_wait3A_813 = tpu.memref_squeeze %dma_wait3A_812 : memref<1x20000xi32, #tpu.memory_space<hbm>> -> memref<20000xi32, #tpu.memory_space<hbm>>
      %dma_wait3A_814 = arith.constant 0 : i32
      %dma_wait3A_815 = tpu.memref_slice %arg8[%dma_wait3A_814] : memref<20480xi32, #tpu.memory_space<vmem>> -> memref<20000xi32, #tpu.memory_space<vmem>>
      %dma_wait3A_816 = arith.constant 0 : i32
      %dma_wait3A_817 = tpu.memref_slice %arg3[%arg1, %dma_wait3A_816] : memref<16x20000xi32, #tpu.memory_space<hbm>> -> memref<1x20000xi32, #tpu.memory_space<hbm>>
      %dma_wait3A_818 = tpu.memref_squeeze %dma_wait3A_817 : memref<1x20000xi32, #tpu.memory_space<hbm>> -> memref<20000xi32, #tpu.memory_space<hbm>>
      tpu.wait_dma2 semaphore(%run_scoped3A_798 : memref<!tpu.dma_semaphore, #tpu.memory_space<semaphore_mem>>) src(%dma_wait3A_818 : memref<20000xi32, #tpu.memory_space<hbm>>) dst(%dma_wait3A_815 : memref<20000xi32, #tpu.memory_space<vmem>>)
      tpu.yield
    }) : () -> ()
    "tpu.region"() ({
      %run_scoped3A_798 = tpu.sem_alloc : memref<!tpu.dma_semaphore, #tpu.memory_space<semaphore_mem>>
      %dma_start3A_799 = arith.constant 0 : i32
      %dma_start3A_800 = tpu.memref_slice %arg9[%dma_start3A_799] : memref<20480xi32, #tpu.memory_space<vmem>> -> memref<20000xi32, #tpu.memory_space<vmem>>
      %dma_start3A_801 = arith.constant 0 : i32
      %dma_start3A_802 = tpu.memref_slice %arg4[%arg1, %dma_start3A_801] : memref<16x20000xi32, #tpu.memory_space<hbm>> -> memref<1x20000xi32, #tpu.memory_space<hbm>>
      %dma_start3A_803 = tpu.memref_squeeze %dma_start3A_802 : memref<1x20000xi32, #tpu.memory_space<hbm>> -> memref<20000xi32, #tpu.memory_space<hbm>>
      %dma_start3A_804 = arith.constant 0 : i32
      %dma_start3A_805 = tpu.memref_slice %arg9[%dma_start3A_804] : memref<20480xi32, #tpu.memory_space<vmem>> -> memref<20000xi32, #tpu.memory_space<vmem>>
      %dma_start3A_806 = arith.constant 0 : i32
      %dma_start3A_807 = tpu.memref_slice %arg4[%arg1, %dma_start3A_806] : memref<16x20000xi32, #tpu.memory_space<hbm>> -> memref<1x20000xi32, #tpu.memory_space<hbm>>
      %dma_start3A_808 = tpu.memref_squeeze %dma_start3A_807 : memref<1x20000xi32, #tpu.memory_space<hbm>> -> memref<20000xi32, #tpu.memory_space<hbm>>
      tpu.enqueue_dma source(%dma_start3A_808 : memref<20000xi32, #tpu.memory_space<hbm>>) target(%dma_start3A_805 : memref<20000xi32, #tpu.memory_space<vmem>>) target_semaphore(%run_scoped3A_798 : memref<!tpu.dma_semaphore, #tpu.memory_space<semaphore_mem>>)
      %dma_wait3A_809 = arith.constant 0 : i32
      %dma_wait3A_810 = tpu.memref_slice %arg9[%dma_wait3A_809] : memref<20480xi32, #tpu.memory_space<vmem>> -> memref<20000xi32, #tpu.memory_space<vmem>>
      %dma_wait3A_811 = arith.constant 0 : i32
      %dma_wait3A_812 = tpu.memref_slice %arg4[%arg1, %dma_wait3A_811] : memref<16x20000xi32, #tpu.memory_space<hbm>> -> memref<1x20000xi32, #tpu.memory_space<hbm>>
      %dma_wait3A_813 = tpu.memref_squeeze %dma_wait3A_812 : memref<1x20000xi32, #tpu.memory_space<hbm>> -> memref<20000xi32, #tpu.memory_space<hbm>>
      %dma_wait3A_814 = arith.constant 0 : i32
      %dma_wait3A_815 = tpu.memref_slice %arg9[%dma_wait3A_814] : memref<20480xi32, #tpu.memory_space<vmem>> -> memref<20000xi32, #tpu.memory_space<vmem>>
      %dma_wait3A_816 = arith.constant 0 : i32
      %dma_wait3A_817 = tpu.memref_slice %arg4[%arg1, %dma_wait3A_816] : memref<16x20000xi32, #tpu.memory_space<hbm>> -> memref<1x20000xi32, #tpu.memory_space<hbm>>
      %dma_wait3A_818 = tpu.memref_squeeze %dma_wait3A_817 : memref<1x20000xi32, #tpu.memory_space<hbm>> -> memref<20000xi32, #tpu.memory_space<hbm>>
      tpu.wait_dma2 semaphore(%run_scoped3A_798 : memref<!tpu.dma_semaphore, #tpu.memory_space<semaphore_mem>>) src(%dma_wait3A_818 : memref<20000xi32, #tpu.memory_space<hbm>>) dst(%dma_wait3A_815 : memref<20000xi32, #tpu.memory_space<vmem>>)
      tpu.yield
    }) : () -> ()
    %mul3A_1 = arith.constant 16 : i32
    %mul3A_2 = arith.muli %arg0, %mul3A_1 : i32
    "tpu.region"() ({
      %run_scoped3A_798 = tpu.sem_alloc : memref<!tpu.dma_semaphore, #tpu.memory_space<semaphore_mem>>
      %dma_start3A_799 = tpu.memref_slice %arg5[%mul3A_2] : memref<32xf32, #tpu.memory_space<hbm>> -> memref<16xf32, #tpu.memory_space<hbm>>
      %dma_start3A_800 = tpu.memref_slice %arg5[%mul3A_2] : memref<32xf32, #tpu.memory_space<hbm>> -> memref<16xf32, #tpu.memory_space<hbm>>
      tpu.enqueue_dma source(%dma_start3A_800 : memref<16xf32, #tpu.memory_space<hbm>>) target(%arg16 : memref<16xf32, #tpu.memory_space<vmem>>) target_semaphore(%run_scoped3A_798 : memref<!tpu.dma_semaphore, #tpu.memory_space<semaphore_mem>>)
      %dma_wait3A_801 = tpu.memref_slice %arg5[%mul3A_2] : memref<32xf32, #tpu.memory_space<hbm>> -> memref<16xf32, #tpu.memory_space<hbm>>
      %dma_wait3A_802 = tpu.memref_slice %arg5[%mul3A_2] : memref<32xf32, #tpu.memory_space<hbm>> -> memref<16xf32, #tpu.memory_space<hbm>>
      tpu.wait_dma2 semaphore(%run_scoped3A_798 : memref<!tpu.dma_semaphore, #tpu.memory_space<semaphore_mem>>) src(%dma_wait3A_802 : memref<16xf32, #tpu.memory_space<hbm>>) dst(%arg16 : memref<16xf32, #tpu.memory_space<vmem>>)
      tpu.yield
    }) : () -> ()
    %mul3A_3 = arith.constant 10240 : i32
    %mul3A_4 = arith.muli %arg0, %mul3A_3 : i32
    %add3A = arith.addi %mul3A_4, %mul3A_0 : i32
    "tpu.region"() ({
      %run_scoped3A_798 = tpu.sem_alloc : memref<!tpu.dma_semaphore, #tpu.memory_space<semaphore_mem>>
      %dma_start3A_799 = arith.constant 0 : i32
      %dma_start3A_800 = tpu.memref_slice %arg2[%add3A, %dma_start3A_799] : memref<20480x16xf32, #tpu.memory_space<hbm>> -> memref<640x16xf32, #tpu.memory_space<hbm>>
      %dma_start3A_801 = arith.constant 0 : i32
      %dma_start3A_802 = tpu.memref_slice %arg2[%add3A, %dma_start3A_801] : memref<20480x16xf32, #tpu.memory_space<hbm>> -> memref<640x16xf32, #tpu.memory_space<hbm>>
      tpu.enqueue_dma source(%dma_start3A_802 : memref<640x16xf32, #tpu.memory_space<hbm>>) target(%arg10 : memref<640x16xf32, #tpu.memory_space<vmem>>) target_semaphore(%run_scoped3A_798 : memref<!tpu.dma_semaphore, #tpu.memory_space<semaphore_mem>>)
      %dma_wait3A_803 = arith.constant 0 : i32
      %dma_wait3A_804 = tpu.memref_slice %arg2[%add3A, %dma_wait3A_803] : memref<20480x16xf32, #tpu.memory_space<hbm>> -> memref<640x16xf32, #tpu.memory_space<hbm>>
      %dma_wait3A_805 = arith.constant 0 : i32
      %dma_wait3A_806 = tpu.memref_slice %arg2[%add3A, %dma_wait3A_805] : memref<20480x16xf32, #tpu.memory_space<hbm>> -> memref<640x16xf32, #tpu.memory_space<hbm>>
      tpu.wait_dma2 semaphore(%run_scoped3A_798 : memref<!tpu.dma_semaphore, #tpu.memory_space<semaphore_mem>>) src(%dma_wait3A_806 : memref<640x16xf32, #tpu.memory_space<hbm>>) dst(%arg10 : memref<640x16xf32, #tpu.memory_space<vmem>>)
      tpu.yield
    }) : () -> ()
    %iota3A = tpu.iota {dimensions = array<i32: 0>} : vector<16xi32>
    %add3A_5 = arith.constant 10000 : i32
    %add3A_6 = vector.broadcast %add3A_5 : i32 to vector<16xi32>
    %add3A_7 = arith.addi %add3A_6, %iota3A : vector<16xi32>
    %swap3A = arith.constant 20000 : index
    %swap3A_8 = tpu.vector_load %arg8[%swap3A] {strides = array<i32>} : memref<20480xi32, #tpu.memory_space<vmem>>, vector<16xi32>,
    %swap3A_9 = vector.shape_cast %swap3A_8 : vector<16xi32> to vector<16xi32>
    %swap3A_10 = vector.shape_cast %add3A_7 : vector<16xi32> to vector<16xi32>
    tpu.vector_store %arg8[%swap3A], %swap3A_10 {strides = array<i32>} : memref<20480xi32, #tpu.memory_space<vmem>>, vector<16xi32>,
    %swap3A_11 = arith.constant 20000 : index
    %swap3A_12 = tpu.vector_load %arg9[%swap3A_11] {strides = array<i32>} : memref<20480xi32, #tpu.memory_space<vmem>>, vector<16xi32>,
    %swap3A_13 = vector.shape_cast %swap3A_12 : vector<16xi32> to vector<16xi32>
    %swap3A_14 = vector.shape_cast %add3A_7 : vector<16xi32> to vector<16xi32>
    tpu.vector_store %arg9[%swap3A_11], %swap3A_14 {strides = array<i32>} : memref<20480xi32, #tpu.memory_space<vmem>>, vector<16xi32>,
    %add3A_15 = arith.constant 10016 : i32
    %add3A_16 = vector.broadcast %add3A_15 : i32 to vector<16xi32>
    %add3A_17 = arith.addi %add3A_16, %iota3A : vector<16xi32>
    %swap3A_18 = arith.constant 20016 : index
    %swap3A_19 = tpu.vector_load %arg8[%swap3A_18] {strides = array<i32>} : memref<20480xi32, #tpu.memory_space<vmem>>, vector<16xi32>,
    %swap3A_20 = vector.shape_cast %swap3A_19 : vector<16xi32> to vector<16xi32>
    %swap3A_21 = vector.shape_cast %add3A_17 : vector<16xi32> to vector<16xi32>
    tpu.vector_store %arg8[%swap3A_18], %swap3A_21 {strides = array<i32>} : memref<20480xi32, #tpu.memory_space<vmem>>, vector<16xi32>,
    %swap3A_22 = arith.constant 20016 : index
    %swap3A_23 = tpu.vector_load %arg9[%swap3A_22] {strides = array<i32>} : memref<20480xi32, #tpu.memory_space<vmem>>, vector<16xi32>,
    %swap3A_24 = vector.shape_cast %swap3A_23 : vector<16xi32> to vector<16xi32>
    %swap3A_25 = vector.shape_cast %add3A_17 : vector<16xi32> to vector<16xi32>
    tpu.vector_store %arg9[%swap3A_22], %swap3A_25 {strides = array<i32>} : memref<20480xi32, #tpu.memory_space<vmem>>, vector<16xi32>,
    %add3A_26 = arith.constant 10032 : i32
    %add3A_27 = vector.broadcast %add3A_26 : i32 to vector<16xi32>
    %add3A_28 = arith.addi %add3A_27, %iota3A : vector<16xi32>
    %swap3A_29 = arith.constant 20032 : index
    %swap3A_30 = tpu.vector_load %arg8[%swap3A_29] {strides = array<i32>} : memref<20480xi32, #tpu.memory_space<vmem>>, vector<16xi32>,
    %swap3A_31 = vector.shape_cast %swap3A_30 : vector<16xi32> to vector<16xi32>
    %swap3A_32 = vector.shape_cast %add3A_28 : vector<16xi32> to vector<16xi32>
    tpu.vector_store %arg8[%swap3A_29], %swap3A_32 {strides = array<i32>} : memref<20480xi32, #tpu.memory_space<vmem>>, vector<16xi32>,
    %swap3A_33 = arith.constant 20032 : index
    %swap3A_34 = tpu.vector_load %arg9[%swap3A_33] {strides = array<i32>} : memref<20480xi32, #tpu.memory_space<vmem>>, vector<16xi32>,
    %swap3A_35 = vector.shape_cast %swap3A_34 : vector<16xi32> to vector<16xi32>
    %swap3A_36 = vector.shape_cast %add3A_28 : vector<16xi32> to vector<16xi32>
    tpu.vector_store %arg9[%swap3A_33], %swap3A_36 {strides = array<i32>} : memref<20480xi32, #tpu.memory_space<vmem>>, vector<16xi32>,
    %add3A_37 = arith.constant 10048 : i32
    %add3A_38 = vector.broadcast %add3A_37 : i32 to vector<16xi32>
    %add3A_39 = arith.addi %add3A_38, %iota3A : vector<16xi32>
    %swap3A_40 = arith.constant 20048 : index
    %swap3A_41 = tpu.vector_load %arg8[%swap3A_40] {strides = array<i32>} : memref<20480xi32, #tpu.memory_space<vmem>>, vector<16xi32>,
    %swap3A_42 = vector.shape_cast %swap3A_41 : vector<16xi32> to vector<16xi32>
    %swap3A_43 = vector.shape_cast %add3A_39 : vector<16xi32> to vector<16xi32>
    tpu.vector_store %arg8[%swap3A_40], %swap3A_43 {strides = array<i32>} : memref<20480xi32, #tpu.memory_space<vmem>>, vector<16xi32>,
    %swap3A_44 = arith.constant 20048 : index
    %swap3A_45 = tpu.vector_load %arg9[%swap3A_44] {strides = array<i32>} : memref<20480xi32, #tpu.memory_space<vmem>>, vector<16xi32>,
    %swap3A_46 = vector.shape_cast %swap3A_45 : vector<16xi32> to vector<16xi32>
    %swap3A_47 = vector.shape_cast %add3A_39 : vector<16xi32> to vector<16xi32>
    tpu.vector_store %arg9[%swap3A_44], %swap3A_47 {strides = array<i32>} : memref<20480xi32, #tpu.memory_space<vmem>>, vector<16xi32>,
    %add3A_48 = arith.constant 10064 : i32
    %add3A_49 = vector.broadcast %add3A_48 : i32 to vector<16xi32>
    %add3A_50 = arith.addi %add3A_49, %iota3A : vector<16xi32>
    %swap3A_51 = arith.constant 20064 : index
    %swap3A_52 = tpu.vector_load %arg8[%swap3A_51] {strides = array<i32>} : memref<20480xi32, #tpu.memory_space<vmem>>, vector<16xi32>,
    %swap3A_53 = vector.shape_cast %swap3A_52 : vector<16xi32> to vector<16xi32>
    %swap3A_54 = vector.shape_cast %add3A_50 : vector<16xi32> to vector<16xi32>
    tpu.vector_store %arg8[%swap3A_51], %swap3A_54 {strides = array<i32>} : memref<20480xi32, #tpu.memory_space<vmem>>, vector<16xi32>,
    %swap3A_55 = arith.constant 20064 : index
    %swap3A_56 = tpu.vector_load %arg9[%swap3A_55] {strides = array<i32>} : memref<20480xi32, #tpu.memory_space<vmem>>, vector<16xi32>,
    %swap3A_57 = vector.shape_cast %swap3A_56 : vector<16xi32> to vector<16xi32>
    %swap3A_58 = vector.shape_cast %add3A_50 : vector<16xi32> to vector<16xi32>
    tpu.vector_store %arg9[%swap3A_55], %swap3A_58 {strides = array<i32>} : memref<20480xi32, #tpu.memory_space<vmem>>, vector<16xi32>,
    %add3A_59 = arith.constant 10080 : i32
    %add3A_60 = vector.broadcast %add3A_59 : i32 to vector<16xi32>
    %add3A_61 = arith.addi %add3A_60, %iota3A : vector<16xi32>
    %swap3A_62 = arith.constant 20080 : index
    %swap3A_63 = tpu.vector_load %arg8[%swap3A_62] {strides = array<i32>} : memref<20480xi32, #tpu.memory_space<vmem>>, vector<16xi32>,
    %swap3A_64 = vector.shape_cast %swap3A_63 : vector<16xi32> to vector<16xi32>
    %swap3A_65 = vector.shape_cast %add3A_61 : vector<16xi32> to vector<16xi32>
    tpu.vector_store %arg8[%swap3A_62], %swap3A_65 {strides = array<i32>} : memref<20480xi32, #tpu.memory_space<vmem>>, vector<16xi32>,
    %swap3A_66 = arith.constant 20080 : index
    %swap3A_67 = tpu.vector_load %arg9[%swap3A_66] {strides = array<i32>} : memref<20480xi32, #tpu.memory_space<vmem>>, vector<16xi32>,
    %swap3A_68 = vector.shape_cast %swap3A_67 : vector<16xi32> to vector<16xi32>
    %swap3A_69 = vector.shape_cast %add3A_61 : vector<16xi32> to vector<16xi32>
    tpu.vector_store %arg9[%swap3A_66], %swap3A_69 {strides = array<i32>} : memref<20480xi32, #tpu.memory_space<vmem>>, vector<16xi32>,
    %add3A_70 = arith.constant 10096 : i32
    %add3A_71 = vector.broadcast %add3A_70 : i32 to vector<16xi32>
    %add3A_72 = arith.addi %add3A_71, %iota3A : vector<16xi32>
    %swap3A_73 = arith.constant 20096 : index
    %swap3A_74 = tpu.vector_load %arg8[%swap3A_73] {strides = array<i32>} : memref<20480xi32, #tpu.memory_space<vmem>>, vector<16xi32>,
    %swap3A_75 = vector.shape_cast %swap3A_74 : vector<16xi32> to vector<16xi32>
    %swap3A_76 = vector.shape_cast %add3A_72 : vector<16xi32> to vector<16xi32>
    tpu.vector_store %arg8[%swap3A_73], %swap3A_76 {strides = array<i32>} : memref<20480xi32, #tpu.memory_space<vmem>>, vector<16xi32>,
    %swap3A_77 = arith.constant 20096 : index
    %swap3A_78 = tpu.vector_load %arg9[%swap3A_77] {strides = array<i32>} : memref<20480xi32, #tpu.memory_space<vmem>>, vector<16xi32>,
    %swap3A_79 = vector.shape_cast %swap3A_78 : vector<16xi32> to vector<16xi32>
    %swap3A_80 = vector.shape_cast %add3A_72 : vector<16xi32> to vector<16xi32>
    tpu.vector_store %arg9[%swap3A_77], %swap3A_80 {strides = array<i32>} : memref<20480xi32, #tpu.memory_space<vmem>>, vector<16xi32>,
    %add3A_81 = arith.constant 10112 : i32
    %add3A_82 = vector.broadcast %add3A_81 : i32 to vector<16xi32>
    %add3A_83 = arith.addi %add3A_82, %iota3A : vector<16xi32>
    %swap3A_84 = arith.constant 20112 : index
    %swap3A_85 = tpu.vector_load %arg8[%swap3A_84] {strides = array<i32>} : memref<20480xi32, #tpu.memory_space<vmem>>, vector<16xi32>,
    %swap3A_86 = vector.shape_cast %swap3A_85 : vector<16xi32> to vector<16xi32>
    %swap3A_87 = vector.shape_cast %add3A_83 : vector<16xi32> to vector<16xi32>
    tpu.vector_store %arg8[%swap3A_84], %swap3A_87 {strides = array<i32>} : memref<20480xi32, #tpu.memory_space<vmem>>, vector<16xi32>,
    %swap3A_88 = arith.constant 20112 : index
    %swap3A_89 = tpu.vector_load %arg9[%swap3A_88] {strides = array<i32>} : memref<20480xi32, #tpu.memory_space<vmem>>, vector<16xi32>,
    %swap3A_90 = vector.shape_cast %swap3A_89 : vector<16xi32> to vector<16xi32>
    %swap3A_91 = vector.shape_cast %add3A_83 : vector<16xi32> to vector<16xi32>
    tpu.vector_store %arg9[%swap3A_88], %swap3A_91 {strides = array<i32>} : memref<20480xi32, #tpu.memory_space<vmem>>, vector<16xi32>,
    %add3A_92 = arith.constant 10128 : i32
    %add3A_93 = vector.broadcast %add3A_92 : i32 to vector<16xi32>
    %add3A_94 = arith.addi %add3A_93, %iota3A : vector<16xi32>
    %swap3A_95 = arith.constant 20128 : index
    %swap3A_96 = tpu.vector_load %arg8[%swap3A_95] {strides = array<i32>} : memref<20480xi32, #tpu.memory_space<vmem>>, vector<16xi32>,
    %swap3A_97 = vector.shape_cast %swap3A_96 : vector<16xi32> to vector<16xi32>
    %swap3A_98 = vector.shape_cast %add3A_94 : vector<16xi32> to vector<16xi32>
    tpu.vector_store %arg8[%swap3A_95], %swap3A_98 {strides = array<i32>} : memref<20480xi32, #tpu.memory_space<vmem>>, vector<16xi32>,
    %swap3A_99 = arith.constant 20128 : index
    %swap3A_100 = tpu.vector_load %arg9[%swap3A_99] {strides = array<i32>} : memref<20480xi32, #tpu.memory_space<vmem>>, vector<16xi32>,
    %swap3A_101 = vector.shape_cast %swap3A_100 : vector<16xi32> to vector<16xi32>
    %swap3A_102 = vector.shape_cast %add3A_94 : vector<16xi32> to vector<16xi32>
    tpu.vector_store %arg9[%swap3A_99], %swap3A_102 {strides = array<i32>} : memref<20480xi32, #tpu.memory_space<vmem>>, vector<16xi32>,
    %add3A_103 = arith.constant 10144 : i32
    %add3A_104 = vector.broadcast %add3A_103 : i32 to vector<16xi32>
    %add3A_105 = arith.addi %add3A_104, %iota3A : vector<16xi32>
    %swap3A_106 = arith.constant 20144 : index
    %swap3A_107 = tpu.vector_load %arg8[%swap3A_106] {strides = array<i32>} : memref<20480xi32, #tpu.memory_space<vmem>>, vector<16xi32>,
    %swap3A_108 = vector.shape_cast %swap3A_107 : vector<16xi32> to vector<16xi32>
    %swap3A_109 = vector.shape_cast %add3A_105 : vector<16xi32> to vector<16xi32>
    tpu.vector_store %arg8[%swap3A_106], %swap3A_109 {strides = array<i32>} : memref<20480xi32, #tpu.memory_space<vmem>>, vector<16xi32>,
    %swap3A_110 = arith.constant 20144 : index
    %swap3A_111 = tpu.vector_load %arg9[%swap3A_110] {strides = array<i32>} : memref<20480xi32, #tpu.memory_space<vmem>>, vector<16xi32>,
    %swap3A_112 = vector.shape_cast %swap3A_111 : vector<16xi32> to vector<16xi32>
    %swap3A_113 = vector.shape_cast %add3A_105 : vector<16xi32> to vector<16xi32>
    tpu.vector_store %arg9[%swap3A_110], %swap3A_113 {strides = array<i32>} : memref<20480xi32, #tpu.memory_space<vmem>>, vector<16xi32>,
    %add3A_114 = arith.constant 10160 : i32
    %add3A_115 = vector.broadcast %add3A_114 : i32 to vector<16xi32>
    %add3A_116 = arith.addi %add3A_115, %iota3A : vector<16xi32>
    %swap3A_117 = arith.constant 20160 : index
    %swap3A_118 = tpu.vector_load %arg8[%swap3A_117] {strides = array<i32>} : memref<20480xi32, #tpu.memory_space<vmem>>, vector<16xi32>,
    %swap3A_119 = vector.shape_cast %swap3A_118 : vector<16xi32> to vector<16xi32>
    %swap3A_120 = vector.shape_cast %add3A_116 : vector<16xi32> to vector<16xi32>
    tpu.vector_store %arg8[%swap3A_117], %swap3A_120 {strides = array<i32>} : memref<20480xi32, #tpu.memory_space<vmem>>, vector<16xi32>,
    %swap3A_121 = arith.constant 20160 : index
    %swap3A_122 = tpu.vector_load %arg9[%swap3A_121] {strides = array<i32>} : memref<20480xi32, #tpu.memory_space<vmem>>, vector<16xi32>,
    %swap3A_123 = vector.shape_cast %swap3A_122 : vector<16xi32> to vector<16xi32>
    %swap3A_124 = vector.shape_cast %add3A_116 : vector<16xi32> to vector<16xi32>
    tpu.vector_store %arg9[%swap3A_121], %swap3A_124 {strides = array<i32>} : memref<20480xi32, #tpu.memory_space<vmem>>, vector<16xi32>,
    %add3A_125 = arith.constant 10176 : i32
    %add3A_126 = vector.broadcast %add3A_125 : i32 to vector<16xi32>
    %add3A_127 = arith.addi %add3A_126, %iota3A : vector<16xi32>
    %swap3A_128 = arith.constant 20176 : index
    %swap3A_129 = tpu.vector_load %arg8[%swap3A_128] {strides = array<i32>} : memref<20480xi32, #tpu.memory_space<vmem>>, vector<16xi32>,
    %swap3A_130 = vector.shape_cast %swap3A_129 : vector<16xi32> to vector<16xi32>
    %swap3A_131 = vector.shape_cast %add3A_127 : vector<16xi32> to vector<16xi32>
    tpu.vector_store %arg8[%swap3A_128], %swap3A_131 {strides = array<i32>} : memref<20480xi32, #tpu.memory_space<vmem>>, vector<16xi32>,
    %swap3A_132 = arith.constant 20176 : index
    %swap3A_133 = tpu.vector_load %arg9[%swap3A_132] {strides = array<i32>} : memref<20480xi32, #tpu.memory_space<vmem>>, vector<16xi32>,
    %swap3A_134 = vector.shape_cast %swap3A_133 : vector<16xi32> to vector<16xi32>
    %swap3A_135 = vector.shape_cast %add3A_127 : vector<16xi32> to vector<16xi32>
    tpu.vector_store %arg9[%swap3A_132], %swap3A_135 {strides = array<i32>} : memref<20480xi32, #tpu.memory_space<vmem>>, vector<16xi32>,
    %add3A_136 = arith.constant 10192 : i32
    %add3A_137 = vector.broadcast %add3A_136 : i32 to vector<16xi32>
    %add3A_138 = arith.addi %add3A_137, %iota3A : vector<16xi32>
    %swap3A_139 = arith.constant 20192 : index
    %swap3A_140 = tpu.vector_load %arg8[%swap3A_139] {strides = array<i32>} : memref<20480xi32, #tpu.memory_space<vmem>>, vector<16xi32>,
    %swap3A_141 = vector.shape_cast %swap3A_140 : vector<16xi32> to vector<16xi32>
    %swap3A_142 = vector.shape_cast %add3A_138 : vector<16xi32> to vector<16xi32>
    tpu.vector_store %arg8[%swap3A_139], %swap3A_142 {strides = array<i32>} : memref<20480xi32, #tpu.memory_space<vmem>>, vector<16xi32>,
    %swap3A_143 = arith.constant 20192 : index
    %swap3A_144 = tpu.vector_load %arg9[%swap3A_143] {strides = array<i32>} : memref<20480xi32, #tpu.memory_space<vmem>>, vector<16xi32>,
    %swap3A_145 = vector.shape_cast %swap3A_144 : vector<16xi32> to vector<16xi32>
    %swap3A_146 = vector.shape_cast %add3A_138 : vector<16xi32> to vector<16xi32>
    tpu.vector_store %arg9[%swap3A_143], %swap3A_146 {strides = array<i32>} : memref<20480xi32, #tpu.memory_space<vmem>>, vector<16xi32>,
    %add3A_147 = arith.constant 10208 : i32
    %add3A_148 = vector.broadcast %add3A_147 : i32 to vector<16xi32>
    %add3A_149 = arith.addi %add3A_148, %iota3A : vector<16xi32>
    %swap3A_150 = arith.constant 20208 : index
    %swap3A_151 = tpu.vector_load %arg8[%swap3A_150] {strides = array<i32>} : memref<20480xi32, #tpu.memory_space<vmem>>, vector<16xi32>,
    %swap3A_152 = vector.shape_cast %swap3A_151 : vector<16xi32> to vector<16xi32>
    %swap3A_153 = vector.shape_cast %add3A_149 : vector<16xi32> to vector<16xi32>
    tpu.vector_store %arg8[%swap3A_150], %swap3A_153 {strides = array<i32>} : memref<20480xi32, #tpu.memory_space<vmem>>, vector<16xi32>,
    %swap3A_154 = arith.constant 20208 : index
    %swap3A_155 = tpu.vector_load %arg9[%swap3A_154] {strides = array<i32>} : memref<20480xi32, #tpu.memory_space<vmem>>, vector<16xi32>,
    %swap3A_156 = vector.shape_cast %swap3A_155 : vector<16xi32> to vector<16xi32>
    %swap3A_157 = vector.shape_cast %add3A_149 : vector<16xi32> to vector<16xi32>
    tpu.vector_store %arg9[%swap3A_154], %swap3A_157 {strides = array<i32>} : memref<20480xi32, #tpu.memory_space<vmem>>, vector<16xi32>,
    %add3A_158 = arith.constant 10224 : i32
    %add3A_159 = vector.broadcast %add3A_158 : i32 to vector<16xi32>
    %add3A_160 = arith.addi %add3A_159, %iota3A : vector<16xi32>
    %swap3A_161 = arith.constant 20224 : index
    %swap3A_162 = tpu.vector_load %arg8[%swap3A_161] {strides = array<i32>} : memref<20480xi32, #tpu.memory_space<vmem>>, vector<16xi32>,
    %swap3A_163 = vector.shape_cast %swap3A_162 : vector<16xi32> to vector<16xi32>
    %swap3A_164 = vector.shape_cast %add3A_160 : vector<16xi32> to vector<16xi32>
    tpu.vector_store %arg8[%swap3A_161], %swap3A_164 {strides = array<i32>} : memref<20480xi32, #tpu.memory_space<vmem>>, vector<16xi32>,
    %swap3A_165 = arith.constant 20224 : index
    %swap3A_166 = tpu.vector_load %arg9[%swap3A_165] {strides = array<i32>} : memref<20480xi32, #tpu.memory_space<vmem>>, vector<16xi32>,
    %swap3A_167 = vector.shape_cast %swap3A_166 : vector<16xi32> to vector<16xi32>
    %swap3A_168 = vector.shape_cast %add3A_160 : vector<16xi32> to vector<16xi32>
    tpu.vector_store %arg9[%swap3A_165], %swap3A_168 {strides = array<i32>} : memref<20480xi32, #tpu.memory_space<vmem>>, vector<16xi32>,
    %add3A_169 = arith.constant 10000 : i32
    %add3A_170 = vector.broadcast %add3A_169 : i32 to vector<16xi32>
    %add3A_171 = arith.addi %add3A_170, %iota3A : vector<16xi32>
    %swap3A_172 = arith.constant 20240 : index
    %swap3A_173 = tpu.vector_load %arg8[%swap3A_172] {strides = array<i32>} : memref<20480xi32, #tpu.memory_space<vmem>>, vector<16xi32>,
    %swap3A_174 = vector.shape_cast %swap3A_173 : vector<16xi32> to vector<16xi32>
    %swap3A_175 = vector.shape_cast %add3A_171 : vector<16xi32> to vector<16xi32>
    tpu.vector_store %arg8[%swap3A_172], %swap3A_175 {strides = array<i32>} : memref<20480xi32, #tpu.memory_space<vmem>>, vector<16xi32>,
    %swap3A_176 = arith.constant 20240 : index
    %swap3A_177 = tpu.vector_load %arg9[%swap3A_176] {strides = array<i32>} : memref<20480xi32, #tpu.memory_space<vmem>>, vector<16xi32>,
    %swap3A_178 = vector.shape_cast %swap3A_177 : vector<16xi32> to vector<16xi32>
    %swap3A_179 = vector.shape_cast %add3A_171 : vector<16xi32> to vector<16xi32>
    tpu.vector_store %arg9[%swap3A_176], %swap3A_179 {strides = array<i32>} : memref<20480xi32, #tpu.memory_space<vmem>>, vector<16xi32>,
    %add3A_180 = arith.constant 10016 : i32
    %add3A_181 = vector.broadcast %add3A_180 : i32 to vector<16xi32>
    %add3A_182 = arith.addi %add3A_181, %iota3A : vector<16xi32>
    %swap3A_183 = arith.constant 20256 : index
    %swap3A_184 = tpu.vector_load %arg8[%swap3A_183] {strides = array<i32>} : memref<20480xi32, #tpu.memory_space<vmem>>, vector<16xi32>,
    %swap3A_185 = vector.shape_cast %swap3A_184 : vector<16xi32> to vector<16xi32>
    %swap3A_186 = vector.shape_cast %add3A_182 : vector<16xi32> to vector<16xi32>
    tpu.vector_store %arg8[%swap3A_183], %swap3A_186 {strides = array<i32>} : memref<20480xi32, #tpu.memory_space<vmem>>, vector<16xi32>,
    %swap3A_187 = arith.constant 20256 : index
    %swap3A_188 = tpu.vector_load %arg9[%swap3A_187] {strides = array<i32>} : memref<20480xi32, #tpu.memory_space<vmem>>, vector<16xi32>,
    %swap3A_189 = vector.shape_cast %swap3A_188 : vector<16xi32> to vector<16xi32>
    %swap3A_190 = vector.shape_cast %add3A_182 : vector<16xi32> to vector<16xi32>
    tpu.vector_store %arg9[%swap3A_187], %swap3A_190 {strides = array<i32>} : memref<20480xi32, #tpu.memory_space<vmem>>, vector<16xi32>,
    %add3A_191 = arith.constant 10032 : i32
    %add3A_192 = vector.broadcast %add3A_191 : i32 to vector<16xi32>
    %add3A_193 = arith.addi %add3A_192, %iota3A : vector<16xi32>
    %swap3A_194 = arith.constant 20272 : index
    %swap3A_195 = tpu.vector_load %arg8[%swap3A_194] {strides = array<i32>} : memref<20480xi32, #tpu.memory_space<vmem>>, vector<16xi32>,
    %swap3A_196 = vector.shape_cast %swap3A_195 : vector<16xi32> to vector<16xi32>
    %swap3A_197 = vector.shape_cast %add3A_193 : vector<16xi32> to vector<16xi32>
    tpu.vector_store %arg8[%swap3A_194], %swap3A_197 {strides = array<i32>} : memref<20480xi32, #tpu.memory_space<vmem>>, vector<16xi32>,
    %swap3A_198 = arith.constant 20272 : index
    %swap3A_199 = tpu.vector_load %arg9[%swap3A_198] {strides = array<i32>} : memref<20480xi32, #tpu.memory_space<vmem>>, vector<16xi32>,
    %swap3A_200 = vector.shape_cast %swap3A_199 : vector<16xi32> to vector<16xi32>
    %swap3A_201 = vector.shape_cast %add3A_193 : vector<16xi32> to vector<16xi32>
    tpu.vector_store %arg9[%swap3A_198], %swap3A_201 {strides = array<i32>} : memref<20480xi32, #tpu.memory_space<vmem>>, vector<16xi32>,
    %add3A_202 = arith.constant 10048 : i32
    %add3A_203 = vector.broadcast %add3A_202 : i32 to vector<16xi32>
    %add3A_204 = arith.addi %add3A_203, %iota3A : vector<16xi32>
    %swap3A_205 = arith.constant 20288 : index
    %swap3A_206 = tpu.vector_load %arg8[%swap3A_205] {strides = array<i32>} : memref<20480xi32, #tpu.memory_space<vmem>>, vector<16xi32>,
    %swap3A_207 = vector.shape_cast %swap3A_206 : vector<16xi32> to vector<16xi32>
    %swap3A_208 = vector.shape_cast %add3A_204 : vector<16xi32> to vector<16xi32>
    tpu.vector_store %arg8[%swap3A_205], %swap3A_208 {strides = array<i32>} : memref<20480xi32, #tpu.memory_space<vmem>>, vector<16xi32>,
    %swap3A_209 = arith.constant 20288 : index
    %swap3A_210 = tpu.vector_load %arg9[%swap3A_209] {strides = array<i32>} : memref<20480xi32, #tpu.memory_space<vmem>>, vector<16xi32>,
    %swap3A_211 = vector.shape_cast %swap3A_210 : vector<16xi32> to vector<16xi32>
    %swap3A_212 = vector.shape_cast %add3A_204 : vector<16xi32> to vector<16xi32>
    tpu.vector_store %arg9[%swap3A_209], %swap3A_212 {strides = array<i32>} : memref<20480xi32, #tpu.memory_space<vmem>>, vector<16xi32>,
    %add3A_213 = arith.constant 10064 : i32
    %add3A_214 = vector.broadcast %add3A_213 : i32 to vector<16xi32>
    %add3A_215 = arith.addi %add3A_214, %iota3A : vector<16xi32>
    %swap3A_216 = arith.constant 20304 : index
    %swap3A_217 = tpu.vector_load %arg8[%swap3A_216] {strides = array<i32>} : memref<20480xi32, #tpu.memory_space<vmem>>, vector<16xi32>,
    %swap3A_218 = vector.shape_cast %swap3A_217 : vector<16xi32> to vector<16xi32>
    %swap3A_219 = vector.shape_cast %add3A_215 : vector<16xi32> to vector<16xi32>
    tpu.vector_store %arg8[%swap3A_216], %swap3A_219 {strides = array<i32>} : memref<20480xi32, #tpu.memory_space<vmem>>, vector<16xi32>,
    %swap3A_220 = arith.constant 20304 : index
    %swap3A_221 = tpu.vector_load %arg9[%swap3A_220] {strides = array<i32>} : memref<20480xi32, #tpu.memory_space<vmem>>, vector<16xi32>,
    %swap3A_222 = vector.shape_cast %swap3A_221 : vector<16xi32> to vector<16xi32>
    %swap3A_223 = vector.shape_cast %add3A_215 : vector<16xi32> to vector<16xi32>
    tpu.vector_store %arg9[%swap3A_220], %swap3A_223 {strides = array<i32>} : memref<20480xi32, #tpu.memory_space<vmem>>, vector<16xi32>,
    %add3A_224 = arith.constant 10080 : i32
    %add3A_225 = vector.broadcast %add3A_224 : i32 to vector<16xi32>
    %add3A_226 = arith.addi %add3A_225, %iota3A : vector<16xi32>
    %swap3A_227 = arith.constant 20320 : index
    %swap3A_228 = tpu.vector_load %arg8[%swap3A_227] {strides = array<i32>} : memref<20480xi32, #tpu.memory_space<vmem>>, vector<16xi32>,
    %swap3A_229 = vector.shape_cast %swap3A_228 : vector<16xi32> to vector<16xi32>
    %swap3A_230 = vector.shape_cast %add3A_226 : vector<16xi32> to vector<16xi32>
    tpu.vector_store %arg8[%swap3A_227], %swap3A_230 {strides = array<i32>} : memref<20480xi32, #tpu.memory_space<vmem>>, vector<16xi32>,
    %swap3A_231 = arith.constant 20320 : index
    %swap3A_232 = tpu.vector_load %arg9[%swap3A_231] {strides = array<i32>} : memref<20480xi32, #tpu.memory_space<vmem>>, vector<16xi32>,
    %swap3A_233 = vector.shape_cast %swap3A_232 : vector<16xi32> to vector<16xi32>
    %swap3A_234 = vector.shape_cast %add3A_226 : vector<16xi32> to vector<16xi32>
    tpu.vector_store %arg9[%swap3A_231], %swap3A_234 {strides = array<i32>} : memref<20480xi32, #tpu.memory_space<vmem>>, vector<16xi32>,
    %add3A_235 = arith.constant 10096 : i32
    %add3A_236 = vector.broadcast %add3A_235 : i32 to vector<16xi32>
    %add3A_237 = arith.addi %add3A_236, %iota3A : vector<16xi32>
    %swap3A_238 = arith.constant 20336 : index
    %swap3A_239 = tpu.vector_load %arg8[%swap3A_238] {strides = array<i32>} : memref<20480xi32, #tpu.memory_space<vmem>>, vector<16xi32>,
    %swap3A_240 = vector.shape_cast %swap3A_239 : vector<16xi32> to vector<16xi32>
    %swap3A_241 = vector.shape_cast %add3A_237 : vector<16xi32> to vector<16xi32>
    tpu.vector_store %arg8[%swap3A_238], %swap3A_241 {strides = array<i32>} : memref<20480xi32, #tpu.memory_space<vmem>>, vector<16xi32>,
    %swap3A_242 = arith.constant 20336 : index
    %swap3A_243 = tpu.vector_load %arg9[%swap3A_242] {strides = array<i32>} : memref<20480xi32, #tpu.memory_space<vmem>>, vector<16xi32>,
    %swap3A_244 = vector.shape_cast %swap3A_243 : vector<16xi32> to vector<16xi32>
    %swap3A_245 = vector.shape_cast %add3A_237 : vector<16xi32> to vector<16xi32>
    tpu.vector_store %arg9[%swap3A_242], %swap3A_245 {strides = array<i32>} : memref<20480xi32, #tpu.memory_space<vmem>>, vector<16xi32>,
    %add3A_246 = arith.constant 10112 : i32
    %add3A_247 = vector.broadcast %add3A_246 : i32 to vector<16xi32>
    %add3A_248 = arith.addi %add3A_247, %iota3A : vector<16xi32>
    %swap3A_249 = arith.constant 20352 : index
    %swap3A_250 = tpu.vector_load %arg8[%swap3A_249] {strides = array<i32>} : memref<20480xi32, #tpu.memory_space<vmem>>, vector<16xi32>,
    %swap3A_251 = vector.shape_cast %swap3A_250 : vector<16xi32> to vector<16xi32>
    %swap3A_252 = vector.shape_cast %add3A_248 : vector<16xi32> to vector<16xi32>
    tpu.vector_store %arg8[%swap3A_249], %swap3A_252 {strides = array<i32>} : memref<20480xi32, #tpu.memory_space<vmem>>, vector<16xi32>,
    %swap3A_253 = arith.constant 20352 : index
    %swap3A_254 = tpu.vector_load %arg9[%swap3A_253] {strides = array<i32>} : memref<20480xi32, #tpu.memory_space<vmem>>, vector<16xi32>,
    %swap3A_255 = vector.shape_cast %swap3A_254 : vector<16xi32> to vector<16xi32>
    %swap3A_256 = vector.shape_cast %add3A_248 : vector<16xi32> to vector<16xi32>
    tpu.vector_store %arg9[%swap3A_253], %swap3A_256 {strides = array<i32>} : memref<20480xi32, #tpu.memory_space<vmem>>, vector<16xi32>,
    %add3A_257 = arith.constant 10128 : i32
    %add3A_258 = vector.broadcast %add3A_257 : i32 to vector<16xi32>
    %add3A_259 = arith.addi %add3A_258, %iota3A : vector<16xi32>
    %swap3A_260 = arith.constant 20368 : index
    %swap3A_261 = tpu.vector_load %arg8[%swap3A_260] {strides = array<i32>} : memref<20480xi32, #tpu.memory_space<vmem>>, vector<16xi32>,
    %swap3A_262 = vector.shape_cast %swap3A_261 : vector<16xi32> to vector<16xi32>
    %swap3A_263 = vector.shape_cast %add3A_259 : vector<16xi32> to vector<16xi32>
    tpu.vector_store %arg8[%swap3A_260], %swap3A_263 {strides = array<i32>} : memref<20480xi32, #tpu.memory_space<vmem>>, vector<16xi32>,
    %swap3A_264 = arith.constant 20368 : index
    %swap3A_265 = tpu.vector_load %arg9[%swap3A_264] {strides = array<i32>} : memref<20480xi32, #tpu.memory_space<vmem>>, vector<16xi32>,
    %swap3A_266 = vector.shape_cast %swap3A_265 : vector<16xi32> to vector<16xi32>
    %swap3A_267 = vector.shape_cast %add3A_259 : vector<16xi32> to vector<16xi32>
    tpu.vector_store %arg9[%swap3A_264], %swap3A_267 {strides = array<i32>} : memref<20480xi32, #tpu.memory_space<vmem>>, vector<16xi32>,
    %add3A_268 = arith.constant 10144 : i32
    %add3A_269 = vector.broadcast %add3A_268 : i32 to vector<16xi32>
    %add3A_270 = arith.addi %add3A_269, %iota3A : vector<16xi32>
    %swap3A_271 = arith.constant 20384 : index
    %swap3A_272 = tpu.vector_load %arg8[%swap3A_271] {strides = array<i32>} : memref<20480xi32, #tpu.memory_space<vmem>>, vector<16xi32>,
    %swap3A_273 = vector.shape_cast %swap3A_272 : vector<16xi32> to vector<16xi32>
    %swap3A_274 = vector.shape_cast %add3A_270 : vector<16xi32> to vector<16xi32>
    tpu.vector_store %arg8[%swap3A_271], %swap3A_274 {strides = array<i32>} : memref<20480xi32, #tpu.memory_space<vmem>>, vector<16xi32>,
    %swap3A_275 = arith.constant 20384 : index
    %swap3A_276 = tpu.vector_load %arg9[%swap3A_275] {strides = array<i32>} : memref<20480xi32, #tpu.memory_space<vmem>>, vector<16xi32>,
    %swap3A_277 = vector.shape_cast %swap3A_276 : vector<16xi32> to vector<16xi32>
    %swap3A_278 = vector.shape_cast %add3A_270 : vector<16xi32> to vector<16xi32>
    tpu.vector_store %arg9[%swap3A_275], %swap3A_278 {strides = array<i32>} : memref<20480xi32, #tpu.memory_space<vmem>>, vector<16xi32>,
    %add3A_279 = arith.constant 10160 : i32
    %add3A_280 = vector.broadcast %add3A_279 : i32 to vector<16xi32>
    %add3A_281 = arith.addi %add3A_280, %iota3A : vector<16xi32>
    %swap3A_282 = arith.constant 20400 : index
    %swap3A_283 = tpu.vector_load %arg8[%swap3A_282] {strides = array<i32>} : memref<20480xi32, #tpu.memory_space<vmem>>, vector<16xi32>,
    %swap3A_284 = vector.shape_cast %swap3A_283 : vector<16xi32> to vector<16xi32>
    %swap3A_285 = vector.shape_cast %add3A_281 : vector<16xi32> to vector<16xi32>
    tpu.vector_store %arg8[%swap3A_282], %swap3A_285 {strides = array<i32>} : memref<20480xi32, #tpu.memory_space<vmem>>, vector<16xi32>,
    %swap3A_286 = arith.constant 20400 : index
    %swap3A_287 = tpu.vector_load %arg9[%swap3A_286] {strides = array<i32>} : memref<20480xi32, #tpu.memory_space<vmem>>, vector<16xi32>,
    %swap3A_288 = vector.shape_cast %swap3A_287 : vector<16xi32> to vector<16xi32>
    %swap3A_289 = vector.shape_cast %add3A_281 : vector<16xi32> to vector<16xi32>
    tpu.vector_store %arg9[%swap3A_286], %swap3A_289 {strides = array<i32>} : memref<20480xi32, #tpu.memory_space<vmem>>, vector<16xi32>,
    %add3A_290 = arith.constant 10176 : i32
    %add3A_291 = vector.broadcast %add3A_290 : i32 to vector<16xi32>
    %add3A_292 = arith.addi %add3A_291, %iota3A : vector<16xi32>
    %swap3A_293 = arith.constant 20416 : index
    %swap3A_294 = tpu.vector_load %arg8[%swap3A_293] {strides = array<i32>} : memref<20480xi32, #tpu.memory_space<vmem>>, vector<16xi32>,
    %swap3A_295 = vector.shape_cast %swap3A_294 : vector<16xi32> to vector<16xi32>
    %swap3A_296 = vector.shape_cast %add3A_292 : vector<16xi32> to vector<16xi32>
    tpu.vector_store %arg8[%swap3A_293], %swap3A_296 {strides = array<i32>} : memref<20480xi32, #tpu.memory_space<vmem>>, vector<16xi32>,
    %swap3A_297 = arith.constant 20416 : index
    %swap3A_298 = tpu.vector_load %arg9[%swap3A_297] {strides = array<i32>} : memref<20480xi32, #tpu.memory_space<vmem>>, vector<16xi32>,
    %swap3A_299 = vector.shape_cast %swap3A_298 : vector<16xi32> to vector<16xi32>
    %swap3A_300 = vector.shape_cast %add3A_292 : vector<16xi32> to vector<16xi32>
    tpu.vector_store %arg9[%swap3A_297], %swap3A_300 {strides = array<i32>} : memref<20480xi32, #tpu.memory_space<vmem>>, vector<16xi32>,
    %add3A_301 = arith.constant 10192 : i32
    %add3A_302 = vector.broadcast %add3A_301 : i32 to vector<16xi32>
    %add3A_303 = arith.addi %add3A_302, %iota3A : vector<16xi32>
    %swap3A_304 = arith.constant 20432 : index
    %swap3A_305 = tpu.vector_load %arg8[%swap3A_304] {strides = array<i32>} : memref<20480xi32, #tpu.memory_space<vmem>>, vector<16xi32>,
    %swap3A_306 = vector.shape_cast %swap3A_305 : vector<16xi32> to vector<16xi32>
    %swap3A_307 = vector.shape_cast %add3A_303 : vector<16xi32> to vector<16xi32>
    tpu.vector_store %arg8[%swap3A_304], %swap3A_307 {strides = array<i32>} : memref<20480xi32, #tpu.memory_space<vmem>>, vector<16xi32>,
    %swap3A_308 = arith.constant 20432 : index
    %swap3A_309 = tpu.vector_load %arg9[%swap3A_308] {strides = array<i32>} : memref<20480xi32, #tpu.memory_space<vmem>>, vector<16xi32>,
    %swap3A_310 = vector.shape_cast %swap3A_309 : vector<16xi32> to vector<16xi32>
    %swap3A_311 = vector.shape_cast %add3A_303 : vector<16xi32> to vector<16xi32>
    tpu.vector_store %arg9[%swap3A_308], %swap3A_311 {strides = array<i32>} : memref<20480xi32, #tpu.memory_space<vmem>>, vector<16xi32>,
    %add3A_312 = arith.constant 10208 : i32
    %add3A_313 = vector.broadcast %add3A_312 : i32 to vector<16xi32>
    %add3A_314 = arith.addi %add3A_313, %iota3A : vector<16xi32>
    %swap3A_315 = arith.constant 20448 : index
    %swap3A_316 = tpu.vector_load %arg8[%swap3A_315] {strides = array<i32>} : memref<20480xi32, #tpu.memory_space<vmem>>, vector<16xi32>,
    %swap3A_317 = vector.shape_cast %swap3A_316 : vector<16xi32> to vector<16xi32>
    %swap3A_318 = vector.shape_cast %add3A_314 : vector<16xi32> to vector<16xi32>
    tpu.vector_store %arg8[%swap3A_315], %swap3A_318 {strides = array<i32>} : memref<20480xi32, #tpu.memory_space<vmem>>, vector<16xi32>,
    %swap3A_319 = arith.constant 20448 : index
    %swap3A_320 = tpu.vector_load %arg9[%swap3A_319] {strides = array<i32>} : memref<20480xi32, #tpu.memory_space<vmem>>, vector<16xi32>,
    %swap3A_321 = vector.shape_cast %swap3A_320 : vector<16xi32> to vector<16xi32>
    %swap3A_322 = vector.shape_cast %add3A_314 : vector<16xi32> to vector<16xi32>
    tpu.vector_store %arg9[%swap3A_319], %swap3A_322 {strides = array<i32>} : memref<20480xi32, #tpu.memory_space<vmem>>, vector<16xi32>,
    %add3A_323 = arith.constant 10224 : i32
    %add3A_324 = vector.broadcast %add3A_323 : i32 to vector<16xi32>
    %add3A_325 = arith.addi %add3A_324, %iota3A : vector<16xi32>
    %swap3A_326 = arith.constant 20464 : index
    %swap3A_327 = tpu.vector_load %arg8[%swap3A_326] {strides = array<i32>} : memref<20480xi32, #tpu.memory_space<vmem>>, vector<16xi32>,
    %swap3A_328 = vector.shape_cast %swap3A_327 : vector<16xi32> to vector<16xi32>
    %swap3A_329 = vector.shape_cast %add3A_325 : vector<16xi32> to vector<16xi32>
    tpu.vector_store %arg8[%swap3A_326], %swap3A_329 {strides = array<i32>} : memref<20480xi32, #tpu.memory_space<vmem>>, vector<16xi32>,
    %swap3A_330 = arith.constant 20464 : index
    %swap3A_331 = tpu.vector_load %arg9[%swap3A_330] {strides = array<i32>} : memref<20480xi32, #tpu.memory_space<vmem>>, vector<16xi32>,
    %swap3A_332 = vector.shape_cast %swap3A_331 : vector<16xi32> to vector<16xi32>
    %swap3A_333 = vector.shape_cast %add3A_325 : vector<16xi32> to vector<16xi32>
    tpu.vector_store %arg9[%swap3A_330], %swap3A_333 {strides = array<i32>} : memref<20480xi32, #tpu.memory_space<vmem>>, vector<16xi32>,
    %scan3A = arith.constant 0 : i32
    %scan3A_334 = arith.constant 0 : i32
    %scan3A_335 = arith.constant 640 : i32
    %scan3A_336 = arith.addi %scan3A_334, %scan3A_335 : i32
    %scan3A_337 = arith.constant 1 : i32
    scf.for %scan3A_798 = %scan3A_334 to %scan3A_336 step %scan3A_337  : i32 {
      %broadcast_in_dim3A = arith.constant 0.000000e+00 : f32
      %broadcast_in_dim3A_799 = vector.broadcast %broadcast_in_dim3A : f32 to vector<16xf32>
      %swap3A_800 = arith.index_cast %scan3A_798 : i32 to index
      %swap3A_801 = arith.constant 0 : index
      %swap3A_802 = tpu.vector_load %arg11[%swap3A_800, %swap3A_801] {strides = array<i32>} : memref<640x16xf32, #tpu.memory_space<vmem>>, vector<1x16xf32>,
      %swap3A_803 = vector.shape_cast %swap3A_802 : vector<1x16xf32> to vector<16xf32>
      %swap3A_804 = vector.shape_cast %broadcast_in_dim3A_799 : vector<16xf32> to vector<1x16xf32>
      tpu.vector_store %arg11[%swap3A_800, %swap3A_801], %swap3A_804 {strides = array<i32>} : memref<640x16xf32, #tpu.memory_space<vmem>>, vector<1x16xf32>,
    }
    %scan3A_338 = arith.constant 640 : i32
    %run_scoped3A = arith.constant 0 : i32
    "tpu.region"() ({
      %run_scoped3A_798 = tpu.sem_alloc : memref<!tpu.dma_semaphore, #tpu.memory_space<semaphore_mem>>
      %dma_start3A_799 = tpu.memref_slice %arg6[%run_scoped3A, %mul3A_0] : memref<2x10240xf32, #tpu.memory_space<hbm>> -> memref<1x640xf32, #tpu.memory_space<hbm>>
      %dma_start3A_800 = tpu.memref_squeeze %dma_start3A_799 : memref<1x640xf32, #tpu.memory_space<hbm>> -> memref<640xf32, #tpu.memory_space<hbm>>
      %dma_start3A_801 = tpu.memref_slice %arg6[%run_scoped3A, %mul3A_0] : memref<2x10240xf32, #tpu.memory_space<hbm>> -> memref<1x640xf32, #tpu.memory_space<hbm>>
      %dma_start3A_802 = tpu.memref_squeeze %dma_start3A_801 : memref<1x640xf32, #tpu.memory_space<hbm>> -> memref<640xf32, #tpu.memory_space<hbm>>
      tpu.enqueue_dma source(%dma_start3A_802 : memref<640xf32, #tpu.memory_space<hbm>>) target(%arg15 : memref<640xf32, #tpu.memory_space<vmem>>) target_semaphore(%run_scoped3A_798 : memref<!tpu.dma_semaphore, #tpu.memory_space<semaphore_mem>>)
      %dma_wait3A_803 = tpu.memref_slice %arg6[%run_scoped3A, %mul3A_0] : memref<2x10240xf32, #tpu.memory_space<hbm>> -> memref<1x640xf32, #tpu.memory_space<hbm>>
      %dma_wait3A_804 = tpu.memref_squeeze %dma_wait3A_803 : memref<1x640xf32, #tpu.memory_space<hbm>> -> memref<640xf32, #tpu.memory_space<hbm>>
      %dma_wait3A_805 = tpu.memref_slice %arg6[%run_scoped3A, %mul3A_0] : memref<2x10240xf32, #tpu.memory_space<hbm>> -> memref<1x640xf32, #tpu.memory_space<hbm>>
      %dma_wait3A_806 = tpu.memref_squeeze %dma_wait3A_805 : memref<1x640xf32, #tpu.memory_space<hbm>> -> memref<640xf32, #tpu.memory_space<hbm>>
      tpu.wait_dma2 semaphore(%run_scoped3A_798 : memref<!tpu.dma_semaphore, #tpu.memory_space<semaphore_mem>>) src(%dma_wait3A_806 : memref<640xf32, #tpu.memory_space<hbm>>) dst(%arg15 : memref<640xf32, #tpu.memory_space<vmem>>)
      tpu.yield
    }) : () -> ()
    %scan3A_339 = arith.constant 0 : i32
    %scan3A_340 = arith.constant 0 : i32
    %scan3A_341 = arith.constant 40 : i32
    %scan3A_342 = arith.addi %scan3A_340, %scan3A_341 : i32
    %scan3A_343 = arith.constant 1 : i32
    scf.for %scan3A_798 = %scan3A_340 to %scan3A_342 step %scan3A_343  : i32 {
      %mul3A_799 = arith.constant 16 : i32
      %mul3A_800 = arith.muli %scan3A_798, %mul3A_799 : i32
      %get3A_801 = arith.index_cast %mul3A_800 : i32 to index
      %get3A_802 = tpu.vector_load %arg15[%get3A_801] {strides = array<i32>} : memref<640xf32, #tpu.memory_space<vmem>>, vector<16xf32>,
      %get3A_803 = vector.shape_cast %get3A_802 : vector<16xf32> to vector<16xf32>
      %max3A = arith.constant 1.000000e+00 : f32
      %max3A_804 = vector.broadcast %max3A : f32 to vector<16xf32>
      %max3A_805 = arith.maximumf %get3A_803, %max3A_804 : vector<16xf32>
      %bitcast_convert_type3A = tpu.bitcast %max3A_805 : vector<16xf32> -> vector<16xi32>
      %shift_right_logical3A = arith.constant 1 : i32
      %shift_right_logical3A_806 = vector.broadcast %shift_right_logical3A : i32 to vector<16xi32>
      %shift_right_logical3A_807 = arith.shrui %bitcast_convert_type3A, %shift_right_logical3A_806 : vector<16xi32>
      %sub3A = arith.constant 1597463007 : i32
      %sub3A_808 = vector.broadcast %sub3A : i32 to vector<16xi32>
      %sub3A_809 = arith.subi %sub3A_808, %shift_right_logical3A_807 : vector<16xi32>
      %bitcast_convert_type3A_810 = tpu.bitcast %sub3A_809 : vector<16xi32> -> vector<16xf32>
      %mul3A_811 = arith.constant 5.000000e-01 : f32
      %mul3A_812 = vector.broadcast %mul3A_811 : f32 to vector<16xf32>
      %mul3A_813 = arith.mulf %mul3A_812, %max3A_805 : vector<16xf32>
      %mul3A_814 = arith.mulf %mul3A_813, %bitcast_convert_type3A_810 : vector<16xf32>
      %mul3A_815 = arith.mulf %mul3A_814, %bitcast_convert_type3A_810 : vector<16xf32>
      %sub3A_816 = arith.constant 1.500000e+00 : f32
      %sub3A_817 = vector.broadcast %sub3A_816 : f32 to vector<16xf32>
      %sub3A_818 = arith.subf %sub3A_817, %mul3A_815 : vector<16xf32>
      %mul3A_819 = arith.mulf %bitcast_convert_type3A_810, %sub3A_818 : vector<16xf32>
      %mul3A_820 = arith.constant 5.000000e-01 : f32
      %mul3A_821 = vector.broadcast %mul3A_820 : f32 to vector<16xf32>
      %mul3A_822 = arith.mulf %mul3A_821, %max3A_805 : vector<16xf32>
      %mul3A_823 = arith.mulf %mul3A_822, %mul3A_819 : vector<16xf32>
      %mul3A_824 = arith.mulf %mul3A_823, %mul3A_819 : vector<16xf32>
      %sub3A_825 = arith.constant 1.500000e+00 : f32
      %sub3A_826 = vector.broadcast %sub3A_825 : f32 to vector<16xf32>
      %sub3A_827 = arith.subf %sub3A_826, %mul3A_824 : vector<16xf32>
      %mul3A_828 = arith.mulf %mul3A_819, %sub3A_827 : vector<16xf32>
      %mul3A_829 = arith.constant 5.000000e-01 : f32
      %mul3A_830 = vector.broadcast %mul3A_829 : f32 to vector<16xf32>
      %mul3A_831 = arith.mulf %mul3A_830, %max3A_805 : vector<16xf32>
      %mul3A_832 = arith.mulf %mul3A_831, %mul3A_828 : vector<16xf32>
      %mul3A_833 = arith.mulf %mul3A_832, %mul3A_828 : vector<16xf32>
      %sub3A_834 = arith.constant 1.500000e+00 : f32
      %sub3A_835 = vector.broadcast %sub3A_834 : f32 to vector<16xf32>
      %sub3A_836 = arith.subf %sub3A_835, %mul3A_833 : vector<16xf32>
      %mul3A_837 = arith.mulf %mul3A_828, %sub3A_836 : vector<16xf32>
      %mul3A_838 = arith.constant 16 : i32
      %mul3A_839 = arith.muli %scan3A_798, %mul3A_838 : i32
      %swap3A_840 = arith.index_cast %mul3A_839 : i32 to index
      %swap3A_841 = tpu.vector_load %arg13[%swap3A_840] {strides = array<i32>} : memref<640xf32, #tpu.memory_space<vmem>>, vector<16xf32>,
      %swap3A_842 = vector.shape_cast %swap3A_841 : vector<16xf32> to vector<16xf32>
      %swap3A_843 = vector.shape_cast %mul3A_837 : vector<16xf32> to vector<16xf32>
      tpu.vector_store %arg13[%swap3A_840], %swap3A_843 {strides = array<i32>} : memref<640xf32, #tpu.memory_space<vmem>>, vector<16xf32>,
    }
    %scan3A_344 = arith.constant 40 : i32
    %run_scoped3A_345 = arith.constant 1 : i32
    "tpu.region"() ({
      %run_scoped3A_798 = tpu.sem_alloc : memref<!tpu.dma_semaphore, #tpu.memory_space<semaphore_mem>>
      %dma_start3A_799 = tpu.memref_slice %arg6[%run_scoped3A_345, %mul3A_0] : memref<2x10240xf32, #tpu.memory_space<hbm>> -> memref<1x640xf32, #tpu.memory_space<hbm>>
      %dma_start3A_800 = tpu.memref_squeeze %dma_start3A_799 : memref<1x640xf32, #tpu.memory_space<hbm>> -> memref<640xf32, #tpu.memory_space<hbm>>
      %dma_start3A_801 = tpu.memref_slice %arg6[%run_scoped3A_345, %mul3A_0] : memref<2x10240xf32, #tpu.memory_space<hbm>> -> memref<1x640xf32, #tpu.memory_space<hbm>>
      %dma_start3A_802 = tpu.memref_squeeze %dma_start3A_801 : memref<1x640xf32, #tpu.memory_space<hbm>> -> memref<640xf32, #tpu.memory_space<hbm>>
      tpu.enqueue_dma source(%dma_start3A_802 : memref<640xf32, #tpu.memory_space<hbm>>) target(%arg15 : memref<640xf32, #tpu.memory_space<vmem>>) target_semaphore(%run_scoped3A_798 : memref<!tpu.dma_semaphore, #tpu.memory_space<semaphore_mem>>)
      %dma_wait3A_803 = tpu.memref_slice %arg6[%run_scoped3A_345, %mul3A_0] : memref<2x10240xf32, #tpu.memory_space<hbm>> -> memref<1x640xf32, #tpu.memory_space<hbm>>
      %dma_wait3A_804 = tpu.memref_squeeze %dma_wait3A_803 : memref<1x640xf32, #tpu.memory_space<hbm>> -> memref<640xf32, #tpu.memory_space<hbm>>
      %dma_wait3A_805 = tpu.memref_slice %arg6[%run_scoped3A_345, %mul3A_0] : memref<2x10240xf32, #tpu.memory_space<hbm>> -> memref<1x640xf32, #tpu.memory_space<hbm>>
      %dma_wait3A_806 = tpu.memref_squeeze %dma_wait3A_805 : memref<1x640xf32, #tpu.memory_space<hbm>> -> memref<640xf32, #tpu.memory_space<hbm>>
      tpu.wait_dma2 semaphore(%run_scoped3A_798 : memref<!tpu.dma_semaphore, #tpu.memory_space<semaphore_mem>>) src(%dma_wait3A_806 : memref<640xf32, #tpu.memory_space<hbm>>) dst(%arg15 : memref<640xf32, #tpu.memory_space<vmem>>)
      tpu.yield
    }) : () -> ()
    %scan3A_346 = arith.constant 0 : i32
    %scan3A_347 = arith.constant 0 : i32
    %scan3A_348 = arith.constant 40 : i32
    %scan3A_349 = arith.addi %scan3A_347, %scan3A_348 : i32
    %scan3A_350 = arith.constant 1 : i32
    scf.for %scan3A_798 = %scan3A_347 to %scan3A_349 step %scan3A_350  : i32 {
      %mul3A_799 = arith.constant 16 : i32
      %mul3A_800 = arith.muli %scan3A_798, %mul3A_799 : i32
      %get3A_801 = arith.index_cast %mul3A_800 : i32 to index
      %get3A_802 = tpu.vector_load %arg15[%get3A_801] {strides = array<i32>} : memref<640xf32, #tpu.memory_space<vmem>>, vector<16xf32>,
      %get3A_803 = vector.shape_cast %get3A_802 : vector<16xf32> to vector<16xf32>
      %max3A = arith.constant 1.000000e+00 : f32
      %max3A_804 = vector.broadcast %max3A : f32 to vector<16xf32>
      %max3A_805 = arith.maximumf %get3A_803, %max3A_804 : vector<16xf32>
      %bitcast_convert_type3A = tpu.bitcast %max3A_805 : vector<16xf32> -> vector<16xi32>
      %shift_right_logical3A = arith.constant 1 : i32
      %shift_right_logical3A_806 = vector.broadcast %shift_right_logical3A : i32 to vector<16xi32>
      %shift_right_logical3A_807 = arith.shrui %bitcast_convert_type3A, %shift_right_logical3A_806 : vector<16xi32>
      %sub3A = arith.constant 1597463007 : i32
      %sub3A_808 = vector.broadcast %sub3A : i32 to vector<16xi32>
      %sub3A_809 = arith.subi %sub3A_808, %shift_right_logical3A_807 : vector<16xi32>
      %bitcast_convert_type3A_810 = tpu.bitcast %sub3A_809 : vector<16xi32> -> vector<16xf32>
      %mul3A_811 = arith.constant 5.000000e-01 : f32
      %mul3A_812 = vector.broadcast %mul3A_811 : f32 to vector<16xf32>
      %mul3A_813 = arith.mulf %mul3A_812, %max3A_805 : vector<16xf32>
      %mul3A_814 = arith.mulf %mul3A_813, %bitcast_convert_type3A_810 : vector<16xf32>
      %mul3A_815 = arith.mulf %mul3A_814, %bitcast_convert_type3A_810 : vector<16xf32>
      %sub3A_816 = arith.constant 1.500000e+00 : f32
      %sub3A_817 = vector.broadcast %sub3A_816 : f32 to vector<16xf32>
      %sub3A_818 = arith.subf %sub3A_817, %mul3A_815 : vector<16xf32>
      %mul3A_819 = arith.mulf %bitcast_convert_type3A_810, %sub3A_818 : vector<16xf32>
      %mul3A_820 = arith.constant 5.000000e-01 : f32
      %mul3A_821 = vector.broadcast %mul3A_820 : f32 to vector<16xf32>
      %mul3A_822 = arith.mulf %mul3A_821, %max3A_805 : vector<16xf32>
      %mul3A_823 = arith.mulf %mul3A_822, %mul3A_819 : vector<16xf32>
      %mul3A_824 = arith.mulf %mul3A_823, %mul3A_819 : vector<16xf32>
      %sub3A_825 = arith.constant 1.500000e+00 : f32
      %sub3A_826 = vector.broadcast %sub3A_825 : f32 to vector<16xf32>
      %sub3A_827 = arith.subf %sub3A_826, %mul3A_824 : vector<16xf32>
      %mul3A_828 = arith.mulf %mul3A_819, %sub3A_827 : vector<16xf32>
      %mul3A_829 = arith.constant 5.000000e-01 : f32
      %mul3A_830 = vector.broadcast %mul3A_829 : f32 to vector<16xf32>
      %mul3A_831 = arith.mulf %mul3A_830, %max3A_805 : vector<16xf32>
      %mul3A_832 = arith.mulf %mul3A_831, %mul3A_828 : vector<16xf32>
      %mul3A_833 = arith.mulf %mul3A_832, %mul3A_828 : vector<16xf32>
      %sub3A_834 = arith.constant 1.500000e+00 : f32
      %sub3A_835 = vector.broadcast %sub3A_834 : f32 to vector<16xf32>
      %sub3A_836 = arith.subf %sub3A_835, %mul3A_833 : vector<16xf32>
      %mul3A_837 = arith.mulf %mul3A_828, %sub3A_836 : vector<16xf32>
      %mul3A_838 = arith.constant 16 : i32
      %mul3A_839 = arith.muli %scan3A_798, %mul3A_838 : i32
      %swap3A_840 = arith.index_cast %mul3A_839 : i32 to index
      %swap3A_841 = tpu.vector_load %arg14[%swap3A_840] {strides = array<i32>} : memref<640xf32, #tpu.memory_space<vmem>>, vector<16xf32>,
      %swap3A_842 = vector.shape_cast %swap3A_841 : vector<16xf32> to vector<16xf32>
      %swap3A_843 = vector.shape_cast %mul3A_837 : vector<16xf32> to vector<16xf32>
      tpu.vector_store %arg14[%swap3A_840], %swap3A_843 {strides = array<i32>} : memref<640xf32, #tpu.memory_space<vmem>>, vector<16xf32>,
    }
    %scan3A_351 = arith.constant 40 : i32
    %scan3A_352 = arith.constant 0 : i32
    %scan3A_353 = arith.constant 0 : i32
    %scan3A_354 = arith.constant 40 : i32
    %scan3A_355 = arith.addi %scan3A_353, %scan3A_354 : i32
    %scan3A_356 = arith.constant 1 : i32
    scf.for %scan3A_798 = %scan3A_353 to %scan3A_355 step %scan3A_356  : i32 {
      %mul3A_799 = arith.constant 16 : i32
      %mul3A_800 = arith.muli %scan3A_798, %mul3A_799 : i32
      %get3A_801 = arith.index_cast %mul3A_800 : i32 to index
      %get3A_802 = tpu.vector_load %arg13[%get3A_801] {strides = array<i32>} : memref<640xf32, #tpu.memory_space<vmem>>, vector<16xf32>,
      %get3A_803 = vector.shape_cast %get3A_802 : vector<16xf32> to vector<16xf32>
      %mul3A_804 = arith.constant 16 : i32
      %mul3A_805 = arith.muli %scan3A_798, %mul3A_804 : i32
      %add3A_806 = arith.constant 0 : i32
      %add3A_807 = arith.addi %mul3A_805, %add3A_806 : i32
      %get3A_808 = arith.index_cast %add3A_807 : i32 to index
      %get3A_809 = arith.constant 0 : index
      %get3A_810 = tpu.vector_load %arg10[%get3A_808, %get3A_809] {strides = array<i32>} : memref<640x16xf32, #tpu.memory_space<vmem>>, vector<1x16xf32>,
      %get3A_811 = vector.shape_cast %get3A_810 : vector<1x16xf32> to vector<16xf32>
      %slice3A = vector.extract_strided_slice %get3A_803 {offsets = [0], sizes = [1], strides = [1]} : vector<16xf32> to vector<1xf32>
      %squeeze3A = vector.extract %slice3A[0] : f32 from vector<1xf32>
      %mul3A_812 = vector.broadcast %squeeze3A : f32 to vector<16xf32>
      %mul3A_813 = arith.mulf %get3A_811, %mul3A_812 : vector<16xf32>
      %swap3A_814 = arith.index_cast %add3A_807 : i32 to index
      %swap3A_815 = arith.constant 0 : index
      %swap3A_816 = tpu.vector_load %arg10[%swap3A_814, %swap3A_815] {strides = array<i32>} : memref<640x16xf32, #tpu.memory_space<vmem>>, vector<1x16xf32>,
      %swap3A_817 = vector.shape_cast %swap3A_816 : vector<1x16xf32> to vector<16xf32>
      %swap3A_818 = vector.shape_cast %mul3A_813 : vector<16xf32> to vector<1x16xf32>
      tpu.vector_store %arg10[%swap3A_814, %swap3A_815], %swap3A_818 {strides = array<i32>} : memref<640x16xf32, #tpu.memory_space<vmem>>, vector<1x16xf32>,
      %mul3A_819 = arith.constant 16 : i32
      %mul3A_820 = arith.muli %scan3A_798, %mul3A_819 : i32
      %add3A_821 = arith.constant 1 : i32
      %add3A_822 = arith.addi %mul3A_820, %add3A_821 : i32
      %get3A_823 = arith.index_cast %add3A_822 : i32 to index
      %get3A_824 = arith.constant 0 : index
      %get3A_825 = tpu.vector_load %arg10[%get3A_823, %get3A_824] {strides = array<i32>} : memref<640x16xf32, #tpu.memory_space<vmem>>, vector<1x16xf32>,
      %get3A_826 = vector.shape_cast %get3A_825 : vector<1x16xf32> to vector<16xf32>
      %slice3A_827 = vector.extract_strided_slice %get3A_803 {offsets = [1], sizes = [1], strides = [1]} : vector<16xf32> to vector<1xf32>
      %squeeze3A_828 = vector.extract %slice3A_827[0] : f32 from vector<1xf32>
      %mul3A_829 = vector.broadcast %squeeze3A_828 : f32 to vector<16xf32>
      %mul3A_830 = arith.mulf %get3A_826, %mul3A_829 : vector<16xf32>
      %swap3A_831 = arith.index_cast %add3A_822 : i32 to index
      %swap3A_832 = arith.constant 0 : index
      %swap3A_833 = tpu.vector_load %arg10[%swap3A_831, %swap3A_832] {strides = array<i32>} : memref<640x16xf32, #tpu.memory_space<vmem>>, vector<1x16xf32>,
      %swap3A_834 = vector.shape_cast %swap3A_833 : vector<1x16xf32> to vector<16xf32>
      %swap3A_835 = vector.shape_cast %mul3A_830 : vector<16xf32> to vector<1x16xf32>
      tpu.vector_store %arg10[%swap3A_831, %swap3A_832], %swap3A_835 {strides = array<i32>} : memref<640x16xf32, #tpu.memory_space<vmem>>, vector<1x16xf32>,
      %mul3A_836 = arith.constant 16 : i32
      %mul3A_837 = arith.muli %scan3A_798, %mul3A_836 : i32
      %add3A_838 = arith.constant 2 : i32
      %add3A_839 = arith.addi %mul3A_837, %add3A_838 : i32
      %get3A_840 = arith.index_cast %add3A_839 : i32 to index
      %get3A_841 = arith.constant 0 : index
      %get3A_842 = tpu.vector_load %arg10[%get3A_840, %get3A_841] {strides = array<i32>} : memref<640x16xf32, #tpu.memory_space<vmem>>, vector<1x16xf32>,
      %get3A_843 = vector.shape_cast %get3A_842 : vector<1x16xf32> to vector<16xf32>
      %slice3A_844 = vector.extract_strided_slice %get3A_803 {offsets = [2], sizes = [1], strides = [1]} : vector<16xf32> to vector<1xf32>
      %squeeze3A_845 = vector.extract %slice3A_844[0] : f32 from vector<1xf32>
      %mul3A_846 = vector.broadcast %squeeze3A_845 : f32 to vector<16xf32>
      %mul3A_847 = arith.mulf %get3A_843, %mul3A_846 : vector<16xf32>
      %swap3A_848 = arith.index_cast %add3A_839 : i32 to index
      %swap3A_849 = arith.constant 0 : index
      %swap3A_850 = tpu.vector_load %arg10[%swap3A_848, %swap3A_849] {strides = array<i32>} : memref<640x16xf32, #tpu.memory_space<vmem>>, vector<1x16xf32>,
      %swap3A_851 = vector.shape_cast %swap3A_850 : vector<1x16xf32> to vector<16xf32>
      %swap3A_852 = vector.shape_cast %mul3A_847 : vector<16xf32> to vector<1x16xf32>
      tpu.vector_store %arg10[%swap3A_848, %swap3A_849], %swap3A_852 {strides = array<i32>} : memref<640x16xf32, #tpu.memory_space<vmem>>, vector<1x16xf32>,
      %mul3A_853 = arith.constant 16 : i32
      %mul3A_854 = arith.muli %scan3A_798, %mul3A_853 : i32
      %add3A_855 = arith.constant 3 : i32
      %add3A_856 = arith.addi %mul3A_854, %add3A_855 : i32
      %get3A_857 = arith.index_cast %add3A_856 : i32 to index
      %get3A_858 = arith.constant 0 : index
      %get3A_859 = tpu.vector_load %arg10[%get3A_857, %get3A_858] {strides = array<i32>} : memref<640x16xf32, #tpu.memory_space<vmem>>, vector<1x16xf32>,
      %get3A_860 = vector.shape_cast %get3A_859 : vector<1x16xf32> to vector<16xf32>
      %slice3A_861 = vector.extract_strided_slice %get3A_803 {offsets = [3], sizes = [1], strides = [1]} : vector<16xf32> to vector<1xf32>
      %squeeze3A_862 = vector.extract %slice3A_861[0] : f32 from vector<1xf32>
      %mul3A_863 = vector.broadcast %squeeze3A_862 : f32 to vector<16xf32>
      %mul3A_864 = arith.mulf %get3A_860, %mul3A_863 : vector<16xf32>
      %swap3A_865 = arith.index_cast %add3A_856 : i32 to index
      %swap3A_866 = arith.constant 0 : index
      %swap3A_867 = tpu.vector_load %arg10[%swap3A_865, %swap3A_866] {strides = array<i32>} : memref<640x16xf32, #tpu.memory_space<vmem>>, vector<1x16xf32>,
      %swap3A_868 = vector.shape_cast %swap3A_867 : vector<1x16xf32> to vector<16xf32>
      %swap3A_869 = vector.shape_cast %mul3A_864 : vector<16xf32> to vector<1x16xf32>
      tpu.vector_store %arg10[%swap3A_865, %swap3A_866], %swap3A_869 {strides = array<i32>} : memref<640x16xf32, #tpu.memory_space<vmem>>, vector<1x16xf32>,
      %mul3A_870 = arith.constant 16 : i32
      %mul3A_871 = arith.muli %scan3A_798, %mul3A_870 : i32
      %add3A_872 = arith.constant 4 : i32
      %add3A_873 = arith.addi %mul3A_871, %add3A_872 : i32
      %get3A_874 = arith.index_cast %add3A_873 : i32 to index
      %get3A_875 = arith.constant 0 : index
      %get3A_876 = tpu.vector_load %arg10[%get3A_874, %get3A_875] {strides = array<i32>} : memref<640x16xf32, #tpu.memory_space<vmem>>, vector<1x16xf32>,
      %get3A_877 = vector.shape_cast %get3A_876 : vector<1x16xf32> to vector<16xf32>
      %slice3A_878 = vector.extract_strided_slice %get3A_803 {offsets = [4], sizes = [1], strides = [1]} : vector<16xf32> to vector<1xf32>
      %squeeze3A_879 = vector.extract %slice3A_878[0] : f32 from vector<1xf32>
      %mul3A_880 = vector.broadcast %squeeze3A_879 : f32 to vector<16xf32>
      %mul3A_881 = arith.mulf %get3A_877, %mul3A_880 : vector<16xf32>
      %swap3A_882 = arith.index_cast %add3A_873 : i32 to index
      %swap3A_883 = arith.constant 0 : index
      %swap3A_884 = tpu.vector_load %arg10[%swap3A_882, %swap3A_883] {strides = array<i32>} : memref<640x16xf32, #tpu.memory_space<vmem>>, vector<1x16xf32>,
      %swap3A_885 = vector.shape_cast %swap3A_884 : vector<1x16xf32> to vector<16xf32>
      %swap3A_886 = vector.shape_cast %mul3A_881 : vector<16xf32> to vector<1x16xf32>
      tpu.vector_store %arg10[%swap3A_882, %swap3A_883], %swap3A_886 {strides = array<i32>} : memref<640x16xf32, #tpu.memory_space<vmem>>, vector<1x16xf32>,
      %mul3A_887 = arith.constant 16 : i32
      %mul3A_888 = arith.muli %scan3A_798, %mul3A_887 : i32
      %add3A_889 = arith.constant 5 : i32
      %add3A_890 = arith.addi %mul3A_888, %add3A_889 : i32
      %get3A_891 = arith.index_cast %add3A_890 : i32 to index
      %get3A_892 = arith.constant 0 : index
      %get3A_893 = tpu.vector_load %arg10[%get3A_891, %get3A_892] {strides = array<i32>} : memref<640x16xf32, #tpu.memory_space<vmem>>, vector<1x16xf32>,
      %get3A_894 = vector.shape_cast %get3A_893 : vector<1x16xf32> to vector<16xf32>
      %slice3A_895 = vector.extract_strided_slice %get3A_803 {offsets = [5], sizes = [1], strides = [1]} : vector<16xf32> to vector<1xf32>
      %squeeze3A_896 = vector.extract %slice3A_895[0] : f32 from vector<1xf32>
      %mul3A_897 = vector.broadcast %squeeze3A_896 : f32 to vector<16xf32>
      %mul3A_898 = arith.mulf %get3A_894, %mul3A_897 : vector<16xf32>
      %swap3A_899 = arith.index_cast %add3A_890 : i32 to index
      %swap3A_900 = arith.constant 0 : index
      %swap3A_901 = tpu.vector_load %arg10[%swap3A_899, %swap3A_900] {strides = array<i32>} : memref<640x16xf32, #tpu.memory_space<vmem>>, vector<1x16xf32>,
      %swap3A_902 = vector.shape_cast %swap3A_901 : vector<1x16xf32> to vector<16xf32>
      %swap3A_903 = vector.shape_cast %mul3A_898 : vector<16xf32> to vector<1x16xf32>
      tpu.vector_store %arg10[%swap3A_899, %swap3A_900], %swap3A_903 {strides = array<i32>} : memref<640x16xf32, #tpu.memory_space<vmem>>, vector<1x16xf32>,
      %mul3A_904 = arith.constant 16 : i32
      %mul3A_905 = arith.muli %scan3A_798, %mul3A_904 : i32
      %add3A_906 = arith.constant 6 : i32
      %add3A_907 = arith.addi %mul3A_905, %add3A_906 : i32
      %get3A_908 = arith.index_cast %add3A_907 : i32 to index
      %get3A_909 = arith.constant 0 : index
      %get3A_910 = tpu.vector_load %arg10[%get3A_908, %get3A_909] {strides = array<i32>} : memref<640x16xf32, #tpu.memory_space<vmem>>, vector<1x16xf32>,
      %get3A_911 = vector.shape_cast %get3A_910 : vector<1x16xf32> to vector<16xf32>
      %slice3A_912 = vector.extract_strided_slice %get3A_803 {offsets = [6], sizes = [1], strides = [1]} : vector<16xf32> to vector<1xf32>
      %squeeze3A_913 = vector.extract %slice3A_912[0] : f32 from vector<1xf32>
      %mul3A_914 = vector.broadcast %squeeze3A_913 : f32 to vector<16xf32>
      %mul3A_915 = arith.mulf %get3A_911, %mul3A_914 : vector<16xf32>
      %swap3A_916 = arith.index_cast %add3A_907 : i32 to index
      %swap3A_917 = arith.constant 0 : index
      %swap3A_918 = tpu.vector_load %arg10[%swap3A_916, %swap3A_917] {strides = array<i32>} : memref<640x16xf32, #tpu.memory_space<vmem>>, vector<1x16xf32>,
      %swap3A_919 = vector.shape_cast %swap3A_918 : vector<1x16xf32> to vector<16xf32>
      %swap3A_920 = vector.shape_cast %mul3A_915 : vector<16xf32> to vector<1x16xf32>
      tpu.vector_store %arg10[%swap3A_916, %swap3A_917], %swap3A_920 {strides = array<i32>} : memref<640x16xf32, #tpu.memory_space<vmem>>, vector<1x16xf32>,
      %mul3A_921 = arith.constant 16 : i32
      %mul3A_922 = arith.muli %scan3A_798, %mul3A_921 : i32
      %add3A_923 = arith.constant 7 : i32
      %add3A_924 = arith.addi %mul3A_922, %add3A_923 : i32
      %get3A_925 = arith.index_cast %add3A_924 : i32 to index
      %get3A_926 = arith.constant 0 : index
      %get3A_927 = tpu.vector_load %arg10[%get3A_925, %get3A_926] {strides = array<i32>} : memref<640x16xf32, #tpu.memory_space<vmem>>, vector<1x16xf32>,
      %get3A_928 = vector.shape_cast %get3A_927 : vector<1x16xf32> to vector<16xf32>
      %slice3A_929 = vector.extract_strided_slice %get3A_803 {offsets = [7], sizes = [1], strides = [1]} : vector<16xf32> to vector<1xf32>
      %squeeze3A_930 = vector.extract %slice3A_929[0] : f32 from vector<1xf32>
      %mul3A_931 = vector.broadcast %squeeze3A_930 : f32 to vector<16xf32>
      %mul3A_932 = arith.mulf %get3A_928, %mul3A_931 : vector<16xf32>
      %swap3A_933 = arith.index_cast %add3A_924 : i32 to index
      %swap3A_934 = arith.constant 0 : index
      %swap3A_935 = tpu.vector_load %arg10[%swap3A_933, %swap3A_934] {strides = array<i32>} : memref<640x16xf32, #tpu.memory_space<vmem>>, vector<1x16xf32>,
      %swap3A_936 = vector.shape_cast %swap3A_935 : vector<1x16xf32> to vector<16xf32>
      %swap3A_937 = vector.shape_cast %mul3A_932 : vector<16xf32> to vector<1x16xf32>
      tpu.vector_store %arg10[%swap3A_933, %swap3A_934], %swap3A_937 {strides = array<i32>} : memref<640x16xf32, #tpu.memory_space<vmem>>, vector<1x16xf32>,
      %mul3A_938 = arith.constant 16 : i32
      %mul3A_939 = arith.muli %scan3A_798, %mul3A_938 : i32
      %add3A_940 = arith.constant 8 : i32
      %add3A_941 = arith.addi %mul3A_939, %add3A_940 : i32
      %get3A_942 = arith.index_cast %add3A_941 : i32 to index
      %get3A_943 = arith.constant 0 : index
      %get3A_944 = tpu.vector_load %arg10[%get3A_942, %get3A_943] {strides = array<i32>} : memref<640x16xf32, #tpu.memory_space<vmem>>, vector<1x16xf32>,
      %get3A_945 = vector.shape_cast %get3A_944 : vector<1x16xf32> to vector<16xf32>
      %slice3A_946 = vector.extract_strided_slice %get3A_803 {offsets = [8], sizes = [1], strides = [1]} : vector<16xf32> to vector<1xf32>
      %squeeze3A_947 = vector.extract %slice3A_946[0] : f32 from vector<1xf32>
      %mul3A_948 = vector.broadcast %squeeze3A_947 : f32 to vector<16xf32>
      %mul3A_949 = arith.mulf %get3A_945, %mul3A_948 : vector<16xf32>
      %swap3A_950 = arith.index_cast %add3A_941 : i32 to index
      %swap3A_951 = arith.constant 0 : index
      %swap3A_952 = tpu.vector_load %arg10[%swap3A_950, %swap3A_951] {strides = array<i32>} : memref<640x16xf32, #tpu.memory_space<vmem>>, vector<1x16xf32>,
      %swap3A_953 = vector.shape_cast %swap3A_952 : vector<1x16xf32> to vector<16xf32>
      %swap3A_954 = vector.shape_cast %mul3A_949 : vector<16xf32> to vector<1x16xf32>
      tpu.vector_store %arg10[%swap3A_950, %swap3A_951], %swap3A_954 {strides = array<i32>} : memref<640x16xf32, #tpu.memory_space<vmem>>, vector<1x16xf32>,
      %mul3A_955 = arith.constant 16 : i32
      %mul3A_956 = arith.muli %scan3A_798, %mul3A_955 : i32
      %add3A_957 = arith.constant 9 : i32
      %add3A_958 = arith.addi %mul3A_956, %add3A_957 : i32
      %get3A_959 = arith.index_cast %add3A_958 : i32 to index
      %get3A_960 = arith.constant 0 : index
      %get3A_961 = tpu.vector_load %arg10[%get3A_959, %get3A_960] {strides = array<i32>} : memref<640x16xf32, #tpu.memory_space<vmem>>, vector<1x16xf32>,
      %get3A_962 = vector.shape_cast %get3A_961 : vector<1x16xf32> to vector<16xf32>
      %slice3A_963 = vector.extract_strided_slice %get3A_803 {offsets = [9], sizes = [1], strides = [1]} : vector<16xf32> to vector<1xf32>
      %squeeze3A_964 = vector.extract %slice3A_963[0] : f32 from vector<1xf32>
      %mul3A_965 = vector.broadcast %squeeze3A_964 : f32 to vector<16xf32>
      %mul3A_966 = arith.mulf %get3A_962, %mul3A_965 : vector<16xf32>
      %swap3A_967 = arith.index_cast %add3A_958 : i32 to index
      %swap3A_968 = arith.constant 0 : index
      %swap3A_969 = tpu.vector_load %arg10[%swap3A_967, %swap3A_968] {strides = array<i32>} : memref<640x16xf32, #tpu.memory_space<vmem>>, vector<1x16xf32>,
      %swap3A_970 = vector.shape_cast %swap3A_969 : vector<1x16xf32> to vector<16xf32>
      %swap3A_971 = vector.shape_cast %mul3A_966 : vector<16xf32> to vector<1x16xf32>
      tpu.vector_store %arg10[%swap3A_967, %swap3A_968], %swap3A_971 {strides = array<i32>} : memref<640x16xf32, #tpu.memory_space<vmem>>, vector<1x16xf32>,
      %mul3A_972 = arith.constant 16 : i32
      %mul3A_973 = arith.muli %scan3A_798, %mul3A_972 : i32
      %add3A_974 = arith.constant 10 : i32
      %add3A_975 = arith.addi %mul3A_973, %add3A_974 : i32
      %get3A_976 = arith.index_cast %add3A_975 : i32 to index
      %get3A_977 = arith.constant 0 : index
      %get3A_978 = tpu.vector_load %arg10[%get3A_976, %get3A_977] {strides = array<i32>} : memref<640x16xf32, #tpu.memory_space<vmem>>, vector<1x16xf32>,
      %get3A_979 = vector.shape_cast %get3A_978 : vector<1x16xf32> to vector<16xf32>
      %slice3A_980 = vector.extract_strided_slice %get3A_803 {offsets = [10], sizes = [1], strides = [1]} : vector<16xf32> to vector<1xf32>
      %squeeze3A_981 = vector.extract %slice3A_980[0] : f32 from vector<1xf32>
      %mul3A_982 = vector.broadcast %squeeze3A_981 : f32 to vector<16xf32>
      %mul3A_983 = arith.mulf %get3A_979, %mul3A_982 : vector<16xf32>
      %swap3A_984 = arith.index_cast %add3A_975 : i32 to index
      %swap3A_985 = arith.constant 0 : index
      %swap3A_986 = tpu.vector_load %arg10[%swap3A_984, %swap3A_985] {strides = array<i32>} : memref<640x16xf32, #tpu.memory_space<vmem>>, vector<1x16xf32>,
      %swap3A_987 = vector.shape_cast %swap3A_986 : vector<1x16xf32> to vector<16xf32>
      %swap3A_988 = vector.shape_cast %mul3A_983 : vector<16xf32> to vector<1x16xf32>
      tpu.vector_store %arg10[%swap3A_984, %swap3A_985], %swap3A_988 {strides = array<i32>} : memref<640x16xf32, #tpu.memory_space<vmem>>, vector<1x16xf32>,
      %mul3A_989 = arith.constant 16 : i32
      %mul3A_990 = arith.muli %scan3A_798, %mul3A_989 : i32
      %add3A_991 = arith.constant 11 : i32
      %add3A_992 = arith.addi %mul3A_990, %add3A_991 : i32
      %get3A_993 = arith.index_cast %add3A_992 : i32 to index
      %get3A_994 = arith.constant 0 : index
      %get3A_995 = tpu.vector_load %arg10[%get3A_993, %get3A_994] {strides = array<i32>} : memref<640x16xf32, #tpu.memory_space<vmem>>, vector<1x16xf32>,
      %get3A_996 = vector.shape_cast %get3A_995 : vector<1x16xf32> to vector<16xf32>
      %slice3A_997 = vector.extract_strided_slice %get3A_803 {offsets = [11], sizes = [1], strides = [1]} : vector<16xf32> to vector<1xf32>
      %squeeze3A_998 = vector.extract %slice3A_997[0] : f32 from vector<1xf32>
      %mul3A_999 = vector.broadcast %squeeze3A_998 : f32 to vector<16xf32>
      %mul3A_1000 = arith.mulf %get3A_996, %mul3A_999 : vector<16xf32>
      %swap3A_1001 = arith.index_cast %add3A_992 : i32 to index
      %swap3A_1002 = arith.constant 0 : index
      %swap3A_1003 = tpu.vector_load %arg10[%swap3A_1001, %swap3A_1002] {strides = array<i32>} : memref<640x16xf32, #tpu.memory_space<vmem>>, vector<1x16xf32>,
      %swap3A_1004 = vector.shape_cast %swap3A_1003 : vector<1x16xf32> to vector<16xf32>
      %swap3A_1005 = vector.shape_cast %mul3A_1000 : vector<16xf32> to vector<1x16xf32>
      tpu.vector_store %arg10[%swap3A_1001, %swap3A_1002], %swap3A_1005 {strides = array<i32>} : memref<640x16xf32, #tpu.memory_space<vmem>>, vector<1x16xf32>,
      %mul3A_1006 = arith.constant 16 : i32
      %mul3A_1007 = arith.muli %scan3A_798, %mul3A_1006 : i32
      %add3A_1008 = arith.constant 12 : i32
      %add3A_1009 = arith.addi %mul3A_1007, %add3A_1008 : i32
      %get3A_1010 = arith.index_cast %add3A_1009 : i32 to index
      %get3A_1011 = arith.constant 0 : index
      %get3A_1012 = tpu.vector_load %arg10[%get3A_1010, %get3A_1011] {strides = array<i32>} : memref<640x16xf32, #tpu.memory_space<vmem>>, vector<1x16xf32>,
      %get3A_1013 = vector.shape_cast %get3A_1012 : vector<1x16xf32> to vector<16xf32>
      %slice3A_1014 = vector.extract_strided_slice %get3A_803 {offsets = [12], sizes = [1], strides = [1]} : vector<16xf32> to vector<1xf32>
      %squeeze3A_1015 = vector.extract %slice3A_1014[0] : f32 from vector<1xf32>
      %mul3A_1016 = vector.broadcast %squeeze3A_1015 : f32 to vector<16xf32>
      %mul3A_1017 = arith.mulf %get3A_1013, %mul3A_1016 : vector<16xf32>
      %swap3A_1018 = arith.index_cast %add3A_1009 : i32 to index
      %swap3A_1019 = arith.constant 0 : index
      %swap3A_1020 = tpu.vector_load %arg10[%swap3A_1018, %swap3A_1019] {strides = array<i32>} : memref<640x16xf32, #tpu.memory_space<vmem>>, vector<1x16xf32>,
      %swap3A_1021 = vector.shape_cast %swap3A_1020 : vector<1x16xf32> to vector<16xf32>
      %swap3A_1022 = vector.shape_cast %mul3A_1017 : vector<16xf32> to vector<1x16xf32>
      tpu.vector_store %arg10[%swap3A_1018, %swap3A_1019], %swap3A_1022 {strides = array<i32>} : memref<640x16xf32, #tpu.memory_space<vmem>>, vector<1x16xf32>,
      %mul3A_1023 = arith.constant 16 : i32
      %mul3A_1024 = arith.muli %scan3A_798, %mul3A_1023 : i32
      %add3A_1025 = arith.constant 13 : i32
      %add3A_1026 = arith.addi %mul3A_1024, %add3A_1025 : i32
      %get3A_1027 = arith.index_cast %add3A_1026 : i32 to index
      %get3A_1028 = arith.constant 0 : index
      %get3A_1029 = tpu.vector_load %arg10[%get3A_1027, %get3A_1028] {strides = array<i32>} : memref<640x16xf32, #tpu.memory_space<vmem>>, vector<1x16xf32>,
      %get3A_1030 = vector.shape_cast %get3A_1029 : vector<1x16xf32> to vector<16xf32>
      %slice3A_1031 = vector.extract_strided_slice %get3A_803 {offsets = [13], sizes = [1], strides = [1]} : vector<16xf32> to vector<1xf32>
      %squeeze3A_1032 = vector.extract %slice3A_1031[0] : f32 from vector<1xf32>
      %mul3A_1033 = vector.broadcast %squeeze3A_1032 : f32 to vector<16xf32>
      %mul3A_1034 = arith.mulf %get3A_1030, %mul3A_1033 : vector<16xf32>
      %swap3A_1035 = arith.index_cast %add3A_1026 : i32 to index
      %swap3A_1036 = arith.constant 0 : index
      %swap3A_1037 = tpu.vector_load %arg10[%swap3A_1035, %swap3A_1036] {strides = array<i32>} : memref<640x16xf32, #tpu.memory_space<vmem>>, vector<1x16xf32>,
      %swap3A_1038 = vector.shape_cast %swap3A_1037 : vector<1x16xf32> to vector<16xf32>
      %swap3A_1039 = vector.shape_cast %mul3A_1034 : vector<16xf32> to vector<1x16xf32>
      tpu.vector_store %arg10[%swap3A_1035, %swap3A_1036], %swap3A_1039 {strides = array<i32>} : memref<640x16xf32, #tpu.memory_space<vmem>>, vector<1x16xf32>,
      %mul3A_1040 = arith.constant 16 : i32
      %mul3A_1041 = arith.muli %scan3A_798, %mul3A_1040 : i32
      %add3A_1042 = arith.constant 14 : i32
      %add3A_1043 = arith.addi %mul3A_1041, %add3A_1042 : i32
      %get3A_1044 = arith.index_cast %add3A_1043 : i32 to index
      %get3A_1045 = arith.constant 0 : index
      %get3A_1046 = tpu.vector_load %arg10[%get3A_1044, %get3A_1045] {strides = array<i32>} : memref<640x16xf32, #tpu.memory_space<vmem>>, vector<1x16xf32>,
      %get3A_1047 = vector.shape_cast %get3A_1046 : vector<1x16xf32> to vector<16xf32>
      %slice3A_1048 = vector.extract_strided_slice %get3A_803 {offsets = [14], sizes = [1], strides = [1]} : vector<16xf32> to vector<1xf32>
      %squeeze3A_1049 = vector.extract %slice3A_1048[0] : f32 from vector<1xf32>
      %mul3A_1050 = vector.broadcast %squeeze3A_1049 : f32 to vector<16xf32>
      %mul3A_1051 = arith.mulf %get3A_1047, %mul3A_1050 : vector<16xf32>
      %swap3A_1052 = arith.index_cast %add3A_1043 : i32 to index
      %swap3A_1053 = arith.constant 0 : index
      %swap3A_1054 = tpu.vector_load %arg10[%swap3A_1052, %swap3A_1053] {strides = array<i32>} : memref<640x16xf32, #tpu.memory_space<vmem>>, vector<1x16xf32>,
      %swap3A_1055 = vector.shape_cast %swap3A_1054 : vector<1x16xf32> to vector<16xf32>
      %swap3A_1056 = vector.shape_cast %mul3A_1051 : vector<16xf32> to vector<1x16xf32>
      tpu.vector_store %arg10[%swap3A_1052, %swap3A_1053], %swap3A_1056 {strides = array<i32>} : memref<640x16xf32, #tpu.memory_space<vmem>>, vector<1x16xf32>,
      %mul3A_1057 = arith.constant 16 : i32
      %mul3A_1058 = arith.muli %scan3A_798, %mul3A_1057 : i32
      %add3A_1059 = arith.constant 15 : i32
      %add3A_1060 = arith.addi %mul3A_1058, %add3A_1059 : i32
      %get3A_1061 = arith.index_cast %add3A_1060 : i32 to index
      %get3A_1062 = arith.constant 0 : index
      %get3A_1063 = tpu.vector_load %arg10[%get3A_1061, %get3A_1062] {strides = array<i32>} : memref<640x16xf32, #tpu.memory_space<vmem>>, vector<1x16xf32>,
      %get3A_1064 = vector.shape_cast %get3A_1063 : vector<1x16xf32> to vector<16xf32>
      %slice3A_1065 = vector.extract_strided_slice %get3A_803 {offsets = [15], sizes = [1], strides = [1]} : vector<16xf32> to vector<1xf32>
      %squeeze3A_1066 = vector.extract %slice3A_1065[0] : f32 from vector<1xf32>
      %mul3A_1067 = vector.broadcast %squeeze3A_1066 : f32 to vector<16xf32>
      %mul3A_1068 = arith.mulf %get3A_1064, %mul3A_1067 : vector<16xf32>
      %swap3A_1069 = arith.index_cast %add3A_1060 : i32 to index
      %swap3A_1070 = arith.constant 0 : index
      %swap3A_1071 = tpu.vector_load %arg10[%swap3A_1069, %swap3A_1070] {strides = array<i32>} : memref<640x16xf32, #tpu.memory_space<vmem>>, vector<1x16xf32>,
      %swap3A_1072 = vector.shape_cast %swap3A_1071 : vector<1x16xf32> to vector<16xf32>
      %swap3A_1073 = vector.shape_cast %mul3A_1068 : vector<16xf32> to vector<1x16xf32>
      tpu.vector_store %arg10[%swap3A_1069, %swap3A_1070], %swap3A_1073 {strides = array<i32>} : memref<640x16xf32, #tpu.memory_space<vmem>>, vector<1x16xf32>,
    }
    %scan3A_357 = arith.constant 40 : i32
    "tpu.region"() ({
      %run_scoped3A_798 = tpu.sem_alloc : memref<!tpu.dma_semaphore, #tpu.memory_space<semaphore_mem>>
      %dma_start3A_799 = arith.constant 0 : i32
      %dma_start3A_800 = tpu.memref_slice %arg17[%mul3A_0, %dma_start3A_799] : memref<10240x16xf32, #tpu.memory_space<vmem_shared>> -> memref<640x16xf32, #tpu.memory_space<vmem_shared>>
      %dma_start3A_801 = arith.constant 0 : i32
      %dma_start3A_802 = tpu.memref_slice %arg17[%mul3A_0, %dma_start3A_801] : memref<10240x16xf32, #tpu.memory_space<vmem_shared>> -> memref<640x16xf32, #tpu.memory_space<vmem_shared>>
      tpu.enqueue_dma source(%arg10 : memref<640x16xf32, #tpu.memory_space<vmem>>) target(%dma_start3A_802 : memref<640x16xf32, #tpu.memory_space<vmem_shared>>) target_semaphore(%run_scoped3A_798 : memref<!tpu.dma_semaphore, #tpu.memory_space<semaphore_mem>>)
      %dma_wait3A_803 = arith.constant 0 : i32
      %dma_wait3A_804 = tpu.memref_slice %arg17[%mul3A_0, %dma_wait3A_803] : memref<10240x16xf32, #tpu.memory_space<vmem_shared>> -> memref<640x16xf32, #tpu.memory_space<vmem_shared>>
      %dma_wait3A_805 = arith.constant 0 : i32
      %dma_wait3A_806 = tpu.memref_slice %arg17[%mul3A_0, %dma_wait3A_805] : memref<10240x16xf32, #tpu.memory_space<vmem_shared>> -> memref<640x16xf32, #tpu.memory_space<vmem_shared>>
      tpu.wait_dma2 semaphore(%run_scoped3A_798 : memref<!tpu.dma_semaphore, #tpu.memory_space<semaphore_mem>>) src(%arg10 : memref<640x16xf32, #tpu.memory_space<vmem>>) dst(%dma_wait3A_806 : memref<640x16xf32, #tpu.memory_space<vmem_shared>>)
      tpu.yield
    }) : () -> ()
    "tpu.region"() ({
      %run_scoped3A_798 = tpu.sem_alloc : memref<!tpu.dma_semaphore, #tpu.memory_space<semaphore_mem>>
      %dma_start3A_799 = arith.constant 0 : i32
      %dma_start3A_800 = tpu.memref_slice %arg18[%mul3A_0, %dma_start3A_799] : memref<10240x16xf32, #tpu.memory_space<vmem_shared>> -> memref<640x16xf32, #tpu.memory_space<vmem_shared>>
      %dma_start3A_801 = arith.constant 0 : i32
      %dma_start3A_802 = tpu.memref_slice %arg18[%mul3A_0, %dma_start3A_801] : memref<10240x16xf32, #tpu.memory_space<vmem_shared>> -> memref<640x16xf32, #tpu.memory_space<vmem_shared>>
      tpu.enqueue_dma source(%arg11 : memref<640x16xf32, #tpu.memory_space<vmem>>) target(%dma_start3A_802 : memref<640x16xf32, #tpu.memory_space<vmem_shared>>) target_semaphore(%run_scoped3A_798 : memref<!tpu.dma_semaphore, #tpu.memory_space<semaphore_mem>>)
      %dma_wait3A_803 = arith.constant 0 : i32
      %dma_wait3A_804 = tpu.memref_slice %arg18[%mul3A_0, %dma_wait3A_803] : memref<10240x16xf32, #tpu.memory_space<vmem_shared>> -> memref<640x16xf32, #tpu.memory_space<vmem_shared>>
      %dma_wait3A_805 = arith.constant 0 : i32
      %dma_wait3A_806 = tpu.memref_slice %arg18[%mul3A_0, %dma_wait3A_805] : memref<10240x16xf32, #tpu.memory_space<vmem_shared>> -> memref<640x16xf32, #tpu.memory_space<vmem_shared>>
      tpu.wait_dma2 semaphore(%run_scoped3A_798 : memref<!tpu.dma_semaphore, #tpu.memory_space<semaphore_mem>>) src(%arg11 : memref<640x16xf32, #tpu.memory_space<vmem>>) dst(%dma_wait3A_806 : memref<640x16xf32, #tpu.memory_space<vmem_shared>>)
      tpu.yield
    }) : () -> ()
    %barrier3A = arith.constant 0 : index
    tpu.barrier barrier_id(%barrier3A)
    %dma_start3A = arith.constant 0 : i32
    %dma_start3A_358 = arith.constant 0 : i32
    %dma_start3A_359 = arith.constant 0 : i32
    %dma_start3A_360 = arith.constant 0 : i32
    %dma_start3A_361 = tpu.memref_slice %arg12[%dma_start3A, %dma_start3A_359, %dma_start3A_360] : memref<4x512x16xf32, #tpu.memory_space<vmem>> -> memref<1x512x16xf32, #tpu.memory_space<vmem>>
    %dma_start3A_362 = tpu.memref_squeeze %dma_start3A_361 : memref<1x512x16xf32, #tpu.memory_space<vmem>> -> memref<512x16xf32, #tpu.memory_space<vmem>>
    %dma_start3A_363 = arith.constant 0 : i32
    %dma_start3A_364 = tpu.memref_slice %arg8[%dma_start3A_363] : memref<20480xi32, #tpu.memory_space<vmem>> -> memref<512xi32, #tpu.memory_space<vmem>>
    %dma_start3A_365 = arith.constant 0 : i32
    %dma_start3A_366 = arith.constant 0 : i32
    %dma_start3A_367 = tpu.memref_slice %arg17[%dma_start3A_365, %dma_start3A_366] : memref<10240x16xf32, #tpu.memory_space<vmem_shared>> -> memref<10240x16xf32, #tpu.memory_space<vmem_shared>>
    %dma_start3A_368 = tpu.memref_slice %arg20[%dma_start3A_358] : memref<4x!tpu.dma_semaphore, #tpu.memory_space<semaphore_mem>> -> memref<1x!tpu.dma_semaphore, #tpu.memory_space<semaphore_mem>>
    %dma_start3A_369 = tpu.memref_squeeze %dma_start3A_368 : memref<1x!tpu.dma_semaphore, #tpu.memory_space<semaphore_mem>> -> memref<!tpu.dma_semaphore, #tpu.memory_space<semaphore_mem>>
    tpu.enqueue_indirect_dma source(%dma_start3A_367 : memref<10240x16xf32, #tpu.memory_space<vmem_shared>>) target(%dma_start3A_362 : memref<512x16xf32, #tpu.memory_space<vmem>>) offsets(%dma_start3A_364 : memref<512xi32, #tpu.memory_space<vmem>>) semaphore(%dma_start3A_369 : memref<!tpu.dma_semaphore, #tpu.memory_space<semaphore_mem>>)
    %dma_start3A_370 = arith.constant 1 : i32
    %dma_start3A_371 = arith.constant 1 : i32
    %dma_start3A_372 = arith.constant 0 : i32
    %dma_start3A_373 = arith.constant 0 : i32
    %dma_start3A_374 = tpu.memref_slice %arg12[%dma_start3A_370, %dma_start3A_372, %dma_start3A_373] : memref<4x512x16xf32, #tpu.memory_space<vmem>> -> memref<1x512x16xf32, #tpu.memory_space<vmem>>
    %dma_start3A_375 = tpu.memref_squeeze %dma_start3A_374 : memref<1x512x16xf32, #tpu.memory_space<vmem>> -> memref<512x16xf32, #tpu.memory_space<vmem>>
    %dma_start3A_376 = arith.constant 512 : i32
    %dma_start3A_377 = tpu.memref_slice %arg8[%dma_start3A_376] : memref<20480xi32, #tpu.memory_space<vmem>> -> memref<512xi32, #tpu.memory_space<vmem>>
    %dma_start3A_378 = arith.constant 0 : i32
    %dma_start3A_379 = arith.constant 0 : i32
    %dma_start3A_380 = tpu.memref_slice %arg17[%dma_start3A_378, %dma_start3A_379] : memref<10240x16xf32, #tpu.memory_space<vmem_shared>> -> memref<10240x16xf32, #tpu.memory_space<vmem_shared>>
    %dma_start3A_381 = tpu.memref_slice %arg20[%dma_start3A_371] : memref<4x!tpu.dma_semaphore, #tpu.memory_space<semaphore_mem>> -> memref<1x!tpu.dma_semaphore, #tpu.memory_space<semaphore_mem>>
    %dma_start3A_382 = tpu.memref_squeeze %dma_start3A_381 : memref<1x!tpu.dma_semaphore, #tpu.memory_space<semaphore_mem>> -> memref<!tpu.dma_semaphore, #tpu.memory_space<semaphore_mem>>
    tpu.enqueue_indirect_dma source(%dma_start3A_380 : memref<10240x16xf32, #tpu.memory_space<vmem_shared>>) target(%dma_start3A_375 : memref<512x16xf32, #tpu.memory_space<vmem>>) offsets(%dma_start3A_377 : memref<512xi32, #tpu.memory_space<vmem>>) semaphore(%dma_start3A_382 : memref<!tpu.dma_semaphore, #tpu.memory_space<semaphore_mem>>)
    %dma_start3A_383 = arith.constant 2 : i32
    %dma_start3A_384 = arith.constant 2 : i32
    %dma_start3A_385 = arith.constant 0 : i32
    %dma_start3A_386 = arith.constant 0 : i32
    %dma_start3A_387 = tpu.memref_slice %arg12[%dma_start3A_383, %dma_start3A_385, %dma_start3A_386] : memref<4x512x16xf32, #tpu.memory_space<vmem>> -> memref<1x512x16xf32, #tpu.memory_space<vmem>>
    %dma_start3A_388 = tpu.memref_squeeze %dma_start3A_387 : memref<1x512x16xf32, #tpu.memory_space<vmem>> -> memref<512x16xf32, #tpu.memory_space<vmem>>
    %dma_start3A_389 = arith.constant 1024 : i32
    %dma_start3A_390 = tpu.memref_slice %arg8[%dma_start3A_389] : memref<20480xi32, #tpu.memory_space<vmem>> -> memref<512xi32, #tpu.memory_space<vmem>>
    %dma_start3A_391 = arith.constant 0 : i32
    %dma_start3A_392 = arith.constant 0 : i32
    %dma_start3A_393 = tpu.memref_slice %arg17[%dma_start3A_391, %dma_start3A_392] : memref<10240x16xf32, #tpu.memory_space<vmem_shared>> -> memref<10240x16xf32, #tpu.memory_space<vmem_shared>>
    %dma_start3A_394 = tpu.memref_slice %arg20[%dma_start3A_384] : memref<4x!tpu.dma_semaphore, #tpu.memory_space<semaphore_mem>> -> memref<1x!tpu.dma_semaphore, #tpu.memory_space<semaphore_mem>>
    %dma_start3A_395 = tpu.memref_squeeze %dma_start3A_394 : memref<1x!tpu.dma_semaphore, #tpu.memory_space<semaphore_mem>> -> memref<!tpu.dma_semaphore, #tpu.memory_space<semaphore_mem>>
    tpu.enqueue_indirect_dma source(%dma_start3A_393 : memref<10240x16xf32, #tpu.memory_space<vmem_shared>>) target(%dma_start3A_388 : memref<512x16xf32, #tpu.memory_space<vmem>>) offsets(%dma_start3A_390 : memref<512xi32, #tpu.memory_space<vmem>>) semaphore(%dma_start3A_395 : memref<!tpu.dma_semaphore, #tpu.memory_space<semaphore_mem>>)
    %dma_start3A_396 = arith.constant 3 : i32
    %dma_start3A_397 = arith.constant 3 : i32
    %dma_start3A_398 = arith.constant 0 : i32
    %dma_start3A_399 = arith.constant 0 : i32
    %dma_start3A_400 = tpu.memref_slice %arg12[%dma_start3A_396, %dma_start3A_398, %dma_start3A_399] : memref<4x512x16xf32, #tpu.memory_space<vmem>> -> memref<1x512x16xf32, #tpu.memory_space<vmem>>
    %dma_start3A_401 = tpu.memref_squeeze %dma_start3A_400 : memref<1x512x16xf32, #tpu.memory_space<vmem>> -> memref<512x16xf32, #tpu.memory_space<vmem>>
    %dma_start3A_402 = arith.constant 1536 : i32
    %dma_start3A_403 = tpu.memref_slice %arg8[%dma_start3A_402] : memref<20480xi32, #tpu.memory_space<vmem>> -> memref<512xi32, #tpu.memory_space<vmem>>
    %dma_start3A_404 = arith.constant 0 : i32
    %dma_start3A_405 = arith.constant 0 : i32
    %dma_start3A_406 = tpu.memref_slice %arg17[%dma_start3A_404, %dma_start3A_405] : memref<10240x16xf32, #tpu.memory_space<vmem_shared>> -> memref<10240x16xf32, #tpu.memory_space<vmem_shared>>
    %dma_start3A_407 = tpu.memref_slice %arg20[%dma_start3A_397] : memref<4x!tpu.dma_semaphore, #tpu.memory_space<semaphore_mem>> -> memref<1x!tpu.dma_semaphore, #tpu.memory_space<semaphore_mem>>
    %dma_start3A_408 = tpu.memref_squeeze %dma_start3A_407 : memref<1x!tpu.dma_semaphore, #tpu.memory_space<semaphore_mem>> -> memref<!tpu.dma_semaphore, #tpu.memory_space<semaphore_mem>>
    tpu.enqueue_indirect_dma source(%dma_start3A_406 : memref<10240x16xf32, #tpu.memory_space<vmem_shared>>) target(%dma_start3A_401 : memref<512x16xf32, #tpu.memory_space<vmem>>) offsets(%dma_start3A_403 : memref<512xi32, #tpu.memory_space<vmem>>) semaphore(%dma_start3A_408 : memref<!tpu.dma_semaphore, #tpu.memory_space<semaphore_mem>>)
    %dma_wait3A = arith.constant 0 : i32
    %dma_wait3A_409 = arith.constant 0 : i32
    %dma_wait3A_410 = arith.constant 0 : i32
    %dma_wait3A_411 = arith.constant 0 : i32
    %dma_wait3A_412 = tpu.memref_slice %arg12[%dma_wait3A, %dma_wait3A_410, %dma_wait3A_411] : memref<4x512x16xf32, #tpu.memory_space<vmem>> -> memref<1x512x16xf32, #tpu.memory_space<vmem>>
    %dma_wait3A_413 = tpu.memref_squeeze %dma_wait3A_412 : memref<1x512x16xf32, #tpu.memory_space<vmem>> -> memref<512x16xf32, #tpu.memory_space<vmem>>
    %dma_wait3A_414 = arith.constant 0 : i32
    %dma_wait3A_415 = tpu.memref_slice %arg8[%dma_wait3A_414] : memref<20480xi32, #tpu.memory_space<vmem>> -> memref<512xi32, #tpu.memory_space<vmem>>
    %dma_wait3A_416 = arith.constant 0 : i32
    %dma_wait3A_417 = arith.constant 0 : i32
    %dma_wait3A_418 = tpu.memref_slice %arg17[%dma_wait3A_416, %dma_wait3A_417] : memref<10240x16xf32, #tpu.memory_space<vmem_shared>> -> memref<10240x16xf32, #tpu.memory_space<vmem_shared>>
    %dma_wait3A_419 = tpu.memref_slice %arg20[%dma_wait3A_409] : memref<4x!tpu.dma_semaphore, #tpu.memory_space<semaphore_mem>> -> memref<1x!tpu.dma_semaphore, #tpu.memory_space<semaphore_mem>>
    %dma_wait3A_420 = tpu.memref_squeeze %dma_wait3A_419 : memref<1x!tpu.dma_semaphore, #tpu.memory_space<semaphore_mem>> -> memref<!tpu.dma_semaphore, #tpu.memory_space<semaphore_mem>>
    tpu.wait_indirect_dma semaphore(%dma_wait3A_420 : memref<!tpu.dma_semaphore, #tpu.memory_space<semaphore_mem>>) src(%dma_wait3A_418 : memref<10240x16xf32, #tpu.memory_space<vmem_shared>>) dst(%dma_wait3A_413 : memref<512x16xf32, #tpu.memory_space<vmem>>)
    %dma_start3A_421 = arith.constant 0 : i32
    %dma_start3A_422 = arith.constant 0 : i32
    %dma_start3A_423 = arith.constant 0 : i32
    %dma_start3A_424 = arith.constant 0 : i32
    %dma_start3A_425 = tpu.memref_slice %arg12[%dma_start3A_421, %dma_start3A_423, %dma_start3A_424] : memref<4x512x16xf32, #tpu.memory_space<vmem>> -> memref<1x512x16xf32, #tpu.memory_space<vmem>>
    %dma_start3A_426 = tpu.memref_squeeze %dma_start3A_425 : memref<1x512x16xf32, #tpu.memory_space<vmem>> -> memref<512x16xf32, #tpu.memory_space<vmem>>
    %dma_start3A_427 = arith.constant 0 : i32
    %dma_start3A_428 = tpu.memref_slice %arg9[%dma_start3A_427] : memref<20480xi32, #tpu.memory_space<vmem>> -> memref<512xi32, #tpu.memory_space<vmem>>
    %dma_start3A_429 = arith.constant 0 : i32
    %dma_start3A_430 = arith.constant 0 : i32
    %dma_start3A_431 = tpu.memref_slice %arg18[%dma_start3A_429, %dma_start3A_430] : memref<10240x16xf32, #tpu.memory_space<vmem_shared>> -> memref<10240x16xf32, #tpu.memory_space<vmem_shared>>
    %dma_start3A_432 = tpu.memref_slice %arg21[%dma_start3A_422] : memref<4x!tpu.dma_semaphore, #tpu.memory_space<semaphore_mem>> -> memref<1x!tpu.dma_semaphore, #tpu.memory_space<semaphore_mem>>
    %dma_start3A_433 = tpu.memref_squeeze %dma_start3A_432 : memref<1x!tpu.dma_semaphore, #tpu.memory_space<semaphore_mem>> -> memref<!tpu.dma_semaphore, #tpu.memory_space<semaphore_mem>>
    tpu.enqueue_indirect_dma source(%dma_start3A_426 : memref<512x16xf32, #tpu.memory_space<vmem>>) target(%dma_start3A_431 : memref<10240x16xf32, #tpu.memory_space<vmem_shared>>) offsets(%dma_start3A_428 : memref<512xi32, #tpu.memory_space<vmem>>) semaphore(%dma_start3A_433 : memref<!tpu.dma_semaphore, #tpu.memory_space<semaphore_mem>>) {add = true}
    %dma_wait3A_434 = arith.constant 1 : i32
    %dma_wait3A_435 = arith.constant 1 : i32
    %dma_wait3A_436 = arith.constant 0 : i32
    %dma_wait3A_437 = arith.constant 0 : i32
    %dma_wait3A_438 = tpu.memref_slice %arg12[%dma_wait3A_434, %dma_wait3A_436, %dma_wait3A_437] : memref<4x512x16xf32, #tpu.memory_space<vmem>> -> memref<1x512x16xf32, #tpu.memory_space<vmem>>
    %dma_wait3A_439 = tpu.memref_squeeze %dma_wait3A_438 : memref<1x512x16xf32, #tpu.memory_space<vmem>> -> memref<512x16xf32, #tpu.memory_space<vmem>>
    %dma_wait3A_440 = arith.constant 0 : i32
    %dma_wait3A_441 = tpu.memref_slice %arg8[%dma_wait3A_440] : memref<20480xi32, #tpu.memory_space<vmem>> -> memref<512xi32, #tpu.memory_space<vmem>>
    %dma_wait3A_442 = arith.constant 0 : i32
    %dma_wait3A_443 = arith.constant 0 : i32
    %dma_wait3A_444 = tpu.memref_slice %arg17[%dma_wait3A_442, %dma_wait3A_443] : memref<10240x16xf32, #tpu.memory_space<vmem_shared>> -> memref<10240x16xf32, #tpu.memory_space<vmem_shared>>
    %dma_wait3A_445 = tpu.memref_slice %arg20[%dma_wait3A_435] : memref<4x!tpu.dma_semaphore, #tpu.memory_space<semaphore_mem>> -> memref<1x!tpu.dma_semaphore, #tpu.memory_space<semaphore_mem>>
    %dma_wait3A_446 = tpu.memref_squeeze %dma_wait3A_445 : memref<1x!tpu.dma_semaphore, #tpu.memory_space<semaphore_mem>> -> memref<!tpu.dma_semaphore, #tpu.memory_space<semaphore_mem>>
    tpu.wait_indirect_dma semaphore(%dma_wait3A_446 : memref<!tpu.dma_semaphore, #tpu.memory_space<semaphore_mem>>) src(%dma_wait3A_444 : memref<10240x16xf32, #tpu.memory_space<vmem_shared>>) dst(%dma_wait3A_439 : memref<512x16xf32, #tpu.memory_space<vmem>>)
    %dma_start3A_447 = arith.constant 1 : i32
    %dma_start3A_448 = arith.constant 1 : i32
    %dma_start3A_449 = arith.constant 0 : i32
    %dma_start3A_450 = arith.constant 0 : i32
    %dma_start3A_451 = tpu.memref_slice %arg12[%dma_start3A_447, %dma_start3A_449, %dma_start3A_450] : memref<4x512x16xf32, #tpu.memory_space<vmem>> -> memref<1x512x16xf32, #tpu.memory_space<vmem>>
    %dma_start3A_452 = tpu.memref_squeeze %dma_start3A_451 : memref<1x512x16xf32, #tpu.memory_space<vmem>> -> memref<512x16xf32, #tpu.memory_space<vmem>>
    %dma_start3A_453 = arith.constant 512 : i32
    %dma_start3A_454 = tpu.memref_slice %arg9[%dma_start3A_453] : memref<20480xi32, #tpu.memory_space<vmem>> -> memref<512xi32, #tpu.memory_space<vmem>>
    %dma_start3A_455 = arith.constant 0 : i32
    %dma_start3A_456 = arith.constant 0 : i32
    %dma_start3A_457 = tpu.memref_slice %arg18[%dma_start3A_455, %dma_start3A_456] : memref<10240x16xf32, #tpu.memory_space<vmem_shared>> -> memref<10240x16xf32, #tpu.memory_space<vmem_shared>>
    %dma_start3A_458 = tpu.memref_slice %arg21[%dma_start3A_448] : memref<4x!tpu.dma_semaphore, #tpu.memory_space<semaphore_mem>> -> memref<1x!tpu.dma_semaphore, #tpu.memory_space<semaphore_mem>>
    %dma_start3A_459 = tpu.memref_squeeze %dma_start3A_458 : memref<1x!tpu.dma_semaphore, #tpu.memory_space<semaphore_mem>> -> memref<!tpu.dma_semaphore, #tpu.memory_space<semaphore_mem>>
    tpu.enqueue_indirect_dma source(%dma_start3A_452 : memref<512x16xf32, #tpu.memory_space<vmem>>) target(%dma_start3A_457 : memref<10240x16xf32, #tpu.memory_space<vmem_shared>>) offsets(%dma_start3A_454 : memref<512xi32, #tpu.memory_space<vmem>>) semaphore(%dma_start3A_459 : memref<!tpu.dma_semaphore, #tpu.memory_space<semaphore_mem>>) {add = true}
    %dma_wait3A_460 = arith.constant 2 : i32
    %dma_wait3A_461 = arith.constant 2 : i32
    %dma_wait3A_462 = arith.constant 0 : i32
    %dma_wait3A_463 = arith.constant 0 : i32
    %dma_wait3A_464 = tpu.memref_slice %arg12[%dma_wait3A_460, %dma_wait3A_462, %dma_wait3A_463] : memref<4x512x16xf32, #tpu.memory_space<vmem>> -> memref<1x512x16xf32, #tpu.memory_space<vmem>>
    %dma_wait3A_465 = tpu.memref_squeeze %dma_wait3A_464 : memref<1x512x16xf32, #tpu.memory_space<vmem>> -> memref<512x16xf32, #tpu.memory_space<vmem>>
    %dma_wait3A_466 = arith.constant 0 : i32
    %dma_wait3A_467 = tpu.memref_slice %arg8[%dma_wait3A_466] : memref<20480xi32, #tpu.memory_space<vmem>> -> memref<512xi32, #tpu.memory_space<vmem>>
    %dma_wait3A_468 = arith.constant 0 : i32
    %dma_wait3A_469 = arith.constant 0 : i32
    %dma_wait3A_470 = tpu.memref_slice %arg17[%dma_wait3A_468, %dma_wait3A_469] : memref<10240x16xf32, #tpu.memory_space<vmem_shared>> -> memref<10240x16xf32, #tpu.memory_space<vmem_shared>>
    %dma_wait3A_471 = tpu.memref_slice %arg20[%dma_wait3A_461] : memref<4x!tpu.dma_semaphore, #tpu.memory_space<semaphore_mem>> -> memref<1x!tpu.dma_semaphore, #tpu.memory_space<semaphore_mem>>
    %dma_wait3A_472 = tpu.memref_squeeze %dma_wait3A_471 : memref<1x!tpu.dma_semaphore, #tpu.memory_space<semaphore_mem>> -> memref<!tpu.dma_semaphore, #tpu.memory_space<semaphore_mem>>
    tpu.wait_indirect_dma semaphore(%dma_wait3A_472 : memref<!tpu.dma_semaphore, #tpu.memory_space<semaphore_mem>>) src(%dma_wait3A_470 : memref<10240x16xf32, #tpu.memory_space<vmem_shared>>) dst(%dma_wait3A_465 : memref<512x16xf32, #tpu.memory_space<vmem>>)
    %dma_start3A_473 = arith.constant 2 : i32
    %dma_start3A_474 = arith.constant 2 : i32
    %dma_start3A_475 = arith.constant 0 : i32
    %dma_start3A_476 = arith.constant 0 : i32
    %dma_start3A_477 = tpu.memref_slice %arg12[%dma_start3A_473, %dma_start3A_475, %dma_start3A_476] : memref<4x512x16xf32, #tpu.memory_space<vmem>> -> memref<1x512x16xf32, #tpu.memory_space<vmem>>
    %dma_start3A_478 = tpu.memref_squeeze %dma_start3A_477 : memref<1x512x16xf32, #tpu.memory_space<vmem>> -> memref<512x16xf32, #tpu.memory_space<vmem>>
    %dma_start3A_479 = arith.constant 1024 : i32
    %dma_start3A_480 = tpu.memref_slice %arg9[%dma_start3A_479] : memref<20480xi32, #tpu.memory_space<vmem>> -> memref<512xi32, #tpu.memory_space<vmem>>
    %dma_start3A_481 = arith.constant 0 : i32
    %dma_start3A_482 = arith.constant 0 : i32
    %dma_start3A_483 = tpu.memref_slice %arg18[%dma_start3A_481, %dma_start3A_482] : memref<10240x16xf32, #tpu.memory_space<vmem_shared>> -> memref<10240x16xf32, #tpu.memory_space<vmem_shared>>
    %dma_start3A_484 = tpu.memref_slice %arg21[%dma_start3A_474] : memref<4x!tpu.dma_semaphore, #tpu.memory_space<semaphore_mem>> -> memref<1x!tpu.dma_semaphore, #tpu.memory_space<semaphore_mem>>
    %dma_start3A_485 = tpu.memref_squeeze %dma_start3A_484 : memref<1x!tpu.dma_semaphore, #tpu.memory_space<semaphore_mem>> -> memref<!tpu.dma_semaphore, #tpu.memory_space<semaphore_mem>>
    tpu.enqueue_indirect_dma source(%dma_start3A_478 : memref<512x16xf32, #tpu.memory_space<vmem>>) target(%dma_start3A_483 : memref<10240x16xf32, #tpu.memory_space<vmem_shared>>) offsets(%dma_start3A_480 : memref<512xi32, #tpu.memory_space<vmem>>) semaphore(%dma_start3A_485 : memref<!tpu.dma_semaphore, #tpu.memory_space<semaphore_mem>>) {add = true}
    %scan3A_486 = arith.constant 0 : i32
    %scan3A_487 = arith.constant 0 : i32
    %scan3A_488 = arith.constant 9 : i32
    %scan3A_489 = arith.addi %scan3A_487, %scan3A_488 : i32
    %scan3A_490 = arith.constant 1 : i32
    scf.for %scan3A_798 = %scan3A_487 to %scan3A_489 step %scan3A_490  : i32 {
      %mul3A_799 = arith.constant 4 : i32
      %mul3A_800 = arith.muli %scan3A_798, %mul3A_799 : i32
      %add3A_801 = arith.constant 4 : i32
      %add3A_802 = arith.addi %add3A_801, %mul3A_800 : i32
      %add3A_803 = arith.constant 0 : i32
      %add3A_804 = arith.addi %add3A_802, %add3A_803 : i32
      %dma_wait3A_805 = arith.constant 0 : i32
      %dma_wait3A_806 = arith.constant 0 : i32
      %dma_wait3A_807 = arith.constant 0 : i32
      %dma_wait3A_808 = arith.constant 0 : i32
      %dma_wait3A_809 = tpu.memref_slice %arg12[%dma_wait3A_805, %dma_wait3A_807, %dma_wait3A_808] : memref<4x512x16xf32, #tpu.memory_space<vmem>> -> memref<1x512x16xf32, #tpu.memory_space<vmem>>
      %dma_wait3A_810 = tpu.memref_squeeze %dma_wait3A_809 : memref<1x512x16xf32, #tpu.memory_space<vmem>> -> memref<512x16xf32, #tpu.memory_space<vmem>>
      %dma_wait3A_811 = arith.constant 0 : i32
      %dma_wait3A_812 = tpu.memref_slice %arg9[%dma_wait3A_811] : memref<20480xi32, #tpu.memory_space<vmem>> -> memref<512xi32, #tpu.memory_space<vmem>>
      %dma_wait3A_813 = arith.constant 0 : i32
      %dma_wait3A_814 = arith.constant 0 : i32
      %dma_wait3A_815 = tpu.memref_slice %arg18[%dma_wait3A_813, %dma_wait3A_814] : memref<10240x16xf32, #tpu.memory_space<vmem_shared>> -> memref<10240x16xf32, #tpu.memory_space<vmem_shared>>
      %dma_wait3A_816 = tpu.memref_slice %arg21[%dma_wait3A_806] : memref<4x!tpu.dma_semaphore, #tpu.memory_space<semaphore_mem>> -> memref<1x!tpu.dma_semaphore, #tpu.memory_space<semaphore_mem>>
      %dma_wait3A_817 = tpu.memref_squeeze %dma_wait3A_816 : memref<1x!tpu.dma_semaphore, #tpu.memory_space<semaphore_mem>> -> memref<!tpu.dma_semaphore, #tpu.memory_space<semaphore_mem>>
      tpu.wait_indirect_dma semaphore(%dma_wait3A_817 : memref<!tpu.dma_semaphore, #tpu.memory_space<semaphore_mem>>) src(%dma_wait3A_810 : memref<512x16xf32, #tpu.memory_space<vmem>>) dst(%dma_wait3A_815 : memref<10240x16xf32, #tpu.memory_space<vmem_shared>>)
      %mul3A_818 = arith.constant 512 : i32
      %mul3A_819 = arith.muli %add3A_804, %mul3A_818 : i32
      %dma_start3A_820 = arith.constant 0 : i32
      %dma_start3A_821 = arith.constant 0 : i32
      %dma_start3A_822 = arith.constant 0 : i32
      %dma_start3A_823 = arith.constant 0 : i32
      %dma_start3A_824 = tpu.memref_slice %arg12[%dma_start3A_820, %dma_start3A_822, %dma_start3A_823] : memref<4x512x16xf32, #tpu.memory_space<vmem>> -> memref<1x512x16xf32, #tpu.memory_space<vmem>>
      %dma_start3A_825 = tpu.memref_squeeze %dma_start3A_824 : memref<1x512x16xf32, #tpu.memory_space<vmem>> -> memref<512x16xf32, #tpu.memory_space<vmem>>
      %dma_start3A_826 = tpu.memref_slice %arg8[%mul3A_819] : memref<20480xi32, #tpu.memory_space<vmem>> -> memref<512xi32, #tpu.memory_space<vmem>>
      %dma_start3A_827 = arith.constant 0 : i32
      %dma_start3A_828 = arith.constant 0 : i32
      %dma_start3A_829 = tpu.memref_slice %arg17[%dma_start3A_827, %dma_start3A_828] : memref<10240x16xf32, #tpu.memory_space<vmem_shared>> -> memref<10240x16xf32, #tpu.memory_space<vmem_shared>>
      %dma_start3A_830 = tpu.memref_slice %arg20[%dma_start3A_821] : memref<4x!tpu.dma_semaphore, #tpu.memory_space<semaphore_mem>> -> memref<1x!tpu.dma_semaphore, #tpu.memory_space<semaphore_mem>>
      %dma_start3A_831 = tpu.memref_squeeze %dma_start3A_830 : memref<1x!tpu.dma_semaphore, #tpu.memory_space<semaphore_mem>> -> memref<!tpu.dma_semaphore, #tpu.memory_space<semaphore_mem>>
      tpu.enqueue_indirect_dma source(%dma_start3A_829 : memref<10240x16xf32, #tpu.memory_space<vmem_shared>>) target(%dma_start3A_825 : memref<512x16xf32, #tpu.memory_space<vmem>>) offsets(%dma_start3A_826 : memref<512xi32, #tpu.memory_space<vmem>>) semaphore(%dma_start3A_831 : memref<!tpu.dma_semaphore, #tpu.memory_space<semaphore_mem>>)
      %dma_wait3A_832 = arith.constant 3 : i32
      %dma_wait3A_833 = arith.constant 3 : i32
      %dma_wait3A_834 = arith.constant 0 : i32
      %dma_wait3A_835 = arith.constant 0 : i32
      %dma_wait3A_836 = tpu.memref_slice %arg12[%dma_wait3A_832, %dma_wait3A_834, %dma_wait3A_835] : memref<4x512x16xf32, #tpu.memory_space<vmem>> -> memref<1x512x16xf32, #tpu.memory_space<vmem>>
      %dma_wait3A_837 = tpu.memref_squeeze %dma_wait3A_836 : memref<1x512x16xf32, #tpu.memory_space<vmem>> -> memref<512x16xf32, #tpu.memory_space<vmem>>
      %dma_wait3A_838 = arith.constant 0 : i32
      %dma_wait3A_839 = tpu.memref_slice %arg8[%dma_wait3A_838] : memref<20480xi32, #tpu.memory_space<vmem>> -> memref<512xi32, #tpu.memory_space<vmem>>
      %dma_wait3A_840 = arith.constant 0 : i32
      %dma_wait3A_841 = arith.constant 0 : i32
      %dma_wait3A_842 = tpu.memref_slice %arg17[%dma_wait3A_840, %dma_wait3A_841] : memref<10240x16xf32, #tpu.memory_space<vmem_shared>> -> memref<10240x16xf32, #tpu.memory_space<vmem_shared>>
      %dma_wait3A_843 = tpu.memref_slice %arg20[%dma_wait3A_833] : memref<4x!tpu.dma_semaphore, #tpu.memory_space<semaphore_mem>> -> memref<1x!tpu.dma_semaphore, #tpu.memory_space<semaphore_mem>>
      %dma_wait3A_844 = tpu.memref_squeeze %dma_wait3A_843 : memref<1x!tpu.dma_semaphore, #tpu.memory_space<semaphore_mem>> -> memref<!tpu.dma_semaphore, #tpu.memory_space<semaphore_mem>>
      tpu.wait_indirect_dma semaphore(%dma_wait3A_844 : memref<!tpu.dma_semaphore, #tpu.memory_space<semaphore_mem>>) src(%dma_wait3A_842 : memref<10240x16xf32, #tpu.memory_space<vmem_shared>>) dst(%dma_wait3A_837 : memref<512x16xf32, #tpu.memory_space<vmem>>)
      %sub3A = arith.constant 1 : i32
      %sub3A_845 = arith.subi %add3A_804, %sub3A : i32
      %mul3A_846 = arith.constant 512 : i32
      %mul3A_847 = arith.muli %sub3A_845, %mul3A_846 : i32
      %dma_start3A_848 = arith.constant 3 : i32
      %dma_start3A_849 = arith.constant 3 : i32
      %dma_start3A_850 = arith.constant 0 : i32
      %dma_start3A_851 = arith.constant 0 : i32
      %dma_start3A_852 = tpu.memref_slice %arg12[%dma_start3A_848, %dma_start3A_850, %dma_start3A_851] : memref<4x512x16xf32, #tpu.memory_space<vmem>> -> memref<1x512x16xf32, #tpu.memory_space<vmem>>
      %dma_start3A_853 = tpu.memref_squeeze %dma_start3A_852 : memref<1x512x16xf32, #tpu.memory_space<vmem>> -> memref<512x16xf32, #tpu.memory_space<vmem>>
      %dma_start3A_854 = tpu.memref_slice %arg9[%mul3A_847] : memref<20480xi32, #tpu.memory_space<vmem>> -> memref<512xi32, #tpu.memory_space<vmem>>
      %dma_start3A_855 = arith.constant 0 : i32
      %dma_start3A_856 = arith.constant 0 : i32
      %dma_start3A_857 = tpu.memref_slice %arg18[%dma_start3A_855, %dma_start3A_856] : memref<10240x16xf32, #tpu.memory_space<vmem_shared>> -> memref<10240x16xf32, #tpu.memory_space<vmem_shared>>
      %dma_start3A_858 = tpu.memref_slice %arg21[%dma_start3A_849] : memref<4x!tpu.dma_semaphore, #tpu.memory_space<semaphore_mem>> -> memref<1x!tpu.dma_semaphore, #tpu.memory_space<semaphore_mem>>
      %dma_start3A_859 = tpu.memref_squeeze %dma_start3A_858 : memref<1x!tpu.dma_semaphore, #tpu.memory_space<semaphore_mem>> -> memref<!tpu.dma_semaphore, #tpu.memory_space<semaphore_mem>>
      tpu.enqueue_indirect_dma source(%dma_start3A_853 : memref<512x16xf32, #tpu.memory_space<vmem>>) target(%dma_start3A_857 : memref<10240x16xf32, #tpu.memory_space<vmem_shared>>) offsets(%dma_start3A_854 : memref<512xi32, #tpu.memory_space<vmem>>) semaphore(%dma_start3A_859 : memref<!tpu.dma_semaphore, #tpu.memory_space<semaphore_mem>>) {add = true}
      %mul3A_860 = arith.constant 4 : i32
      %mul3A_861 = arith.muli %scan3A_798, %mul3A_860 : i32
      %add3A_862 = arith.constant 4 : i32
      %add3A_863 = arith.addi %add3A_862, %mul3A_861 : i32
      %add3A_864 = arith.constant 1 : i32
      %add3A_865 = arith.addi %add3A_863, %add3A_864 : i32
      %dma_wait3A_866 = arith.constant 1 : i32
      %dma_wait3A_867 = arith.constant 1 : i32
      %dma_wait3A_868 = arith.constant 0 : i32
      %dma_wait3A_869 = arith.constant 0 : i32
      %dma_wait3A_870 = tpu.memref_slice %arg12[%dma_wait3A_866, %dma_wait3A_868, %dma_wait3A_869] : memref<4x512x16xf32, #tpu.memory_space<vmem>> -> memref<1x512x16xf32, #tpu.memory_space<vmem>>
      %dma_wait3A_871 = tpu.memref_squeeze %dma_wait3A_870 : memref<1x512x16xf32, #tpu.memory_space<vmem>> -> memref<512x16xf32, #tpu.memory_space<vmem>>
      %dma_wait3A_872 = arith.constant 0 : i32
      %dma_wait3A_873 = tpu.memref_slice %arg9[%dma_wait3A_872] : memref<20480xi32, #tpu.memory_space<vmem>> -> memref<512xi32, #tpu.memory_space<vmem>>
      %dma_wait3A_874 = arith.constant 0 : i32
      %dma_wait3A_875 = arith.constant 0 : i32
      %dma_wait3A_876 = tpu.memref_slice %arg18[%dma_wait3A_874, %dma_wait3A_875] : memref<10240x16xf32, #tpu.memory_space<vmem_shared>> -> memref<10240x16xf32, #tpu.memory_space<vmem_shared>>
      %dma_wait3A_877 = tpu.memref_slice %arg21[%dma_wait3A_867] : memref<4x!tpu.dma_semaphore, #tpu.memory_space<semaphore_mem>> -> memref<1x!tpu.dma_semaphore, #tpu.memory_space<semaphore_mem>>
      %dma_wait3A_878 = tpu.memref_squeeze %dma_wait3A_877 : memref<1x!tpu.dma_semaphore, #tpu.memory_space<semaphore_mem>> -> memref<!tpu.dma_semaphore, #tpu.memory_space<semaphore_mem>>
      tpu.wait_indirect_dma semaphore(%dma_wait3A_878 : memref<!tpu.dma_semaphore, #tpu.memory_space<semaphore_mem>>) src(%dma_wait3A_871 : memref<512x16xf32, #tpu.memory_space<vmem>>) dst(%dma_wait3A_876 : memref<10240x16xf32, #tpu.memory_space<vmem_shared>>)
      %mul3A_879 = arith.constant 512 : i32
      %mul3A_880 = arith.muli %add3A_865, %mul3A_879 : i32
      %dma_start3A_881 = arith.constant 1 : i32
      %dma_start3A_882 = arith.constant 1 : i32
      %dma_start3A_883 = arith.constant 0 : i32
      %dma_start3A_884 = arith.constant 0 : i32
      %dma_start3A_885 = tpu.memref_slice %arg12[%dma_start3A_881, %dma_start3A_883, %dma_start3A_884] : memref<4x512x16xf32, #tpu.memory_space<vmem>> -> memref<1x512x16xf32, #tpu.memory_space<vmem>>
      %dma_start3A_886 = tpu.memref_squeeze %dma_start3A_885 : memref<1x512x16xf32, #tpu.memory_space<vmem>> -> memref<512x16xf32, #tpu.memory_space<vmem>>
      %dma_start3A_887 = tpu.memref_slice %arg8[%mul3A_880] : memref<20480xi32, #tpu.memory_space<vmem>> -> memref<512xi32, #tpu.memory_space<vmem>>
      %dma_start3A_888 = arith.constant 0 : i32
      %dma_start3A_889 = arith.constant 0 : i32
      %dma_start3A_890 = tpu.memref_slice %arg17[%dma_start3A_888, %dma_start3A_889] : memref<10240x16xf32, #tpu.memory_space<vmem_shared>> -> memref<10240x16xf32, #tpu.memory_space<vmem_shared>>
      %dma_start3A_891 = tpu.memref_slice %arg20[%dma_start3A_882] : memref<4x!tpu.dma_semaphore, #tpu.memory_space<semaphore_mem>> -> memref<1x!tpu.dma_semaphore, #tpu.memory_space<semaphore_mem>>
      %dma_start3A_892 = tpu.memref_squeeze %dma_start3A_891 : memref<1x!tpu.dma_semaphore, #tpu.memory_space<semaphore_mem>> -> memref<!tpu.dma_semaphore, #tpu.memory_space<semaphore_mem>>
      tpu.enqueue_indirect_dma source(%dma_start3A_890 : memref<10240x16xf32, #tpu.memory_space<vmem_shared>>) target(%dma_start3A_886 : memref<512x16xf32, #tpu.memory_space<vmem>>) offsets(%dma_start3A_887 : memref<512xi32, #tpu.memory_space<vmem>>) semaphore(%dma_start3A_892 : memref<!tpu.dma_semaphore, #tpu.memory_space<semaphore_mem>>)
      %dma_wait3A_893 = arith.constant 0 : i32
      %dma_wait3A_894 = arith.constant 0 : i32
      %dma_wait3A_895 = arith.constant 0 : i32
      %dma_wait3A_896 = arith.constant 0 : i32
      %dma_wait3A_897 = tpu.memref_slice %arg12[%dma_wait3A_893, %dma_wait3A_895, %dma_wait3A_896] : memref<4x512x16xf32, #tpu.memory_space<vmem>> -> memref<1x512x16xf32, #tpu.memory_space<vmem>>
      %dma_wait3A_898 = tpu.memref_squeeze %dma_wait3A_897 : memref<1x512x16xf32, #tpu.memory_space<vmem>> -> memref<512x16xf32, #tpu.memory_space<vmem>>
      %dma_wait3A_899 = arith.constant 0 : i32
      %dma_wait3A_900 = tpu.memref_slice %arg8[%dma_wait3A_899] : memref<20480xi32, #tpu.memory_space<vmem>> -> memref<512xi32, #tpu.memory_space<vmem>>
      %dma_wait3A_901 = arith.constant 0 : i32
      %dma_wait3A_902 = arith.constant 0 : i32
      %dma_wait3A_903 = tpu.memref_slice %arg17[%dma_wait3A_901, %dma_wait3A_902] : memref<10240x16xf32, #tpu.memory_space<vmem_shared>> -> memref<10240x16xf32, #tpu.memory_space<vmem_shared>>
      %dma_wait3A_904 = tpu.memref_slice %arg20[%dma_wait3A_894] : memref<4x!tpu.dma_semaphore, #tpu.memory_space<semaphore_mem>> -> memref<1x!tpu.dma_semaphore, #tpu.memory_space<semaphore_mem>>
      %dma_wait3A_905 = tpu.memref_squeeze %dma_wait3A_904 : memref<1x!tpu.dma_semaphore, #tpu.memory_space<semaphore_mem>> -> memref<!tpu.dma_semaphore, #tpu.memory_space<semaphore_mem>>
      tpu.wait_indirect_dma semaphore(%dma_wait3A_905 : memref<!tpu.dma_semaphore, #tpu.memory_space<semaphore_mem>>) src(%dma_wait3A_903 : memref<10240x16xf32, #tpu.memory_space<vmem_shared>>) dst(%dma_wait3A_898 : memref<512x16xf32, #tpu.memory_space<vmem>>)
      %sub3A_906 = arith.constant 1 : i32
      %sub3A_907 = arith.subi %add3A_865, %sub3A_906 : i32
      %mul3A_908 = arith.constant 512 : i32
      %mul3A_909 = arith.muli %sub3A_907, %mul3A_908 : i32
      %dma_start3A_910 = arith.constant 0 : i32
      %dma_start3A_911 = arith.constant 0 : i32
      %dma_start3A_912 = arith.constant 0 : i32
      %dma_start3A_913 = arith.constant 0 : i32
      %dma_start3A_914 = tpu.memref_slice %arg12[%dma_start3A_910, %dma_start3A_912, %dma_start3A_913] : memref<4x512x16xf32, #tpu.memory_space<vmem>> -> memref<1x512x16xf32, #tpu.memory_space<vmem>>
      %dma_start3A_915 = tpu.memref_squeeze %dma_start3A_914 : memref<1x512x16xf32, #tpu.memory_space<vmem>> -> memref<512x16xf32, #tpu.memory_space<vmem>>
      %dma_start3A_916 = tpu.memref_slice %arg9[%mul3A_909] : memref<20480xi32, #tpu.memory_space<vmem>> -> memref<512xi32, #tpu.memory_space<vmem>>
      %dma_start3A_917 = arith.constant 0 : i32
      %dma_start3A_918 = arith.constant 0 : i32
      %dma_start3A_919 = tpu.memref_slice %arg18[%dma_start3A_917, %dma_start3A_918] : memref<10240x16xf32, #tpu.memory_space<vmem_shared>> -> memref<10240x16xf32, #tpu.memory_space<vmem_shared>>
      %dma_start3A_920 = tpu.memref_slice %arg21[%dma_start3A_911] : memref<4x!tpu.dma_semaphore, #tpu.memory_space<semaphore_mem>> -> memref<1x!tpu.dma_semaphore, #tpu.memory_space<semaphore_mem>>
      %dma_start3A_921 = tpu.memref_squeeze %dma_start3A_920 : memref<1x!tpu.dma_semaphore, #tpu.memory_space<semaphore_mem>> -> memref<!tpu.dma_semaphore, #tpu.memory_space<semaphore_mem>>
      tpu.enqueue_indirect_dma source(%dma_start3A_915 : memref<512x16xf32, #tpu.memory_space<vmem>>) target(%dma_start3A_919 : memref<10240x16xf32, #tpu.memory_space<vmem_shared>>) offsets(%dma_start3A_916 : memref<512xi32, #tpu.memory_space<vmem>>) semaphore(%dma_start3A_921 : memref<!tpu.dma_semaphore, #tpu.memory_space<semaphore_mem>>) {add = true}
      %mul3A_922 = arith.constant 4 : i32
      %mul3A_923 = arith.muli %scan3A_798, %mul3A_922 : i32
      %add3A_924 = arith.constant 4 : i32
      %add3A_925 = arith.addi %add3A_924, %mul3A_923 : i32
      %add3A_926 = arith.constant 2 : i32
      %add3A_927 = arith.addi %add3A_925, %add3A_926 : i32
      %dma_wait3A_928 = arith.constant 2 : i32
      %dma_wait3A_929 = arith.constant 2 : i32
      %dma_wait3A_930 = arith.constant 0 : i32
      %dma_wait3A_931 = arith.constant 0 : i32
      %dma_wait3A_932 = tpu.memref_slice %arg12[%dma_wait3A_928, %dma_wait3A_930, %dma_wait3A_931] : memref<4x512x16xf32, #tpu.memory_space<vmem>> -> memref<1x512x16xf32, #tpu.memory_space<vmem>>
      %dma_wait3A_933 = tpu.memref_squeeze %dma_wait3A_932 : memref<1x512x16xf32, #tpu.memory_space<vmem>> -> memref<512x16xf32, #tpu.memory_space<vmem>>
      %dma_wait3A_934 = arith.constant 0 : i32
      %dma_wait3A_935 = tpu.memref_slice %arg9[%dma_wait3A_934] : memref<20480xi32, #tpu.memory_space<vmem>> -> memref<512xi32, #tpu.memory_space<vmem>>
      %dma_wait3A_936 = arith.constant 0 : i32
      %dma_wait3A_937 = arith.constant 0 : i32
      %dma_wait3A_938 = tpu.memref_slice %arg18[%dma_wait3A_936, %dma_wait3A_937] : memref<10240x16xf32, #tpu.memory_space<vmem_shared>> -> memref<10240x16xf32, #tpu.memory_space<vmem_shared>>
      %dma_wait3A_939 = tpu.memref_slice %arg21[%dma_wait3A_929] : memref<4x!tpu.dma_semaphore, #tpu.memory_space<semaphore_mem>> -> memref<1x!tpu.dma_semaphore, #tpu.memory_space<semaphore_mem>>
      %dma_wait3A_940 = tpu.memref_squeeze %dma_wait3A_939 : memref<1x!tpu.dma_semaphore, #tpu.memory_space<semaphore_mem>> -> memref<!tpu.dma_semaphore, #tpu.memory_space<semaphore_mem>>
      tpu.wait_indirect_dma semaphore(%dma_wait3A_940 : memref<!tpu.dma_semaphore, #tpu.memory_space<semaphore_mem>>) src(%dma_wait3A_933 : memref<512x16xf32, #tpu.memory_space<vmem>>) dst(%dma_wait3A_938 : memref<10240x16xf32, #tpu.memory_space<vmem_shared>>)
      %mul3A_941 = arith.constant 512 : i32
      %mul3A_942 = arith.muli %add3A_927, %mul3A_941 : i32
      %dma_start3A_943 = arith.constant 2 : i32
      %dma_start3A_944 = arith.constant 2 : i32
      %dma_start3A_945 = arith.constant 0 : i32
      %dma_start3A_946 = arith.constant 0 : i32
      %dma_start3A_947 = tpu.memref_slice %arg12[%dma_start3A_943, %dma_start3A_945, %dma_start3A_946] : memref<4x512x16xf32, #tpu.memory_space<vmem>> -> memref<1x512x16xf32, #tpu.memory_space<vmem>>
      %dma_start3A_948 = tpu.memref_squeeze %dma_start3A_947 : memref<1x512x16xf32, #tpu.memory_space<vmem>> -> memref<512x16xf32, #tpu.memory_space<vmem>>
      %dma_start3A_949 = tpu.memref_slice %arg8[%mul3A_942] : memref<20480xi32, #tpu.memory_space<vmem>> -> memref<512xi32, #tpu.memory_space<vmem>>
      %dma_start3A_950 = arith.constant 0 : i32
      %dma_start3A_951 = arith.constant 0 : i32
      %dma_start3A_952 = tpu.memref_slice %arg17[%dma_start3A_950, %dma_start3A_951] : memref<10240x16xf32, #tpu.memory_space<vmem_shared>> -> memref<10240x16xf32, #tpu.memory_space<vmem_shared>>
      %dma_start3A_953 = tpu.memref_slice %arg20[%dma_start3A_944] : memref<4x!tpu.dma_semaphore, #tpu.memory_space<semaphore_mem>> -> memref<1x!tpu.dma_semaphore, #tpu.memory_space<semaphore_mem>>
      %dma_start3A_954 = tpu.memref_squeeze %dma_start3A_953 : memref<1x!tpu.dma_semaphore, #tpu.memory_space<semaphore_mem>> -> memref<!tpu.dma_semaphore, #tpu.memory_space<semaphore_mem>>
      tpu.enqueue_indirect_dma source(%dma_start3A_952 : memref<10240x16xf32, #tpu.memory_space<vmem_shared>>) target(%dma_start3A_948 : memref<512x16xf32, #tpu.memory_space<vmem>>) offsets(%dma_start3A_949 : memref<512xi32, #tpu.memory_space<vmem>>) semaphore(%dma_start3A_954 : memref<!tpu.dma_semaphore, #tpu.memory_space<semaphore_mem>>)
      %dma_wait3A_955 = arith.constant 1 : i32
      %dma_wait3A_956 = arith.constant 1 : i32
      %dma_wait3A_957 = arith.constant 0 : i32
      %dma_wait3A_958 = arith.constant 0 : i32
      %dma_wait3A_959 = tpu.memref_slice %arg12[%dma_wait3A_955, %dma_wait3A_957, %dma_wait3A_958] : memref<4x512x16xf32, #tpu.memory_space<vmem>> -> memref<1x512x16xf32, #tpu.memory_space<vmem>>
      %dma_wait3A_960 = tpu.memref_squeeze %dma_wait3A_959 : memref<1x512x16xf32, #tpu.memory_space<vmem>> -> memref<512x16xf32, #tpu.memory_space<vmem>>
      %dma_wait3A_961 = arith.constant 0 : i32
      %dma_wait3A_962 = tpu.memref_slice %arg8[%dma_wait3A_961] : memref<20480xi32, #tpu.memory_space<vmem>> -> memref<512xi32, #tpu.memory_space<vmem>>
      %dma_wait3A_963 = arith.constant 0 : i32
      %dma_wait3A_964 = arith.constant 0 : i32
      %dma_wait3A_965 = tpu.memref_slice %arg17[%dma_wait3A_963, %dma_wait3A_964] : memref<10240x16xf32, #tpu.memory_space<vmem_shared>> -> memref<10240x16xf32, #tpu.memory_space<vmem_shared>>
      %dma_wait3A_966 = tpu.memref_slice %arg20[%dma_wait3A_956] : memref<4x!tpu.dma_semaphore, #tpu.memory_space<semaphore_mem>> -> memref<1x!tpu.dma_semaphore, #tpu.memory_space<semaphore_mem>>
      %dma_wait3A_967 = tpu.memref_squeeze %dma_wait3A_966 : memref<1x!tpu.dma_semaphore, #tpu.memory_space<semaphore_mem>> -> memref<!tpu.dma_semaphore, #tpu.memory_space<semaphore_mem>>
      tpu.wait_indirect_dma semaphore(%dma_wait3A_967 : memref<!tpu.dma_semaphore, #tpu.memory_space<semaphore_mem>>) src(%dma_wait3A_965 : memref<10240x16xf32, #tpu.memory_space<vmem_shared>>) dst(%dma_wait3A_960 : memref<512x16xf32, #tpu.memory_space<vmem>>)
      %sub3A_968 = arith.constant 1 : i32
      %sub3A_969 = arith.subi %add3A_927, %sub3A_968 : i32
      %mul3A_970 = arith.constant 512 : i32
      %mul3A_971 = arith.muli %sub3A_969, %mul3A_970 : i32
      %dma_start3A_972 = arith.constant 1 : i32
      %dma_start3A_973 = arith.constant 1 : i32
      %dma_start3A_974 = arith.constant 0 : i32
      %dma_start3A_975 = arith.constant 0 : i32
      %dma_start3A_976 = tpu.memref_slice %arg12[%dma_start3A_972, %dma_start3A_974, %dma_start3A_975] : memref<4x512x16xf32, #tpu.memory_space<vmem>> -> memref<1x512x16xf32, #tpu.memory_space<vmem>>
      %dma_start3A_977 = tpu.memref_squeeze %dma_start3A_976 : memref<1x512x16xf32, #tpu.memory_space<vmem>> -> memref<512x16xf32, #tpu.memory_space<vmem>>
      %dma_start3A_978 = tpu.memref_slice %arg9[%mul3A_971] : memref<20480xi32, #tpu.memory_space<vmem>> -> memref<512xi32, #tpu.memory_space<vmem>>
      %dma_start3A_979 = arith.constant 0 : i32
      %dma_start3A_980 = arith.constant 0 : i32
      %dma_start3A_981 = tpu.memref_slice %arg18[%dma_start3A_979, %dma_start3A_980] : memref<10240x16xf32, #tpu.memory_space<vmem_shared>> -> memref<10240x16xf32, #tpu.memory_space<vmem_shared>>
      %dma_start3A_982 = tpu.memref_slice %arg21[%dma_start3A_973] : memref<4x!tpu.dma_semaphore, #tpu.memory_space<semaphore_mem>> -> memref<1x!tpu.dma_semaphore, #tpu.memory_space<semaphore_mem>>
      %dma_start3A_983 = tpu.memref_squeeze %dma_start3A_982 : memref<1x!tpu.dma_semaphore, #tpu.memory_space<semaphore_mem>> -> memref<!tpu.dma_semaphore, #tpu.memory_space<semaphore_mem>>
      tpu.enqueue_indirect_dma source(%dma_start3A_977 : memref<512x16xf32, #tpu.memory_space<vmem>>) target(%dma_start3A_981 : memref<10240x16xf32, #tpu.memory_space<vmem_shared>>) offsets(%dma_start3A_978 : memref<512xi32, #tpu.memory_space<vmem>>) semaphore(%dma_start3A_983 : memref<!tpu.dma_semaphore, #tpu.memory_space<semaphore_mem>>) {add = true}
      %mul3A_984 = arith.constant 4 : i32
      %mul3A_985 = arith.muli %scan3A_798, %mul3A_984 : i32
      %add3A_986 = arith.constant 4 : i32
      %add3A_987 = arith.addi %add3A_986, %mul3A_985 : i32
      %add3A_988 = arith.constant 3 : i32
      %add3A_989 = arith.addi %add3A_987, %add3A_988 : i32
      %dma_wait3A_990 = arith.constant 3 : i32
      %dma_wait3A_991 = arith.constant 3 : i32
      %dma_wait3A_992 = arith.constant 0 : i32
      %dma_wait3A_993 = arith.constant 0 : i32
      %dma_wait3A_994 = tpu.memref_slice %arg12[%dma_wait3A_990, %dma_wait3A_992, %dma_wait3A_993] : memref<4x512x16xf32, #tpu.memory_space<vmem>> -> memref<1x512x16xf32, #tpu.memory_space<vmem>>
      %dma_wait3A_995 = tpu.memref_squeeze %dma_wait3A_994 : memref<1x512x16xf32, #tpu.memory_space<vmem>> -> memref<512x16xf32, #tpu.memory_space<vmem>>
      %dma_wait3A_996 = arith.constant 0 : i32
      %dma_wait3A_997 = tpu.memref_slice %arg9[%dma_wait3A_996] : memref<20480xi32, #tpu.memory_space<vmem>> -> memref<512xi32, #tpu.memory_space<vmem>>
      %dma_wait3A_998 = arith.constant 0 : i32
      %dma_wait3A_999 = arith.constant 0 : i32
      %dma_wait3A_1000 = tpu.memref_slice %arg18[%dma_wait3A_998, %dma_wait3A_999] : memref<10240x16xf32, #tpu.memory_space<vmem_shared>> -> memref<10240x16xf32, #tpu.memory_space<vmem_shared>>
      %dma_wait3A_1001 = tpu.memref_slice %arg21[%dma_wait3A_991] : memref<4x!tpu.dma_semaphore, #tpu.memory_space<semaphore_mem>> -> memref<1x!tpu.dma_semaphore, #tpu.memory_space<semaphore_mem>>
      %dma_wait3A_1002 = tpu.memref_squeeze %dma_wait3A_1001 : memref<1x!tpu.dma_semaphore, #tpu.memory_space<semaphore_mem>> -> memref<!tpu.dma_semaphore, #tpu.memory_space<semaphore_mem>>
      tpu.wait_indirect_dma semaphore(%dma_wait3A_1002 : memref<!tpu.dma_semaphore, #tpu.memory_space<semaphore_mem>>) src(%dma_wait3A_995 : memref<512x16xf32, #tpu.memory_space<vmem>>) dst(%dma_wait3A_1000 : memref<10240x16xf32, #tpu.memory_space<vmem_shared>>)
      %mul3A_1003 = arith.constant 512 : i32
      %mul3A_1004 = arith.muli %add3A_989, %mul3A_1003 : i32
      %dma_start3A_1005 = arith.constant 3 : i32
      %dma_start3A_1006 = arith.constant 3 : i32
      %dma_start3A_1007 = arith.constant 0 : i32
      %dma_start3A_1008 = arith.constant 0 : i32
      %dma_start3A_1009 = tpu.memref_slice %arg12[%dma_start3A_1005, %dma_start3A_1007, %dma_start3A_1008] : memref<4x512x16xf32, #tpu.memory_space<vmem>> -> memref<1x512x16xf32, #tpu.memory_space<vmem>>
      %dma_start3A_1010 = tpu.memref_squeeze %dma_start3A_1009 : memref<1x512x16xf32, #tpu.memory_space<vmem>> -> memref<512x16xf32, #tpu.memory_space<vmem>>
      %dma_start3A_1011 = tpu.memref_slice %arg8[%mul3A_1004] : memref<20480xi32, #tpu.memory_space<vmem>> -> memref<512xi32, #tpu.memory_space<vmem>>
      %dma_start3A_1012 = arith.constant 0 : i32
      %dma_start3A_1013 = arith.constant 0 : i32
      %dma_start3A_1014 = tpu.memref_slice %arg17[%dma_start3A_1012, %dma_start3A_1013] : memref<10240x16xf32, #tpu.memory_space<vmem_shared>> -> memref<10240x16xf32, #tpu.memory_space<vmem_shared>>
      %dma_start3A_1015 = tpu.memref_slice %arg20[%dma_start3A_1006] : memref<4x!tpu.dma_semaphore, #tpu.memory_space<semaphore_mem>> -> memref<1x!tpu.dma_semaphore, #tpu.memory_space<semaphore_mem>>
      %dma_start3A_1016 = tpu.memref_squeeze %dma_start3A_1015 : memref<1x!tpu.dma_semaphore, #tpu.memory_space<semaphore_mem>> -> memref<!tpu.dma_semaphore, #tpu.memory_space<semaphore_mem>>
      tpu.enqueue_indirect_dma source(%dma_start3A_1014 : memref<10240x16xf32, #tpu.memory_space<vmem_shared>>) target(%dma_start3A_1010 : memref<512x16xf32, #tpu.memory_space<vmem>>) offsets(%dma_start3A_1011 : memref<512xi32, #tpu.memory_space<vmem>>) semaphore(%dma_start3A_1016 : memref<!tpu.dma_semaphore, #tpu.memory_space<semaphore_mem>>)
      %dma_wait3A_1017 = arith.constant 2 : i32
      %dma_wait3A_1018 = arith.constant 2 : i32
      %dma_wait3A_1019 = arith.constant 0 : i32
      %dma_wait3A_1020 = arith.constant 0 : i32
      %dma_wait3A_1021 = tpu.memref_slice %arg12[%dma_wait3A_1017, %dma_wait3A_1019, %dma_wait3A_1020] : memref<4x512x16xf32, #tpu.memory_space<vmem>> -> memref<1x512x16xf32, #tpu.memory_space<vmem>>
      %dma_wait3A_1022 = tpu.memref_squeeze %dma_wait3A_1021 : memref<1x512x16xf32, #tpu.memory_space<vmem>> -> memref<512x16xf32, #tpu.memory_space<vmem>>
      %dma_wait3A_1023 = arith.constant 0 : i32
      %dma_wait3A_1024 = tpu.memref_slice %arg8[%dma_wait3A_1023] : memref<20480xi32, #tpu.memory_space<vmem>> -> memref<512xi32, #tpu.memory_space<vmem>>
      %dma_wait3A_1025 = arith.constant 0 : i32
      %dma_wait3A_1026 = arith.constant 0 : i32
      %dma_wait3A_1027 = tpu.memref_slice %arg17[%dma_wait3A_1025, %dma_wait3A_1026] : memref<10240x16xf32, #tpu.memory_space<vmem_shared>> -> memref<10240x16xf32, #tpu.memory_space<vmem_shared>>
      %dma_wait3A_1028 = tpu.memref_slice %arg20[%dma_wait3A_1018] : memref<4x!tpu.dma_semaphore, #tpu.memory_space<semaphore_mem>> -> memref<1x!tpu.dma_semaphore, #tpu.memory_space<semaphore_mem>>
      %dma_wait3A_1029 = tpu.memref_squeeze %dma_wait3A_1028 : memref<1x!tpu.dma_semaphore, #tpu.memory_space<semaphore_mem>> -> memref<!tpu.dma_semaphore, #tpu.memory_space<semaphore_mem>>
      tpu.wait_indirect_dma semaphore(%dma_wait3A_1029 : memref<!tpu.dma_semaphore, #tpu.memory_space<semaphore_mem>>) src(%dma_wait3A_1027 : memref<10240x16xf32, #tpu.memory_space<vmem_shared>>) dst(%dma_wait3A_1022 : memref<512x16xf32, #tpu.memory_space<vmem>>)
      %sub3A_1030 = arith.constant 1 : i32
      %sub3A_1031 = arith.subi %add3A_989, %sub3A_1030 : i32
      %mul3A_1032 = arith.constant 512 : i32
      %mul3A_1033 = arith.muli %sub3A_1031, %mul3A_1032 : i32
      %dma_start3A_1034 = arith.constant 2 : i32
      %dma_start3A_1035 = arith.constant 2 : i32
      %dma_start3A_1036 = arith.constant 0 : i32
      %dma_start3A_1037 = arith.constant 0 : i32
      %dma_start3A_1038 = tpu.memref_slice %arg12[%dma_start3A_1034, %dma_start3A_1036, %dma_start3A_1037] : memref<4x512x16xf32, #tpu.memory_space<vmem>> -> memref<1x512x16xf32, #tpu.memory_space<vmem>>
      %dma_start3A_1039 = tpu.memref_squeeze %dma_start3A_1038 : memref<1x512x16xf32, #tpu.memory_space<vmem>> -> memref<512x16xf32, #tpu.memory_space<vmem>>
      %dma_start3A_1040 = tpu.memref_slice %arg9[%mul3A_1033] : memref<20480xi32, #tpu.memory_space<vmem>> -> memref<512xi32, #tpu.memory_space<vmem>>
      %dma_start3A_1041 = arith.constant 0 : i32
      %dma_start3A_1042 = arith.constant 0 : i32
      %dma_start3A_1043 = tpu.memref_slice %arg18[%dma_start3A_1041, %dma_start3A_1042] : memref<10240x16xf32, #tpu.memory_space<vmem_shared>> -> memref<10240x16xf32, #tpu.memory_space<vmem_shared>>
      %dma_start3A_1044 = tpu.memref_slice %arg21[%dma_start3A_1035] : memref<4x!tpu.dma_semaphore, #tpu.memory_space<semaphore_mem>> -> memref<1x!tpu.dma_semaphore, #tpu.memory_space<semaphore_mem>>
      %dma_start3A_1045 = tpu.memref_squeeze %dma_start3A_1044 : memref<1x!tpu.dma_semaphore, #tpu.memory_space<semaphore_mem>> -> memref<!tpu.dma_semaphore, #tpu.memory_space<semaphore_mem>>
      tpu.enqueue_indirect_dma source(%dma_start3A_1039 : memref<512x16xf32, #tpu.memory_space<vmem>>) target(%dma_start3A_1043 : memref<10240x16xf32, #tpu.memory_space<vmem_shared>>) offsets(%dma_start3A_1040 : memref<512xi32, #tpu.memory_space<vmem>>) semaphore(%dma_start3A_1045 : memref<!tpu.dma_semaphore, #tpu.memory_space<semaphore_mem>>) {add = true}
    }
    %scan3A_491 = arith.constant 9 : i32
    %dma_wait3A_492 = arith.constant 3 : i32
    %dma_wait3A_493 = arith.constant 3 : i32
    %dma_wait3A_494 = arith.constant 0 : i32
    %dma_wait3A_495 = arith.constant 0 : i32
    %dma_wait3A_496 = tpu.memref_slice %arg12[%dma_wait3A_492, %dma_wait3A_494, %dma_wait3A_495] : memref<4x512x16xf32, #tpu.memory_space<vmem>> -> memref<1x512x16xf32, #tpu.memory_space<vmem>>
    %dma_wait3A_497 = tpu.memref_squeeze %dma_wait3A_496 : memref<1x512x16xf32, #tpu.memory_space<vmem>> -> memref<512x16xf32, #tpu.memory_space<vmem>>
    %dma_wait3A_498 = arith.constant 0 : i32
    %dma_wait3A_499 = tpu.memref_slice %arg8[%dma_wait3A_498] : memref<20480xi32, #tpu.memory_space<vmem>> -> memref<512xi32, #tpu.memory_space<vmem>>
    %dma_wait3A_500 = arith.constant 0 : i32
    %dma_wait3A_501 = arith.constant 0 : i32
    %dma_wait3A_502 = tpu.memref_slice %arg17[%dma_wait3A_500, %dma_wait3A_501] : memref<10240x16xf32, #tpu.memory_space<vmem_shared>> -> memref<10240x16xf32, #tpu.memory_space<vmem_shared>>
    %dma_wait3A_503 = tpu.memref_slice %arg20[%dma_wait3A_493] : memref<4x!tpu.dma_semaphore, #tpu.memory_space<semaphore_mem>> -> memref<1x!tpu.dma_semaphore, #tpu.memory_space<semaphore_mem>>
    %dma_wait3A_504 = tpu.memref_squeeze %dma_wait3A_503 : memref<1x!tpu.dma_semaphore, #tpu.memory_space<semaphore_mem>> -> memref<!tpu.dma_semaphore, #tpu.memory_space<semaphore_mem>>
    tpu.wait_indirect_dma semaphore(%dma_wait3A_504 : memref<!tpu.dma_semaphore, #tpu.memory_space<semaphore_mem>>) src(%dma_wait3A_502 : memref<10240x16xf32, #tpu.memory_space<vmem_shared>>) dst(%dma_wait3A_497 : memref<512x16xf32, #tpu.memory_space<vmem>>)
    %dma_start3A_505 = arith.constant 3 : i32
    %dma_start3A_506 = arith.constant 3 : i32
    %dma_start3A_507 = arith.constant 0 : i32
    %dma_start3A_508 = arith.constant 0 : i32
    %dma_start3A_509 = tpu.memref_slice %arg12[%dma_start3A_505, %dma_start3A_507, %dma_start3A_508] : memref<4x512x16xf32, #tpu.memory_space<vmem>> -> memref<1x512x16xf32, #tpu.memory_space<vmem>>
    %dma_start3A_510 = tpu.memref_squeeze %dma_start3A_509 : memref<1x512x16xf32, #tpu.memory_space<vmem>> -> memref<512x16xf32, #tpu.memory_space<vmem>>
    %dma_start3A_511 = arith.constant 19968 : i32
    %dma_start3A_512 = tpu.memref_slice %arg9[%dma_start3A_511] : memref<20480xi32, #tpu.memory_space<vmem>> -> memref<512xi32, #tpu.memory_space<vmem>>
    %dma_start3A_513 = arith.constant 0 : i32
    %dma_start3A_514 = arith.constant 0 : i32
    %dma_start3A_515 = tpu.memref_slice %arg18[%dma_start3A_513, %dma_start3A_514] : memref<10240x16xf32, #tpu.memory_space<vmem_shared>> -> memref<10240x16xf32, #tpu.memory_space<vmem_shared>>
    %dma_start3A_516 = tpu.memref_slice %arg21[%dma_start3A_506] : memref<4x!tpu.dma_semaphore, #tpu.memory_space<semaphore_mem>> -> memref<1x!tpu.dma_semaphore, #tpu.memory_space<semaphore_mem>>
    %dma_start3A_517 = tpu.memref_squeeze %dma_start3A_516 : memref<1x!tpu.dma_semaphore, #tpu.memory_space<semaphore_mem>> -> memref<!tpu.dma_semaphore, #tpu.memory_space<semaphore_mem>>
    tpu.enqueue_indirect_dma source(%dma_start3A_510 : memref<512x16xf32, #tpu.memory_space<vmem>>) target(%dma_start3A_515 : memref<10240x16xf32, #tpu.memory_space<vmem_shared>>) offsets(%dma_start3A_512 : memref<512xi32, #tpu.memory_space<vmem>>) semaphore(%dma_start3A_517 : memref<!tpu.dma_semaphore, #tpu.memory_space<semaphore_mem>>) {add = true}
    %dma_wait3A_518 = arith.constant 0 : i32
    %dma_wait3A_519 = arith.constant 0 : i32
    %dma_wait3A_520 = arith.constant 0 : i32
    %dma_wait3A_521 = arith.constant 0 : i32
    %dma_wait3A_522 = tpu.memref_slice %arg12[%dma_wait3A_518, %dma_wait3A_520, %dma_wait3A_521] : memref<4x512x16xf32, #tpu.memory_space<vmem>> -> memref<1x512x16xf32, #tpu.memory_space<vmem>>
    %dma_wait3A_523 = tpu.memref_squeeze %dma_wait3A_522 : memref<1x512x16xf32, #tpu.memory_space<vmem>> -> memref<512x16xf32, #tpu.memory_space<vmem>>
    %dma_wait3A_524 = arith.constant 0 : i32
    %dma_wait3A_525 = tpu.memref_slice %arg9[%dma_wait3A_524] : memref<20480xi32, #tpu.memory_space<vmem>> -> memref<512xi32, #tpu.memory_space<vmem>>
    %dma_wait3A_526 = arith.constant 0 : i32
    %dma_wait3A_527 = arith.constant 0 : i32
    %dma_wait3A_528 = tpu.memref_slice %arg18[%dma_wait3A_526, %dma_wait3A_527] : memref<10240x16xf32, #tpu.memory_space<vmem_shared>> -> memref<10240x16xf32, #tpu.memory_space<vmem_shared>>
    %dma_wait3A_529 = tpu.memref_slice %arg21[%dma_wait3A_519] : memref<4x!tpu.dma_semaphore, #tpu.memory_space<semaphore_mem>> -> memref<1x!tpu.dma_semaphore, #tpu.memory_space<semaphore_mem>>
    %dma_wait3A_530 = tpu.memref_squeeze %dma_wait3A_529 : memref<1x!tpu.dma_semaphore, #tpu.memory_space<semaphore_mem>> -> memref<!tpu.dma_semaphore, #tpu.memory_space<semaphore_mem>>
    tpu.wait_indirect_dma semaphore(%dma_wait3A_530 : memref<!tpu.dma_semaphore, #tpu.memory_space<semaphore_mem>>) src(%dma_wait3A_523 : memref<512x16xf32, #tpu.memory_space<vmem>>) dst(%dma_wait3A_528 : memref<10240x16xf32, #tpu.memory_space<vmem_shared>>)
    %dma_wait3A_531 = arith.constant 1 : i32
    %dma_wait3A_532 = arith.constant 1 : i32
    %dma_wait3A_533 = arith.constant 0 : i32
    %dma_wait3A_534 = arith.constant 0 : i32
    %dma_wait3A_535 = tpu.memref_slice %arg12[%dma_wait3A_531, %dma_wait3A_533, %dma_wait3A_534] : memref<4x512x16xf32, #tpu.memory_space<vmem>> -> memref<1x512x16xf32, #tpu.memory_space<vmem>>
    %dma_wait3A_536 = tpu.memref_squeeze %dma_wait3A_535 : memref<1x512x16xf32, #tpu.memory_space<vmem>> -> memref<512x16xf32, #tpu.memory_space<vmem>>
    %dma_wait3A_537 = arith.constant 0 : i32
    %dma_wait3A_538 = tpu.memref_slice %arg9[%dma_wait3A_537] : memref<20480xi32, #tpu.memory_space<vmem>> -> memref<512xi32, #tpu.memory_space<vmem>>
    %dma_wait3A_539 = arith.constant 0 : i32
    %dma_wait3A_540 = arith.constant 0 : i32
    %dma_wait3A_541 = tpu.memref_slice %arg18[%dma_wait3A_539, %dma_wait3A_540] : memref<10240x16xf32, #tpu.memory_space<vmem_shared>> -> memref<10240x16xf32, #tpu.memory_space<vmem_shared>>
    %dma_wait3A_542 = tpu.memref_slice %arg21[%dma_wait3A_532] : memref<4x!tpu.dma_semaphore, #tpu.memory_space<semaphore_mem>> -> memref<1x!tpu.dma_semaphore, #tpu.memory_space<semaphore_mem>>
    %dma_wait3A_543 = tpu.memref_squeeze %dma_wait3A_542 : memref<1x!tpu.dma_semaphore, #tpu.memory_space<semaphore_mem>> -> memref<!tpu.dma_semaphore, #tpu.memory_space<semaphore_mem>>
    tpu.wait_indirect_dma semaphore(%dma_wait3A_543 : memref<!tpu.dma_semaphore, #tpu.memory_space<semaphore_mem>>) src(%dma_wait3A_536 : memref<512x16xf32, #tpu.memory_space<vmem>>) dst(%dma_wait3A_541 : memref<10240x16xf32, #tpu.memory_space<vmem_shared>>)
    %dma_wait3A_544 = arith.constant 2 : i32
    %dma_wait3A_545 = arith.constant 2 : i32
    %dma_wait3A_546 = arith.constant 0 : i32
    %dma_wait3A_547 = arith.constant 0 : i32
    %dma_wait3A_548 = tpu.memref_slice %arg12[%dma_wait3A_544, %dma_wait3A_546, %dma_wait3A_547] : memref<4x512x16xf32, #tpu.memory_space<vmem>> -> memref<1x512x16xf32, #tpu.memory_space<vmem>>
    %dma_wait3A_549 = tpu.memref_squeeze %dma_wait3A_548 : memref<1x512x16xf32, #tpu.memory_space<vmem>> -> memref<512x16xf32, #tpu.memory_space<vmem>>
    %dma_wait3A_550 = arith.constant 0 : i32
    %dma_wait3A_551 = tpu.memref_slice %arg9[%dma_wait3A_550] : memref<20480xi32, #tpu.memory_space<vmem>> -> memref<512xi32, #tpu.memory_space<vmem>>
    %dma_wait3A_552 = arith.constant 0 : i32
    %dma_wait3A_553 = arith.constant 0 : i32
    %dma_wait3A_554 = tpu.memref_slice %arg18[%dma_wait3A_552, %dma_wait3A_553] : memref<10240x16xf32, #tpu.memory_space<vmem_shared>> -> memref<10240x16xf32, #tpu.memory_space<vmem_shared>>
    %dma_wait3A_555 = tpu.memref_slice %arg21[%dma_wait3A_545] : memref<4x!tpu.dma_semaphore, #tpu.memory_space<semaphore_mem>> -> memref<1x!tpu.dma_semaphore, #tpu.memory_space<semaphore_mem>>
    %dma_wait3A_556 = tpu.memref_squeeze %dma_wait3A_555 : memref<1x!tpu.dma_semaphore, #tpu.memory_space<semaphore_mem>> -> memref<!tpu.dma_semaphore, #tpu.memory_space<semaphore_mem>>
    tpu.wait_indirect_dma semaphore(%dma_wait3A_556 : memref<!tpu.dma_semaphore, #tpu.memory_space<semaphore_mem>>) src(%dma_wait3A_549 : memref<512x16xf32, #tpu.memory_space<vmem>>) dst(%dma_wait3A_554 : memref<10240x16xf32, #tpu.memory_space<vmem_shared>>)
    %dma_wait3A_557 = arith.constant 3 : i32
    %dma_wait3A_558 = arith.constant 3 : i32
    %dma_wait3A_559 = arith.constant 0 : i32
    %dma_wait3A_560 = arith.constant 0 : i32
    %dma_wait3A_561 = tpu.memref_slice %arg12[%dma_wait3A_557, %dma_wait3A_559, %dma_wait3A_560] : memref<4x512x16xf32, #tpu.memory_space<vmem>> -> memref<1x512x16xf32, #tpu.memory_space<vmem>>
    %dma_wait3A_562 = tpu.memref_squeeze %dma_wait3A_561 : memref<1x512x16xf32, #tpu.memory_space<vmem>> -> memref<512x16xf32, #tpu.memory_space<vmem>>
    %dma_wait3A_563 = arith.constant 0 : i32
    %dma_wait3A_564 = tpu.memref_slice %arg9[%dma_wait3A_563] : memref<20480xi32, #tpu.memory_space<vmem>> -> memref<512xi32, #tpu.memory_space<vmem>>
    %dma_wait3A_565 = arith.constant 0 : i32
    %dma_wait3A_566 = arith.constant 0 : i32
    %dma_wait3A_567 = tpu.memref_slice %arg18[%dma_wait3A_565, %dma_wait3A_566] : memref<10240x16xf32, #tpu.memory_space<vmem_shared>> -> memref<10240x16xf32, #tpu.memory_space<vmem_shared>>
    %dma_wait3A_568 = tpu.memref_slice %arg21[%dma_wait3A_558] : memref<4x!tpu.dma_semaphore, #tpu.memory_space<semaphore_mem>> -> memref<1x!tpu.dma_semaphore, #tpu.memory_space<semaphore_mem>>
    %dma_wait3A_569 = tpu.memref_squeeze %dma_wait3A_568 : memref<1x!tpu.dma_semaphore, #tpu.memory_space<semaphore_mem>> -> memref<!tpu.dma_semaphore, #tpu.memory_space<semaphore_mem>>
    tpu.wait_indirect_dma semaphore(%dma_wait3A_569 : memref<!tpu.dma_semaphore, #tpu.memory_space<semaphore_mem>>) src(%dma_wait3A_562 : memref<512x16xf32, #tpu.memory_space<vmem>>) dst(%dma_wait3A_567 : memref<10240x16xf32, #tpu.memory_space<vmem_shared>>)
    %barrier3A_570 = arith.constant 0 : index
    tpu.barrier barrier_id(%barrier3A_570)
    "tpu.region"() ({
      %run_scoped3A_798 = tpu.sem_alloc : memref<!tpu.dma_semaphore, #tpu.memory_space<semaphore_mem>>
      %dma_start3A_799 = arith.constant 0 : i32
      %dma_start3A_800 = tpu.memref_slice %arg18[%mul3A_0, %dma_start3A_799] : memref<10240x16xf32, #tpu.memory_space<vmem_shared>> -> memref<640x16xf32, #tpu.memory_space<vmem_shared>>
      %dma_start3A_801 = arith.constant 0 : i32
      %dma_start3A_802 = tpu.memref_slice %arg18[%mul3A_0, %dma_start3A_801] : memref<10240x16xf32, #tpu.memory_space<vmem_shared>> -> memref<640x16xf32, #tpu.memory_space<vmem_shared>>
      tpu.enqueue_dma source(%dma_start3A_802 : memref<640x16xf32, #tpu.memory_space<vmem_shared>>) target(%arg10 : memref<640x16xf32, #tpu.memory_space<vmem>>) target_semaphore(%run_scoped3A_798 : memref<!tpu.dma_semaphore, #tpu.memory_space<semaphore_mem>>)
      %dma_wait3A_803 = arith.constant 0 : i32
      %dma_wait3A_804 = tpu.memref_slice %arg18[%mul3A_0, %dma_wait3A_803] : memref<10240x16xf32, #tpu.memory_space<vmem_shared>> -> memref<640x16xf32, #tpu.memory_space<vmem_shared>>
      %dma_wait3A_805 = arith.constant 0 : i32
      %dma_wait3A_806 = tpu.memref_slice %arg18[%mul3A_0, %dma_wait3A_805] : memref<10240x16xf32, #tpu.memory_space<vmem_shared>> -> memref<640x16xf32, #tpu.memory_space<vmem_shared>>
      tpu.wait_dma2 semaphore(%run_scoped3A_798 : memref<!tpu.dma_semaphore, #tpu.memory_space<semaphore_mem>>) src(%dma_wait3A_806 : memref<640x16xf32, #tpu.memory_space<vmem_shared>>) dst(%arg10 : memref<640x16xf32, #tpu.memory_space<vmem>>)
      tpu.yield
    }) : () -> ()
    %get3A = arith.constant 0 : index
    %get3A_571 = tpu.vector_load %arg16[%get3A] {strides = array<i32>} : memref<16xf32, #tpu.memory_space<vmem>>, vector<16xf32>,
    %get3A_572 = vector.shape_cast %get3A_571 : vector<16xf32> to vector<16xf32>
    %scan3A_573 = arith.constant 0 : i32
    %scan3A_574 = arith.constant 0 : i32
    %scan3A_575 = arith.constant 40 : i32
    %scan3A_576 = arith.addi %scan3A_574, %scan3A_575 : i32
    %scan3A_577 = arith.constant 1 : i32
    scf.for %scan3A_798 = %scan3A_574 to %scan3A_576 step %scan3A_577  : i32 {
      %mul3A_799 = arith.constant 16 : i32
      %mul3A_800 = arith.muli %scan3A_798, %mul3A_799 : i32
      %get3A_801 = arith.index_cast %mul3A_800 : i32 to index
      %get3A_802 = tpu.vector_load %arg14[%get3A_801] {strides = array<i32>} : memref<640xf32, #tpu.memory_space<vmem>>, vector<16xf32>,
      %get3A_803 = vector.shape_cast %get3A_802 : vector<16xf32> to vector<16xf32>
      %mul3A_804 = arith.constant 16 : i32
      %mul3A_805 = arith.muli %scan3A_798, %mul3A_804 : i32
      %get3A_806 = arith.index_cast %mul3A_805 : i32 to index
      %get3A_807 = tpu.vector_load %arg13[%get3A_806] {strides = array<i32>} : memref<640xf32, #tpu.memory_space<vmem>>, vector<16xf32>,
      %get3A_808 = vector.shape_cast %get3A_807 : vector<16xf32> to vector<16xf32>
      %mul3A_809 = arith.constant 16 : i32
      %mul3A_810 = arith.muli %scan3A_798, %mul3A_809 : i32
      %add3A_811 = arith.constant 0 : i32
      %add3A_812 = arith.addi %mul3A_810, %add3A_811 : i32
      %get3A_813 = arith.index_cast %add3A_812 : i32 to index
      %get3A_814 = arith.constant 0 : index
      %get3A_815 = tpu.vector_load %arg10[%get3A_813, %get3A_814] {strides = array<i32>} : memref<640x16xf32, #tpu.memory_space<vmem>>, vector<1x16xf32>,
      %get3A_816 = vector.shape_cast %get3A_815 : vector<1x16xf32> to vector<16xf32>
      %slice3A = vector.extract_strided_slice %get3A_803 {offsets = [0], sizes = [1], strides = [1]} : vector<16xf32> to vector<1xf32>
      %squeeze3A = vector.extract %slice3A[0] : f32 from vector<1xf32>
      %mul3A_817 = vector.broadcast %squeeze3A : f32 to vector<16xf32>
      %mul3A_818 = arith.mulf %get3A_816, %mul3A_817 : vector<16xf32>
      %add3A_819 = arith.addf %mul3A_818, %get3A_572 : vector<16xf32>
      %max3A = arith.constant 0.000000e+00 : f32
      %max3A_820 = vector.broadcast %max3A : f32 to vector<16xf32>
      %max3A_821 = arith.maximumf %add3A_819, %max3A_820 : vector<16xf32>
      %slice3A_822 = vector.extract_strided_slice %get3A_808 {offsets = [0], sizes = [1], strides = [1]} : vector<16xf32> to vector<1xf32>
      %squeeze3A_823 = vector.extract %slice3A_822[0] : f32 from vector<1xf32>
      %mul3A_824 = vector.broadcast %squeeze3A_823 : f32 to vector<16xf32>
      %mul3A_825 = arith.mulf %max3A_821, %mul3A_824 : vector<16xf32>
      %swap3A_826 = arith.index_cast %add3A_812 : i32 to index
      %swap3A_827 = arith.constant 0 : index
      %swap3A_828 = tpu.vector_load %arg10[%swap3A_826, %swap3A_827] {strides = array<i32>} : memref<640x16xf32, #tpu.memory_space<vmem>>, vector<1x16xf32>,
      %swap3A_829 = vector.shape_cast %swap3A_828 : vector<1x16xf32> to vector<16xf32>
      %swap3A_830 = vector.shape_cast %mul3A_825 : vector<16xf32> to vector<1x16xf32>
      tpu.vector_store %arg10[%swap3A_826, %swap3A_827], %swap3A_830 {strides = array<i32>} : memref<640x16xf32, #tpu.memory_space<vmem>>, vector<1x16xf32>,
      %mul3A_831 = arith.constant 16 : i32
      %mul3A_832 = arith.muli %scan3A_798, %mul3A_831 : i32
      %add3A_833 = arith.constant 1 : i32
      %add3A_834 = arith.addi %mul3A_832, %add3A_833 : i32
      %get3A_835 = arith.index_cast %add3A_834 : i32 to index
      %get3A_836 = arith.constant 0 : index
      %get3A_837 = tpu.vector_load %arg10[%get3A_835, %get3A_836] {strides = array<i32>} : memref<640x16xf32, #tpu.memory_space<vmem>>, vector<1x16xf32>,
      %get3A_838 = vector.shape_cast %get3A_837 : vector<1x16xf32> to vector<16xf32>
      %slice3A_839 = vector.extract_strided_slice %get3A_803 {offsets = [1], sizes = [1], strides = [1]} : vector<16xf32> to vector<1xf32>
      %squeeze3A_840 = vector.extract %slice3A_839[0] : f32 from vector<1xf32>
      %mul3A_841 = vector.broadcast %squeeze3A_840 : f32 to vector<16xf32>
      %mul3A_842 = arith.mulf %get3A_838, %mul3A_841 : vector<16xf32>
      %add3A_843 = arith.addf %mul3A_842, %get3A_572 : vector<16xf32>
      %max3A_844 = arith.constant 0.000000e+00 : f32
      %max3A_845 = vector.broadcast %max3A_844 : f32 to vector<16xf32>
      %max3A_846 = arith.maximumf %add3A_843, %max3A_845 : vector<16xf32>
      %slice3A_847 = vector.extract_strided_slice %get3A_808 {offsets = [1], sizes = [1], strides = [1]} : vector<16xf32> to vector<1xf32>
      %squeeze3A_848 = vector.extract %slice3A_847[0] : f32 from vector<1xf32>
      %mul3A_849 = vector.broadcast %squeeze3A_848 : f32 to vector<16xf32>
      %mul3A_850 = arith.mulf %max3A_846, %mul3A_849 : vector<16xf32>
      %swap3A_851 = arith.index_cast %add3A_834 : i32 to index
      %swap3A_852 = arith.constant 0 : index
      %swap3A_853 = tpu.vector_load %arg10[%swap3A_851, %swap3A_852] {strides = array<i32>} : memref<640x16xf32, #tpu.memory_space<vmem>>, vector<1x16xf32>,
      %swap3A_854 = vector.shape_cast %swap3A_853 : vector<1x16xf32> to vector<16xf32>
      %swap3A_855 = vector.shape_cast %mul3A_850 : vector<16xf32> to vector<1x16xf32>
      tpu.vector_store %arg10[%swap3A_851, %swap3A_852], %swap3A_855 {strides = array<i32>} : memref<640x16xf32, #tpu.memory_space<vmem>>, vector<1x16xf32>,
      %mul3A_856 = arith.constant 16 : i32
      %mul3A_857 = arith.muli %scan3A_798, %mul3A_856 : i32
      %add3A_858 = arith.constant 2 : i32
      %add3A_859 = arith.addi %mul3A_857, %add3A_858 : i32
      %get3A_860 = arith.index_cast %add3A_859 : i32 to index
      %get3A_861 = arith.constant 0 : index
      %get3A_862 = tpu.vector_load %arg10[%get3A_860, %get3A_861] {strides = array<i32>} : memref<640x16xf32, #tpu.memory_space<vmem>>, vector<1x16xf32>,
      %get3A_863 = vector.shape_cast %get3A_862 : vector<1x16xf32> to vector<16xf32>
      %slice3A_864 = vector.extract_strided_slice %get3A_803 {offsets = [2], sizes = [1], strides = [1]} : vector<16xf32> to vector<1xf32>
      %squeeze3A_865 = vector.extract %slice3A_864[0] : f32 from vector<1xf32>
      %mul3A_866 = vector.broadcast %squeeze3A_865 : f32 to vector<16xf32>
      %mul3A_867 = arith.mulf %get3A_863, %mul3A_866 : vector<16xf32>
      %add3A_868 = arith.addf %mul3A_867, %get3A_572 : vector<16xf32>
      %max3A_869 = arith.constant 0.000000e+00 : f32
      %max3A_870 = vector.broadcast %max3A_869 : f32 to vector<16xf32>
      %max3A_871 = arith.maximumf %add3A_868, %max3A_870 : vector<16xf32>
      %slice3A_872 = vector.extract_strided_slice %get3A_808 {offsets = [2], sizes = [1], strides = [1]} : vector<16xf32> to vector<1xf32>
      %squeeze3A_873 = vector.extract %slice3A_872[0] : f32 from vector<1xf32>
      %mul3A_874 = vector.broadcast %squeeze3A_873 : f32 to vector<16xf32>
      %mul3A_875 = arith.mulf %max3A_871, %mul3A_874 : vector<16xf32>
      %swap3A_876 = arith.index_cast %add3A_859 : i32 to index
      %swap3A_877 = arith.constant 0 : index
      %swap3A_878 = tpu.vector_load %arg10[%swap3A_876, %swap3A_877] {strides = array<i32>} : memref<640x16xf32, #tpu.memory_space<vmem>>, vector<1x16xf32>,
      %swap3A_879 = vector.shape_cast %swap3A_878 : vector<1x16xf32> to vector<16xf32>
      %swap3A_880 = vector.shape_cast %mul3A_875 : vector<16xf32> to vector<1x16xf32>
      tpu.vector_store %arg10[%swap3A_876, %swap3A_877], %swap3A_880 {strides = array<i32>} : memref<640x16xf32, #tpu.memory_space<vmem>>, vector<1x16xf32>,
      %mul3A_881 = arith.constant 16 : i32
      %mul3A_882 = arith.muli %scan3A_798, %mul3A_881 : i32
      %add3A_883 = arith.constant 3 : i32
      %add3A_884 = arith.addi %mul3A_882, %add3A_883 : i32
      %get3A_885 = arith.index_cast %add3A_884 : i32 to index
      %get3A_886 = arith.constant 0 : index
      %get3A_887 = tpu.vector_load %arg10[%get3A_885, %get3A_886] {strides = array<i32>} : memref<640x16xf32, #tpu.memory_space<vmem>>, vector<1x16xf32>,
      %get3A_888 = vector.shape_cast %get3A_887 : vector<1x16xf32> to vector<16xf32>
      %slice3A_889 = vector.extract_strided_slice %get3A_803 {offsets = [3], sizes = [1], strides = [1]} : vector<16xf32> to vector<1xf32>
      %squeeze3A_890 = vector.extract %slice3A_889[0] : f32 from vector<1xf32>
      %mul3A_891 = vector.broadcast %squeeze3A_890 : f32 to vector<16xf32>
      %mul3A_892 = arith.mulf %get3A_888, %mul3A_891 : vector<16xf32>
      %add3A_893 = arith.addf %mul3A_892, %get3A_572 : vector<16xf32>
      %max3A_894 = arith.constant 0.000000e+00 : f32
      %max3A_895 = vector.broadcast %max3A_894 : f32 to vector<16xf32>
      %max3A_896 = arith.maximumf %add3A_893, %max3A_895 : vector<16xf32>
      %slice3A_897 = vector.extract_strided_slice %get3A_808 {offsets = [3], sizes = [1], strides = [1]} : vector<16xf32> to vector<1xf32>
      %squeeze3A_898 = vector.extract %slice3A_897[0] : f32 from vector<1xf32>
      %mul3A_899 = vector.broadcast %squeeze3A_898 : f32 to vector<16xf32>
      %mul3A_900 = arith.mulf %max3A_896, %mul3A_899 : vector<16xf32>
      %swap3A_901 = arith.index_cast %add3A_884 : i32 to index
      %swap3A_902 = arith.constant 0 : index
      %swap3A_903 = tpu.vector_load %arg10[%swap3A_901, %swap3A_902] {strides = array<i32>} : memref<640x16xf32, #tpu.memory_space<vmem>>, vector<1x16xf32>,
      %swap3A_904 = vector.shape_cast %swap3A_903 : vector<1x16xf32> to vector<16xf32>
      %swap3A_905 = vector.shape_cast %mul3A_900 : vector<16xf32> to vector<1x16xf32>
      tpu.vector_store %arg10[%swap3A_901, %swap3A_902], %swap3A_905 {strides = array<i32>} : memref<640x16xf32, #tpu.memory_space<vmem>>, vector<1x16xf32>,
      %mul3A_906 = arith.constant 16 : i32
      %mul3A_907 = arith.muli %scan3A_798, %mul3A_906 : i32
      %add3A_908 = arith.constant 4 : i32
      %add3A_909 = arith.addi %mul3A_907, %add3A_908 : i32
      %get3A_910 = arith.index_cast %add3A_909 : i32 to index
      %get3A_911 = arith.constant 0 : index
      %get3A_912 = tpu.vector_load %arg10[%get3A_910, %get3A_911] {strides = array<i32>} : memref<640x16xf32, #tpu.memory_space<vmem>>, vector<1x16xf32>,
      %get3A_913 = vector.shape_cast %get3A_912 : vector<1x16xf32> to vector<16xf32>
      %slice3A_914 = vector.extract_strided_slice %get3A_803 {offsets = [4], sizes = [1], strides = [1]} : vector<16xf32> to vector<1xf32>
      %squeeze3A_915 = vector.extract %slice3A_914[0] : f32 from vector<1xf32>
      %mul3A_916 = vector.broadcast %squeeze3A_915 : f32 to vector<16xf32>
      %mul3A_917 = arith.mulf %get3A_913, %mul3A_916 : vector<16xf32>
      %add3A_918 = arith.addf %mul3A_917, %get3A_572 : vector<16xf32>
      %max3A_919 = arith.constant 0.000000e+00 : f32
      %max3A_920 = vector.broadcast %max3A_919 : f32 to vector<16xf32>
      %max3A_921 = arith.maximumf %add3A_918, %max3A_920 : vector<16xf32>
      %slice3A_922 = vector.extract_strided_slice %get3A_808 {offsets = [4], sizes = [1], strides = [1]} : vector<16xf32> to vector<1xf32>
      %squeeze3A_923 = vector.extract %slice3A_922[0] : f32 from vector<1xf32>
      %mul3A_924 = vector.broadcast %squeeze3A_923 : f32 to vector<16xf32>
      %mul3A_925 = arith.mulf %max3A_921, %mul3A_924 : vector<16xf32>
      %swap3A_926 = arith.index_cast %add3A_909 : i32 to index
      %swap3A_927 = arith.constant 0 : index
      %swap3A_928 = tpu.vector_load %arg10[%swap3A_926, %swap3A_927] {strides = array<i32>} : memref<640x16xf32, #tpu.memory_space<vmem>>, vector<1x16xf32>,
      %swap3A_929 = vector.shape_cast %swap3A_928 : vector<1x16xf32> to vector<16xf32>
      %swap3A_930 = vector.shape_cast %mul3A_925 : vector<16xf32> to vector<1x16xf32>
      tpu.vector_store %arg10[%swap3A_926, %swap3A_927], %swap3A_930 {strides = array<i32>} : memref<640x16xf32, #tpu.memory_space<vmem>>, vector<1x16xf32>,
      %mul3A_931 = arith.constant 16 : i32
      %mul3A_932 = arith.muli %scan3A_798, %mul3A_931 : i32
      %add3A_933 = arith.constant 5 : i32
      %add3A_934 = arith.addi %mul3A_932, %add3A_933 : i32
      %get3A_935 = arith.index_cast %add3A_934 : i32 to index
      %get3A_936 = arith.constant 0 : index
      %get3A_937 = tpu.vector_load %arg10[%get3A_935, %get3A_936] {strides = array<i32>} : memref<640x16xf32, #tpu.memory_space<vmem>>, vector<1x16xf32>,
      %get3A_938 = vector.shape_cast %get3A_937 : vector<1x16xf32> to vector<16xf32>
      %slice3A_939 = vector.extract_strided_slice %get3A_803 {offsets = [5], sizes = [1], strides = [1]} : vector<16xf32> to vector<1xf32>
      %squeeze3A_940 = vector.extract %slice3A_939[0] : f32 from vector<1xf32>
      %mul3A_941 = vector.broadcast %squeeze3A_940 : f32 to vector<16xf32>
      %mul3A_942 = arith.mulf %get3A_938, %mul3A_941 : vector<16xf32>
      %add3A_943 = arith.addf %mul3A_942, %get3A_572 : vector<16xf32>
      %max3A_944 = arith.constant 0.000000e+00 : f32
      %max3A_945 = vector.broadcast %max3A_944 : f32 to vector<16xf32>
      %max3A_946 = arith.maximumf %add3A_943, %max3A_945 : vector<16xf32>
      %slice3A_947 = vector.extract_strided_slice %get3A_808 {offsets = [5], sizes = [1], strides = [1]} : vector<16xf32> to vector<1xf32>
      %squeeze3A_948 = vector.extract %slice3A_947[0] : f32 from vector<1xf32>
      %mul3A_949 = vector.broadcast %squeeze3A_948 : f32 to vector<16xf32>
      %mul3A_950 = arith.mulf %max3A_946, %mul3A_949 : vector<16xf32>
      %swap3A_951 = arith.index_cast %add3A_934 : i32 to index
      %swap3A_952 = arith.constant 0 : index
      %swap3A_953 = tpu.vector_load %arg10[%swap3A_951, %swap3A_952] {strides = array<i32>} : memref<640x16xf32, #tpu.memory_space<vmem>>, vector<1x16xf32>,
      %swap3A_954 = vector.shape_cast %swap3A_953 : vector<1x16xf32> to vector<16xf32>
      %swap3A_955 = vector.shape_cast %mul3A_950 : vector<16xf32> to vector<1x16xf32>
      tpu.vector_store %arg10[%swap3A_951, %swap3A_952], %swap3A_955 {strides = array<i32>} : memref<640x16xf32, #tpu.memory_space<vmem>>, vector<1x16xf32>,
      %mul3A_956 = arith.constant 16 : i32
      %mul3A_957 = arith.muli %scan3A_798, %mul3A_956 : i32
      %add3A_958 = arith.constant 6 : i32
      %add3A_959 = arith.addi %mul3A_957, %add3A_958 : i32
      %get3A_960 = arith.index_cast %add3A_959 : i32 to index
      %get3A_961 = arith.constant 0 : index
      %get3A_962 = tpu.vector_load %arg10[%get3A_960, %get3A_961] {strides = array<i32>} : memref<640x16xf32, #tpu.memory_space<vmem>>, vector<1x16xf32>,
      %get3A_963 = vector.shape_cast %get3A_962 : vector<1x16xf32> to vector<16xf32>
      %slice3A_964 = vector.extract_strided_slice %get3A_803 {offsets = [6], sizes = [1], strides = [1]} : vector<16xf32> to vector<1xf32>
      %squeeze3A_965 = vector.extract %slice3A_964[0] : f32 from vector<1xf32>
      %mul3A_966 = vector.broadcast %squeeze3A_965 : f32 to vector<16xf32>
      %mul3A_967 = arith.mulf %get3A_963, %mul3A_966 : vector<16xf32>
      %add3A_968 = arith.addf %mul3A_967, %get3A_572 : vector<16xf32>
      %max3A_969 = arith.constant 0.000000e+00 : f32
      %max3A_970 = vector.broadcast %max3A_969 : f32 to vector<16xf32>
      %max3A_971 = arith.maximumf %add3A_968, %max3A_970 : vector<16xf32>
      %slice3A_972 = vector.extract_strided_slice %get3A_808 {offsets = [6], sizes = [1], strides = [1]} : vector<16xf32> to vector<1xf32>
      %squeeze3A_973 = vector.extract %slice3A_972[0] : f32 from vector<1xf32>
      %mul3A_974 = vector.broadcast %squeeze3A_973 : f32 to vector<16xf32>
      %mul3A_975 = arith.mulf %max3A_971, %mul3A_974 : vector<16xf32>
      %swap3A_976 = arith.index_cast %add3A_959 : i32 to index
      %swap3A_977 = arith.constant 0 : index
      %swap3A_978 = tpu.vector_load %arg10[%swap3A_976, %swap3A_977] {strides = array<i32>} : memref<640x16xf32, #tpu.memory_space<vmem>>, vector<1x16xf32>,
      %swap3A_979 = vector.shape_cast %swap3A_978 : vector<1x16xf32> to vector<16xf32>
      %swap3A_980 = vector.shape_cast %mul3A_975 : vector<16xf32> to vector<1x16xf32>
      tpu.vector_store %arg10[%swap3A_976, %swap3A_977], %swap3A_980 {strides = array<i32>} : memref<640x16xf32, #tpu.memory_space<vmem>>, vector<1x16xf32>,
      %mul3A_981 = arith.constant 16 : i32
      %mul3A_982 = arith.muli %scan3A_798, %mul3A_981 : i32
      %add3A_983 = arith.constant 7 : i32
      %add3A_984 = arith.addi %mul3A_982, %add3A_983 : i32
      %get3A_985 = arith.index_cast %add3A_984 : i32 to index
      %get3A_986 = arith.constant 0 : index
      %get3A_987 = tpu.vector_load %arg10[%get3A_985, %get3A_986] {strides = array<i32>} : memref<640x16xf32, #tpu.memory_space<vmem>>, vector<1x16xf32>,
      %get3A_988 = vector.shape_cast %get3A_987 : vector<1x16xf32> to vector<16xf32>
      %slice3A_989 = vector.extract_strided_slice %get3A_803 {offsets = [7], sizes = [1], strides = [1]} : vector<16xf32> to vector<1xf32>
      %squeeze3A_990 = vector.extract %slice3A_989[0] : f32 from vector<1xf32>
      %mul3A_991 = vector.broadcast %squeeze3A_990 : f32 to vector<16xf32>
      %mul3A_992 = arith.mulf %get3A_988, %mul3A_991 : vector<16xf32>
      %add3A_993 = arith.addf %mul3A_992, %get3A_572 : vector<16xf32>
      %max3A_994 = arith.constant 0.000000e+00 : f32
      %max3A_995 = vector.broadcast %max3A_994 : f32 to vector<16xf32>
      %max3A_996 = arith.maximumf %add3A_993, %max3A_995 : vector<16xf32>
      %slice3A_997 = vector.extract_strided_slice %get3A_808 {offsets = [7], sizes = [1], strides = [1]} : vector<16xf32> to vector<1xf32>
      %squeeze3A_998 = vector.extract %slice3A_997[0] : f32 from vector<1xf32>
      %mul3A_999 = vector.broadcast %squeeze3A_998 : f32 to vector<16xf32>
      %mul3A_1000 = arith.mulf %max3A_996, %mul3A_999 : vector<16xf32>
      %swap3A_1001 = arith.index_cast %add3A_984 : i32 to index
      %swap3A_1002 = arith.constant 0 : index
      %swap3A_1003 = tpu.vector_load %arg10[%swap3A_1001, %swap3A_1002] {strides = array<i32>} : memref<640x16xf32, #tpu.memory_space<vmem>>, vector<1x16xf32>,
      %swap3A_1004 = vector.shape_cast %swap3A_1003 : vector<1x16xf32> to vector<16xf32>
      %swap3A_1005 = vector.shape_cast %mul3A_1000 : vector<16xf32> to vector<1x16xf32>
      tpu.vector_store %arg10[%swap3A_1001, %swap3A_1002], %swap3A_1005 {strides = array<i32>} : memref<640x16xf32, #tpu.memory_space<vmem>>, vector<1x16xf32>,
      %mul3A_1006 = arith.constant 16 : i32
      %mul3A_1007 = arith.muli %scan3A_798, %mul3A_1006 : i32
      %add3A_1008 = arith.constant 8 : i32
      %add3A_1009 = arith.addi %mul3A_1007, %add3A_1008 : i32
      %get3A_1010 = arith.index_cast %add3A_1009 : i32 to index
      %get3A_1011 = arith.constant 0 : index
      %get3A_1012 = tpu.vector_load %arg10[%get3A_1010, %get3A_1011] {strides = array<i32>} : memref<640x16xf32, #tpu.memory_space<vmem>>, vector<1x16xf32>,
      %get3A_1013 = vector.shape_cast %get3A_1012 : vector<1x16xf32> to vector<16xf32>
      %slice3A_1014 = vector.extract_strided_slice %get3A_803 {offsets = [8], sizes = [1], strides = [1]} : vector<16xf32> to vector<1xf32>
      %squeeze3A_1015 = vector.extract %slice3A_1014[0] : f32 from vector<1xf32>
      %mul3A_1016 = vector.broadcast %squeeze3A_1015 : f32 to vector<16xf32>
      %mul3A_1017 = arith.mulf %get3A_1013, %mul3A_1016 : vector<16xf32>
      %add3A_1018 = arith.addf %mul3A_1017, %get3A_572 : vector<16xf32>
      %max3A_1019 = arith.constant 0.000000e+00 : f32
      %max3A_1020 = vector.broadcast %max3A_1019 : f32 to vector<16xf32>
      %max3A_1021 = arith.maximumf %add3A_1018, %max3A_1020 : vector<16xf32>
      %slice3A_1022 = vector.extract_strided_slice %get3A_808 {offsets = [8], sizes = [1], strides = [1]} : vector<16xf32> to vector<1xf32>
      %squeeze3A_1023 = vector.extract %slice3A_1022[0] : f32 from vector<1xf32>
      %mul3A_1024 = vector.broadcast %squeeze3A_1023 : f32 to vector<16xf32>
      %mul3A_1025 = arith.mulf %max3A_1021, %mul3A_1024 : vector<16xf32>
      %swap3A_1026 = arith.index_cast %add3A_1009 : i32 to index
      %swap3A_1027 = arith.constant 0 : index
      %swap3A_1028 = tpu.vector_load %arg10[%swap3A_1026, %swap3A_1027] {strides = array<i32>} : memref<640x16xf32, #tpu.memory_space<vmem>>, vector<1x16xf32>,
      %swap3A_1029 = vector.shape_cast %swap3A_1028 : vector<1x16xf32> to vector<16xf32>
      %swap3A_1030 = vector.shape_cast %mul3A_1025 : vector<16xf32> to vector<1x16xf32>
      tpu.vector_store %arg10[%swap3A_1026, %swap3A_1027], %swap3A_1030 {strides = array<i32>} : memref<640x16xf32, #tpu.memory_space<vmem>>, vector<1x16xf32>,
      %mul3A_1031 = arith.constant 16 : i32
      %mul3A_1032 = arith.muli %scan3A_798, %mul3A_1031 : i32
      %add3A_1033 = arith.constant 9 : i32
      %add3A_1034 = arith.addi %mul3A_1032, %add3A_1033 : i32
      %get3A_1035 = arith.index_cast %add3A_1034 : i32 to index
      %get3A_1036 = arith.constant 0 : index
      %get3A_1037 = tpu.vector_load %arg10[%get3A_1035, %get3A_1036] {strides = array<i32>} : memref<640x16xf32, #tpu.memory_space<vmem>>, vector<1x16xf32>,
      %get3A_1038 = vector.shape_cast %get3A_1037 : vector<1x16xf32> to vector<16xf32>
      %slice3A_1039 = vector.extract_strided_slice %get3A_803 {offsets = [9], sizes = [1], strides = [1]} : vector<16xf32> to vector<1xf32>
      %squeeze3A_1040 = vector.extract %slice3A_1039[0] : f32 from vector<1xf32>
      %mul3A_1041 = vector.broadcast %squeeze3A_1040 : f32 to vector<16xf32>
      %mul3A_1042 = arith.mulf %get3A_1038, %mul3A_1041 : vector<16xf32>
      %add3A_1043 = arith.addf %mul3A_1042, %get3A_572 : vector<16xf32>
      %max3A_1044 = arith.constant 0.000000e+00 : f32
      %max3A_1045 = vector.broadcast %max3A_1044 : f32 to vector<16xf32>
      %max3A_1046 = arith.maximumf %add3A_1043, %max3A_1045 : vector<16xf32>
      %slice3A_1047 = vector.extract_strided_slice %get3A_808 {offsets = [9], sizes = [1], strides = [1]} : vector<16xf32> to vector<1xf32>
      %squeeze3A_1048 = vector.extract %slice3A_1047[0] : f32 from vector<1xf32>
      %mul3A_1049 = vector.broadcast %squeeze3A_1048 : f32 to vector<16xf32>
      %mul3A_1050 = arith.mulf %max3A_1046, %mul3A_1049 : vector<16xf32>
      %swap3A_1051 = arith.index_cast %add3A_1034 : i32 to index
      %swap3A_1052 = arith.constant 0 : index
      %swap3A_1053 = tpu.vector_load %arg10[%swap3A_1051, %swap3A_1052] {strides = array<i32>} : memref<640x16xf32, #tpu.memory_space<vmem>>, vector<1x16xf32>,
      %swap3A_1054 = vector.shape_cast %swap3A_1053 : vector<1x16xf32> to vector<16xf32>
      %swap3A_1055 = vector.shape_cast %mul3A_1050 : vector<16xf32> to vector<1x16xf32>
      tpu.vector_store %arg10[%swap3A_1051, %swap3A_1052], %swap3A_1055 {strides = array<i32>} : memref<640x16xf32, #tpu.memory_space<vmem>>, vector<1x16xf32>,
      %mul3A_1056 = arith.constant 16 : i32
      %mul3A_1057 = arith.muli %scan3A_798, %mul3A_1056 : i32
      %add3A_1058 = arith.constant 10 : i32
      %add3A_1059 = arith.addi %mul3A_1057, %add3A_1058 : i32
      %get3A_1060 = arith.index_cast %add3A_1059 : i32 to index
      %get3A_1061 = arith.constant 0 : index
      %get3A_1062 = tpu.vector_load %arg10[%get3A_1060, %get3A_1061] {strides = array<i32>} : memref<640x16xf32, #tpu.memory_space<vmem>>, vector<1x16xf32>,
      %get3A_1063 = vector.shape_cast %get3A_1062 : vector<1x16xf32> to vector<16xf32>
      %slice3A_1064 = vector.extract_strided_slice %get3A_803 {offsets = [10], sizes = [1], strides = [1]} : vector<16xf32> to vector<1xf32>
      %squeeze3A_1065 = vector.extract %slice3A_1064[0] : f32 from vector<1xf32>
      %mul3A_1066 = vector.broadcast %squeeze3A_1065 : f32 to vector<16xf32>
      %mul3A_1067 = arith.mulf %get3A_1063, %mul3A_1066 : vector<16xf32>
      %add3A_1068 = arith.addf %mul3A_1067, %get3A_572 : vector<16xf32>
      %max3A_1069 = arith.constant 0.000000e+00 : f32
      %max3A_1070 = vector.broadcast %max3A_1069 : f32 to vector<16xf32>
      %max3A_1071 = arith.maximumf %add3A_1068, %max3A_1070 : vector<16xf32>
      %slice3A_1072 = vector.extract_strided_slice %get3A_808 {offsets = [10], sizes = [1], strides = [1]} : vector<16xf32> to vector<1xf32>
      %squeeze3A_1073 = vector.extract %slice3A_1072[0] : f32 from vector<1xf32>
      %mul3A_1074 = vector.broadcast %squeeze3A_1073 : f32 to vector<16xf32>
      %mul3A_1075 = arith.mulf %max3A_1071, %mul3A_1074 : vector<16xf32>
      %swap3A_1076 = arith.index_cast %add3A_1059 : i32 to index
      %swap3A_1077 = arith.constant 0 : index
      %swap3A_1078 = tpu.vector_load %arg10[%swap3A_1076, %swap3A_1077] {strides = array<i32>} : memref<640x16xf32, #tpu.memory_space<vmem>>, vector<1x16xf32>,
      %swap3A_1079 = vector.shape_cast %swap3A_1078 : vector<1x16xf32> to vector<16xf32>
      %swap3A_1080 = vector.shape_cast %mul3A_1075 : vector<16xf32> to vector<1x16xf32>
      tpu.vector_store %arg10[%swap3A_1076, %swap3A_1077], %swap3A_1080 {strides = array<i32>} : memref<640x16xf32, #tpu.memory_space<vmem>>, vector<1x16xf32>,
      %mul3A_1081 = arith.constant 16 : i32
      %mul3A_1082 = arith.muli %scan3A_798, %mul3A_1081 : i32
      %add3A_1083 = arith.constant 11 : i32
      %add3A_1084 = arith.addi %mul3A_1082, %add3A_1083 : i32
      %get3A_1085 = arith.index_cast %add3A_1084 : i32 to index
      %get3A_1086 = arith.constant 0 : index
      %get3A_1087 = tpu.vector_load %arg10[%get3A_1085, %get3A_1086] {strides = array<i32>} : memref<640x16xf32, #tpu.memory_space<vmem>>, vector<1x16xf32>,
      %get3A_1088 = vector.shape_cast %get3A_1087 : vector<1x16xf32> to vector<16xf32>
      %slice3A_1089 = vector.extract_strided_slice %get3A_803 {offsets = [11], sizes = [1], strides = [1]} : vector<16xf32> to vector<1xf32>
      %squeeze3A_1090 = vector.extract %slice3A_1089[0] : f32 from vector<1xf32>
      %mul3A_1091 = vector.broadcast %squeeze3A_1090 : f32 to vector<16xf32>
      %mul3A_1092 = arith.mulf %get3A_1088, %mul3A_1091 : vector<16xf32>
      %add3A_1093 = arith.addf %mul3A_1092, %get3A_572 : vector<16xf32>
      %max3A_1094 = arith.constant 0.000000e+00 : f32
      %max3A_1095 = vector.broadcast %max3A_1094 : f32 to vector<16xf32>
      %max3A_1096 = arith.maximumf %add3A_1093, %max3A_1095 : vector<16xf32>
      %slice3A_1097 = vector.extract_strided_slice %get3A_808 {offsets = [11], sizes = [1], strides = [1]} : vector<16xf32> to vector<1xf32>
      %squeeze3A_1098 = vector.extract %slice3A_1097[0] : f32 from vector<1xf32>
      %mul3A_1099 = vector.broadcast %squeeze3A_1098 : f32 to vector<16xf32>
      %mul3A_1100 = arith.mulf %max3A_1096, %mul3A_1099 : vector<16xf32>
      %swap3A_1101 = arith.index_cast %add3A_1084 : i32 to index
      %swap3A_1102 = arith.constant 0 : index
      %swap3A_1103 = tpu.vector_load %arg10[%swap3A_1101, %swap3A_1102] {strides = array<i32>} : memref<640x16xf32, #tpu.memory_space<vmem>>, vector<1x16xf32>,
      %swap3A_1104 = vector.shape_cast %swap3A_1103 : vector<1x16xf32> to vector<16xf32>
      %swap3A_1105 = vector.shape_cast %mul3A_1100 : vector<16xf32> to vector<1x16xf32>
      tpu.vector_store %arg10[%swap3A_1101, %swap3A_1102], %swap3A_1105 {strides = array<i32>} : memref<640x16xf32, #tpu.memory_space<vmem>>, vector<1x16xf32>,
      %mul3A_1106 = arith.constant 16 : i32
      %mul3A_1107 = arith.muli %scan3A_798, %mul3A_1106 : i32
      %add3A_1108 = arith.constant 12 : i32
      %add3A_1109 = arith.addi %mul3A_1107, %add3A_1108 : i32
      %get3A_1110 = arith.index_cast %add3A_1109 : i32 to index
      %get3A_1111 = arith.constant 0 : index
      %get3A_1112 = tpu.vector_load %arg10[%get3A_1110, %get3A_1111] {strides = array<i32>} : memref<640x16xf32, #tpu.memory_space<vmem>>, vector<1x16xf32>,
      %get3A_1113 = vector.shape_cast %get3A_1112 : vector<1x16xf32> to vector<16xf32>
      %slice3A_1114 = vector.extract_strided_slice %get3A_803 {offsets = [12], sizes = [1], strides = [1]} : vector<16xf32> to vector<1xf32>
      %squeeze3A_1115 = vector.extract %slice3A_1114[0] : f32 from vector<1xf32>
      %mul3A_1116 = vector.broadcast %squeeze3A_1115 : f32 to vector<16xf32>
      %mul3A_1117 = arith.mulf %get3A_1113, %mul3A_1116 : vector<16xf32>
      %add3A_1118 = arith.addf %mul3A_1117, %get3A_572 : vector<16xf32>
      %max3A_1119 = arith.constant 0.000000e+00 : f32
      %max3A_1120 = vector.broadcast %max3A_1119 : f32 to vector<16xf32>
      %max3A_1121 = arith.maximumf %add3A_1118, %max3A_1120 : vector<16xf32>
      %slice3A_1122 = vector.extract_strided_slice %get3A_808 {offsets = [12], sizes = [1], strides = [1]} : vector<16xf32> to vector<1xf32>
      %squeeze3A_1123 = vector.extract %slice3A_1122[0] : f32 from vector<1xf32>
      %mul3A_1124 = vector.broadcast %squeeze3A_1123 : f32 to vector<16xf32>
      %mul3A_1125 = arith.mulf %max3A_1121, %mul3A_1124 : vector<16xf32>
      %swap3A_1126 = arith.index_cast %add3A_1109 : i32 to index
      %swap3A_1127 = arith.constant 0 : index
      %swap3A_1128 = tpu.vector_load %arg10[%swap3A_1126, %swap3A_1127] {strides = array<i32>} : memref<640x16xf32, #tpu.memory_space<vmem>>, vector<1x16xf32>,
      %swap3A_1129 = vector.shape_cast %swap3A_1128 : vector<1x16xf32> to vector<16xf32>
      %swap3A_1130 = vector.shape_cast %mul3A_1125 : vector<16xf32> to vector<1x16xf32>
      tpu.vector_store %arg10[%swap3A_1126, %swap3A_1127], %swap3A_1130 {strides = array<i32>} : memref<640x16xf32, #tpu.memory_space<vmem>>, vector<1x16xf32>,
      %mul3A_1131 = arith.constant 16 : i32
      %mul3A_1132 = arith.muli %scan3A_798, %mul3A_1131 : i32
      %add3A_1133 = arith.constant 13 : i32
      %add3A_1134 = arith.addi %mul3A_1132, %add3A_1133 : i32
      %get3A_1135 = arith.index_cast %add3A_1134 : i32 to index
      %get3A_1136 = arith.constant 0 : index
      %get3A_1137 = tpu.vector_load %arg10[%get3A_1135, %get3A_1136] {strides = array<i32>} : memref<640x16xf32, #tpu.memory_space<vmem>>, vector<1x16xf32>,
      %get3A_1138 = vector.shape_cast %get3A_1137 : vector<1x16xf32> to vector<16xf32>
      %slice3A_1139 = vector.extract_strided_slice %get3A_803 {offsets = [13], sizes = [1], strides = [1]} : vector<16xf32> to vector<1xf32>
      %squeeze3A_1140 = vector.extract %slice3A_1139[0] : f32 from vector<1xf32>
      %mul3A_1141 = vector.broadcast %squeeze3A_1140 : f32 to vector<16xf32>
      %mul3A_1142 = arith.mulf %get3A_1138, %mul3A_1141 : vector<16xf32>
      %add3A_1143 = arith.addf %mul3A_1142, %get3A_572 : vector<16xf32>
      %max3A_1144 = arith.constant 0.000000e+00 : f32
      %max3A_1145 = vector.broadcast %max3A_1144 : f32 to vector<16xf32>
      %max3A_1146 = arith.maximumf %add3A_1143, %max3A_1145 : vector<16xf32>
      %slice3A_1147 = vector.extract_strided_slice %get3A_808 {offsets = [13], sizes = [1], strides = [1]} : vector<16xf32> to vector<1xf32>
      %squeeze3A_1148 = vector.extract %slice3A_1147[0] : f32 from vector<1xf32>
      %mul3A_1149 = vector.broadcast %squeeze3A_1148 : f32 to vector<16xf32>
      %mul3A_1150 = arith.mulf %max3A_1146, %mul3A_1149 : vector<16xf32>
      %swap3A_1151 = arith.index_cast %add3A_1134 : i32 to index
      %swap3A_1152 = arith.constant 0 : index
      %swap3A_1153 = tpu.vector_load %arg10[%swap3A_1151, %swap3A_1152] {strides = array<i32>} : memref<640x16xf32, #tpu.memory_space<vmem>>, vector<1x16xf32>,
      %swap3A_1154 = vector.shape_cast %swap3A_1153 : vector<1x16xf32> to vector<16xf32>
      %swap3A_1155 = vector.shape_cast %mul3A_1150 : vector<16xf32> to vector<1x16xf32>
      tpu.vector_store %arg10[%swap3A_1151, %swap3A_1152], %swap3A_1155 {strides = array<i32>} : memref<640x16xf32, #tpu.memory_space<vmem>>, vector<1x16xf32>,
      %mul3A_1156 = arith.constant 16 : i32
      %mul3A_1157 = arith.muli %scan3A_798, %mul3A_1156 : i32
      %add3A_1158 = arith.constant 14 : i32
      %add3A_1159 = arith.addi %mul3A_1157, %add3A_1158 : i32
      %get3A_1160 = arith.index_cast %add3A_1159 : i32 to index
      %get3A_1161 = arith.constant 0 : index
      %get3A_1162 = tpu.vector_load %arg10[%get3A_1160, %get3A_1161] {strides = array<i32>} : memref<640x16xf32, #tpu.memory_space<vmem>>, vector<1x16xf32>,
      %get3A_1163 = vector.shape_cast %get3A_1162 : vector<1x16xf32> to vector<16xf32>
      %slice3A_1164 = vector.extract_strided_slice %get3A_803 {offsets = [14], sizes = [1], strides = [1]} : vector<16xf32> to vector<1xf32>
      %squeeze3A_1165 = vector.extract %slice3A_1164[0] : f32 from vector<1xf32>
      %mul3A_1166 = vector.broadcast %squeeze3A_1165 : f32 to vector<16xf32>
      %mul3A_1167 = arith.mulf %get3A_1163, %mul3A_1166 : vector<16xf32>
      %add3A_1168 = arith.addf %mul3A_1167, %get3A_572 : vector<16xf32>
      %max3A_1169 = arith.constant 0.000000e+00 : f32
      %max3A_1170 = vector.broadcast %max3A_1169 : f32 to vector<16xf32>
      %max3A_1171 = arith.maximumf %add3A_1168, %max3A_1170 : vector<16xf32>
      %slice3A_1172 = vector.extract_strided_slice %get3A_808 {offsets = [14], sizes = [1], strides = [1]} : vector<16xf32> to vector<1xf32>
      %squeeze3A_1173 = vector.extract %slice3A_1172[0] : f32 from vector<1xf32>
      %mul3A_1174 = vector.broadcast %squeeze3A_1173 : f32 to vector<16xf32>
      %mul3A_1175 = arith.mulf %max3A_1171, %mul3A_1174 : vector<16xf32>
      %swap3A_1176 = arith.index_cast %add3A_1159 : i32 to index
      %swap3A_1177 = arith.constant 0 : index
      %swap3A_1178 = tpu.vector_load %arg10[%swap3A_1176, %swap3A_1177] {strides = array<i32>} : memref<640x16xf32, #tpu.memory_space<vmem>>, vector<1x16xf32>,
      %swap3A_1179 = vector.shape_cast %swap3A_1178 : vector<1x16xf32> to vector<16xf32>
      %swap3A_1180 = vector.shape_cast %mul3A_1175 : vector<16xf32> to vector<1x16xf32>
      tpu.vector_store %arg10[%swap3A_1176, %swap3A_1177], %swap3A_1180 {strides = array<i32>} : memref<640x16xf32, #tpu.memory_space<vmem>>, vector<1x16xf32>,
      %mul3A_1181 = arith.constant 16 : i32
      %mul3A_1182 = arith.muli %scan3A_798, %mul3A_1181 : i32
      %add3A_1183 = arith.constant 15 : i32
      %add3A_1184 = arith.addi %mul3A_1182, %add3A_1183 : i32
      %get3A_1185 = arith.index_cast %add3A_1184 : i32 to index
      %get3A_1186 = arith.constant 0 : index
      %get3A_1187 = tpu.vector_load %arg10[%get3A_1185, %get3A_1186] {strides = array<i32>} : memref<640x16xf32, #tpu.memory_space<vmem>>, vector<1x16xf32>,
      %get3A_1188 = vector.shape_cast %get3A_1187 : vector<1x16xf32> to vector<16xf32>
      %slice3A_1189 = vector.extract_strided_slice %get3A_803 {offsets = [15], sizes = [1], strides = [1]} : vector<16xf32> to vector<1xf32>
      %squeeze3A_1190 = vector.extract %slice3A_1189[0] : f32 from vector<1xf32>
      %mul3A_1191 = vector.broadcast %squeeze3A_1190 : f32 to vector<16xf32>
      %mul3A_1192 = arith.mulf %get3A_1188, %mul3A_1191 : vector<16xf32>
      %add3A_1193 = arith.addf %mul3A_1192, %get3A_572 : vector<16xf32>
      %max3A_1194 = arith.constant 0.000000e+00 : f32
      %max3A_1195 = vector.broadcast %max3A_1194 : f32 to vector<16xf32>
      %max3A_1196 = arith.maximumf %add3A_1193, %max3A_1195 : vector<16xf32>
      %slice3A_1197 = vector.extract_strided_slice %get3A_808 {offsets = [15], sizes = [1], strides = [1]} : vector<16xf32> to vector<1xf32>
      %squeeze3A_1198 = vector.extract %slice3A_1197[0] : f32 from vector<1xf32>
      %mul3A_1199 = vector.broadcast %squeeze3A_1198 : f32 to vector<16xf32>
      %mul3A_1200 = arith.mulf %max3A_1196, %mul3A_1199 : vector<16xf32>
      %swap3A_1201 = arith.index_cast %add3A_1184 : i32 to index
      %swap3A_1202 = arith.constant 0 : index
      %swap3A_1203 = tpu.vector_load %arg10[%swap3A_1201, %swap3A_1202] {strides = array<i32>} : memref<640x16xf32, #tpu.memory_space<vmem>>, vector<1x16xf32>,
      %swap3A_1204 = vector.shape_cast %swap3A_1203 : vector<1x16xf32> to vector<16xf32>
      %swap3A_1205 = vector.shape_cast %mul3A_1200 : vector<16xf32> to vector<1x16xf32>
      tpu.vector_store %arg10[%swap3A_1201, %swap3A_1202], %swap3A_1205 {strides = array<i32>} : memref<640x16xf32, #tpu.memory_space<vmem>>, vector<1x16xf32>,
    }
    %scan3A_578 = arith.constant 40 : i32
    "tpu.region"() ({
      %run_scoped3A_798 = tpu.sem_alloc : memref<!tpu.dma_semaphore, #tpu.memory_space<semaphore_mem>>
      %dma_start3A_799 = arith.constant 0 : i32
      %dma_start3A_800 = tpu.memref_slice %arg17[%mul3A_0, %dma_start3A_799] : memref<10240x16xf32, #tpu.memory_space<vmem_shared>> -> memref<640x16xf32, #tpu.memory_space<vmem_shared>>
      %dma_start3A_801 = arith.constant 0 : i32
      %dma_start3A_802 = tpu.memref_slice %arg17[%mul3A_0, %dma_start3A_801] : memref<10240x16xf32, #tpu.memory_space<vmem_shared>> -> memref<640x16xf32, #tpu.memory_space<vmem_shared>>
      tpu.enqueue_dma source(%arg10 : memref<640x16xf32, #tpu.memory_space<vmem>>) target(%dma_start3A_802 : memref<640x16xf32, #tpu.memory_space<vmem_shared>>) target_semaphore(%run_scoped3A_798 : memref<!tpu.dma_semaphore, #tpu.memory_space<semaphore_mem>>)
      %dma_wait3A_803 = arith.constant 0 : i32
      %dma_wait3A_804 = tpu.memref_slice %arg17[%mul3A_0, %dma_wait3A_803] : memref<10240x16xf32, #tpu.memory_space<vmem_shared>> -> memref<640x16xf32, #tpu.memory_space<vmem_shared>>
      %dma_wait3A_805 = arith.constant 0 : i32
      %dma_wait3A_806 = tpu.memref_slice %arg17[%mul3A_0, %dma_wait3A_805] : memref<10240x16xf32, #tpu.memory_space<vmem_shared>> -> memref<640x16xf32, #tpu.memory_space<vmem_shared>>
      tpu.wait_dma2 semaphore(%run_scoped3A_798 : memref<!tpu.dma_semaphore, #tpu.memory_space<semaphore_mem>>) src(%arg10 : memref<640x16xf32, #tpu.memory_space<vmem>>) dst(%dma_wait3A_806 : memref<640x16xf32, #tpu.memory_space<vmem_shared>>)
      tpu.yield
    }) : () -> ()
    "tpu.region"() ({
      %run_scoped3A_798 = tpu.sem_alloc : memref<!tpu.dma_semaphore, #tpu.memory_space<semaphore_mem>>
      %dma_start3A_799 = arith.constant 0 : i32
      %dma_start3A_800 = tpu.memref_slice %arg18[%mul3A_0, %dma_start3A_799] : memref<10240x16xf32, #tpu.memory_space<vmem_shared>> -> memref<640x16xf32, #tpu.memory_space<vmem_shared>>
      %dma_start3A_801 = arith.constant 0 : i32
      %dma_start3A_802 = tpu.memref_slice %arg18[%mul3A_0, %dma_start3A_801] : memref<10240x16xf32, #tpu.memory_space<vmem_shared>> -> memref<640x16xf32, #tpu.memory_space<vmem_shared>>
      tpu.enqueue_dma source(%arg11 : memref<640x16xf32, #tpu.memory_space<vmem>>) target(%dma_start3A_802 : memref<640x16xf32, #tpu.memory_space<vmem_shared>>) target_semaphore(%run_scoped3A_798 : memref<!tpu.dma_semaphore, #tpu.memory_space<semaphore_mem>>)
      %dma_wait3A_803 = arith.constant 0 : i32
      %dma_wait3A_804 = tpu.memref_slice %arg18[%mul3A_0, %dma_wait3A_803] : memref<10240x16xf32, #tpu.memory_space<vmem_shared>> -> memref<640x16xf32, #tpu.memory_space<vmem_shared>>
      %dma_wait3A_805 = arith.constant 0 : i32
      %dma_wait3A_806 = tpu.memref_slice %arg18[%mul3A_0, %dma_wait3A_805] : memref<10240x16xf32, #tpu.memory_space<vmem_shared>> -> memref<640x16xf32, #tpu.memory_space<vmem_shared>>
      tpu.wait_dma2 semaphore(%run_scoped3A_798 : memref<!tpu.dma_semaphore, #tpu.memory_space<semaphore_mem>>) src(%arg11 : memref<640x16xf32, #tpu.memory_space<vmem>>) dst(%dma_wait3A_806 : memref<640x16xf32, #tpu.memory_space<vmem_shared>>)
      tpu.yield
    }) : () -> ()
    %barrier3A_579 = arith.constant 0 : index
    tpu.barrier barrier_id(%barrier3A_579)
    %dma_start3A_580 = arith.constant 0 : i32
    %dma_start3A_581 = arith.constant 0 : i32
    %dma_start3A_582 = arith.constant 0 : i32
    %dma_start3A_583 = arith.constant 0 : i32
    %dma_start3A_584 = tpu.memref_slice %arg12[%dma_start3A_580, %dma_start3A_582, %dma_start3A_583] : memref<4x512x16xf32, #tpu.memory_space<vmem>> -> memref<1x512x16xf32, #tpu.memory_space<vmem>>
    %dma_start3A_585 = tpu.memref_squeeze %dma_start3A_584 : memref<1x512x16xf32, #tpu.memory_space<vmem>> -> memref<512x16xf32, #tpu.memory_space<vmem>>
    %dma_start3A_586 = arith.constant 0 : i32
    %dma_start3A_587 = tpu.memref_slice %arg8[%dma_start3A_586] : memref<20480xi32, #tpu.memory_space<vmem>> -> memref<512xi32, #tpu.memory_space<vmem>>
    %dma_start3A_588 = arith.constant 0 : i32
    %dma_start3A_589 = arith.constant 0 : i32
    %dma_start3A_590 = tpu.memref_slice %arg17[%dma_start3A_588, %dma_start3A_589] : memref<10240x16xf32, #tpu.memory_space<vmem_shared>> -> memref<10240x16xf32, #tpu.memory_space<vmem_shared>>
    %dma_start3A_591 = tpu.memref_slice %arg20[%dma_start3A_581] : memref<4x!tpu.dma_semaphore, #tpu.memory_space<semaphore_mem>> -> memref<1x!tpu.dma_semaphore, #tpu.memory_space<semaphore_mem>>
    %dma_start3A_592 = tpu.memref_squeeze %dma_start3A_591 : memref<1x!tpu.dma_semaphore, #tpu.memory_space<semaphore_mem>> -> memref<!tpu.dma_semaphore, #tpu.memory_space<semaphore_mem>>
    tpu.enqueue_indirect_dma source(%dma_start3A_590 : memref<10240x16xf32, #tpu.memory_space<vmem_shared>>) target(%dma_start3A_585 : memref<512x16xf32, #tpu.memory_space<vmem>>) offsets(%dma_start3A_587 : memref<512xi32, #tpu.memory_space<vmem>>) semaphore(%dma_start3A_592 : memref<!tpu.dma_semaphore, #tpu.memory_space<semaphore_mem>>)
    %dma_start3A_593 = arith.constant 1 : i32
    %dma_start3A_594 = arith.constant 1 : i32
    %dma_start3A_595 = arith.constant 0 : i32
    %dma_start3A_596 = arith.constant 0 : i32
    %dma_start3A_597 = tpu.memref_slice %arg12[%dma_start3A_593, %dma_start3A_595, %dma_start3A_596] : memref<4x512x16xf32, #tpu.memory_space<vmem>> -> memref<1x512x16xf32, #tpu.memory_space<vmem>>
    %dma_start3A_598 = tpu.memref_squeeze %dma_start3A_597 : memref<1x512x16xf32, #tpu.memory_space<vmem>> -> memref<512x16xf32, #tpu.memory_space<vmem>>
    %dma_start3A_599 = arith.constant 512 : i32
    %dma_start3A_600 = tpu.memref_slice %arg8[%dma_start3A_599] : memref<20480xi32, #tpu.memory_space<vmem>> -> memref<512xi32, #tpu.memory_space<vmem>>
    %dma_start3A_601 = arith.constant 0 : i32
    %dma_start3A_602 = arith.constant 0 : i32
    %dma_start3A_603 = tpu.memref_slice %arg17[%dma_start3A_601, %dma_start3A_602] : memref<10240x16xf32, #tpu.memory_space<vmem_shared>> -> memref<10240x16xf32, #tpu.memory_space<vmem_shared>>
    %dma_start3A_604 = tpu.memref_slice %arg20[%dma_start3A_594] : memref<4x!tpu.dma_semaphore, #tpu.memory_space<semaphore_mem>> -> memref<1x!tpu.dma_semaphore, #tpu.memory_space<semaphore_mem>>
    %dma_start3A_605 = tpu.memref_squeeze %dma_start3A_604 : memref<1x!tpu.dma_semaphore, #tpu.memory_space<semaphore_mem>> -> memref<!tpu.dma_semaphore, #tpu.memory_space<semaphore_mem>>
    tpu.enqueue_indirect_dma source(%dma_start3A_603 : memref<10240x16xf32, #tpu.memory_space<vmem_shared>>) target(%dma_start3A_598 : memref<512x16xf32, #tpu.memory_space<vmem>>) offsets(%dma_start3A_600 : memref<512xi32, #tpu.memory_space<vmem>>) semaphore(%dma_start3A_605 : memref<!tpu.dma_semaphore, #tpu.memory_space<semaphore_mem>>)
    %dma_start3A_606 = arith.constant 2 : i32
    %dma_start3A_607 = arith.constant 2 : i32
    %dma_start3A_608 = arith.constant 0 : i32
    %dma_start3A_609 = arith.constant 0 : i32
    %dma_start3A_610 = tpu.memref_slice %arg12[%dma_start3A_606, %dma_start3A_608, %dma_start3A_609] : memref<4x512x16xf32, #tpu.memory_space<vmem>> -> memref<1x512x16xf32, #tpu.memory_space<vmem>>
    %dma_start3A_611 = tpu.memref_squeeze %dma_start3A_610 : memref<1x512x16xf32, #tpu.memory_space<vmem>> -> memref<512x16xf32, #tpu.memory_space<vmem>>
    %dma_start3A_612 = arith.constant 1024 : i32
    %dma_start3A_613 = tpu.memref_slice %arg8[%dma_start3A_612] : memref<20480xi32, #tpu.memory_space<vmem>> -> memref<512xi32, #tpu.memory_space<vmem>>
    %dma_start3A_614 = arith.constant 0 : i32
    %dma_start3A_615 = arith.constant 0 : i32
    %dma_start3A_616 = tpu.memref_slice %arg17[%dma_start3A_614, %dma_start3A_615] : memref<10240x16xf32, #tpu.memory_space<vmem_shared>> -> memref<10240x16xf32, #tpu.memory_space<vmem_shared>>
    %dma_start3A_617 = tpu.memref_slice %arg20[%dma_start3A_607] : memref<4x!tpu.dma_semaphore, #tpu.memory_space<semaphore_mem>> -> memref<1x!tpu.dma_semaphore, #tpu.memory_space<semaphore_mem>>
    %dma_start3A_618 = tpu.memref_squeeze %dma_start3A_617 : memref<1x!tpu.dma_semaphore, #tpu.memory_space<semaphore_mem>> -> memref<!tpu.dma_semaphore, #tpu.memory_space<semaphore_mem>>
    tpu.enqueue_indirect_dma source(%dma_start3A_616 : memref<10240x16xf32, #tpu.memory_space<vmem_shared>>) target(%dma_start3A_611 : memref<512x16xf32, #tpu.memory_space<vmem>>) offsets(%dma_start3A_613 : memref<512xi32, #tpu.memory_space<vmem>>) semaphore(%dma_start3A_618 : memref<!tpu.dma_semaphore, #tpu.memory_space<semaphore_mem>>)
    %dma_start3A_619 = arith.constant 3 : i32
    %dma_start3A_620 = arith.constant 3 : i32
    %dma_start3A_621 = arith.constant 0 : i32
    %dma_start3A_622 = arith.constant 0 : i32
    %dma_start3A_623 = tpu.memref_slice %arg12[%dma_start3A_619, %dma_start3A_621, %dma_start3A_622] : memref<4x512x16xf32, #tpu.memory_space<vmem>> -> memref<1x512x16xf32, #tpu.memory_space<vmem>>
    %dma_start3A_624 = tpu.memref_squeeze %dma_start3A_623 : memref<1x512x16xf32, #tpu.memory_space<vmem>> -> memref<512x16xf32, #tpu.memory_space<vmem>>
    %dma_start3A_625 = arith.constant 1536 : i32
    %dma_start3A_626 = tpu.memref_slice %arg8[%dma_start3A_625] : memref<20480xi32, #tpu.memory_space<vmem>> -> memref<512xi32, #tpu.memory_space<vmem>>
    %dma_start3A_627 = arith.constant 0 : i32
    %dma_start3A_628 = arith.constant 0 : i32
    %dma_start3A_629 = tpu.memref_slice %arg17[%dma_start3A_627, %dma_start3A_628] : memref<10240x16xf32, #tpu.memory_space<vmem_shared>> -> memref<10240x16xf32, #tpu.memory_space<vmem_shared>>
    %dma_start3A_630 = tpu.memref_slice %arg20[%dma_start3A_620] : memref<4x!tpu.dma_semaphore, #tpu.memory_space<semaphore_mem>> -> memref<1x!tpu.dma_semaphore, #tpu.memory_space<semaphore_mem>>
    %dma_start3A_631 = tpu.memref_squeeze %dma_start3A_630 : memref<1x!tpu.dma_semaphore, #tpu.memory_space<semaphore_mem>> -> memref<!tpu.dma_semaphore, #tpu.memory_space<semaphore_mem>>
    tpu.enqueue_indirect_dma source(%dma_start3A_629 : memref<10240x16xf32, #tpu.memory_space<vmem_shared>>) target(%dma_start3A_624 : memref<512x16xf32, #tpu.memory_space<vmem>>) offsets(%dma_start3A_626 : memref<512xi32, #tpu.memory_space<vmem>>) semaphore(%dma_start3A_631 : memref<!tpu.dma_semaphore, #tpu.memory_space<semaphore_mem>>)
    %dma_wait3A_632 = arith.constant 0 : i32
    %dma_wait3A_633 = arith.constant 0 : i32
    %dma_wait3A_634 = arith.constant 0 : i32
    %dma_wait3A_635 = arith.constant 0 : i32
    %dma_wait3A_636 = tpu.memref_slice %arg12[%dma_wait3A_632, %dma_wait3A_634, %dma_wait3A_635] : memref<4x512x16xf32, #tpu.memory_space<vmem>> -> memref<1x512x16xf32, #tpu.memory_space<vmem>>
    %dma_wait3A_637 = tpu.memref_squeeze %dma_wait3A_636 : memref<1x512x16xf32, #tpu.memory_space<vmem>> -> memref<512x16xf32, #tpu.memory_space<vmem>>
    %dma_wait3A_638 = arith.constant 0 : i32
    %dma_wait3A_639 = tpu.memref_slice %arg8[%dma_wait3A_638] : memref<20480xi32, #tpu.memory_space<vmem>> -> memref<512xi32, #tpu.memory_space<vmem>>
    %dma_wait3A_640 = arith.constant 0 : i32
    %dma_wait3A_641 = arith.constant 0 : i32
    %dma_wait3A_642 = tpu.memref_slice %arg17[%dma_wait3A_640, %dma_wait3A_641] : memref<10240x16xf32, #tpu.memory_space<vmem_shared>> -> memref<10240x16xf32, #tpu.memory_space<vmem_shared>>
    %dma_wait3A_643 = tpu.memref_slice %arg20[%dma_wait3A_633] : memref<4x!tpu.dma_semaphore, #tpu.memory_space<semaphore_mem>> -> memref<1x!tpu.dma_semaphore, #tpu.memory_space<semaphore_mem>>
    %dma_wait3A_644 = tpu.memref_squeeze %dma_wait3A_643 : memref<1x!tpu.dma_semaphore, #tpu.memory_space<semaphore_mem>> -> memref<!tpu.dma_semaphore, #tpu.memory_space<semaphore_mem>>
    tpu.wait_indirect_dma semaphore(%dma_wait3A_644 : memref<!tpu.dma_semaphore, #tpu.memory_space<semaphore_mem>>) src(%dma_wait3A_642 : memref<10240x16xf32, #tpu.memory_space<vmem_shared>>) dst(%dma_wait3A_637 : memref<512x16xf32, #tpu.memory_space<vmem>>)
    %dma_start3A_645 = arith.constant 0 : i32
    %dma_start3A_646 = arith.constant 0 : i32
    %dma_start3A_647 = arith.constant 0 : i32
    %dma_start3A_648 = arith.constant 0 : i32
    %dma_start3A_649 = tpu.memref_slice %arg12[%dma_start3A_645, %dma_start3A_647, %dma_start3A_648] : memref<4x512x16xf32, #tpu.memory_space<vmem>> -> memref<1x512x16xf32, #tpu.memory_space<vmem>>
    %dma_start3A_650 = tpu.memref_squeeze %dma_start3A_649 : memref<1x512x16xf32, #tpu.memory_space<vmem>> -> memref<512x16xf32, #tpu.memory_space<vmem>>
    %dma_start3A_651 = arith.constant 0 : i32
    %dma_start3A_652 = tpu.memref_slice %arg9[%dma_start3A_651] : memref<20480xi32, #tpu.memory_space<vmem>> -> memref<512xi32, #tpu.memory_space<vmem>>
    %dma_start3A_653 = arith.constant 0 : i32
    %dma_start3A_654 = arith.constant 0 : i32
    %dma_start3A_655 = tpu.memref_slice %arg18[%dma_start3A_653, %dma_start3A_654] : memref<10240x16xf32, #tpu.memory_space<vmem_shared>> -> memref<10240x16xf32, #tpu.memory_space<vmem_shared>>
    %dma_start3A_656 = tpu.memref_slice %arg21[%dma_start3A_646] : memref<4x!tpu.dma_semaphore, #tpu.memory_space<semaphore_mem>> -> memref<1x!tpu.dma_semaphore, #tpu.memory_space<semaphore_mem>>
    %dma_start3A_657 = tpu.memref_squeeze %dma_start3A_656 : memref<1x!tpu.dma_semaphore, #tpu.memory_space<semaphore_mem>> -> memref<!tpu.dma_semaphore, #tpu.memory_space<semaphore_mem>>
    tpu.enqueue_indirect_dma source(%dma_start3A_650 : memref<512x16xf32, #tpu.memory_space<vmem>>) target(%dma_start3A_655 : memref<10240x16xf32, #tpu.memory_space<vmem_shared>>) offsets(%dma_start3A_652 : memref<512xi32, #tpu.memory_space<vmem>>) semaphore(%dma_start3A_657 : memref<!tpu.dma_semaphore, #tpu.memory_space<semaphore_mem>>) {add = true}
    %dma_wait3A_658 = arith.constant 1 : i32
    %dma_wait3A_659 = arith.constant 1 : i32
    %dma_wait3A_660 = arith.constant 0 : i32
    %dma_wait3A_661 = arith.constant 0 : i32
    %dma_wait3A_662 = tpu.memref_slice %arg12[%dma_wait3A_658, %dma_wait3A_660, %dma_wait3A_661] : memref<4x512x16xf32, #tpu.memory_space<vmem>> -> memref<1x512x16xf32, #tpu.memory_space<vmem>>
    %dma_wait3A_663 = tpu.memref_squeeze %dma_wait3A_662 : memref<1x512x16xf32, #tpu.memory_space<vmem>> -> memref<512x16xf32, #tpu.memory_space<vmem>>
    %dma_wait3A_664 = arith.constant 0 : i32
    %dma_wait3A_665 = tpu.memref_slice %arg8[%dma_wait3A_664] : memref<20480xi32, #tpu.memory_space<vmem>> -> memref<512xi32, #tpu.memory_space<vmem>>
    %dma_wait3A_666 = arith.constant 0 : i32
    %dma_wait3A_667 = arith.constant 0 : i32
    %dma_wait3A_668 = tpu.memref_slice %arg17[%dma_wait3A_666, %dma_wait3A_667] : memref<10240x16xf32, #tpu.memory_space<vmem_shared>> -> memref<10240x16xf32, #tpu.memory_space<vmem_shared>>
    %dma_wait3A_669 = tpu.memref_slice %arg20[%dma_wait3A_659] : memref<4x!tpu.dma_semaphore, #tpu.memory_space<semaphore_mem>> -> memref<1x!tpu.dma_semaphore, #tpu.memory_space<semaphore_mem>>
    %dma_wait3A_670 = tpu.memref_squeeze %dma_wait3A_669 : memref<1x!tpu.dma_semaphore, #tpu.memory_space<semaphore_mem>> -> memref<!tpu.dma_semaphore, #tpu.memory_space<semaphore_mem>>
    tpu.wait_indirect_dma semaphore(%dma_wait3A_670 : memref<!tpu.dma_semaphore, #tpu.memory_space<semaphore_mem>>) src(%dma_wait3A_668 : memref<10240x16xf32, #tpu.memory_space<vmem_shared>>) dst(%dma_wait3A_663 : memref<512x16xf32, #tpu.memory_space<vmem>>)
    %dma_start3A_671 = arith.constant 1 : i32
    %dma_start3A_672 = arith.constant 1 : i32
    %dma_start3A_673 = arith.constant 0 : i32
    %dma_start3A_674 = arith.constant 0 : i32
    %dma_start3A_675 = tpu.memref_slice %arg12[%dma_start3A_671, %dma_start3A_673, %dma_start3A_674] : memref<4x512x16xf32, #tpu.memory_space<vmem>> -> memref<1x512x16xf32, #tpu.memory_space<vmem>>
    %dma_start3A_676 = tpu.memref_squeeze %dma_start3A_675 : memref<1x512x16xf32, #tpu.memory_space<vmem>> -> memref<512x16xf32, #tpu.memory_space<vmem>>
    %dma_start3A_677 = arith.constant 512 : i32
    %dma_start3A_678 = tpu.memref_slice %arg9[%dma_start3A_677] : memref<20480xi32, #tpu.memory_space<vmem>> -> memref<512xi32, #tpu.memory_space<vmem>>
    %dma_start3A_679 = arith.constant 0 : i32
    %dma_start3A_680 = arith.constant 0 : i32
    %dma_start3A_681 = tpu.memref_slice %arg18[%dma_start3A_679, %dma_start3A_680] : memref<10240x16xf32, #tpu.memory_space<vmem_shared>> -> memref<10240x16xf32, #tpu.memory_space<vmem_shared>>
    %dma_start3A_682 = tpu.memref_slice %arg21[%dma_start3A_672] : memref<4x!tpu.dma_semaphore, #tpu.memory_space<semaphore_mem>> -> memref<1x!tpu.dma_semaphore, #tpu.memory_space<semaphore_mem>>
    %dma_start3A_683 = tpu.memref_squeeze %dma_start3A_682 : memref<1x!tpu.dma_semaphore, #tpu.memory_space<semaphore_mem>> -> memref<!tpu.dma_semaphore, #tpu.memory_space<semaphore_mem>>
    tpu.enqueue_indirect_dma source(%dma_start3A_676 : memref<512x16xf32, #tpu.memory_space<vmem>>) target(%dma_start3A_681 : memref<10240x16xf32, #tpu.memory_space<vmem_shared>>) offsets(%dma_start3A_678 : memref<512xi32, #tpu.memory_space<vmem>>) semaphore(%dma_start3A_683 : memref<!tpu.dma_semaphore, #tpu.memory_space<semaphore_mem>>) {add = true}
    %dma_wait3A_684 = arith.constant 2 : i32
    %dma_wait3A_685 = arith.constant 2 : i32
    %dma_wait3A_686 = arith.constant 0 : i32
    %dma_wait3A_687 = arith.constant 0 : i32
    %dma_wait3A_688 = tpu.memref_slice %arg12[%dma_wait3A_684, %dma_wait3A_686, %dma_wait3A_687] : memref<4x512x16xf32, #tpu.memory_space<vmem>> -> memref<1x512x16xf32, #tpu.memory_space<vmem>>
    %dma_wait3A_689 = tpu.memref_squeeze %dma_wait3A_688 : memref<1x512x16xf32, #tpu.memory_space<vmem>> -> memref<512x16xf32, #tpu.memory_space<vmem>>
    %dma_wait3A_690 = arith.constant 0 : i32
    %dma_wait3A_691 = tpu.memref_slice %arg8[%dma_wait3A_690] : memref<20480xi32, #tpu.memory_space<vmem>> -> memref<512xi32, #tpu.memory_space<vmem>>
    %dma_wait3A_692 = arith.constant 0 : i32
    %dma_wait3A_693 = arith.constant 0 : i32
    %dma_wait3A_694 = tpu.memref_slice %arg17[%dma_wait3A_692, %dma_wait3A_693] : memref<10240x16xf32, #tpu.memory_space<vmem_shared>> -> memref<10240x16xf32, #tpu.memory_space<vmem_shared>>
    %dma_wait3A_695 = tpu.memref_slice %arg20[%dma_wait3A_685] : memref<4x!tpu.dma_semaphore, #tpu.memory_space<semaphore_mem>> -> memref<1x!tpu.dma_semaphore, #tpu.memory_space<semaphore_mem>>
    %dma_wait3A_696 = tpu.memref_squeeze %dma_wait3A_695 : memref<1x!tpu.dma_semaphore, #tpu.memory_space<semaphore_mem>> -> memref<!tpu.dma_semaphore, #tpu.memory_space<semaphore_mem>>
    tpu.wait_indirect_dma semaphore(%dma_wait3A_696 : memref<!tpu.dma_semaphore, #tpu.memory_space<semaphore_mem>>) src(%dma_wait3A_694 : memref<10240x16xf32, #tpu.memory_space<vmem_shared>>) dst(%dma_wait3A_689 : memref<512x16xf32, #tpu.memory_space<vmem>>)
    %dma_start3A_697 = arith.constant 2 : i32
    %dma_start3A_698 = arith.constant 2 : i32
    %dma_start3A_699 = arith.constant 0 : i32
    %dma_start3A_700 = arith.constant 0 : i32
    %dma_start3A_701 = tpu.memref_slice %arg12[%dma_start3A_697, %dma_start3A_699, %dma_start3A_700] : memref<4x512x16xf32, #tpu.memory_space<vmem>> -> memref<1x512x16xf32, #tpu.memory_space<vmem>>
    %dma_start3A_702 = tpu.memref_squeeze %dma_start3A_701 : memref<1x512x16xf32, #tpu.memory_space<vmem>> -> memref<512x16xf32, #tpu.memory_space<vmem>>
    %dma_start3A_703 = arith.constant 1024 : i32
    %dma_start3A_704 = tpu.memref_slice %arg9[%dma_start3A_703] : memref<20480xi32, #tpu.memory_space<vmem>> -> memref<512xi32, #tpu.memory_space<vmem>>
    %dma_start3A_705 = arith.constant 0 : i32
    %dma_start3A_706 = arith.constant 0 : i32
    %dma_start3A_707 = tpu.memref_slice %arg18[%dma_start3A_705, %dma_start3A_706] : memref<10240x16xf32, #tpu.memory_space<vmem_shared>> -> memref<10240x16xf32, #tpu.memory_space<vmem_shared>>
    %dma_start3A_708 = tpu.memref_slice %arg21[%dma_start3A_698] : memref<4x!tpu.dma_semaphore, #tpu.memory_space<semaphore_mem>> -> memref<1x!tpu.dma_semaphore, #tpu.memory_space<semaphore_mem>>
    %dma_start3A_709 = tpu.memref_squeeze %dma_start3A_708 : memref<1x!tpu.dma_semaphore, #tpu.memory_space<semaphore_mem>> -> memref<!tpu.dma_semaphore, #tpu.memory_space<semaphore_mem>>
    tpu.enqueue_indirect_dma source(%dma_start3A_702 : memref<512x16xf32, #tpu.memory_space<vmem>>) target(%dma_start3A_707 : memref<10240x16xf32, #tpu.memory_space<vmem_shared>>) offsets(%dma_start3A_704 : memref<512xi32, #tpu.memory_space<vmem>>) semaphore(%dma_start3A_709 : memref<!tpu.dma_semaphore, #tpu.memory_space<semaphore_mem>>) {add = true}
    %scan3A_710 = arith.constant 0 : i32
    %scan3A_711 = arith.constant 0 : i32
    %scan3A_712 = arith.constant 9 : i32
    %scan3A_713 = arith.addi %scan3A_711, %scan3A_712 : i32
    %scan3A_714 = arith.constant 1 : i32
    scf.for %scan3A_798 = %scan3A_711 to %scan3A_713 step %scan3A_714  : i32 {
      %mul3A_799 = arith.constant 4 : i32
      %mul3A_800 = arith.muli %scan3A_798, %mul3A_799 : i32
      %add3A_801 = arith.constant 4 : i32
      %add3A_802 = arith.addi %add3A_801, %mul3A_800 : i32
      %add3A_803 = arith.constant 0 : i32
      %add3A_804 = arith.addi %add3A_802, %add3A_803 : i32
      %dma_wait3A_805 = arith.constant 0 : i32
      %dma_wait3A_806 = arith.constant 0 : i32
      %dma_wait3A_807 = arith.constant 0 : i32
      %dma_wait3A_808 = arith.constant 0 : i32
      %dma_wait3A_809 = tpu.memref_slice %arg12[%dma_wait3A_805, %dma_wait3A_807, %dma_wait3A_808] : memref<4x512x16xf32, #tpu.memory_space<vmem>> -> memref<1x512x16xf32, #tpu.memory_space<vmem>>
      %dma_wait3A_810 = tpu.memref_squeeze %dma_wait3A_809 : memref<1x512x16xf32, #tpu.memory_space<vmem>> -> memref<512x16xf32, #tpu.memory_space<vmem>>
      %dma_wait3A_811 = arith.constant 0 : i32
      %dma_wait3A_812 = tpu.memref_slice %arg9[%dma_wait3A_811] : memref<20480xi32, #tpu.memory_space<vmem>> -> memref<512xi32, #tpu.memory_space<vmem>>
      %dma_wait3A_813 = arith.constant 0 : i32
      %dma_wait3A_814 = arith.constant 0 : i32
      %dma_wait3A_815 = tpu.memref_slice %arg18[%dma_wait3A_813, %dma_wait3A_814] : memref<10240x16xf32, #tpu.memory_space<vmem_shared>> -> memref<10240x16xf32, #tpu.memory_space<vmem_shared>>
      %dma_wait3A_816 = tpu.memref_slice %arg21[%dma_wait3A_806] : memref<4x!tpu.dma_semaphore, #tpu.memory_space<semaphore_mem>> -> memref<1x!tpu.dma_semaphore, #tpu.memory_space<semaphore_mem>>
      %dma_wait3A_817 = tpu.memref_squeeze %dma_wait3A_816 : memref<1x!tpu.dma_semaphore, #tpu.memory_space<semaphore_mem>> -> memref<!tpu.dma_semaphore, #tpu.memory_space<semaphore_mem>>
      tpu.wait_indirect_dma semaphore(%dma_wait3A_817 : memref<!tpu.dma_semaphore, #tpu.memory_space<semaphore_mem>>) src(%dma_wait3A_810 : memref<512x16xf32, #tpu.memory_space<vmem>>) dst(%dma_wait3A_815 : memref<10240x16xf32, #tpu.memory_space<vmem_shared>>)
      %mul3A_818 = arith.constant 512 : i32
      %mul3A_819 = arith.muli %add3A_804, %mul3A_818 : i32
      %dma_start3A_820 = arith.constant 0 : i32
      %dma_start3A_821 = arith.constant 0 : i32
      %dma_start3A_822 = arith.constant 0 : i32
      %dma_start3A_823 = arith.constant 0 : i32
      %dma_start3A_824 = tpu.memref_slice %arg12[%dma_start3A_820, %dma_start3A_822, %dma_start3A_823] : memref<4x512x16xf32, #tpu.memory_space<vmem>> -> memref<1x512x16xf32, #tpu.memory_space<vmem>>
      %dma_start3A_825 = tpu.memref_squeeze %dma_start3A_824 : memref<1x512x16xf32, #tpu.memory_space<vmem>> -> memref<512x16xf32, #tpu.memory_space<vmem>>
      %dma_start3A_826 = tpu.memref_slice %arg8[%mul3A_819] : memref<20480xi32, #tpu.memory_space<vmem>> -> memref<512xi32, #tpu.memory_space<vmem>>
      %dma_start3A_827 = arith.constant 0 : i32
      %dma_start3A_828 = arith.constant 0 : i32
      %dma_start3A_829 = tpu.memref_slice %arg17[%dma_start3A_827, %dma_start3A_828] : memref<10240x16xf32, #tpu.memory_space<vmem_shared>> -> memref<10240x16xf32, #tpu.memory_space<vmem_shared>>
      %dma_start3A_830 = tpu.memref_slice %arg20[%dma_start3A_821] : memref<4x!tpu.dma_semaphore, #tpu.memory_space<semaphore_mem>> -> memref<1x!tpu.dma_semaphore, #tpu.memory_space<semaphore_mem>>
      %dma_start3A_831 = tpu.memref_squeeze %dma_start3A_830 : memref<1x!tpu.dma_semaphore, #tpu.memory_space<semaphore_mem>> -> memref<!tpu.dma_semaphore, #tpu.memory_space<semaphore_mem>>
      tpu.enqueue_indirect_dma source(%dma_start3A_829 : memref<10240x16xf32, #tpu.memory_space<vmem_shared>>) target(%dma_start3A_825 : memref<512x16xf32, #tpu.memory_space<vmem>>) offsets(%dma_start3A_826 : memref<512xi32, #tpu.memory_space<vmem>>) semaphore(%dma_start3A_831 : memref<!tpu.dma_semaphore, #tpu.memory_space<semaphore_mem>>)
      %dma_wait3A_832 = arith.constant 3 : i32
      %dma_wait3A_833 = arith.constant 3 : i32
      %dma_wait3A_834 = arith.constant 0 : i32
      %dma_wait3A_835 = arith.constant 0 : i32
      %dma_wait3A_836 = tpu.memref_slice %arg12[%dma_wait3A_832, %dma_wait3A_834, %dma_wait3A_835] : memref<4x512x16xf32, #tpu.memory_space<vmem>> -> memref<1x512x16xf32, #tpu.memory_space<vmem>>
      %dma_wait3A_837 = tpu.memref_squeeze %dma_wait3A_836 : memref<1x512x16xf32, #tpu.memory_space<vmem>> -> memref<512x16xf32, #tpu.memory_space<vmem>>
      %dma_wait3A_838 = arith.constant 0 : i32
      %dma_wait3A_839 = tpu.memref_slice %arg8[%dma_wait3A_838] : memref<20480xi32, #tpu.memory_space<vmem>> -> memref<512xi32, #tpu.memory_space<vmem>>
      %dma_wait3A_840 = arith.constant 0 : i32
      %dma_wait3A_841 = arith.constant 0 : i32
      %dma_wait3A_842 = tpu.memref_slice %arg17[%dma_wait3A_840, %dma_wait3A_841] : memref<10240x16xf32, #tpu.memory_space<vmem_shared>> -> memref<10240x16xf32, #tpu.memory_space<vmem_shared>>
      %dma_wait3A_843 = tpu.memref_slice %arg20[%dma_wait3A_833] : memref<4x!tpu.dma_semaphore, #tpu.memory_space<semaphore_mem>> -> memref<1x!tpu.dma_semaphore, #tpu.memory_space<semaphore_mem>>
      %dma_wait3A_844 = tpu.memref_squeeze %dma_wait3A_843 : memref<1x!tpu.dma_semaphore, #tpu.memory_space<semaphore_mem>> -> memref<!tpu.dma_semaphore, #tpu.memory_space<semaphore_mem>>
      tpu.wait_indirect_dma semaphore(%dma_wait3A_844 : memref<!tpu.dma_semaphore, #tpu.memory_space<semaphore_mem>>) src(%dma_wait3A_842 : memref<10240x16xf32, #tpu.memory_space<vmem_shared>>) dst(%dma_wait3A_837 : memref<512x16xf32, #tpu.memory_space<vmem>>)
      %sub3A = arith.constant 1 : i32
      %sub3A_845 = arith.subi %add3A_804, %sub3A : i32
      %mul3A_846 = arith.constant 512 : i32
      %mul3A_847 = arith.muli %sub3A_845, %mul3A_846 : i32
      %dma_start3A_848 = arith.constant 3 : i32
      %dma_start3A_849 = arith.constant 3 : i32
      %dma_start3A_850 = arith.constant 0 : i32
      %dma_start3A_851 = arith.constant 0 : i32
      %dma_start3A_852 = tpu.memref_slice %arg12[%dma_start3A_848, %dma_start3A_850, %dma_start3A_851] : memref<4x512x16xf32, #tpu.memory_space<vmem>> -> memref<1x512x16xf32, #tpu.memory_space<vmem>>
      %dma_start3A_853 = tpu.memref_squeeze %dma_start3A_852 : memref<1x512x16xf32, #tpu.memory_space<vmem>> -> memref<512x16xf32, #tpu.memory_space<vmem>>
      %dma_start3A_854 = tpu.memref_slice %arg9[%mul3A_847] : memref<20480xi32, #tpu.memory_space<vmem>> -> memref<512xi32, #tpu.memory_space<vmem>>
      %dma_start3A_855 = arith.constant 0 : i32
      %dma_start3A_856 = arith.constant 0 : i32
      %dma_start3A_857 = tpu.memref_slice %arg18[%dma_start3A_855, %dma_start3A_856] : memref<10240x16xf32, #tpu.memory_space<vmem_shared>> -> memref<10240x16xf32, #tpu.memory_space<vmem_shared>>
      %dma_start3A_858 = tpu.memref_slice %arg21[%dma_start3A_849] : memref<4x!tpu.dma_semaphore, #tpu.memory_space<semaphore_mem>> -> memref<1x!tpu.dma_semaphore, #tpu.memory_space<semaphore_mem>>
      %dma_start3A_859 = tpu.memref_squeeze %dma_start3A_858 : memref<1x!tpu.dma_semaphore, #tpu.memory_space<semaphore_mem>> -> memref<!tpu.dma_semaphore, #tpu.memory_space<semaphore_mem>>
      tpu.enqueue_indirect_dma source(%dma_start3A_853 : memref<512x16xf32, #tpu.memory_space<vmem>>) target(%dma_start3A_857 : memref<10240x16xf32, #tpu.memory_space<vmem_shared>>) offsets(%dma_start3A_854 : memref<512xi32, #tpu.memory_space<vmem>>) semaphore(%dma_start3A_859 : memref<!tpu.dma_semaphore, #tpu.memory_space<semaphore_mem>>) {add = true}
      %mul3A_860 = arith.constant 4 : i32
      %mul3A_861 = arith.muli %scan3A_798, %mul3A_860 : i32
      %add3A_862 = arith.constant 4 : i32
      %add3A_863 = arith.addi %add3A_862, %mul3A_861 : i32
      %add3A_864 = arith.constant 1 : i32
      %add3A_865 = arith.addi %add3A_863, %add3A_864 : i32
      %dma_wait3A_866 = arith.constant 1 : i32
      %dma_wait3A_867 = arith.constant 1 : i32
      %dma_wait3A_868 = arith.constant 0 : i32
      %dma_wait3A_869 = arith.constant 0 : i32
      %dma_wait3A_870 = tpu.memref_slice %arg12[%dma_wait3A_866, %dma_wait3A_868, %dma_wait3A_869] : memref<4x512x16xf32, #tpu.memory_space<vmem>> -> memref<1x512x16xf32, #tpu.memory_space<vmem>>
      %dma_wait3A_871 = tpu.memref_squeeze %dma_wait3A_870 : memref<1x512x16xf32, #tpu.memory_space<vmem>> -> memref<512x16xf32, #tpu.memory_space<vmem>>
      %dma_wait3A_872 = arith.constant 0 : i32
      %dma_wait3A_873 = tpu.memref_slice %arg9[%dma_wait3A_872] : memref<20480xi32, #tpu.memory_space<vmem>> -> memref<512xi32, #tpu.memory_space<vmem>>
      %dma_wait3A_874 = arith.constant 0 : i32
      %dma_wait3A_875 = arith.constant 0 : i32
      %dma_wait3A_876 = tpu.memref_slice %arg18[%dma_wait3A_874, %dma_wait3A_875] : memref<10240x16xf32, #tpu.memory_space<vmem_shared>> -> memref<10240x16xf32, #tpu.memory_space<vmem_shared>>
      %dma_wait3A_877 = tpu.memref_slice %arg21[%dma_wait3A_867] : memref<4x!tpu.dma_semaphore, #tpu.memory_space<semaphore_mem>> -> memref<1x!tpu.dma_semaphore, #tpu.memory_space<semaphore_mem>>
      %dma_wait3A_878 = tpu.memref_squeeze %dma_wait3A_877 : memref<1x!tpu.dma_semaphore, #tpu.memory_space<semaphore_mem>> -> memref<!tpu.dma_semaphore, #tpu.memory_space<semaphore_mem>>
      tpu.wait_indirect_dma semaphore(%dma_wait3A_878 : memref<!tpu.dma_semaphore, #tpu.memory_space<semaphore_mem>>) src(%dma_wait3A_871 : memref<512x16xf32, #tpu.memory_space<vmem>>) dst(%dma_wait3A_876 : memref<10240x16xf32, #tpu.memory_space<vmem_shared>>)
      %mul3A_879 = arith.constant 512 : i32
      %mul3A_880 = arith.muli %add3A_865, %mul3A_879 : i32
      %dma_start3A_881 = arith.constant 1 : i32
      %dma_start3A_882 = arith.constant 1 : i32
      %dma_start3A_883 = arith.constant 0 : i32
      %dma_start3A_884 = arith.constant 0 : i32
      %dma_start3A_885 = tpu.memref_slice %arg12[%dma_start3A_881, %dma_start3A_883, %dma_start3A_884] : memref<4x512x16xf32, #tpu.memory_space<vmem>> -> memref<1x512x16xf32, #tpu.memory_space<vmem>>
      %dma_start3A_886 = tpu.memref_squeeze %dma_start3A_885 : memref<1x512x16xf32, #tpu.memory_space<vmem>> -> memref<512x16xf32, #tpu.memory_space<vmem>>
      %dma_start3A_887 = tpu.memref_slice %arg8[%mul3A_880] : memref<20480xi32, #tpu.memory_space<vmem>> -> memref<512xi32, #tpu.memory_space<vmem>>
      %dma_start3A_888 = arith.constant 0 : i32
      %dma_start3A_889 = arith.constant 0 : i32
      %dma_start3A_890 = tpu.memref_slice %arg17[%dma_start3A_888, %dma_start3A_889] : memref<10240x16xf32, #tpu.memory_space<vmem_shared>> -> memref<10240x16xf32, #tpu.memory_space<vmem_shared>>
      %dma_start3A_891 = tpu.memref_slice %arg20[%dma_start3A_882] : memref<4x!tpu.dma_semaphore, #tpu.memory_space<semaphore_mem>> -> memref<1x!tpu.dma_semaphore, #tpu.memory_space<semaphore_mem>>
      %dma_start3A_892 = tpu.memref_squeeze %dma_start3A_891 : memref<1x!tpu.dma_semaphore, #tpu.memory_space<semaphore_mem>> -> memref<!tpu.dma_semaphore, #tpu.memory_space<semaphore_mem>>
      tpu.enqueue_indirect_dma source(%dma_start3A_890 : memref<10240x16xf32, #tpu.memory_space<vmem_shared>>) target(%dma_start3A_886 : memref<512x16xf32, #tpu.memory_space<vmem>>) offsets(%dma_start3A_887 : memref<512xi32, #tpu.memory_space<vmem>>) semaphore(%dma_start3A_892 : memref<!tpu.dma_semaphore, #tpu.memory_space<semaphore_mem>>)
      %dma_wait3A_893 = arith.constant 0 : i32
      %dma_wait3A_894 = arith.constant 0 : i32
      %dma_wait3A_895 = arith.constant 0 : i32
      %dma_wait3A_896 = arith.constant 0 : i32
      %dma_wait3A_897 = tpu.memref_slice %arg12[%dma_wait3A_893, %dma_wait3A_895, %dma_wait3A_896] : memref<4x512x16xf32, #tpu.memory_space<vmem>> -> memref<1x512x16xf32, #tpu.memory_space<vmem>>
      %dma_wait3A_898 = tpu.memref_squeeze %dma_wait3A_897 : memref<1x512x16xf32, #tpu.memory_space<vmem>> -> memref<512x16xf32, #tpu.memory_space<vmem>>
      %dma_wait3A_899 = arith.constant 0 : i32
      %dma_wait3A_900 = tpu.memref_slice %arg8[%dma_wait3A_899] : memref<20480xi32, #tpu.memory_space<vmem>> -> memref<512xi32, #tpu.memory_space<vmem>>
      %dma_wait3A_901 = arith.constant 0 : i32
      %dma_wait3A_902 = arith.constant 0 : i32
      %dma_wait3A_903 = tpu.memref_slice %arg17[%dma_wait3A_901, %dma_wait3A_902] : memref<10240x16xf32, #tpu.memory_space<vmem_shared>> -> memref<10240x16xf32, #tpu.memory_space<vmem_shared>>
      %dma_wait3A_904 = tpu.memref_slice %arg20[%dma_wait3A_894] : memref<4x!tpu.dma_semaphore, #tpu.memory_space<semaphore_mem>> -> memref<1x!tpu.dma_semaphore, #tpu.memory_space<semaphore_mem>>
      %dma_wait3A_905 = tpu.memref_squeeze %dma_wait3A_904 : memref<1x!tpu.dma_semaphore, #tpu.memory_space<semaphore_mem>> -> memref<!tpu.dma_semaphore, #tpu.memory_space<semaphore_mem>>
      tpu.wait_indirect_dma semaphore(%dma_wait3A_905 : memref<!tpu.dma_semaphore, #tpu.memory_space<semaphore_mem>>) src(%dma_wait3A_903 : memref<10240x16xf32, #tpu.memory_space<vmem_shared>>) dst(%dma_wait3A_898 : memref<512x16xf32, #tpu.memory_space<vmem>>)
      %sub3A_906 = arith.constant 1 : i32
      %sub3A_907 = arith.subi %add3A_865, %sub3A_906 : i32
      %mul3A_908 = arith.constant 512 : i32
      %mul3A_909 = arith.muli %sub3A_907, %mul3A_908 : i32
      %dma_start3A_910 = arith.constant 0 : i32
      %dma_start3A_911 = arith.constant 0 : i32
      %dma_start3A_912 = arith.constant 0 : i32
      %dma_start3A_913 = arith.constant 0 : i32
      %dma_start3A_914 = tpu.memref_slice %arg12[%dma_start3A_910, %dma_start3A_912, %dma_start3A_913] : memref<4x512x16xf32, #tpu.memory_space<vmem>> -> memref<1x512x16xf32, #tpu.memory_space<vmem>>
      %dma_start3A_915 = tpu.memref_squeeze %dma_start3A_914 : memref<1x512x16xf32, #tpu.memory_space<vmem>> -> memref<512x16xf32, #tpu.memory_space<vmem>>
      %dma_start3A_916 = tpu.memref_slice %arg9[%mul3A_909] : memref<20480xi32, #tpu.memory_space<vmem>> -> memref<512xi32, #tpu.memory_space<vmem>>
      %dma_start3A_917 = arith.constant 0 : i32
      %dma_start3A_918 = arith.constant 0 : i32
      %dma_start3A_919 = tpu.memref_slice %arg18[%dma_start3A_917, %dma_start3A_918] : memref<10240x16xf32, #tpu.memory_space<vmem_shared>> -> memref<10240x16xf32, #tpu.memory_space<vmem_shared>>
      %dma_start3A_920 = tpu.memref_slice %arg21[%dma_start3A_911] : memref<4x!tpu.dma_semaphore, #tpu.memory_space<semaphore_mem>> -> memref<1x!tpu.dma_semaphore, #tpu.memory_space<semaphore_mem>>
      %dma_start3A_921 = tpu.memref_squeeze %dma_start3A_920 : memref<1x!tpu.dma_semaphore, #tpu.memory_space<semaphore_mem>> -> memref<!tpu.dma_semaphore, #tpu.memory_space<semaphore_mem>>
      tpu.enqueue_indirect_dma source(%dma_start3A_915 : memref<512x16xf32, #tpu.memory_space<vmem>>) target(%dma_start3A_919 : memref<10240x16xf32, #tpu.memory_space<vmem_shared>>) offsets(%dma_start3A_916 : memref<512xi32, #tpu.memory_space<vmem>>) semaphore(%dma_start3A_921 : memref<!tpu.dma_semaphore, #tpu.memory_space<semaphore_mem>>) {add = true}
      %mul3A_922 = arith.constant 4 : i32
      %mul3A_923 = arith.muli %scan3A_798, %mul3A_922 : i32
      %add3A_924 = arith.constant 4 : i32
      %add3A_925 = arith.addi %add3A_924, %mul3A_923 : i32
      %add3A_926 = arith.constant 2 : i32
      %add3A_927 = arith.addi %add3A_925, %add3A_926 : i32
      %dma_wait3A_928 = arith.constant 2 : i32
      %dma_wait3A_929 = arith.constant 2 : i32
      %dma_wait3A_930 = arith.constant 0 : i32
      %dma_wait3A_931 = arith.constant 0 : i32
      %dma_wait3A_932 = tpu.memref_slice %arg12[%dma_wait3A_928, %dma_wait3A_930, %dma_wait3A_931] : memref<4x512x16xf32, #tpu.memory_space<vmem>> -> memref<1x512x16xf32, #tpu.memory_space<vmem>>
      %dma_wait3A_933 = tpu.memref_squeeze %dma_wait3A_932 : memref<1x512x16xf32, #tpu.memory_space<vmem>> -> memref<512x16xf32, #tpu.memory_space<vmem>>
      %dma_wait3A_934 = arith.constant 0 : i32
      %dma_wait3A_935 = tpu.memref_slice %arg9[%dma_wait3A_934] : memref<20480xi32, #tpu.memory_space<vmem>> -> memref<512xi32, #tpu.memory_space<vmem>>
      %dma_wait3A_936 = arith.constant 0 : i32
      %dma_wait3A_937 = arith.constant 0 : i32
      %dma_wait3A_938 = tpu.memref_slice %arg18[%dma_wait3A_936, %dma_wait3A_937] : memref<10240x16xf32, #tpu.memory_space<vmem_shared>> -> memref<10240x16xf32, #tpu.memory_space<vmem_shared>>
      %dma_wait3A_939 = tpu.memref_slice %arg21[%dma_wait3A_929] : memref<4x!tpu.dma_semaphore, #tpu.memory_space<semaphore_mem>> -> memref<1x!tpu.dma_semaphore, #tpu.memory_space<semaphore_mem>>
      %dma_wait3A_940 = tpu.memref_squeeze %dma_wait3A_939 : memref<1x!tpu.dma_semaphore, #tpu.memory_space<semaphore_mem>> -> memref<!tpu.dma_semaphore, #tpu.memory_space<semaphore_mem>>
      tpu.wait_indirect_dma semaphore(%dma_wait3A_940 : memref<!tpu.dma_semaphore, #tpu.memory_space<semaphore_mem>>) src(%dma_wait3A_933 : memref<512x16xf32, #tpu.memory_space<vmem>>) dst(%dma_wait3A_938 : memref<10240x16xf32, #tpu.memory_space<vmem_shared>>)
      %mul3A_941 = arith.constant 512 : i32
      %mul3A_942 = arith.muli %add3A_927, %mul3A_941 : i32
      %dma_start3A_943 = arith.constant 2 : i32
      %dma_start3A_944 = arith.constant 2 : i32
      %dma_start3A_945 = arith.constant 0 : i32
      %dma_start3A_946 = arith.constant 0 : i32
      %dma_start3A_947 = tpu.memref_slice %arg12[%dma_start3A_943, %dma_start3A_945, %dma_start3A_946] : memref<4x512x16xf32, #tpu.memory_space<vmem>> -> memref<1x512x16xf32, #tpu.memory_space<vmem>>
      %dma_start3A_948 = tpu.memref_squeeze %dma_start3A_947 : memref<1x512x16xf32, #tpu.memory_space<vmem>> -> memref<512x16xf32, #tpu.memory_space<vmem>>
      %dma_start3A_949 = tpu.memref_slice %arg8[%mul3A_942] : memref<20480xi32, #tpu.memory_space<vmem>> -> memref<512xi32, #tpu.memory_space<vmem>>
      %dma_start3A_950 = arith.constant 0 : i32
      %dma_start3A_951 = arith.constant 0 : i32
      %dma_start3A_952 = tpu.memref_slice %arg17[%dma_start3A_950, %dma_start3A_951] : memref<10240x16xf32, #tpu.memory_space<vmem_shared>> -> memref<10240x16xf32, #tpu.memory_space<vmem_shared>>
      %dma_start3A_953 = tpu.memref_slice %arg20[%dma_start3A_944] : memref<4x!tpu.dma_semaphore, #tpu.memory_space<semaphore_mem>> -> memref<1x!tpu.dma_semaphore, #tpu.memory_space<semaphore_mem>>
      %dma_start3A_954 = tpu.memref_squeeze %dma_start3A_953 : memref<1x!tpu.dma_semaphore, #tpu.memory_space<semaphore_mem>> -> memref<!tpu.dma_semaphore, #tpu.memory_space<semaphore_mem>>
      tpu.enqueue_indirect_dma source(%dma_start3A_952 : memref<10240x16xf32, #tpu.memory_space<vmem_shared>>) target(%dma_start3A_948 : memref<512x16xf32, #tpu.memory_space<vmem>>) offsets(%dma_start3A_949 : memref<512xi32, #tpu.memory_space<vmem>>) semaphore(%dma_start3A_954 : memref<!tpu.dma_semaphore, #tpu.memory_space<semaphore_mem>>)
      %dma_wait3A_955 = arith.constant 1 : i32
      %dma_wait3A_956 = arith.constant 1 : i32
      %dma_wait3A_957 = arith.constant 0 : i32
      %dma_wait3A_958 = arith.constant 0 : i32
      %dma_wait3A_959 = tpu.memref_slice %arg12[%dma_wait3A_955, %dma_wait3A_957, %dma_wait3A_958] : memref<4x512x16xf32, #tpu.memory_space<vmem>> -> memref<1x512x16xf32, #tpu.memory_space<vmem>>
      %dma_wait3A_960 = tpu.memref_squeeze %dma_wait3A_959 : memref<1x512x16xf32, #tpu.memory_space<vmem>> -> memref<512x16xf32, #tpu.memory_space<vmem>>
      %dma_wait3A_961 = arith.constant 0 : i32
      %dma_wait3A_962 = tpu.memref_slice %arg8[%dma_wait3A_961] : memref<20480xi32, #tpu.memory_space<vmem>> -> memref<512xi32, #tpu.memory_space<vmem>>
      %dma_wait3A_963 = arith.constant 0 : i32
      %dma_wait3A_964 = arith.constant 0 : i32
      %dma_wait3A_965 = tpu.memref_slice %arg17[%dma_wait3A_963, %dma_wait3A_964] : memref<10240x16xf32, #tpu.memory_space<vmem_shared>> -> memref<10240x16xf32, #tpu.memory_space<vmem_shared>>
      %dma_wait3A_966 = tpu.memref_slice %arg20[%dma_wait3A_956] : memref<4x!tpu.dma_semaphore, #tpu.memory_space<semaphore_mem>> -> memref<1x!tpu.dma_semaphore, #tpu.memory_space<semaphore_mem>>
      %dma_wait3A_967 = tpu.memref_squeeze %dma_wait3A_966 : memref<1x!tpu.dma_semaphore, #tpu.memory_space<semaphore_mem>> -> memref<!tpu.dma_semaphore, #tpu.memory_space<semaphore_mem>>
      tpu.wait_indirect_dma semaphore(%dma_wait3A_967 : memref<!tpu.dma_semaphore, #tpu.memory_space<semaphore_mem>>) src(%dma_wait3A_965 : memref<10240x16xf32, #tpu.memory_space<vmem_shared>>) dst(%dma_wait3A_960 : memref<512x16xf32, #tpu.memory_space<vmem>>)
      %sub3A_968 = arith.constant 1 : i32
      %sub3A_969 = arith.subi %add3A_927, %sub3A_968 : i32
      %mul3A_970 = arith.constant 512 : i32
      %mul3A_971 = arith.muli %sub3A_969, %mul3A_970 : i32
      %dma_start3A_972 = arith.constant 1 : i32
      %dma_start3A_973 = arith.constant 1 : i32
      %dma_start3A_974 = arith.constant 0 : i32
      %dma_start3A_975 = arith.constant 0 : i32
      %dma_start3A_976 = tpu.memref_slice %arg12[%dma_start3A_972, %dma_start3A_974, %dma_start3A_975] : memref<4x512x16xf32, #tpu.memory_space<vmem>> -> memref<1x512x16xf32, #tpu.memory_space<vmem>>
      %dma_start3A_977 = tpu.memref_squeeze %dma_start3A_976 : memref<1x512x16xf32, #tpu.memory_space<vmem>> -> memref<512x16xf32, #tpu.memory_space<vmem>>
      %dma_start3A_978 = tpu.memref_slice %arg9[%mul3A_971] : memref<20480xi32, #tpu.memory_space<vmem>> -> memref<512xi32, #tpu.memory_space<vmem>>
      %dma_start3A_979 = arith.constant 0 : i32
      %dma_start3A_980 = arith.constant 0 : i32
      %dma_start3A_981 = tpu.memref_slice %arg18[%dma_start3A_979, %dma_start3A_980] : memref<10240x16xf32, #tpu.memory_space<vmem_shared>> -> memref<10240x16xf32, #tpu.memory_space<vmem_shared>>
      %dma_start3A_982 = tpu.memref_slice %arg21[%dma_start3A_973] : memref<4x!tpu.dma_semaphore, #tpu.memory_space<semaphore_mem>> -> memref<1x!tpu.dma_semaphore, #tpu.memory_space<semaphore_mem>>
      %dma_start3A_983 = tpu.memref_squeeze %dma_start3A_982 : memref<1x!tpu.dma_semaphore, #tpu.memory_space<semaphore_mem>> -> memref<!tpu.dma_semaphore, #tpu.memory_space<semaphore_mem>>
      tpu.enqueue_indirect_dma source(%dma_start3A_977 : memref<512x16xf32, #tpu.memory_space<vmem>>) target(%dma_start3A_981 : memref<10240x16xf32, #tpu.memory_space<vmem_shared>>) offsets(%dma_start3A_978 : memref<512xi32, #tpu.memory_space<vmem>>) semaphore(%dma_start3A_983 : memref<!tpu.dma_semaphore, #tpu.memory_space<semaphore_mem>>) {add = true}
      %mul3A_984 = arith.constant 4 : i32
      %mul3A_985 = arith.muli %scan3A_798, %mul3A_984 : i32
      %add3A_986 = arith.constant 4 : i32
      %add3A_987 = arith.addi %add3A_986, %mul3A_985 : i32
      %add3A_988 = arith.constant 3 : i32
      %add3A_989 = arith.addi %add3A_987, %add3A_988 : i32
      %dma_wait3A_990 = arith.constant 3 : i32
      %dma_wait3A_991 = arith.constant 3 : i32
      %dma_wait3A_992 = arith.constant 0 : i32
      %dma_wait3A_993 = arith.constant 0 : i32
      %dma_wait3A_994 = tpu.memref_slice %arg12[%dma_wait3A_990, %dma_wait3A_992, %dma_wait3A_993] : memref<4x512x16xf32, #tpu.memory_space<vmem>> -> memref<1x512x16xf32, #tpu.memory_space<vmem>>
      %dma_wait3A_995 = tpu.memref_squeeze %dma_wait3A_994 : memref<1x512x16xf32, #tpu.memory_space<vmem>> -> memref<512x16xf32, #tpu.memory_space<vmem>>
      %dma_wait3A_996 = arith.constant 0 : i32
      %dma_wait3A_997 = tpu.memref_slice %arg9[%dma_wait3A_996] : memref<20480xi32, #tpu.memory_space<vmem>> -> memref<512xi32, #tpu.memory_space<vmem>>
      %dma_wait3A_998 = arith.constant 0 : i32
      %dma_wait3A_999 = arith.constant 0 : i32
      %dma_wait3A_1000 = tpu.memref_slice %arg18[%dma_wait3A_998, %dma_wait3A_999] : memref<10240x16xf32, #tpu.memory_space<vmem_shared>> -> memref<10240x16xf32, #tpu.memory_space<vmem_shared>>
      %dma_wait3A_1001 = tpu.memref_slice %arg21[%dma_wait3A_991] : memref<4x!tpu.dma_semaphore, #tpu.memory_space<semaphore_mem>> -> memref<1x!tpu.dma_semaphore, #tpu.memory_space<semaphore_mem>>
      %dma_wait3A_1002 = tpu.memref_squeeze %dma_wait3A_1001 : memref<1x!tpu.dma_semaphore, #tpu.memory_space<semaphore_mem>> -> memref<!tpu.dma_semaphore, #tpu.memory_space<semaphore_mem>>
      tpu.wait_indirect_dma semaphore(%dma_wait3A_1002 : memref<!tpu.dma_semaphore, #tpu.memory_space<semaphore_mem>>) src(%dma_wait3A_995 : memref<512x16xf32, #tpu.memory_space<vmem>>) dst(%dma_wait3A_1000 : memref<10240x16xf32, #tpu.memory_space<vmem_shared>>)
      %mul3A_1003 = arith.constant 512 : i32
      %mul3A_1004 = arith.muli %add3A_989, %mul3A_1003 : i32
      %dma_start3A_1005 = arith.constant 3 : i32
      %dma_start3A_1006 = arith.constant 3 : i32
      %dma_start3A_1007 = arith.constant 0 : i32
      %dma_start3A_1008 = arith.constant 0 : i32
      %dma_start3A_1009 = tpu.memref_slice %arg12[%dma_start3A_1005, %dma_start3A_1007, %dma_start3A_1008] : memref<4x512x16xf32, #tpu.memory_space<vmem>> -> memref<1x512x16xf32, #tpu.memory_space<vmem>>
      %dma_start3A_1010 = tpu.memref_squeeze %dma_start3A_1009 : memref<1x512x16xf32, #tpu.memory_space<vmem>> -> memref<512x16xf32, #tpu.memory_space<vmem>>
      %dma_start3A_1011 = tpu.memref_slice %arg8[%mul3A_1004] : memref<20480xi32, #tpu.memory_space<vmem>> -> memref<512xi32, #tpu.memory_space<vmem>>
      %dma_start3A_1012 = arith.constant 0 : i32
      %dma_start3A_1013 = arith.constant 0 : i32
      %dma_start3A_1014 = tpu.memref_slice %arg17[%dma_start3A_1012, %dma_start3A_1013] : memref<10240x16xf32, #tpu.memory_space<vmem_shared>> -> memref<10240x16xf32, #tpu.memory_space<vmem_shared>>
      %dma_start3A_1015 = tpu.memref_slice %arg20[%dma_start3A_1006] : memref<4x!tpu.dma_semaphore, #tpu.memory_space<semaphore_mem>> -> memref<1x!tpu.dma_semaphore, #tpu.memory_space<semaphore_mem>>
      %dma_start3A_1016 = tpu.memref_squeeze %dma_start3A_1015 : memref<1x!tpu.dma_semaphore, #tpu.memory_space<semaphore_mem>> -> memref<!tpu.dma_semaphore, #tpu.memory_space<semaphore_mem>>
      tpu.enqueue_indirect_dma source(%dma_start3A_1014 : memref<10240x16xf32, #tpu.memory_space<vmem_shared>>) target(%dma_start3A_1010 : memref<512x16xf32, #tpu.memory_space<vmem>>) offsets(%dma_start3A_1011 : memref<512xi32, #tpu.memory_space<vmem>>) semaphore(%dma_start3A_1016 : memref<!tpu.dma_semaphore, #tpu.memory_space<semaphore_mem>>)
      %dma_wait3A_1017 = arith.constant 2 : i32
      %dma_wait3A_1018 = arith.constant 2 : i32
      %dma_wait3A_1019 = arith.constant 0 : i32
      %dma_wait3A_1020 = arith.constant 0 : i32
      %dma_wait3A_1021 = tpu.memref_slice %arg12[%dma_wait3A_1017, %dma_wait3A_1019, %dma_wait3A_1020] : memref<4x512x16xf32, #tpu.memory_space<vmem>> -> memref<1x512x16xf32, #tpu.memory_space<vmem>>
      %dma_wait3A_1022 = tpu.memref_squeeze %dma_wait3A_1021 : memref<1x512x16xf32, #tpu.memory_space<vmem>> -> memref<512x16xf32, #tpu.memory_space<vmem>>
      %dma_wait3A_1023 = arith.constant 0 : i32
      %dma_wait3A_1024 = tpu.memref_slice %arg8[%dma_wait3A_1023] : memref<20480xi32, #tpu.memory_space<vmem>> -> memref<512xi32, #tpu.memory_space<vmem>>
      %dma_wait3A_1025 = arith.constant 0 : i32
      %dma_wait3A_1026 = arith.constant 0 : i32
      %dma_wait3A_1027 = tpu.memref_slice %arg17[%dma_wait3A_1025, %dma_wait3A_1026] : memref<10240x16xf32, #tpu.memory_space<vmem_shared>> -> memref<10240x16xf32, #tpu.memory_space<vmem_shared>>
      %dma_wait3A_1028 = tpu.memref_slice %arg20[%dma_wait3A_1018] : memref<4x!tpu.dma_semaphore, #tpu.memory_space<semaphore_mem>> -> memref<1x!tpu.dma_semaphore, #tpu.memory_space<semaphore_mem>>
      %dma_wait3A_1029 = tpu.memref_squeeze %dma_wait3A_1028 : memref<1x!tpu.dma_semaphore, #tpu.memory_space<semaphore_mem>> -> memref<!tpu.dma_semaphore, #tpu.memory_space<semaphore_mem>>
      tpu.wait_indirect_dma semaphore(%dma_wait3A_1029 : memref<!tpu.dma_semaphore, #tpu.memory_space<semaphore_mem>>) src(%dma_wait3A_1027 : memref<10240x16xf32, #tpu.memory_space<vmem_shared>>) dst(%dma_wait3A_1022 : memref<512x16xf32, #tpu.memory_space<vmem>>)
      %sub3A_1030 = arith.constant 1 : i32
      %sub3A_1031 = arith.subi %add3A_989, %sub3A_1030 : i32
      %mul3A_1032 = arith.constant 512 : i32
      %mul3A_1033 = arith.muli %sub3A_1031, %mul3A_1032 : i32
      %dma_start3A_1034 = arith.constant 2 : i32
      %dma_start3A_1035 = arith.constant 2 : i32
      %dma_start3A_1036 = arith.constant 0 : i32
      %dma_start3A_1037 = arith.constant 0 : i32
      %dma_start3A_1038 = tpu.memref_slice %arg12[%dma_start3A_1034, %dma_start3A_1036, %dma_start3A_1037] : memref<4x512x16xf32, #tpu.memory_space<vmem>> -> memref<1x512x16xf32, #tpu.memory_space<vmem>>
      %dma_start3A_1039 = tpu.memref_squeeze %dma_start3A_1038 : memref<1x512x16xf32, #tpu.memory_space<vmem>> -> memref<512x16xf32, #tpu.memory_space<vmem>>
      %dma_start3A_1040 = tpu.memref_slice %arg9[%mul3A_1033] : memref<20480xi32, #tpu.memory_space<vmem>> -> memref<512xi32, #tpu.memory_space<vmem>>
      %dma_start3A_1041 = arith.constant 0 : i32
      %dma_start3A_1042 = arith.constant 0 : i32
      %dma_start3A_1043 = tpu.memref_slice %arg18[%dma_start3A_1041, %dma_start3A_1042] : memref<10240x16xf32, #tpu.memory_space<vmem_shared>> -> memref<10240x16xf32, #tpu.memory_space<vmem_shared>>
      %dma_start3A_1044 = tpu.memref_slice %arg21[%dma_start3A_1035] : memref<4x!tpu.dma_semaphore, #tpu.memory_space<semaphore_mem>> -> memref<1x!tpu.dma_semaphore, #tpu.memory_space<semaphore_mem>>
      %dma_start3A_1045 = tpu.memref_squeeze %dma_start3A_1044 : memref<1x!tpu.dma_semaphore, #tpu.memory_space<semaphore_mem>> -> memref<!tpu.dma_semaphore, #tpu.memory_space<semaphore_mem>>
      tpu.enqueue_indirect_dma source(%dma_start3A_1039 : memref<512x16xf32, #tpu.memory_space<vmem>>) target(%dma_start3A_1043 : memref<10240x16xf32, #tpu.memory_space<vmem_shared>>) offsets(%dma_start3A_1040 : memref<512xi32, #tpu.memory_space<vmem>>) semaphore(%dma_start3A_1045 : memref<!tpu.dma_semaphore, #tpu.memory_space<semaphore_mem>>) {add = true}
    }
    %scan3A_715 = arith.constant 9 : i32
    %dma_wait3A_716 = arith.constant 3 : i32
    %dma_wait3A_717 = arith.constant 3 : i32
    %dma_wait3A_718 = arith.constant 0 : i32
    %dma_wait3A_719 = arith.constant 0 : i32
    %dma_wait3A_720 = tpu.memref_slice %arg12[%dma_wait3A_716, %dma_wait3A_718, %dma_wait3A_719] : memref<4x512x16xf32, #tpu.memory_space<vmem>> -> memref<1x512x16xf32, #tpu.memory_space<vmem>>
    %dma_wait3A_721 = tpu.memref_squeeze %dma_wait3A_720 : memref<1x512x16xf32, #tpu.memory_space<vmem>> -> memref<512x16xf32, #tpu.memory_space<vmem>>
    %dma_wait3A_722 = arith.constant 0 : i32
    %dma_wait3A_723 = tpu.memref_slice %arg8[%dma_wait3A_722] : memref<20480xi32, #tpu.memory_space<vmem>> -> memref<512xi32, #tpu.memory_space<vmem>>
    %dma_wait3A_724 = arith.constant 0 : i32
    %dma_wait3A_725 = arith.constant 0 : i32
    %dma_wait3A_726 = tpu.memref_slice %arg17[%dma_wait3A_724, %dma_wait3A_725] : memref<10240x16xf32, #tpu.memory_space<vmem_shared>> -> memref<10240x16xf32, #tpu.memory_space<vmem_shared>>
    %dma_wait3A_727 = tpu.memref_slice %arg20[%dma_wait3A_717] : memref<4x!tpu.dma_semaphore, #tpu.memory_space<semaphore_mem>> -> memref<1x!tpu.dma_semaphore, #tpu.memory_space<semaphore_mem>>
    %dma_wait3A_728 = tpu.memref_squeeze %dma_wait3A_727 : memref<1x!tpu.dma_semaphore, #tpu.memory_space<semaphore_mem>> -> memref<!tpu.dma_semaphore, #tpu.memory_space<semaphore_mem>>
    tpu.wait_indirect_dma semaphore(%dma_wait3A_728 : memref<!tpu.dma_semaphore, #tpu.memory_space<semaphore_mem>>) src(%dma_wait3A_726 : memref<10240x16xf32, #tpu.memory_space<vmem_shared>>) dst(%dma_wait3A_721 : memref<512x16xf32, #tpu.memory_space<vmem>>)
    %dma_start3A_729 = arith.constant 3 : i32
    %dma_start3A_730 = arith.constant 3 : i32
    %dma_start3A_731 = arith.constant 0 : i32
    %dma_start3A_732 = arith.constant 0 : i32
    %dma_start3A_733 = tpu.memref_slice %arg12[%dma_start3A_729, %dma_start3A_731, %dma_start3A_732] : memref<4x512x16xf32, #tpu.memory_space<vmem>> -> memref<1x512x16xf32, #tpu.memory_space<vmem>>
    %dma_start3A_734 = tpu.memref_squeeze %dma_start3A_733 : memref<1x512x16xf32, #tpu.memory_space<vmem>> -> memref<512x16xf32, #tpu.memory_space<vmem>>
    %dma_start3A_735 = arith.constant 19968 : i32
    %dma_start3A_736 = tpu.memref_slice %arg9[%dma_start3A_735] : memref<20480xi32, #tpu.memory_space<vmem>> -> memref<512xi32, #tpu.memory_space<vmem>>
    %dma_start3A_737 = arith.constant 0 : i32
    %dma_start3A_738 = arith.constant 0 : i32
    %dma_start3A_739 = tpu.memref_slice %arg18[%dma_start3A_737, %dma_start3A_738] : memref<10240x16xf32, #tpu.memory_space<vmem_shared>> -> memref<10240x16xf32, #tpu.memory_space<vmem_shared>>
    %dma_start3A_740 = tpu.memref_slice %arg21[%dma_start3A_730] : memref<4x!tpu.dma_semaphore, #tpu.memory_space<semaphore_mem>> -> memref<1x!tpu.dma_semaphore, #tpu.memory_space<semaphore_mem>>
    %dma_start3A_741 = tpu.memref_squeeze %dma_start3A_740 : memref<1x!tpu.dma_semaphore, #tpu.memory_space<semaphore_mem>> -> memref<!tpu.dma_semaphore, #tpu.memory_space<semaphore_mem>>
    tpu.enqueue_indirect_dma source(%dma_start3A_734 : memref<512x16xf32, #tpu.memory_space<vmem>>) target(%dma_start3A_739 : memref<10240x16xf32, #tpu.memory_space<vmem_shared>>) offsets(%dma_start3A_736 : memref<512xi32, #tpu.memory_space<vmem>>) semaphore(%dma_start3A_741 : memref<!tpu.dma_semaphore, #tpu.memory_space<semaphore_mem>>) {add = true}
    %dma_wait3A_742 = arith.constant 0 : i32
    %dma_wait3A_743 = arith.constant 0 : i32
    %dma_wait3A_744 = arith.constant 0 : i32
    %dma_wait3A_745 = arith.constant 0 : i32
    %dma_wait3A_746 = tpu.memref_slice %arg12[%dma_wait3A_742, %dma_wait3A_744, %dma_wait3A_745] : memref<4x512x16xf32, #tpu.memory_space<vmem>> -> memref<1x512x16xf32, #tpu.memory_space<vmem>>
    %dma_wait3A_747 = tpu.memref_squeeze %dma_wait3A_746 : memref<1x512x16xf32, #tpu.memory_space<vmem>> -> memref<512x16xf32, #tpu.memory_space<vmem>>
    %dma_wait3A_748 = arith.constant 0 : i32
    %dma_wait3A_749 = tpu.memref_slice %arg9[%dma_wait3A_748] : memref<20480xi32, #tpu.memory_space<vmem>> -> memref<512xi32, #tpu.memory_space<vmem>>
    %dma_wait3A_750 = arith.constant 0 : i32
    %dma_wait3A_751 = arith.constant 0 : i32
    %dma_wait3A_752 = tpu.memref_slice %arg18[%dma_wait3A_750, %dma_wait3A_751] : memref<10240x16xf32, #tpu.memory_space<vmem_shared>> -> memref<10240x16xf32, #tpu.memory_space<vmem_shared>>
    %dma_wait3A_753 = tpu.memref_slice %arg21[%dma_wait3A_743] : memref<4x!tpu.dma_semaphore, #tpu.memory_space<semaphore_mem>> -> memref<1x!tpu.dma_semaphore, #tpu.memory_space<semaphore_mem>>
    %dma_wait3A_754 = tpu.memref_squeeze %dma_wait3A_753 : memref<1x!tpu.dma_semaphore, #tpu.memory_space<semaphore_mem>> -> memref<!tpu.dma_semaphore, #tpu.memory_space<semaphore_mem>>
    tpu.wait_indirect_dma semaphore(%dma_wait3A_754 : memref<!tpu.dma_semaphore, #tpu.memory_space<semaphore_mem>>) src(%dma_wait3A_747 : memref<512x16xf32, #tpu.memory_space<vmem>>) dst(%dma_wait3A_752 : memref<10240x16xf32, #tpu.memory_space<vmem_shared>>)
    %dma_wait3A_755 = arith.constant 1 : i32
    %dma_wait3A_756 = arith.constant 1 : i32
    %dma_wait3A_757 = arith.constant 0 : i32
    %dma_wait3A_758 = arith.constant 0 : i32
    %dma_wait3A_759 = tpu.memref_slice %arg12[%dma_wait3A_755, %dma_wait3A_757, %dma_wait3A_758] : memref<4x512x16xf32, #tpu.memory_space<vmem>> -> memref<1x512x16xf32, #tpu.memory_space<vmem>>
    %dma_wait3A_760 = tpu.memref_squeeze %dma_wait3A_759 : memref<1x512x16xf32, #tpu.memory_space<vmem>> -> memref<512x16xf32, #tpu.memory_space<vmem>>
    %dma_wait3A_761 = arith.constant 0 : i32
    %dma_wait3A_762 = tpu.memref_slice %arg9[%dma_wait3A_761] : memref<20480xi32, #tpu.memory_space<vmem>> -> memref<512xi32, #tpu.memory_space<vmem>>
    %dma_wait3A_763 = arith.constant 0 : i32
    %dma_wait3A_764 = arith.constant 0 : i32
    %dma_wait3A_765 = tpu.memref_slice %arg18[%dma_wait3A_763, %dma_wait3A_764] : memref<10240x16xf32, #tpu.memory_space<vmem_shared>> -> memref<10240x16xf32, #tpu.memory_space<vmem_shared>>
    %dma_wait3A_766 = tpu.memref_slice %arg21[%dma_wait3A_756] : memref<4x!tpu.dma_semaphore, #tpu.memory_space<semaphore_mem>> -> memref<1x!tpu.dma_semaphore, #tpu.memory_space<semaphore_mem>>
    %dma_wait3A_767 = tpu.memref_squeeze %dma_wait3A_766 : memref<1x!tpu.dma_semaphore, #tpu.memory_space<semaphore_mem>> -> memref<!tpu.dma_semaphore, #tpu.memory_space<semaphore_mem>>
    tpu.wait_indirect_dma semaphore(%dma_wait3A_767 : memref<!tpu.dma_semaphore, #tpu.memory_space<semaphore_mem>>) src(%dma_wait3A_760 : memref<512x16xf32, #tpu.memory_space<vmem>>) dst(%dma_wait3A_765 : memref<10240x16xf32, #tpu.memory_space<vmem_shared>>)
    %dma_wait3A_768 = arith.constant 2 : i32
    %dma_wait3A_769 = arith.constant 2 : i32
    %dma_wait3A_770 = arith.constant 0 : i32
    %dma_wait3A_771 = arith.constant 0 : i32
    %dma_wait3A_772 = tpu.memref_slice %arg12[%dma_wait3A_768, %dma_wait3A_770, %dma_wait3A_771] : memref<4x512x16xf32, #tpu.memory_space<vmem>> -> memref<1x512x16xf32, #tpu.memory_space<vmem>>
    %dma_wait3A_773 = tpu.memref_squeeze %dma_wait3A_772 : memref<1x512x16xf32, #tpu.memory_space<vmem>> -> memref<512x16xf32, #tpu.memory_space<vmem>>
    %dma_wait3A_774 = arith.constant 0 : i32
    %dma_wait3A_775 = tpu.memref_slice %arg9[%dma_wait3A_774] : memref<20480xi32, #tpu.memory_space<vmem>> -> memref<512xi32, #tpu.memory_space<vmem>>
    %dma_wait3A_776 = arith.constant 0 : i32
    %dma_wait3A_777 = arith.constant 0 : i32
    %dma_wait3A_778 = tpu.memref_slice %arg18[%dma_wait3A_776, %dma_wait3A_777] : memref<10240x16xf32, #tpu.memory_space<vmem_shared>> -> memref<10240x16xf32, #tpu.memory_space<vmem_shared>>
    %dma_wait3A_779 = tpu.memref_slice %arg21[%dma_wait3A_769] : memref<4x!tpu.dma_semaphore, #tpu.memory_space<semaphore_mem>> -> memref<1x!tpu.dma_semaphore, #tpu.memory_space<semaphore_mem>>
    %dma_wait3A_780 = tpu.memref_squeeze %dma_wait3A_779 : memref<1x!tpu.dma_semaphore, #tpu.memory_space<semaphore_mem>> -> memref<!tpu.dma_semaphore, #tpu.memory_space<semaphore_mem>>
    tpu.wait_indirect_dma semaphore(%dma_wait3A_780 : memref<!tpu.dma_semaphore, #tpu.memory_space<semaphore_mem>>) src(%dma_wait3A_773 : memref<512x16xf32, #tpu.memory_space<vmem>>) dst(%dma_wait3A_778 : memref<10240x16xf32, #tpu.memory_space<vmem_shared>>)
    %dma_wait3A_781 = arith.constant 3 : i32
    %dma_wait3A_782 = arith.constant 3 : i32
    %dma_wait3A_783 = arith.constant 0 : i32
    %dma_wait3A_784 = arith.constant 0 : i32
    %dma_wait3A_785 = tpu.memref_slice %arg12[%dma_wait3A_781, %dma_wait3A_783, %dma_wait3A_784] : memref<4x512x16xf32, #tpu.memory_space<vmem>> -> memref<1x512x16xf32, #tpu.memory_space<vmem>>
    %dma_wait3A_786 = tpu.memref_squeeze %dma_wait3A_785 : memref<1x512x16xf32, #tpu.memory_space<vmem>> -> memref<512x16xf32, #tpu.memory_space<vmem>>
    %dma_wait3A_787 = arith.constant 0 : i32
    %dma_wait3A_788 = tpu.memref_slice %arg9[%dma_wait3A_787] : memref<20480xi32, #tpu.memory_space<vmem>> -> memref<512xi32, #tpu.memory_space<vmem>>
    %dma_wait3A_789 = arith.constant 0 : i32
    %dma_wait3A_790 = arith.constant 0 : i32
    %dma_wait3A_791 = tpu.memref_slice %arg18[%dma_wait3A_789, %dma_wait3A_790] : memref<10240x16xf32, #tpu.memory_space<vmem_shared>> -> memref<10240x16xf32, #tpu.memory_space<vmem_shared>>
    %dma_wait3A_792 = tpu.memref_slice %arg21[%dma_wait3A_782] : memref<4x!tpu.dma_semaphore, #tpu.memory_space<semaphore_mem>> -> memref<1x!tpu.dma_semaphore, #tpu.memory_space<semaphore_mem>>
    %dma_wait3A_793 = tpu.memref_squeeze %dma_wait3A_792 : memref<1x!tpu.dma_semaphore, #tpu.memory_space<semaphore_mem>> -> memref<!tpu.dma_semaphore, #tpu.memory_space<semaphore_mem>>
    tpu.wait_indirect_dma semaphore(%dma_wait3A_793 : memref<!tpu.dma_semaphore, #tpu.memory_space<semaphore_mem>>) src(%dma_wait3A_786 : memref<512x16xf32, #tpu.memory_space<vmem>>) dst(%dma_wait3A_791 : memref<10240x16xf32, #tpu.memory_space<vmem_shared>>)
    %barrier3A_794 = arith.constant 0 : index
    tpu.barrier barrier_id(%barrier3A_794)
    "tpu.region"() ({
      %run_scoped3A_798 = tpu.sem_alloc : memref<!tpu.dma_semaphore, #tpu.memory_space<semaphore_mem>>
      %dma_start3A_799 = arith.constant 0 : i32
      %dma_start3A_800 = tpu.memref_slice %arg18[%mul3A_0, %dma_start3A_799] : memref<10240x16xf32, #tpu.memory_space<vmem_shared>> -> memref<640x16xf32, #tpu.memory_space<vmem_shared>>
      %dma_start3A_801 = arith.constant 0 : i32
      %dma_start3A_802 = tpu.memref_slice %arg18[%mul3A_0, %dma_start3A_801] : memref<10240x16xf32, #tpu.memory_space<vmem_shared>> -> memref<640x16xf32, #tpu.memory_space<vmem_shared>>
      tpu.enqueue_dma source(%dma_start3A_802 : memref<640x16xf32, #tpu.memory_space<vmem_shared>>) target(%arg10 : memref<640x16xf32, #tpu.memory_space<vmem>>) target_semaphore(%run_scoped3A_798 : memref<!tpu.dma_semaphore, #tpu.memory_space<semaphore_mem>>)
      %dma_wait3A_803 = arith.constant 0 : i32
      %dma_wait3A_804 = tpu.memref_slice %arg18[%mul3A_0, %dma_wait3A_803] : memref<10240x16xf32, #tpu.memory_space<vmem_shared>> -> memref<640x16xf32, #tpu.memory_space<vmem_shared>>
      %dma_wait3A_805 = arith.constant 0 : i32
      %dma_wait3A_806 = tpu.memref_slice %arg18[%mul3A_0, %dma_wait3A_805] : memref<10240x16xf32, #tpu.memory_space<vmem_shared>> -> memref<640x16xf32, #tpu.memory_space<vmem_shared>>
      tpu.wait_dma2 semaphore(%run_scoped3A_798 : memref<!tpu.dma_semaphore, #tpu.memory_space<semaphore_mem>>) src(%dma_wait3A_806 : memref<640x16xf32, #tpu.memory_space<vmem_shared>>) dst(%arg10 : memref<640x16xf32, #tpu.memory_space<vmem>>)
      tpu.yield
    }) : () -> ()
    %mul3A_795 = arith.constant 10240 : i32
    %mul3A_796 = arith.muli %arg0, %mul3A_795 : i32
    %add3A_797 = arith.addi %mul3A_796, %mul3A_0 : i32
    "tpu.region"() ({
      %run_scoped3A_798 = tpu.sem_alloc : memref<!tpu.dma_semaphore, #tpu.memory_space<semaphore_mem>>
      %dma_start3A_799 = arith.constant 0 : i32
      %dma_start3A_800 = tpu.memref_slice %arg7[%add3A_797, %dma_start3A_799] : memref<20480x16xf32, #tpu.memory_space<hbm>> -> memref<640x16xf32, #tpu.memory_space<hbm>>
      %dma_start3A_801 = arith.constant 0 : i32
      %dma_start3A_802 = tpu.memref_slice %arg7[%add3A_797, %dma_start3A_801] : memref<20480x16xf32, #tpu.memory_space<hbm>> -> memref<640x16xf32, #tpu.memory_space<hbm>>
      tpu.enqueue_dma source(%arg10 : memref<640x16xf32, #tpu.memory_space<vmem>>) target(%dma_start3A_802 : memref<640x16xf32, #tpu.memory_space<hbm>>) target_semaphore(%run_scoped3A_798 : memref<!tpu.dma_semaphore, #tpu.memory_space<semaphore_mem>>)
      %dma_wait3A_803 = arith.constant 0 : i32
      %dma_wait3A_804 = tpu.memref_slice %arg7[%add3A_797, %dma_wait3A_803] : memref<20480x16xf32, #tpu.memory_space<hbm>> -> memref<640x16xf32, #tpu.memory_space<hbm>>
      %dma_wait3A_805 = arith.constant 0 : i32
      %dma_wait3A_806 = tpu.memref_slice %arg7[%add3A_797, %dma_wait3A_805] : memref<20480x16xf32, #tpu.memory_space<hbm>> -> memref<640x16xf32, #tpu.memory_space<hbm>>
      tpu.wait_dma2 semaphore(%run_scoped3A_798 : memref<!tpu.dma_semaphore, #tpu.memory_space<semaphore_mem>>) src(%arg10 : memref<640x16xf32, #tpu.memory_space<vmem>>) dst(%dma_wait3A_806 : memref<640x16xf32, #tpu.memory_space<hbm>>)
      tpu.yield
    }) : () -> ()
    return
  }
}

module attributes {stable_mosaic.version = 14 : i64} {
  func.func @_mm1_body(%arg0: i32, %arg1: memref<10240x128xf32, #tpu.memory_space<vmem>>, %arg2: memref<128x32xf32, #tpu.memory_space<vmem>>, %arg3: memref<2x10240x16xf32, #tpu.memory_space<vmem>>) attributes {dimension_semantics = [#tpu.dimension_semantics<arbitrary>], iteration_bounds = array<i64: 1>, scalar_prefetch = 0 : i64, scratch_operands = 0 : i64, tpu.core_type = #tpu.core_type<tc>, window_params = [{transform_indices = @transform_0, window_bounds = array<i64: 10240, 128>}, {pipeline_mode = #tpu.pipeline_mode<synchronous>, transform_indices = @transform_1, window_bounds = array<i64: 128, 32>}, {transform_indices = @transform_2, window_bounds = array<i64: 2, 10240, 16>}]} {
    %get3A = arith.constant 0 : index
    %get3A_0 = arith.constant 0 : index
    %get3A_1 = vector.load %arg1[%get3A, %get3A_0] : memref<10240x128xf32, #tpu.memory_space<vmem>>, vector<10240x128xf32>
    %get3A_2 = arith.constant 0 : index
    %get3A_3 = arith.constant 0 : index
    %get3A_4 = vector.load %arg2[%get3A_2, %get3A_3] : memref<128x32xf32, #tpu.memory_space<vmem>>, vector<128x32xf32>
    %slice3A = vector.extract_strided_slice %get3A_4 {offsets = [0, 0], sizes = [128, 16], strides = [1, 1]} : vector<128x32xf32> to vector<128x16xf32>
    %dot_general3A = arith.constant dense<0.000000e+00> : vector<10240x16xf32>
    %dot_general3A_5 = tpu.matmul %get3A_1, %slice3A, %dot_general3A {dimension_numbers = #tpu.dot_dimension_numbers<[1], [0], [0], [1], [0, 0, 1, 1], [], []>, transpose_lhs_hint = false} : vector<10240x128xf32>, vector<128x16xf32>, vector<10240x16xf32> -> vector<10240x16xf32>
    %swap3A = arith.constant 0 : index
    %swap3A_6 = arith.constant 0 : index
    %swap3A_7 = arith.constant 0 : index
    %swap3A_8 = vector.load %arg3[%swap3A, %swap3A_6, %swap3A_7] : memref<2x10240x16xf32, #tpu.memory_space<vmem>>, vector<1x10240x16xf32>
    %swap3A_9 = vector.shape_cast %swap3A_8 : vector<1x10240x16xf32> to vector<10240x16xf32>
    %swap3A_10 = vector.shape_cast %dot_general3A_5 : vector<10240x16xf32> to vector<1x10240x16xf32>
    tpu.vector_store %arg3[%swap3A, %swap3A_6, %swap3A_7], %swap3A_10 {strides = array<i32>} : memref<2x10240x16xf32, #tpu.memory_space<vmem>>, vector<1x10240x16xf32>,
    %slice3A_11 = vector.extract_strided_slice %get3A_4 {offsets = [0, 16], sizes = [128, 16], strides = [1, 1]} : vector<128x32xf32> to vector<128x16xf32>
    %dot_general3A_12 = arith.constant dense<0.000000e+00> : vector<10240x16xf32>
    %dot_general3A_13 = tpu.matmul %get3A_1, %slice3A_11, %dot_general3A_12 {dimension_numbers = #tpu.dot_dimension_numbers<[1], [0], [0], [1], [0, 0, 1, 1], [], []>, transpose_lhs_hint = false} : vector<10240x128xf32>, vector<128x16xf32>, vector<10240x16xf32> -> vector<10240x16xf32>
    %swap3A_14 = arith.constant 1 : index
    %swap3A_15 = arith.constant 0 : index
    %swap3A_16 = arith.constant 0 : index
    %swap3A_17 = vector.load %arg3[%swap3A_14, %swap3A_15, %swap3A_16] : memref<2x10240x16xf32, #tpu.memory_space<vmem>>, vector<1x10240x16xf32>
    %swap3A_18 = vector.shape_cast %swap3A_17 : vector<1x10240x16xf32> to vector<10240x16xf32>
    %swap3A_19 = vector.shape_cast %dot_general3A_13 : vector<10240x16xf32> to vector<1x10240x16xf32>
    tpu.vector_store %arg3[%swap3A_14, %swap3A_15, %swap3A_16], %swap3A_19 {strides = array<i32>} : memref<2x10240x16xf32, #tpu.memory_space<vmem>>, vector<1x10240x16xf32>,
    return
  }
  func.func @transform_0(%arg0: i32) -> (i32, i32) {
    %c0_i32 = arith.constant 0 : i32
    %c0_i32_0 = arith.constant 0 : i32
    return %arg0, %c0_i32 : i32, i32
  }
  func.func @transform_1(%arg0: i32) -> (i32, i32) {
    %c0_i32 = arith.constant 0 : i32
    %c0_i32_0 = arith.constant 0 : i32
    %c0_i32_1 = arith.constant 0 : i32
    return %c0_i32, %c0_i32_0 : i32, i32
  }
  func.func @transform_2(%arg0: i32) -> (i32, i32, i32) {
    %c0_i32 = arith.constant 0 : i32
    %c0_i32_0 = arith.constant 0 : i32
    %c0_i32_1 = arith.constant 0 : i32
    return %c0_i32, %arg0, %c0_i32_0 : i32, i32, i32
  }
}

module attributes {stable_mosaic.version = 14 : i64} {
  func.func @_fin_body(%arg0: i32, %arg1: memref<2x10240x16xf32, #tpu.memory_space<vmem>>, %arg2: memref<10240x1xf32, #tpu.memory_space<vmem>>, %arg3: memref<32x64xf32, #tpu.memory_space<vmem>>, %arg4: memref<1x64xf32, #tpu.memory_space<vmem>>, %arg5: memref<10240x64xf32, #tpu.memory_space<vmem>>) attributes {dimension_semantics = [#tpu.dimension_semantics<arbitrary>], iteration_bounds = array<i64: 1>, scalar_prefetch = 0 : i64, scratch_operands = 0 : i64, tpu.core_type = #tpu.core_type<tc>, window_params = [{transform_indices = @transform_0, window_bounds = array<i64: 2, 10240, 16>}, {transform_indices = @transform_1, window_bounds = array<i64: 10240, 1>}, {pipeline_mode = #tpu.pipeline_mode<synchronous>, transform_indices = @transform_2, window_bounds = array<i64: 32, 64>}, {pipeline_mode = #tpu.pipeline_mode<synchronous>, transform_indices = @transform_3, window_bounds = array<i64: 1, 64>}, {transform_indices = @transform_4, window_bounds = array<i64: 10240, 64>}]} {
    %get3A = arith.constant 0 : index
    %get3A_0 = arith.constant 0 : index
    %get3A_1 = arith.constant 0 : index
    %get3A_2 = vector.load %arg1[%get3A, %get3A_0, %get3A_1] : memref<2x10240x16xf32, #tpu.memory_space<vmem>>, vector<2x10240x16xf32>
    %slice3A = vector.extract_strided_slice %get3A_2 {offsets = [0, 0, 0], sizes = [1, 10240, 16], strides = [1, 1, 1]} : vector<2x10240x16xf32> to vector<1x10240x16xf32>
    %squeeze3A = vector.shape_cast %slice3A : vector<1x10240x16xf32> to vector<10240x16xf32>
    %slice3A_3 = vector.extract_strided_slice %get3A_2 {offsets = [1, 0, 0], sizes = [1, 10240, 16], strides = [1, 1, 1]} : vector<2x10240x16xf32> to vector<1x10240x16xf32>
    %squeeze3A_4 = vector.shape_cast %slice3A_3 : vector<1x10240x16xf32> to vector<10240x16xf32>
    %concatenate3A = tpu.concatenate %squeeze3A, %squeeze3A_4 in 1 : vector<10240x16xf32>, vector<10240x16xf32> -> vector<10240x32xf32>
    %get3A_5 = arith.constant 0 : index
    %get3A_6 = arith.constant 0 : index
    %get3A_7 = vector.load %arg2[%get3A_5, %get3A_6] : memref<10240x1xf32, #tpu.memory_space<vmem>>, vector<10240x1xf32>
    %max3A = arith.constant 1.000000e+00 : f32
    %max3A_8 = vector.broadcast %max3A : f32 to vector<10240x1xf32>
    %max3A_9 = arith.maximumf %get3A_7, %max3A_8 : vector<10240x1xf32>
    %rsqrt3A = math.rsqrt %max3A_9 : vector<10240x1xf32>
    %mul3A = vector.broadcast %rsqrt3A : vector<10240x1xf32> to vector<10240x32xf32>
    %mul3A_10 = arith.mulf %concatenate3A, %mul3A : vector<10240x32xf32>
    %get3A_11 = arith.constant 0 : index
    %get3A_12 = arith.constant 0 : index
    %get3A_13 = vector.load %arg3[%get3A_11, %get3A_12] : memref<32x64xf32, #tpu.memory_space<vmem>>, vector<32x64xf32>
    %dot_general3A = arith.constant dense<0.000000e+00> : vector<10240x64xf32>
    %dot_general3A_14 = tpu.matmul %mul3A_10, %get3A_13, %dot_general3A {dimension_numbers = #tpu.dot_dimension_numbers<[1], [0], [0], [1], [0, 0, 1, 1], [], []>, transpose_lhs_hint = false} : vector<10240x32xf32>, vector<32x64xf32>, vector<10240x64xf32> -> vector<10240x64xf32>
    %get3A_15 = arith.constant 0 : index
    %get3A_16 = arith.constant 0 : index
    %get3A_17 = vector.load %arg4[%get3A_15, %get3A_16] : memref<1x64xf32, #tpu.memory_space<vmem>>, vector<1x64xf32>
    %add3A = vector.broadcast %get3A_17 : vector<1x64xf32> to vector<10240x64xf32>
    %add3A_18 = arith.addf %dot_general3A_14, %add3A : vector<10240x64xf32>
    %reduce_max3A = arith.constant dense<0xFF800000> : vector<10240xf32>
    %reduce_max3A_19 = vector.multi_reduction <maximumf>, %add3A_18, %reduce_max3A [1] : vector<10240x64xf32> to vector<10240xf32>
    %broadcast_in_dim3A = vector.shape_cast %reduce_max3A_19 : vector<10240xf32> to vector<10240x1xf32>
    %sub3A = vector.broadcast %broadcast_in_dim3A : vector<10240x1xf32> to vector<10240x64xf32>
    %sub3A_20 = arith.subf %add3A_18, %sub3A : vector<10240x64xf32>
    %exp3A = math.exp %sub3A_20 : vector<10240x64xf32>
    %reduce_sum3A = arith.constant dense<0.000000e+00> : vector<10240xf32>
    %reduce_sum3A_21 = vector.multi_reduction <add>, %exp3A, %reduce_sum3A [1] : vector<10240x64xf32> to vector<10240xf32>
    %broadcast_in_dim3A_22 = vector.shape_cast %reduce_sum3A_21 : vector<10240xf32> to vector<10240x1xf32>
    %log3A = math.log %broadcast_in_dim3A_22 : vector<10240x1xf32>
    %sub3A_23 = vector.broadcast %log3A : vector<10240x1xf32> to vector<10240x64xf32>
    %sub3A_24 = arith.subf %sub3A_20, %sub3A_23 : vector<10240x64xf32>
    %swap3A = arith.constant 0 : index
    %swap3A_25 = arith.constant 0 : index
    %swap3A_26 = vector.load %arg5[%swap3A, %swap3A_25] : memref<10240x64xf32, #tpu.memory_space<vmem>>, vector<10240x64xf32>
    tpu.vector_store %arg5[%swap3A, %swap3A_25], %sub3A_24 {strides = array<i32>} : memref<10240x64xf32, #tpu.memory_space<vmem>>, vector<10240x64xf32>,
    return
  }
  func.func @transform_0(%arg0: i32) -> (i32, i32, i32) {
    %c0_i32 = arith.constant 0 : i32
    %c0_i32_0 = arith.constant 0 : i32
    %c0_i32_1 = arith.constant 0 : i32
    return %c0_i32, %arg0, %c0_i32_0 : i32, i32, i32
  }
  func.func @transform_1(%arg0: i32) -> (i32, i32) {
    %c0_i32 = arith.constant 0 : i32
    %c0_i32_0 = arith.constant 0 : i32
    return %arg0, %c0_i32 : i32, i32
  }
  func.func @transform_2(%arg0: i32) -> (i32, i32) {
    %c0_i32 = arith.constant 0 : i32
    %c0_i32_0 = arith.constant 0 : i32
    %c0_i32_1 = arith.constant 0 : i32
    return %c0_i32, %c0_i32_0 : i32, i32
  }
  func.func @transform_3(%arg0: i32) -> (i32, i32) {
    %c0_i32 = arith.constant 0 : i32
    %c0_i32_0 = arith.constant 0 : i32
    %c0_i32_1 = arith.constant 0 : i32
    return %c0_i32, %c0_i32_0 : i32, i32
  }
  func.func @transform_4(%arg0: i32) -> (i32, i32) {
    %c0_i32 = arith.constant 0 : i32
    %c0_i32_0 = arith.constant 0 : i32
    return %arg0, %c0_i32 : i32, i32
  }
}

</mosaic_0001>

<sc_bundles>
// kernel: kernel.6.cloned.1.call-start
scs
__scs_entry_jumppad:
0x0: {  	(pc) =	sbr.rel $0x88, $3  }
0x1: {  	(tag) =	ssettag $0x0;
	lr =	simm.s32 $0x1  }
0x2: {  	[smem:$0x3F9B] =	sst lr;
	_ =	strace $0xD0000000  }
0x3: {  	_ = 	snop  }
0x4: {  	_ = 	snop  }
0x5: {  	_ = 	snop  }
0x6: {  	_ = 	snop  }
0x7: {  	_ = 	snop  }
__scs_overlays_trampoline_lowered:
0x8: {  	[smem:$0x3FAA] =	sst s0  }
0x9: {  	[smem:$0x3FAB] =	sst s1  }
0xa: {  	[smem:$0x3FAC] =	sst s2  }
0xb: {  	[smem:$0x3FAD] =	sst s3  }
0xc: {  	[smem:$0x3FAE] =	sst s4  }
0xd: {  	[smem:$0x3FAF] =	sst s5  }
0xe: {  	[smem:$0x3FB0] =	sst s6  }
0xf: {  	[smem:$0x3FB1] =	sst s7  }
0x10: {  	[smem:$0x3FB2] =	sst s8  }
0x11: {  	[smem:$0x3FB3] =	sst s9;
	s0 =	simm.s32 @!p0 $0x0  }
0x12: {  	s1 =	sld [smem:$0x3F99];
	s0 =	simm.s32 @p0 $0x1  }
0x13: {  	[smem:$0x3FB4] =	sst s0;
	s0 =	simm.s32 @!p1 $0x0  }
0x14: {  	s2 =	sld [smem:$0x3F98];
	s0 =	simm.s32 @p1 $0x1  }
0x15: {  	[smem:$0x3FB5] =	sst s0;
	s0 =	simm.s32 @!p2 $0x0  }
0x16: {  	s3 =	sld [smem:$0x3FDB];
	s0 =	simm.s32 @p2 $0x1  }
0x17: {  	s4 =	simm.s32 $0x1BF5;
	[smem:$0x3FB7] =	sst s0  }
0x18: {  	s0 =	sld [smem:$0x3F9A];
	_ =	swait.ge [sflag:s4], $0x0  }
0x19: {  	s7 =	sld [smem:$0x3F9B]  }
0x1a: {  	s8 =	sadd.s32 $0xFFFFE003, lr  }
0x1b: {  	s9 =	sadd.s32 $0xFFFFFEF7, lr;
	s5 =	simm.s32 $0xFFFFFFFF;
	p2 =	slt.u32 s8, $0xFFFFF086  }
0x1c: {  	p1 =	slt.u32 s9, $0xF7A;
	s5 =	simm.s32 @!p2 $0x0  }
0x1d: {  	s5 =	simm.s32 @p1 $0x1;
	p0 =	seq.s32 s7, s2  }
0x1e: {  	s7 =	smul.u32 @!p0 $0xF7A, s2;
	p2 =	seq.s32 @!p0 s5, $0x0  }
0x1f: {  	s9 =	smul.u32 $0xF7A, s1;
	s8 =	simm.s32 @!p0 $0x1BF5;
	p2 =	por !p2, p0  }
0x20: {  	[sflag:s8] =	ssyncset.s32 @!p0 $0xFFFFF086;
	s6 =	sadd.s32 @!p0 s3, s7;
	s7 =	simm.s32 @!p0 $0x108  }
0x21: {  	s3 =	sadd.s32 s3, s9;
	s6 =	sadd.s32 @!p0 $0x88, s6;
	s7 =	simm.s32 @p2 $0x1082  }
0x22: {  	[simem:s7], [sflag:s8] =	dma.local @!p0 [hbm:s6], $0xF7A  }
0x23: {  	s9 =	sor.u32 $0xD0000000, s2;
	s6 =	simm.s32 $0x108;
	_ =	swait.ge @!p0 [sflag:s8], $0x0  }
0x24: {  	s3 =	sadd.s32 $0x88, s3;
	s6 =	simm.s32 @!p1 $0x1082;
	[sflag:s4] =	ssyncset.s32 $0xFFFFF086  }
0x25: {  	[simem:s6], [sflag:s4] =	dma.local [hbm:s3], $0xF7A  }
0x26: {  	[smem:$0x3F9B] =	sst s1;
	(tag) =	ssettag s2;
	_ =	strace s9  }
0x27: {  	s1 =	sld [smem:$0x3FAB]  }
0x28: {  	s2 =	sld [smem:$0x3FAC]  }
0x29: {  	s4 =	sld [smem:$0x3FAE]  }
0x2a: {  	p0 =	seq.s32 s5, $0x0;
	s5 =	sld [smem:$0x3FAF]  }
0x2b: {  	s6 =	sld [smem:$0x3FB0]  }
0x2c: {  	s7 =	sld [smem:$0x3FB1]  }
0x2d: {  	s3 =	simm.s32 $0x108;
	s8 =	sld [smem:$0x3FB2]  }
0x2e: {  	s3 =	simm.s32 @!p0 $0x1082;
	s9 =	sld [smem:$0x3FB3]  }
0x2f: {  	lr =	sadd.s32 s0, s3;
	s0 =	sld [smem:$0x3FAA]  }
0x30: {  	s3 =	sld [smem:$0x3FAD]  }
0x31: {  	[smem:$0x3FB6] =	sst s10  }
0x32: {  	s10 =	sld [smem:$0x3FB4];
	_ =	sdelay $0x3  }
0x33: {  	p0 =	seq.s32 s10, $0x1;
	s10 =	sld [smem:$0x3FB6];
	_ =	sdelay $0x3  }
0x34: {  	[smem:$0x3FB6] =	sst s10  }
0x35: {  	s10 =	sld [smem:$0x3FB5];
	_ =	sdelay $0x3  }
0x36: {  	p1 =	seq.s32 s10, $0x1;
	s10 =	sld [smem:$0x3FB6];
	_ =	sdelay $0x3  }
0x37: {  	[smem:$0x3FB6] =	sst s10  }
0x38: {  	s10 =	sld [smem:$0x3FB7]  }
0x39: {  	_ = 	snop;
	(pc) =	sbr.ind lr, $3  }
0x3a: {  	_ = 	snop  }
0x3b: {  	_ = 	snop  }
0x3c: {  	p2 =	seq.s32 s10, $0x1;
	s10 =	sld [smem:$0x3FB6]  }
0x3d: {  	_ =	shalt  }
0x3e: {  	_ =	shalt  }
0x3f: {  	_ =	shalt  }
0x40: {  	_ =	shalt  }
0x41: {  	_ =	shalt  }
0x42: {  	_ =	shalt  }
0x43: {  	_ =	shalt  }
0x44: {  	_ =	shalt  }
0x45: {  	_ =	shalt  }
0x46: {  	_ =	shalt  }
0x47: {  	_ =	shalt  }
0x48: {  	_ =	shalt  }
0x49: {  	_ =	shalt  }
0x4a: {  	_ =	shalt  }
0x4b: {  	_ =	shalt  }
0x4c: {  	_ =	shalt  }
0x4d: {  	_ =	shalt  }
0x4e: {  	_ =	shalt  }
0x4f: {  	_ =	shalt  }
0x50: {  	_ =	shalt  }
0x51: {  	_ =	shalt  }
0x52: {  	_ =	shalt  }
0x53: {  	_ =	shalt  }
0x54: {  	_ =	shalt  }
0x55: {  	_ =	shalt  }
0x56: {  	_ =	shalt  }
0x57: {  	_ =	shalt  }
0x58: {  	_ =	shalt  }
0x59: {  	_ =	shalt  }
0x5a: {  	_ =	shalt  }
0x5b: {  	_ =	shalt  }
0x5c: {  	_ =	shalt  }
0x5d: {  	_ =	shalt  }
0x5e: {  	_ =	shalt  }
0x5f: {  	_ =	shalt  }
0x60: {  	_ =	shalt  }
0x61: {  	_ =	shalt  }
0x62: {  	_ =	shalt  }
0x63: {  	_ =	shalt  }
0x64: {  	_ =	shalt  }
0x65: {  	_ =	shalt  }
0x66: {  	_ =	shalt  }
0x67: {  	_ =	shalt  }
0x68: {  	_ =	shalt  }
0x69: {  	_ =	shalt  }
0x6a: {  	_ =	shalt  }
0x6b: {  	_ =	shalt  }
0x6c: {  	_ =	shalt  }
0x6d: {  	_ =	shalt  }
0x6e: {  	_ =	shalt  }
0x6f: {  	_ =	shalt  }
0x70: {  	_ =	shalt  }
0x71: {  	_ =	shalt  }
0x72: {  	_ =	shalt  }
0x73: {  	_ =	shalt  }
0x74: {  	_ =	shalt  }
0x75: {  	_ =	shalt  }
0x76: {  	_ =	shalt  }
0x77: {  	_ =	shalt  }
0x78: {  	_ =	shalt  }
0x79: {  	_ =	shalt  }
0x7a: {  	_ =	shalt  }
0x7b: {  	_ =	shalt  }
0x7c: {  	_ =	shalt  }
0x7d: {  	_ =	shalt  }
0x7e: {  	_ =	shalt  }
0x7f: {  	_ =	shalt  }
0x80: {  	_ =	shalt  }
0x81: {  	_ =	shalt  }
0x82: {  	_ =	shalt  }
0x83: {  	_ =	shalt  }
0x84: {  	_ =	shalt  }
0x85: {  	_ =	shalt  }
0x86: {  	_ =	shalt  }
0x87: {  	_ =	shalt  }
.Lfunc_end0:
.L_simem_size_0:
called_computation_lowered:
.L_overlay_start_0:
0x88: {  	s2 =	sld [smem:$0x3FD9]  }
0x89: {  	s3 =	sld [smem:$0x3FFE];
	_ =	sdelay $0x1  }
0x8a: {  	s1 =	srdreg.scid  }
0x8b: {  	s0 =	sand.u32 $0x1, s1  }
0x8c: {  	s16 =	sshll.u32 s0, $0xA;
	s2 =	sadd.s32 s3, s2  }
0x8d: {  	s2 =	sadd.s32 s2, s16  }
0x8e: {  	[smem:$0x3FC2] =	sst s2  }
0x8f: {  	_ = 	snop  }
0x90: {  	(tm) =	ssettm $0x1  }
0x91: {  	s17 =	sld [smem:$0x3FFB];
	_ =	sdelay $0x3  }
0x92: {  	_ =	strace s17  }
0x93: {  	s2 =	sld [smem:$0x3FFC];
	_ =	sdelay $0x3  }
0x94: {  	_ =	strace s2  }
0x95: {  	s2 =	sld [smem:$0x3FFD];
	_ =	sdelay $0x3  }
0x96: {  	_ =	strace s2  }
0x97: {  	_ =	strace $0x8FFFFFFF  }
0x98: {  	s18 =	sld [smem:$0x3FDB];
	_ =	sdelay $0x1  }
0x99: {  	s19 =	simm.s32 $_scs_section_size  }
0x9a: {  	s4 =	simm.s32 $_size__tile_overlayer_lowered;
	s5 =	simm.s32 $_tile_overlayer_lowered  }
0x9b: {  	s22 =	simm.s32 $0x1BFF;
	s21 =	sshll.u32 s5, $0x1;
	s2 =	sadd.s32 s19, s18  }
0x9c: {  	s6 =	simm.s32 $0x0;
	s20 =	sshll.u32 s4, $0x1;
	s4 =	sadd.s32 s21, s2  }
0x9d: {  	[timem:s6], [sflag:s22] =	dma.local [hbm:s4], s20  }
0x9e: {  	_ =	swait.ge [sflag:s22], s20  }
0x9f: {  	s3 =	ssub.s32 $0x0, s20;
	[sflag:s22] =	ssyncset.done $0x0  }
0xa0: {  	[sflag:s22] =	ssyncadd.s32 s3;
	_ =	sdelay $0x1  }
0xa1: {  	s23 =	simm.s32 $0x1B8B  }
0xa2: {  	_ =	swait.ge [sflag:s23], $0x1  }
0xa3: {  	[sflag:s23] =	ssyncset.done $0x0  }
0xa4: {  	s25 =	simm.s32 $0x1B8E;
	s24 =	sld [smem:$0x3FFE];
	[sflag:s23] =	ssyncadd.s32 $0xFFFFFFFF  }
0xa5: {  	s26 =	simm.s32 $execute0_lowered;
	[smem:$0x3FD2] =	sst s25  }
0xa6: {  	s4 =	sshll.u32 s26, $0x1;
	_ =	strace $0x80000046;
	[dreg:$0x1] =	wrdreg $0xFFFFFFFF  }
0xa7: {  	s28 =	simm.s32 $_size_execute0_lowered;
	s2 =	sadd.s32 s2, s4;
	[dreg:$0x0] =	wrdreg $0x0  }
0xa8: {  	s4 =	sshll.u32 s28, $0x1;
	[dreg:$0x2] =	wrdreg s2  }
0xa9: {  	[dreg:$0x3] =	wrdreg s4  }
0xaa: {  	[dreg:$0x4] =	wrdreg $0xC0  }
0xab: {  	_ =	task [dreg:s6], $0x5FFFF  }
0xac: {  	[dreg:$0x1] =	wrdreg $0xFFFFFFFF  }
0xad: {  	[dreg:$0x0] =	wrdreg $0x60  }
0xae: {  	[dreg:$0x2] =	wrdreg s24  }
0xaf: {  	[dreg:$0x3] =	wrdreg $0x54800  }
0xb0: {  	[dreg:$0x4] =	wrdreg $0x9  }
0xb1: {  	_ =	task.clear_ibuf [dreg:s6], $0x5FFFF;
	_ =	strace $0x90000046  }
0xb2: {  	s29 =	simm.s32 $0x9;
	_ =	strace $0x80000048  }
0xb3: {  	_ =	swait.ge [sflag:s29], $0x1  }
0xb4: {  	[sflag:s29] =	ssyncadd.s32 $0xFFFFFFFF  }
0xb5: {  	_ =	strace $0x90000048  }
0xb6: {  	_ =	sfence  }
0xb7: {  	s30 =	sld [smem:$0x0];
	_ =	sdelay $0x2  }
0xb8: {  	s31 =	sshll.u32 s1, $0xD;
	s1 =	sshrl.u32 s1, $0x2  }
0xb9: {  	s3 =	sand.u32 $0x4000, s31;
	s1 =	sadd.s32 s1, s30  }
0xba: {  	s0 =	sor.u32 s3, s0;
	s1 =	sshll.u32 s1, $0x11  }
0xbb: {  	s0 =	sor.u32 s1, s0  }
0xbc: {  	s0 =	sadd.s32 $0x8F2B, s0  }
0xbd: {  	[sflag:s0] =	ssyncadd.remote.s32 $0x1  }
0xbe: {  	_ =	sfence.sel $0xFFFF  }
0xbf: {  	[dreg:$0x0] =	wrdreg $0xFFFFFFFF;
	(pc) =	sbr.abs _section_cstart, $3  }
0xc0: {  	[dreg:$0x1] =	wrdreg $0xFFFFFFFF  }
0xc1: {  	_ =	task.clear_ibuf [dreg:s6], $0x2FFFF;
	_ =	strace $0x9FFFFFFF  }
0xc2: {  	(tm) =	ssettm $0x7FFFFFFF  }
0xc3: {  	_ =	shalt  }
tec
execute0_lowered:
.L_overlay_start_1:
0x0: {  	(tag) =	ssettag $0x1  }
0x1: {  	s0 =	srdreg.scid;
	s7 =	rddreg [dreg:$0x0]  }
0x2: {  	s9 =	stileid.u32;
	s2 =	rddreg [dreg:$0x1]  }
0x3: {  	s3 =	simm.s32 $0x0;
	s10 =	simm.s32 $0x5200;
	s11 =	simm.s32 $0x200  }
0x4: {  	s12 =	simm.s32 $0x5000;
	s13 =	simm.s32 $0x3000;
	s14 =	simm.s32 $0x3200  }
0x5: {  	s15 =	simm.s32 $0x3400;
	s16 =	simm.s32 $0x3600;
	s17 =	simm.s32 $0x3800  }
0x6: {  	s18 =	simm.s32 $0x3A00;
	s19 =	simm.s32 $0x3C00;
	s20 =	simm.s32 $0x3E00  }
0x7: {  	s21 =	simm.s32 $0x4000;
	s22 =	simm.s32 $0x4200;
	s23 =	simm.s32 $0x4400  }
0x8: {  	s24 =	simm.s32 $0x4600;
	s25 =	simm.s32 $0x4800;
	s28 =	simm.s32 $0x4C00  }
0x9: {  	s29 =	simm.s32 $0x4E00;
	s30 =	simm.s32 $0x1;
	s1 =	smul.u32 $0x280, s9  }
0xa: {  	s31 =	simm.s32 $0x0;
	s0 =	sand.u32 $0x1, s0;
	s9 =	smul.u32 $0x9C4, s9  }
0xb: {  	[smem:$0x7FF] =	sst s3;
	s4 =	smul.u32 $0x2800, s0;
	s5 =	ssub.s32 $0x2, s0  }
0xc: {  	v14 =	vlaneseq.u32;
	v15 =	vimm.f32 $1.000000000e+00;
	v16 =	vimm.f32 $0.0e+00;
	_ =	strace $0x80000047;
	p0 =	seq.s32 s0, $0x1;
	s0 =	simm.s32 $0x1000  }
0xd: {  	v0 =	vor.u32 $0x2710, v14;
	v1 =	vor.u32 $0x2720, v14;
	v2 =	vor.u32 $0x2730, v14;
	s26 =	sshrl.u32 s5, $0x1;
	s0 =	simm.s32 @!p0 $0xAE00;
	s4 =	sadd.s32 s1, s4  }
0xe: {  	v3 =	vor.u32 $0x2740, v14;
	v4 =	vor.u32 $0x2750, v14;
	v5 =	vor.u32 $0x2760, v14;
	s8 =	ssub.s32 s5, s26;
	s0 =	sadd.s32 s0, s7;
	s4 =	sshrl.u32 s4, $0x3  }
0xf: {  	v6 =	vor.u32 $0x2770, v14;
	v7 =	vor.u32 $0x2780, v14;
	v8 =	vor.u32 $0x2790, v14;
	s26 =	simm.s32 $0x4A00;
	s6 =	sadd.s32 s4, s7;
	s4 =	sadd.s32 s1, s2  }
0x10: {  	v9 =	vor.u32 $0x27A0, v14;
	v10 =	vor.u32 $0x27B0, v14;
	v11 =	vor.u32 $0x27C0, v14;
	s7 =	simm.s32 $0x2E00;
	s5 =	sadd.s32 $0x14C00, s6;
	s6 =	smax.u32 s8, $0x1  }
0x11: {  	v12 =	vor.u32 $0x27D0, v14;
	v13 =	vor.u32 $0x27E0, v14;
	v14 =	vor.u32 $0x27F0, v14;
	s8 =	sadd.s32 s0, s9;
	s9 =	simm.s32 $0x2;
	s0 =	simm.s32 $0x2C00  }
.LBB2_1:
0x12: {  	[tilespmem:s3], [sflag:$0x2] =	stream.linear.gather [hbm4b:s8+s3], $0x4E20, $0x38;
	[tilespmem:$0x5700] =	vst v63  }
0x13: {  	_ =	swait.ge [sflag:s9], $0x4E20  }
0x14: {  	[sflag:s9] =	ssyncset.done $0x0  }
0x15: {  	[sflag:s9] =	ssyncadd.s32 $0xFFFFB1E0  }
0x16: {  	[tilespmem:$0x4E20] =	vst v0  }
0x17: {  	[tilespmem:$0x4E30] =	vst v1  }
0x18: {  	[tilespmem:$0x4E40] =	vst v2  }
0x19: {  	[tilespmem:$0x4E50] =	vst v3  }
0x1a: {  	[tilespmem:$0x4E60] =	vst v4  }
0x1b: {  	[tilespmem:$0x4E70] =	vst v5  }
0x1c: {  	[tilespmem:$0x4E80] =	vst v6  }
0x1d: {  	[tilespmem:$0x4E90] =	vst v7  }
0x1e: {  	[tilespmem:$0x4EA0] =	vst v8  }
0x1f: {  	[tilespmem:$0x4EB0] =	vst v9  }
0x20: {  	[tilespmem:$0x4EC0] =	vst v10  }
0x21: {  	[tilespmem:$0x4ED0] =	vst v11  }
0x22: {  	[tilespmem:$0x4EE0] =	vst v12  }
0x23: {  	[tilespmem:$0x4EF0] =	vst v13  }
0x24: {  	[tilespmem:$0x4F00] =	vst v14  }
0x25: {  	[tilespmem:$0x4F10] =	vst v0  }
0x26: {  	[tilespmem:$0x4F20] =	vst v1  }
0x27: {  	[tilespmem:$0x4F30] =	vst v2  }
0x28: {  	[tilespmem:$0x4F40] =	vst v3  }
0x29: {  	[tilespmem:$0x4F50] =	vst v4  }
0x2a: {  	[tilespmem:$0x4F60] =	vst v5  }
0x2b: {  	[tilespmem:$0x4F70] =	vst v6  }
0x2c: {  	[tilespmem:$0x4F80] =	vst v7  }
0x2d: {  	[tilespmem:$0x4F90] =	vst v8  }
0x2e: {  	[tilespmem:$0x4FA0] =	vst v9  }
0x2f: {  	[tilespmem:$0x4FB0] =	vst v10  }
0x30: {  	[tilespmem:$0x4FC0] =	vst v11  }
0x31: {  	[tilespmem:$0x4FD0] =	vst v12  }
0x32: {  	[tilespmem:$0x4FE0] =	vst v13  }
0x33: {  	[tilespmem:$0x4FF0] =	vst v14  }
0x34: {  	[tilespmem:$0x5000] =	vst v15  }
0x35: {  	[tilespmem:$0x5010] =	vst v15  }
0x36: {  	[tilespmem:$0x5020] =	vst v15  }
0x37: {  	[tilespmem:$0x5030] =	vst v15  }
0x38: {  	[tilespmem:$0x5040] =	vst v15  }
0x39: {  	[tilespmem:$0x5050] =	vst v15  }
0x3a: {  	[tilespmem:$0x5060] =	vst v15  }
0x3b: {  	[tilespmem:$0x5070] =	vst v15  }
0x3c: {  	[tilespmem:$0x5080] =	vst v15  }
0x3d: {  	[tilespmem:$0x5090] =	vst v15  }
0x3e: {  	[tilespmem:$0x50A0] =	vst v15  }
0x3f: {  	[tilespmem:$0x50B0] =	vst v15  }
0x40: {  	[tilespmem:$0x50C0] =	vst v15  }
0x41: {  	[tilespmem:$0x50D0] =	vst v15  }
0x42: {  	[tilespmem:$0x50E0] =	vst v15  }
0x43: {  	[tilespmem:$0x50F0] =	vst v15  }
0x44: {  	[tilespmem:$0x5100] =	vst v15  }
0x45: {  	[tilespmem:$0x5110] =	vst v15  }
0x46: {  	[tilespmem:$0x5120] =	vst v15  }
0x47: {  	[tilespmem:$0x5130] =	vst v15  }
0x48: {  	[tilespmem:$0x5140] =	vst v15  }
0x49: {  	[tilespmem:$0x5150] =	vst v15  }
0x4a: {  	[tilespmem:$0x5160] =	vst v15  }
0x4b: {  	[tilespmem:$0x5170] =	vst v15  }
0x4c: {  	[tilespmem:$0x5180] =	vst v15  }
0x4d: {  	[tilespmem:$0x5190] =	vst v15  }
0x4e: {  	[tilespmem:$0x51A0] =	vst v15  }
0x4f: {  	[tilespmem:$0x51B0] =	vst v15  }
0x50: {  	[tilespmem:$0x51C0] =	vst v15  }
0x51: {  	[tilespmem:$0x51D0] =	vst v15  }
0x52: {  	[tilespmem:$0x51E0] =	vst v15  }
0x53: {  	[tilespmem:$0x51F0] =	vst v15  }
0x54: {  	[tilespmem:$0x5200] =	vst v16  }
0x55: {  	[tilespmem:$0x5210] =	vst v16  }
0x56: {  	[tilespmem:$0x5220] =	vst v16  }
0x57: {  	[tilespmem:$0x5230] =	vst v16  }
0x58: {  	[tilespmem:$0x5240] =	vst v16  }
0x59: {  	[tilespmem:$0x5250] =	vst v16  }
0x5a: {  	[tilespmem:$0x5260] =	vst v16  }
0x5b: {  	[tilespmem:$0x5270] =	vst v16  }
0x5c: {  	[tilespmem:$0x5280] =	vst v16  }
0x5d: {  	[tilespmem:$0x5290] =	vst v16  }
0x5e: {  	[tilespmem:$0x52A0] =	vst v16  }
0x5f: {  	[tilespmem:$0x52B0] =	vst v16  }
0x60: {  	[tilespmem:$0x52C0] =	vst v16  }
0x61: {  	[tilespmem:$0x52D0] =	vst v16  }
0x62: {  	[tilespmem:$0x52E0] =	vst v16  }
0x63: {  	[tilespmem:$0x52F0] =	vst v16  }
0x64: {  	[tilespmem:$0x5300] =	vst v16  }
0x65: {  	[tilespmem:$0x5310] =	vst v16  }
0x66: {  	[tilespmem:$0x5320] =	vst v16  }
0x67: {  	[tilespmem:$0x5330] =	vst v16  }
0x68: {  	[tilespmem:$0x5340] =	vst v16  }
0x69: {  	[tilespmem:$0x5350] =	vst v16  }
0x6a: {  	[tilespmem:$0x5360] =	vst v16  }
0x6b: {  	[tilespmem:$0x5370] =	vst v16  }
0x6c: {  	[tilespmem:$0x5380] =	vst v16  }
0x6d: {  	[tilespmem:$0x5390] =	vst v16  }
0x6e: {  	[tilespmem:$0x53A0] =	vst v16  }
0x6f: {  	[tilespmem:$0x53B0] =	vst v16  }
0x70: {  	[tilespmem:$0x53C0] =	vst v16  }
0x71: {  	[tilespmem:$0x53D0] =	vst v16  }
0x72: {  	[tilespmem:$0x53E0] =	vst v16  }
0x73: {  	[tilespmem:$0x53F0] =	vst v16  }
0x74: {  	[tilespmem:$0x5400] =	vst v16  }
0x75: {  	[tilespmem:$0x5410] =	vst v16  }
0x76: {  	[tilespmem:$0x5420] =	vst v16  }
0x77: {  	[tilespmem:$0x5430] =	vst v16  }
0x78: {  	[tilespmem:$0x5440] =	vst v16  }
0x79: {  	[tilespmem:$0x5450] =	vst v16  }
0x7a: {  	[tilespmem:$0x5460] =	vst v16  }
0x7b: {  	[tilespmem:$0x5470] =	vst v16  }
0x7c: {  	[spmem:s4] =	stream.linear.scatter [tilespmem:s10], [sflag:$0x2], $0x280, $0x38;
	[tilespmem:$0x5700] =	vst v63  }
0x7d: {  	_ =	swait.ge [sflag:s9], $0x280  }
0x7e: {  	[sflag:s9] =	ssyncset.done $0x0  }
0x7f: {  	[sflag:s9] =	ssyncadd.s32 $0xFFFFFD80  }
0x80: {  	[bflag:$0x0] =	sbarrier.arrive $0xFFFF  }
0x81: {  	[spmem:s2] =	stream.indirect.scatter.add.f32 [tilespmem:s12], [sflag:$0x1], $0x1, s3, s11, $0xb8;
	[tilespmem:$0x5700] =	vst v63  }
0x82: {  	_ = 	snop  }
0x83: {  	[spmem:s2] =	stream.indirect.scatter.add.f32 [tilespmem:s12], [sflag:$0x1], $0x1, s11, s11, $0xb8;
	[tilespmem:$0x5700] =	vst v63  }
0x84: {  	s1 =	simm.s32 $0x400  }
0x85: {  	[spmem:s2] =	stream.indirect.scatter.add.f32 [tilespmem:s12], [sflag:$0x1], $0x1, s1, s11, $0xb8;
	[tilespmem:$0x5700] =	vst v63  }
0x86: {  	s1 =	simm.s32 $0x600  }
0x87: {  	[spmem:s2] =	stream.indirect.scatter.add.f32 [tilespmem:s12], [sflag:$0x1], $0x1, s1, s11, $0xb8;
	[tilespmem:$0x5700] =	vst v63  }
0x88: {  	s1 =	simm.s32 $0x800  }
0x89: {  	[spmem:s2] =	stream.indirect.scatter.add.f32 [tilespmem:s12], [sflag:$0x1], $0x1, s1, s11, $0xb8;
	[tilespmem:$0x5700] =	vst v63  }
0x8a: {  	s1 =	simm.s32 $0xA00  }
0x8b: {  	[spmem:s2] =	stream.indirect.scatter.add.f32 [tilespmem:s12], [sflag:$0x1], $0x1, s1, s11, $0xb8;
	[tilespmem:$0x5700] =	vst v63  }
0x8c: {  	s1 =	simm.s32 $0xC00  }
0x8d: {  	[spmem:s2] =	stream.indirect.scatter.add.f32 [tilespmem:s12], [sflag:$0x1], $0x1, s1, s11, $0xb8;
	[tilespmem:$0x5700] =	vst v63  }
0x8e: {  	s1 =	simm.s32 $0xE00  }
0x8f: {  	[spmem:s2] =	stream.indirect.scatter.add.f32 [tilespmem:s12], [sflag:$0x1], $0x1, s1, s11, $0xb8;
	[tilespmem:$0x5700] =	vst v63  }
0x90: {  	s1 =	simm.s32 $0x1000  }
0x91: {  	[spmem:s2] =	stream.indirect.scatter.add.f32 [tilespmem:s12], [sflag:$0x1], $0x1, s1, s11, $0xb8;
	[tilespmem:$0x5700] =	vst v63  }
0x92: {  	s1 =	simm.s32 $0x1200  }
0x93: {  	[spmem:s2] =	stream.indirect.scatter.add.f32 [tilespmem:s12], [sflag:$0x1], $0x1, s1, s11, $0xb8;
	[tilespmem:$0x5700] =	vst v63  }
0x94: {  	s1 =	simm.s32 $0x1400  }
0x95: {  	[spmem:s2] =	stream.indirect.scatter.add.f32 [tilespmem:s12], [sflag:$0x1], $0x1, s1, s11, $0xb8;
	[tilespmem:$0x5700] =	vst v63  }
0x96: {  	s1 =	simm.s32 $0x1600  }
0x97: {  	[spmem:s2] =	stream.indirect.scatter.add.f32 [tilespmem:s12], [sflag:$0x1], $0x1, s1, s11, $0xb8;
	[tilespmem:$0x5700] =	vst v63  }
0x98: {  	s1 =	simm.s32 $0x1800  }
0x99: {  	[spmem:s2] =	stream.indirect.scatter.add.f32 [tilespmem:s12], [sflag:$0x1], $0x1, s1, s11, $0xb8;
	[tilespmem:$0x5700] =	vst v63  }
0x9a: {  	s1 =	simm.s32 $0x1A00  }
0x9b: {  	[spmem:s2] =	stream.indirect.scatter.add.f32 [tilespmem:s12], [sflag:$0x1], $0x1, s1, s11, $0xb8;
	[tilespmem:$0x5700] =	vst v63  }
0x9c: {  	s1 =	simm.s32 $0x1C00  }
0x9d: {  	[spmem:s2] =	stream.indirect.scatter.add.f32 [tilespmem:s12], [sflag:$0x1], $0x1, s1, s11, $0xb8;
	[tilespmem:$0x5700] =	vst v63  }
0x9e: {  	s1 =	simm.s32 $0x1E00  }
0x9f: {  	[spmem:s2] =	stream.indirect.scatter.add.f32 [tilespmem:s12], [sflag:$0x1], $0x1, s1, s11, $0xb8;
	[tilespmem:$0x5700] =	vst v63  }
0xa0: {  	s1 =	simm.s32 $0x2000  }
0xa1: {  	[spmem:s2] =	stream.indirect.scatter.add.f32 [tilespmem:s12], [sflag:$0x1], $0x1, s1, s11, $0xb8;
	[tilespmem:$0x5700] =	vst v63  }
0xa2: {  	s1 =	simm.s32 $0x2200  }
0xa3: {  	[spmem:s2] =	stream.indirect.scatter.add.f32 [tilespmem:s12], [sflag:$0x1], $0x1, s1, s11, $0xb8;
	[tilespmem:$0x5700] =	vst v63  }
0xa4: {  	s1 =	simm.s32 $0x2400  }
0xa5: {  	[spmem:s2] =	stream.indirect.scatter.add.f32 [tilespmem:s12], [sflag:$0x1], $0x1, s1, s11, $0xb8;
	[tilespmem:$0x5700] =	vst v63  }
0xa6: {  	s1 =	simm.s32 $0x2600  }
0xa7: {  	[spmem:s2] =	stream.indirect.scatter.add.f32 [tilespmem:s12], [sflag:$0x1], $0x1, s1, s11, $0xb8;
	[tilespmem:$0x5700] =	vst v63  }
0xa8: {  	s1 =	simm.s32 $0x2800  }
0xa9: {  	[spmem:s2] =	stream.indirect.scatter.add.f32 [tilespmem:s12], [sflag:$0x1], $0x1, s1, s11, $0xb8;
	[tilespmem:$0x5700] =	vst v63  }
0xaa: {  	s1 =	simm.s32 $0x2A00  }
0xab: {  	[spmem:s2] =	stream.indirect.scatter.add.f32 [tilespmem:s12], [sflag:$0x1], $0x1, s1, s11, $0xb8;
	[tilespmem:$0x5700] =	vst v63  }
0xac: {  	_ = 	snop  }
0xad: {  	[spmem:s2] =	stream.indirect.scatter.add.f32 [tilespmem:s12], [sflag:$0x1], $0x1, s0, s11, $0xb8;
	[tilespmem:$0x5700] =	vst v63  }
0xae: {  	_ = 	snop  }
0xaf: {  	[spmem:s2] =	stream.indirect.scatter.add.f32 [tilespmem:s12], [sflag:$0x1], $0x1, s7, s11, $0xb8;
	[tilespmem:$0x5700] =	vst v63  }
0xb0: {  	_ = 	snop  }
0xb1: {  	[spmem:s2] =	stream.indirect.scatter.add.f32 [tilespmem:s12], [sflag:$0x1], $0x1, s13, s11, $0xb8;
	[tilespmem:$0x5700] =	vst v63  }
0xb2: {  	_ = 	snop  }
0xb3: {  	[spmem:s2] =	stream.indirect.scatter.add.f32 [tilespmem:s12], [sflag:$0x1], $0x1, s14, s11, $0xb8;
	[tilespmem:$0x5700] =	vst v63  }
0xb4: {  	_ = 	snop  }
0xb5: {  	[spmem:s2] =	stream.indirect.scatter.add.f32 [tilespmem:s12], [sflag:$0x1], $0x1, s15, s11, $0xb8;
	[tilespmem:$0x5700] =	vst v63  }
0xb6: {  	_ = 	snop  }
0xb7: {  	[spmem:s2] =	stream.indirect.scatter.add.f32 [tilespmem:s12], [sflag:$0x1], $0x1, s16, s11, $0xb8;
	[tilespmem:$0x5700] =	vst v63  }
0xb8: {  	_ = 	snop  }
0xb9: {  	[spmem:s2] =	stream.indirect.scatter.add.f32 [tilespmem:s12], [sflag:$0x1], $0x1, s17, s11, $0xb8;
	[tilespmem:$0x5700] =	vst v63  }
0xba: {  	_ = 	snop  }
0xbb: {  	[spmem:s2] =	stream.indirect.scatter.add.f32 [tilespmem:s12], [sflag:$0x1], $0x1, s18, s11, $0xb8;
	[tilespmem:$0x5700] =	vst v63  }
0xbc: {  	_ = 	snop  }
0xbd: {  	[spmem:s2] =	stream.indirect.scatter.add.f32 [tilespmem:s12], [sflag:$0x1], $0x1, s19, s11, $0xb8;
	[tilespmem:$0x5700] =	vst v63  }
0xbe: {  	_ = 	snop  }
0xbf: {  	[spmem:s2] =	stream.indirect.scatter.add.f32 [tilespmem:s12], [sflag:$0x1], $0x1, s20, s11, $0xb8;
	[tilespmem:$0x5700] =	vst v63  }
0xc0: {  	_ = 	snop  }
0xc1: {  	[spmem:s2] =	stream.indirect.scatter.add.f32 [tilespmem:s12], [sflag:$0x1], $0x1, s21, s11, $0xb8;
	[tilespmem:$0x5700] =	vst v63  }
0xc2: {  	_ = 	snop  }
0xc3: {  	[spmem:s2] =	stream.indirect.scatter.add.f32 [tilespmem:s12], [sflag:$0x1], $0x1, s22, s11, $0xb8;
	[tilespmem:$0x5700] =	vst v63  }
0xc4: {  	_ = 	snop  }
0xc5: {  	[spmem:s2] =	stream.indirect.scatter.add.f32 [tilespmem:s12], [sflag:$0x1], $0x1, s23, s11, $0xb8;
	[tilespmem:$0x5700] =	vst v63  }
0xc6: {  	_ = 	snop  }
0xc7: {  	[spmem:s2] =	stream.indirect.scatter.add.f32 [tilespmem:s12], [sflag:$0x1], $0x1, s24, s11, $0xb8;
	[tilespmem:$0x5700] =	vst v63  }
0xc8: {  	_ = 	snop  }
0xc9: {  	[spmem:s2] =	stream.indirect.scatter.add.f32 [tilespmem:s12], [sflag:$0x1], $0x1, s25, s11, $0xb8;
	[tilespmem:$0x5700] =	vst v63  }
0xca: {  	_ = 	snop  }
0xcb: {  	[spmem:s2] =	stream.indirect.scatter.add.f32 [tilespmem:s12], [sflag:$0x1], $0x1, s26, s11, $0xb8;
	[tilespmem:$0x5700] =	vst v63  }
0xcc: {  	_ = 	snop  }
0xcd: {  	[spmem:s2] =	stream.indirect.scatter.add.f32 [tilespmem:s12], [sflag:$0x1], $0x1, s28, s11, $0xb8;
	[tilespmem:$0x5700] =	vst v63  }
0xce: {  	_ = 	snop  }
0xcf: {  	[spmem:s2] =	stream.indirect.scatter.add.f32 [tilespmem:s12], [sflag:$0x1], $0x1, s29, s11, $0xb8;
	[tilespmem:$0x5700] =	vst v63  }
0xd0: {  	_ =	swait.ge [sflag:s30], $0x200  }
0xd1: {  	s1 =	simm.s32 $0x27;
	[sflag:s30] =	ssyncset.done $0x0  }
.LBB2_2:
0xd2: {  	p0 =	sne.s32 s1, $0x1;
	s1 =	sadd.s32 $0xFFFFFFFF, s1;
	[sflag:s30] =	ssyncadd.s32 $0xFFFFFE00  }
.Ltmp0:
0xd3: {  	(pc) =	sbr.rel @p0 .LBB2_2-.Ltmp0, $3  }
0xd4: {  	_ =	sdelay $0x1  }
0xd5: {  	_ =	swait.ge [sflag:s30], $0x200  }
0xd6: {  	[sflag:s30] =	ssyncset.done $0x0  }
0xd7: {  	[sflag:s30] =	ssyncadd.s32 $0xFFFFFE00  }
0xd8: {  	[bflag:$0x0] =	sbarrier.arrive $0xFFFF  }
0xd9: {  	[tilespmem:s10], [sflag:$0x2] =	stream.linear.gather [spmem:s4], $0x280, $0x38;
	[tilespmem:$0x5700] =	vst v63  }
0xda: {  	s31 =	sadd.s32 $0x1, s31;
	_ =	swait.ge [sflag:s9], $0x280  }
0xdb: {  	p0 =	sne.s32 s31, s6;
	[sflag:s9] =	ssyncset.done $0x0  }
.Ltmp1:
0xdc: {  	[sflag:s9] =	ssyncadd.s32 $0xFFFFFD80;
	(pc) =	sbr.rel @p0 .LBB2_1-.Ltmp1, $4  }
0xdd: {  	[hbm4b:s5+s3] =	stream.linear.scatter [tilespmem:s10], [sflag:$0x2], $0x280, $0x38;
	[tilespmem:$0x5700] =	vst v63  }
0xde: {  	_ =	swait.ge [sflag:s9], $0x280  }
0xdf: {  	[sflag:s9] =	ssyncset.done $0x0  }
0xe0: {  	[sflag:s9] =	ssyncadd.s32 $0xFFFFFD80  }
0xe1: {  	_ =	sfence.sel $0x180000  }
0xe2: {  	[bflag:$0x0] =	sbarrier.arrive $0xFFFF  }
0xe3: {  	_ =	strace $0x90000047  }
0xe4: {  	s0 =	stileid.u32;
	[bflag:$0x2] =	sbarrier.arrive $0xFFFF  }
0xe5: {  	p0 =	sne.s32 s0, $0x0;
	s0 =	rddreg [dreg:$0x2]  }
0xe6: {  	s0 =	sadd.s32 @!p0 $0x100000, s0  }
0xe7: {  	[sflag:s0] =	ssyncadd.tile.s32 @!p0 $0x1;
	_ =	shalt  }
.Lfunc_end2:
_tile_overlayer_lowered:
.L_overlay_start_2:
0xe8: {  	(tag) =	ssettag $0x2  }
0xe9: {  	s0 =	rddreg [dreg:$0x0];
	s2 =	stileid.u32  }
0xea: {  	s1 =	rddreg [dreg:$0x1];
	p0 =	sne.s32 s2, $0x0  }
0xeb: {  	s3 =	rddreg [dreg:$0x2];
	[bflag:$0x3] =	sbarrier.arrive $0xFFFF;
	s2 =	simm.s32 @!p0 $0x1C02  }
0xec: {  	[timem:s3], [sflag:s2] =	dma.local @!p0 [hbm:s0], s1  }
0xed: {  	s0 =	simm.s32 @!p0 $0x2  }
0xee: {  	_ =	swait.ge @!p0 [sflag:s0], s1  }
0xef: {  	s1 =	ssub.s32 @!p0 $0x0, s1;
	[sflag:s0] =	ssyncset.done @!p0 $0x0  }
0xf0: {  	[sflag:s0] =	ssyncadd.s32 @!p0 s1  }
0xf1: {  	[bflag:$0x3] =	sbarrier.arrive $0xFFFF  }
0xf2: {  	_ =	shalt  }

// kernel: kernel.9.cloned.1.call-start
scs
__scs_entry_jumppad:
0x0: {  	(pc) =	sbr.rel $0x88, $3  }
0x1: {  	(tag) =	ssettag $0x0;
	lr =	simm.s32 $0x1  }
0x2: {  	[smem:$0x3F9B] =	sst lr;
	_ =	strace $0xD0000000  }
0x3: {  	_ = 	snop  }
0x4: {  	_ = 	snop  }
0x5: {  	_ = 	snop  }
0x6: {  	_ = 	snop  }
0x7: {  	_ = 	snop  }
__scs_overlays_trampoline_lowered:
0x8: {  	[smem:$0x3FAA] =	sst s0  }
0x9: {  	[smem:$0x3FAB] =	sst s1  }
0xa: {  	[smem:$0x3FAC] =	sst s2  }
0xb: {  	[smem:$0x3FAD] =	sst s3  }
0xc: {  	[smem:$0x3FAE] =	sst s4  }
0xd: {  	[smem:$0x3FAF] =	sst s5  }
0xe: {  	[smem:$0x3FB0] =	sst s6  }
0xf: {  	[smem:$0x3FB1] =	sst s7  }
0x10: {  	[smem:$0x3FB2] =	sst s8  }
0x11: {  	[smem:$0x3FB3] =	sst s9;
	s0 =	simm.s32 @!p0 $0x0  }
0x12: {  	s1 =	sld [smem:$0x3F99];
	s0 =	simm.s32 @p0 $0x1  }
0x13: {  	[smem:$0x3FB4] =	sst s0;
	s0 =	simm.s32 @!p1 $0x0  }
0x14: {  	s2 =	sld [smem:$0x3F98];
	s0 =	simm.s32 @p1 $0x1  }
0x15: {  	[smem:$0x3FB5] =	sst s0;
	s0 =	simm.s32 @!p2 $0x0  }
0x16: {  	s3 =	sld [smem:$0x3FDB];
	s0 =	simm.s32 @p2 $0x1  }
0x17: {  	s4 =	simm.s32 $0x1BF5;
	[smem:$0x3FB7] =	sst s0  }
0x18: {  	s0 =	sld [smem:$0x3F9A];
	_ =	swait.ge [sflag:s4], $0x0  }
0x19: {  	s7 =	sld [smem:$0x3F9B]  }
0x1a: {  	s8 =	sadd.s32 $0xFFFFE003, lr  }
0x1b: {  	s9 =	sadd.s32 $0xFFFFFEF7, lr;
	s5 =	simm.s32 $0xFFFFFFFF;
	p2 =	slt.u32 s8, $0xFFFFF086  }
0x1c: {  	p1 =	slt.u32 s9, $0xF7A;
	s5 =	simm.s32 @!p2 $0x0  }
0x1d: {  	s5 =	simm.s32 @p1 $0x1;
	p0 =	seq.s32 s7, s2  }
0x1e: {  	s7 =	smul.u32 @!p0 $0xF7A, s2;
	p2 =	seq.s32 @!p0 s5, $0x0  }
0x1f: {  	s9 =	smul.u32 $0xF7A, s1;
	s8 =	simm.s32 @!p0 $0x1BF5;
	p2 =	por !p2, p0  }
0x20: {  	[sflag:s8] =	ssyncset.s32 @!p0 $0xFFFFF086;
	s6 =	sadd.s32 @!p0 s3, s7;
	s7 =	simm.s32 @!p0 $0x108  }
0x21: {  	s3 =	sadd.s32 s3, s9;
	s6 =	sadd.s32 @!p0 $0x88, s6;
	s7 =	simm.s32 @p2 $0x1082  }
0x22: {  	[simem:s7], [sflag:s8] =	dma.local @!p0 [hbm:s6], $0xF7A  }
0x23: {  	s9 =	sor.u32 $0xD0000000, s2;
	s6 =	simm.s32 $0x108;
	_ =	swait.ge @!p0 [sflag:s8], $0x0  }
0x24: {  	s3 =	sadd.s32 $0x88, s3;
	s6 =	simm.s32 @!p1 $0x1082;
	[sflag:s4] =	ssyncset.s32 $0xFFFFF086  }
0x25: {  	[simem:s6], [sflag:s4] =	dma.local [hbm:s3], $0xF7A  }
0x26: {  	[smem:$0x3F9B] =	sst s1;
	(tag) =	ssettag s2;
	_ =	strace s9  }
0x27: {  	s1 =	sld [smem:$0x3FAB]  }
0x28: {  	s2 =	sld [smem:$0x3FAC]  }
0x29: {  	s4 =	sld [smem:$0x3FAE]  }
0x2a: {  	p0 =	seq.s32 s5, $0x0;
	s5 =	sld [smem:$0x3FAF]  }
0x2b: {  	s6 =	sld [smem:$0x3FB0]  }
0x2c: {  	s7 =	sld [smem:$0x3FB1]  }
0x2d: {  	s3 =	simm.s32 $0x108;
	s8 =	sld [smem:$0x3FB2]  }
0x2e: {  	s3 =	simm.s32 @!p0 $0x1082;
	s9 =	sld [smem:$0x3FB3]  }
0x2f: {  	lr =	sadd.s32 s0, s3;
	s0 =	sld [smem:$0x3FAA]  }
0x30: {  	s3 =	sld [smem:$0x3FAD]  }
0x31: {  	[smem:$0x3FB6] =	sst s10  }
0x32: {  	s10 =	sld [smem:$0x3FB4];
	_ =	sdelay $0x3  }
0x33: {  	p0 =	seq.s32 s10, $0x1;
	s10 =	sld [smem:$0x3FB6];
	_ =	sdelay $0x3  }
0x34: {  	[smem:$0x3FB6] =	sst s10  }
0x35: {  	s10 =	sld [smem:$0x3FB5];
	_ =	sdelay $0x3  }
0x36: {  	p1 =	seq.s32 s10, $0x1;
	s10 =	sld [smem:$0x3FB6];
	_ =	sdelay $0x3  }
0x37: {  	[smem:$0x3FB6] =	sst s10  }
0x38: {  	s10 =	sld [smem:$0x3FB7]  }
0x39: {  	_ = 	snop;
	(pc) =	sbr.ind lr, $3  }
0x3a: {  	_ = 	snop  }
0x3b: {  	_ = 	snop  }
0x3c: {  	p2 =	seq.s32 s10, $0x1;
	s10 =	sld [smem:$0x3FB6]  }
0x3d: {  	_ =	shalt  }
0x3e: {  	_ =	shalt  }
0x3f: {  	_ =	shalt  }
0x40: {  	_ =	shalt  }
0x41: {  	_ =	shalt  }
0x42: {  	_ =	shalt  }
0x43: {  	_ =	shalt  }
0x44: {  	_ =	shalt  }
0x45: {  	_ =	shalt  }
0x46: {  	_ =	shalt  }
0x47: {  	_ =	shalt  }
0x48: {  	_ =	shalt  }
0x49: {  	_ =	shalt  }
0x4a: {  	_ =	shalt  }
0x4b: {  	_ =	shalt  }
0x4c: {  	_ =	shalt  }
0x4d: {  	_ =	shalt  }
0x4e: {  	_ =	shalt  }
0x4f: {  	_ =	shalt  }
0x50: {  	_ =	shalt  }
0x51: {  	_ =	shalt  }
0x52: {  	_ =	shalt  }
0x53: {  	_ =	shalt  }
0x54: {  	_ =	shalt  }
0x55: {  	_ =	shalt  }
0x56: {  	_ =	shalt  }
0x57: {  	_ =	shalt  }
0x58: {  	_ =	shalt  }
0x59: {  	_ =	shalt  }
0x5a: {  	_ =	shalt  }
0x5b: {  	_ =	shalt  }
0x5c: {  	_ =	shalt  }
0x5d: {  	_ =	shalt  }
0x5e: {  	_ =	shalt  }
0x5f: {  	_ =	shalt  }
0x60: {  	_ =	shalt  }
0x61: {  	_ =	shalt  }
0x62: {  	_ =	shalt  }
0x63: {  	_ =	shalt  }
0x64: {  	_ =	shalt  }
0x65: {  	_ =	shalt  }
0x66: {  	_ =	shalt  }
0x67: {  	_ =	shalt  }
0x68: {  	_ =	shalt  }
0x69: {  	_ =	shalt  }
0x6a: {  	_ =	shalt  }
0x6b: {  	_ =	shalt  }
0x6c: {  	_ =	shalt  }
0x6d: {  	_ =	shalt  }
0x6e: {  	_ =	shalt  }
0x6f: {  	_ =	shalt  }
0x70: {  	_ =	shalt  }
0x71: {  	_ =	shalt  }
0x72: {  	_ =	shalt  }
0x73: {  	_ =	shalt  }
0x74: {  	_ =	shalt  }
0x75: {  	_ =	shalt  }
0x76: {  	_ =	shalt  }
0x77: {  	_ =	shalt  }
0x78: {  	_ =	shalt  }
0x79: {  	_ =	shalt  }
0x7a: {  	_ =	shalt  }
0x7b: {  	_ =	shalt  }
0x7c: {  	_ =	shalt  }
0x7d: {  	_ =	shalt  }
0x7e: {  	_ =	shalt  }
0x7f: {  	_ =	shalt  }
0x80: {  	_ =	shalt  }
0x81: {  	_ =	shalt  }
0x82: {  	_ =	shalt  }
0x83: {  	_ =	shalt  }
0x84: {  	_ =	shalt  }
0x85: {  	_ =	shalt  }
0x86: {  	_ =	shalt  }
0x87: {  	_ =	shalt  }
.Lfunc_end0:
.L_simem_size_0:
called_computation.1_lowered:
.L_overlay_start_0:
0x88: {  	s2 =	sld [smem:$0x3FD9]  }
0x89: {  	s3 =	sld [smem:$0x3FFE];
	_ =	sdelay $0x1  }
0x8a: {  	s1 =	srdreg.scid  }
0x8b: {  	s0 =	sand.u32 $0x1, s1  }
0x8c: {  	s17 =	sshll.u32 s0, $0xA;
	s2 =	sadd.s32 s3, s2  }
0x8d: {  	s2 =	sadd.s32 s2, s17  }
0x8e: {  	[smem:$0x3FC2] =	sst s2  }
0x8f: {  	_ = 	snop  }
0x90: {  	s2 =	sld [smem:$0x3FC6]  }
0x91: {  	s18 =	sld [smem:$0x3FD0];
	(tm) =	ssettm $0x1  }
0x92: {  	s4 =	sld [smem:$0x3FFB];
	_ =	sdelay $0x3  }
0x93: {  	_ =	strace s4  }
0x94: {  	s4 =	sld [smem:$0x3FFC];
	_ =	sdelay $0x3  }
0x95: {  	_ =	strace s4  }
0x96: {  	s4 =	sld [smem:$0x3FFD];
	_ =	sdelay $0x3  }
0x97: {  	_ =	strace s4  }
0x98: {  	_ =	strace $0x8FFFFFFF  }
0x99: {  	s19 =	sld [smem:$0x3FDB];
	_ =	sdelay $0x1  }
0x9a: {  	s5 =	simm.s32 $_scs_section_size  }
0x9b: {  	s6 =	simm.s32 $_size__tile_overlayer_lowered;
	s7 =	simm.s32 $_tile_overlayer_lowered  }
0x9c: {  	s22 =	simm.s32 $0x1BFF;
	s21 =	sshll.u32 s7, $0x1;
	s4 =	sadd.s32 s5, s19  }
0x9d: {  	s8 =	simm.s32 $0x0;
	s20 =	sshll.u32 s6, $0x1;
	s6 =	sadd.s32 s21, s4  }
0x9e: {  	[timem:s8], [sflag:s22] =	dma.local [hbm:s6], s20  }
0x9f: {  	_ =	swait.ge [sflag:s22], s20  }
0xa0: {  	s5 =	ssub.s32 $0x0, s20;
	[sflag:s22] =	ssyncset.done $0x0  }
0xa1: {  	[sflag:s22] =	ssyncadd.s32 s5;
	_ =	sdelay $0x1  }
0xa2: {  	s23 =	simm.s32 $0x1B8B  }
0xa3: {  	_ =	swait.ge [sflag:s23], $0x1  }
0xa4: {  	[sflag:s23] =	ssyncset.done $0x0  }
0xa5: {  	s25 =	simm.s32 $0x1B8E;
	s24 =	sld [smem:$0x3FFE];
	[sflag:s23] =	ssyncadd.s32 $0xFFFFFFFF  }
0xa6: {  	s26 =	simm.s32 $execute0_lowered;
	[smem:$0x3FD2] =	sst s25  }
0xa7: {  	s6 =	sshll.u32 s26, $0x1;
	_ =	strace $0x80000049;
	[dreg:$0x1] =	wrdreg $0xFFFFFFFF  }
0xa8: {  	s28 =	simm.s32 $_size_execute0_lowered;
	s4 =	sadd.s32 s4, s6;
	[dreg:$0x0] =	wrdreg $0x0  }
0xa9: {  	s6 =	sshll.u32 s28, $0x1;
	[dreg:$0x2] =	wrdreg s4  }
0xaa: {  	[dreg:$0x3] =	wrdreg s6  }
0xab: {  	[dreg:$0x4] =	wrdreg $0xC0  }
0xac: {  	_ =	task [dreg:s8], $0x5FFFF  }
0xad: {  	[dreg:$0x1] =	wrdreg $0xFFFFFFFF  }
0xae: {  	[dreg:$0x0] =	wrdreg $0x60  }
0xaf: {  	[dreg:$0x2] =	wrdreg s18  }
0xb0: {  	[dreg:$0x3] =	wrdreg s24  }
0xb1: {  	[dreg:$0x4] =	wrdreg s2  }
0xb2: {  	[dreg:$0x5] =	wrdreg $0x177900  }
0xb3: {  	[dreg:$0x6] =	wrdreg $0x19F900  }
0xb4: {  	[dreg:$0x7] =	wrdreg $0x9  }
0xb5: {  	_ =	task.clear_ibuf [dreg:s8], $0x8FFFF;
	_ =	strace $0x90000049  }
0xb6: {  	s29 =	simm.s32 $0x9;
	_ =	strace $0x8000004B  }
0xb7: {  	_ =	swait.ge [sflag:s29], $0x1  }
0xb8: {  	[sflag:s29] =	ssyncadd.s32 $0xFFFFFFFF  }
0xb9: {  	_ =	strace $0x9000004B  }
0xba: {  	_ =	sfence  }
0xbb: {  	s30 =	sld [smem:$0x0];
	_ =	sdelay $0x2  }
0xbc: {  	s31 =	sshll.u32 s1, $0xD;
	s1 =	sshrl.u32 s1, $0x2  }
0xbd: {  	s3 =	sand.u32 $0x4000, s31;
	s1 =	sadd.s32 s1, s30  }
0xbe: {  	s0 =	sor.u32 s3, s0;
	s1 =	sshll.u32 s1, $0x11  }
0xbf: {  	s0 =	sor.u32 s1, s0  }
0xc0: {  	s0 =	sadd.s32 $0x8F2B, s0  }
0xc1: {  	[sflag:s0] =	ssyncadd.remote.s32 $0x1  }
0xc2: {  	_ =	sfence.sel $0xFFFF  }
0xc3: {  	[dreg:$0x0] =	wrdreg $0xFFFFFFFF;
	(pc) =	sbr.abs _section_cstart, $3  }
0xc4: {  	[dreg:$0x1] =	wrdreg $0xFFFFFFFF  }
0xc5: {  	_ =	task.clear_ibuf [dreg:s8], $0x2FFFF;
	_ =	strace $0x9FFFFFFF  }
0xc6: {  	(tm) =	ssettm $0x7FFFFFFF  }
0xc7: {  	_ =	shalt  }
tec
execute0_lowered:
.L_overlay_start_1:
0x0: {  	(tag) =	ssettag $0x1  }
0x1: {  	s0 =	rddreg [dreg:$0x0]  }
0x2: {  	s1 =	rddreg [dreg:$0x1]  }
0x3: {  	s5 =	rddreg [dreg:$0x2]  }
0x4: {  	s2 =	rddreg [dreg:$0x3]  }
0x5: {  	s3 =	rddreg [dreg:$0x4]  }
0x6: {  	s12 =	stileid.u32;
	s7 =	srdreg.scid  }
0x7: {  	s4 =	simm.s32 $0x0;
	s15 =	simm.s32 $0x9;
	s16 =	simm.s32 $0x5000  }
0x8: {  	s18 =	simm.s32 $0xA000;
	s28 =	simm.s32 $0x15000;
	s6 =	smul.u32 $0x9C4, s12  }
0x9: {  	s29 =	simm.s32 $0x1;
	s30 =	simm.s32 $0x2;
	s8 =	smul.u32 $0x280, s12  }
0xa: {  	s17 =	simm.s32 $0x5;
	s7 =	sand.u32 $0x1, s7;
	s23 =	smul.u32 $0x2800, s12  }
0xb: {  	s19 =	simm.s32 $0x4;
	[smem:$0x7FF] =	sst s4;
	s9 =	smul.u32 $0x2800, s7  }
0xc: {  	_ =	strace $0x8000004A;
	s20 =	ssub.s32 $0x2, s7;
	s22 =	sshll.u32 s7, $0x1  }
0xd: {  	s7 =	simm.s32 $0x0;
	s6 =	sadd.s32 s6, s1;
	s10 =	sshrl.u32 s8, $0x3  }
0xe: {  	s11 =	sshrl.u32 s20, $0x1;
	s5 =	sadd.s32 s5, s22;
	s12 =	sadd.s32 s23, s3  }
0xf: {  	s22 =	simm.s32 $0xF000;
	s8 =	sadd.s32 s8, s9;
	s10 =	sadd.s32 s10, s1  }
0x10: {  	s9 =	ssub.s32 s20, s11;
	s21 =	sadd.s32 $0xAE00, s6;
	s6 =	sadd.s32 $0x1000, s6  }
0x11: {  	[dreg:$0x8] =	wrdreg s5;
	s11 =	sadd.s32 s23, s2;
	s23 =	simm.s32 $0x11000  }
0x12: {  	s20 =	simm.s32 $0x6;
	s5 =	simm.s32 $0x7;
	[dreg:$0x6] =	wrdreg s21  }
0x13: {  	v14 =	vlaneseq.u32;
	v15 =	vimm.f32 $0.0e+00;
	s8 =	sshll.u32 s8, $0x1;
	[dreg:$0x7] =	wrdreg s6;
	s24 =	sadd.s32 $0x14C00, s10  }
0x14: {  	v0 =	vor.u32 $0x2710, v14;
	v1 =	vor.u32 $0x2720, v14;
	v2 =	vor.u32 $0x2730, v14;
	s25 =	sadd.s32 $0x15100, s10;
	s31 =	smax.u32 s9, $0x1;
	[dreg:$0xa] =	wrdreg s24  }
0x15: {  	v3 =	vor.u32 $0x2740, v14;
	v4 =	vor.u32 $0x2750, v14;
	v5 =	vor.u32 $0x2760, v14;
	s21 =	simm.s32 $0x200;
	s6 =	simm.s32 $0x8;
	[dreg:$0xb] =	wrdreg s25  }
0x16: {  	v6 =	vor.u32 $0x2770, v14;
	v7 =	vor.u32 $0x2780, v14;
	v8 =	vor.u32 $0x2790, v14;
	s1 =	sadd.s32 s8, s1;
	s0 =	sadd.s32 s0, s8;
	[dreg:$0xd] =	wrdreg s31  }
0x17: {  	v9 =	vor.u32 $0x27A0, v14;
	v10 =	vor.u32 $0x27B0, v14;
	v11 =	vor.u32 $0x27C0, v14;
	s24 =	simm.s32 $0x17500;
	[dreg:$0x9] =	wrdreg s0;
	s26 =	sadd.s32 $0x15600, s1  }
0x18: {  	v12 =	vor.u32 $0x27D0, v14;
	v13 =	vor.u32 $0x27E0, v14;
	v14 =	vor.u32 $0x27F0, v14;
	s25 =	simm.s32 $0x13000;
	s0 =	simm.s32 $0x3;
	[dreg:$0xc] =	wrdreg s26  }
.LBB2_1:
0x19: {  	s1 =	rddreg [dreg:$0x6]  }
0x1a: {  	[tilespmem:s4], [sflag:$0x9] =	stream.linear.gather [hbm4b:s1+s4], $0x4E20, $0x38;
	[tilespmem:$0x1C790] =	vst v63  }
0x1b: {  	_ =	swait.ge [sflag:s15], $0x4E20  }
0x1c: {  	[sflag:s15] =	ssyncset.done $0x0  }
0x1d: {  	s14 =	rddreg [dreg:$0x7];
	[sflag:s15] =	ssyncadd.s32 $0xFFFFB1E0  }
0x1e: {  	[tilespmem:s16], [sflag:$0x9] =	stream.linear.gather [hbm4b:s14+s4], $0x4E20, $0x38;
	[tilespmem:$0x1C790] =	vst v63  }
0x1f: {  	_ =	swait.ge [sflag:s15], $0x4E20  }
0x20: {  	[sflag:s15] =	ssyncset.done $0x0  }
0x21: {  	s8 =	simm.s32 $0x17780;
	s26 =	rddreg [dreg:$0x8];
	[sflag:s15] =	ssyncadd.s32 $0xFFFFB1E0  }
0x22: {  	[tilespmem:s8], [sflag:$0x9] =	stream.linear.gather [hbm4b:s26+s4], $0x10, $0x38;
	[tilespmem:$0x1C790] =	vst v63  }
0x23: {  	_ =	swait.ge [sflag:s15], $0x10  }
0x24: {  	[sflag:s15] =	ssyncset.done $0x0  }
0x25: {  	s31 =	rddreg [dreg:$0x9];
	[sflag:s15] =	ssyncadd.s32 $0xFFFFFFF0  }
0x26: {  	[tilespmem:s18], [sflag:$0x9] =	stream.linear.gather [hbm4b:s31+s4], $0x2800, $0x38;
	[tilespmem:$0x1C790] =	vst v63  }
0x27: {  	_ =	swait.ge [sflag:s15], $0x2800  }
0x28: {  	[sflag:s15] =	ssyncset.done $0x0  }
0x29: {  	[sflag:s15] =	ssyncadd.s32 $0xFFFFD800  }
0x2a: {  	[tilespmem:$0x4E20] =	vst v0  }
0x2b: {  	[tilespmem:$0x9E20] =	vst v0  }
0x2c: {  	[tilespmem:$0x4E30] =	vst v1  }
0x2d: {  	[tilespmem:$0x9E30] =	vst v1  }
0x2e: {  	[tilespmem:$0x4E40] =	vst v2  }
0x2f: {  	[tilespmem:$0x9E40] =	vst v2  }
0x30: {  	[tilespmem:$0x4E50] =	vst v3  }
0x31: {  	[tilespmem:$0x9E50] =	vst v3  }
0x32: {  	[tilespmem:$0x4E60] =	vst v4  }
0x33: {  	[tilespmem:$0x9E60] =	vst v4  }
0x34: {  	[tilespmem:$0x4E70] =	vst v5  }
0x35: {  	[tilespmem:$0x9E70] =	vst v5  }
0x36: {  	[tilespmem:$0x4E80] =	vst v6  }
0x37: {  	[tilespmem:$0x9E80] =	vst v6  }
0x38: {  	[tilespmem:$0x4E90] =	vst v7  }
0x39: {  	[tilespmem:$0x9E90] =	vst v7  }
0x3a: {  	[tilespmem:$0x4EA0] =	vst v8  }
0x3b: {  	[tilespmem:$0x9EA0] =	vst v8  }
0x3c: {  	[tilespmem:$0x4EB0] =	vst v9  }
0x3d: {  	[tilespmem:$0x9EB0] =	vst v9  }
0x3e: {  	[tilespmem:$0x4EC0] =	vst v10  }
0x3f: {  	[tilespmem:$0x9EC0] =	vst v10  }
0x40: {  	[tilespmem:$0x4ED0] =	vst v11  }
0x41: {  	[tilespmem:$0x9ED0] =	vst v11  }
0x42: {  	[tilespmem:$0x4EE0] =	vst v12  }
0x43: {  	[tilespmem:$0x9EE0] =	vst v12  }
0x44: {  	[tilespmem:$0x4EF0] =	vst v13  }
0x45: {  	[tilespmem:$0x9EF0] =	vst v13  }
0x46: {  	[tilespmem:$0x4F00] =	vst v14  }
0x47: {  	[tilespmem:$0x9F00] =	vst v14  }
0x48: {  	[tilespmem:$0x4F10] =	vst v0  }
0x49: {  	[tilespmem:$0x9F10] =	vst v0  }
0x4a: {  	[tilespmem:$0x4F20] =	vst v1  }
0x4b: {  	[tilespmem:$0x9F20] =	vst v1  }
0x4c: {  	[tilespmem:$0x4F30] =	vst v2  }
0x4d: {  	[tilespmem:$0x9F30] =	vst v2  }
0x4e: {  	[tilespmem:$0x4F40] =	vst v3  }
0x4f: {  	[tilespmem:$0x9F40] =	vst v3  }
0x50: {  	[tilespmem:$0x4F50] =	vst v4  }
0x51: {  	[tilespmem:$0x9F50] =	vst v4  }
0x52: {  	[tilespmem:$0x4F60] =	vst v5  }
0x53: {  	[tilespmem:$0x9F60] =	vst v5  }
0x54: {  	[tilespmem:$0x4F70] =	vst v6  }
0x55: {  	[tilespmem:$0x9F70] =	vst v6  }
0x56: {  	[tilespmem:$0x4F80] =	vst v7  }
0x57: {  	[tilespmem:$0x9F80] =	vst v7  }
0x58: {  	[tilespmem:$0x4F90] =	vst v8  }
0x59: {  	[tilespmem:$0x9F90] =	vst v8  }
0x5a: {  	[tilespmem:$0x4FA0] =	vst v9  }
0x5b: {  	[tilespmem:$0x9FA0] =	vst v9  }
0x5c: {  	[tilespmem:$0x4FB0] =	vst v10  }
0x5d: {  	[tilespmem:$0x9FB0] =	vst v10  }
0x5e: {  	[tilespmem:$0x4FC0] =	vst v11  }
0x5f: {  	[tilespmem:$0x9FC0] =	vst v11  }
0x60: {  	[tilespmem:$0x4FD0] =	vst v12  }
0x61: {  	[tilespmem:$0x9FD0] =	vst v12  }
0x62: {  	[tilespmem:$0x4FE0] =	vst v13  }
0x63: {  	[tilespmem:$0x9FE0] =	vst v13  }
0x64: {  	[tilespmem:$0x4FF0] =	vst v14  }
0x65: {  	s1 =	simm.s32 $0x40;
	s8 =	simm.s32 $0x0;
	[tilespmem:$0x9FF0] =	vst v14  }
.LBB2_2:
0x66: {  	p0 =	sne.s32 s1, $0x9FC0;
	[tilespmem:s8+$0xC800] =	vst v15;
	s8 =	smov.u32 s1;
	s1 =	sadd.s32 $0x40, s1  }
.Ltmp0:
0x67: {  	(pc) =	sbr.rel @p0 .LBB2_2-.Ltmp0, $2  }
0x68: {  	_ =	sdelay $0x2  }
0x69: {  	s8 =	sshra.s32 s8, $0x2  }
0x6a: {  	[tilespmem:s8+$0xC800] =	vst v15;
	s1 =	simm.s32 $0x0;
	s31 =	rddreg [dreg:$0xa]  }
0x6b: {  	[tilespmem:s24], [sflag:$0x9] =	stream.linear.gather [hbm4b:s31+s1], $0x280, $0x38;
	[tilespmem:$0x1C790] =	vst v63  }
0x6c: {  	_ =	swait.ge [sflag:s15], $0x280  }
0x6d: {  	[sflag:s15] =	ssyncset.done $0x0  }
0x6e: {  	s9 =	simm.s32 $0x0;
	[sflag:s15] =	ssyncadd.s32 $0xFFFFFD80  }
0x6f: {  	v16 =	vld [tilespmem:s9+$0x17500];
	_ =	sdelay $0x4  }
0x70: {  	s8 =	simm.s32 $0x10;
	v16 =	vmax.f32 v16, $1.000000000e+00  }
0x71: {  	v17 =	vld [tilespmem:s8+$0x17500];
	v18 =	vshrl.u32 v16, $0x1;
	v22 =	vmul.f32 $5.000000000e-01, v16  }
0x72: {  	v18 =	vsub.s32 $0x5F3759DF, v18  }
0x73: {  	v16 =	vmul.f32 v18, v22;
	_ =	sdelay $0x1  }
0x74: {  	s10 =	simm.s32 $0x20;
	v19 =	vmul.f32 v18, v16  }
0x75: {  	v16 =	vmax.f32 v17, $1.000000000e+00;
	v17 =	vld [tilespmem:s10+$0x17500]  }
0x76: {  	v20 =	vshrl.u32 v16, $0x1;
	v16 =	vmul.f32 $5.000000000e-01, v16;
	v19 =	vsub.f32 $1.500000000e+00, v19  }
0x77: {  	v20 =	vsub.s32 $0x5F3759DF, v20  }
0x78: {  	v21 =	vmul.f32 v20, v16;
	v19 =	vmul.f32 v18, v19;
	_ =	sdelay $0x1  }
0x79: {  	s13 =	simm.s32 $0x30;
	v17 =	vmax.f32 v17, $1.000000000e+00;
	v21 =	vmul.f32 v20, v21;
	v23 =	vmul.f32 v19, v22  }
0x7a: {  	v24 =	vld [tilespmem:s13+$0x17500];
	v25 =	vshrl.u32 v17, $0x1;
	v18 =	vmul.f32 $5.000000000e-01, v17  }
0x7b: {  	v17 =	vsub.f32 $1.500000000e+00, v21;
	v21 =	vmul.f32 v23, v19;
	v23 =	vsub.s32 $0x5F3759DF, v25  }
0x7c: {  	v25 =	vmul.f32 v23, v18  }
0x7d: {  	v20 =	vmul.f32 v20, v17;
	v17 =	vsub.f32 $1.500000000e+00, v21  }
0x7e: {  	v21 =	vmul.f32 v23, v25  }
0x7f: {  	s14 =	simm.s32 $0x40;
	v24 =	vmax.f32 v24, $1.000000000e+00;
	v25 =	vmul.f32 v20, v16;
	v17 =	vmul.f32 v17, v19  }
0x80: {  	v26 =	vshrl.u32 v24, $0x1;
	v19 =	vmul.f32 $5.000000000e-01, v24;
	v24 =	vld [tilespmem:s14+$0x17500];
	v27 =	vsub.f32 $1.500000000e+00, v21  }
0x81: {  	v25 =	vmul.f32 v25, v20;
	v21 =	vsub.s32 $0x5F3759DF, v26;
	v28 =	vmul.f32 v17, v22  }
0x82: {  	v26 =	vmul.f32 v21, v19  }
0x83: {  	s26 =	simm.s32 $0x140;
	v22 =	vmul.f32 v23, v27;
	v25 =	vsub.f32 $1.500000000e+00, v25;
	v23 =	vmul.f32 v28, v17  }
.LBB2_4:
0x84: {  	s1 =	smov.u32 s13  }
0x85: {  	v27 =	vmax.f32 v24, $1.000000000e+00;
	v26 =	vmul.f32 v21, v26;
	v28 =	vmul.f32 v22, v18;
	s13 =	smov.u32 s14;
	s14 =	sshra.s32 s26, $0x2;
	p0 =	sne.s32 s26, $0x9C0  }
.Ltmp1:
0x86: {  	v24 =	vld [tilespmem:s14+$0x17500];
	v29 =	vshrl.u32 v27, $0x1;
	v25 =	vmul.f32 v25, v20;
	v23 =	vsub.f32 $1.500000000e+00, v23;
	v20 =	vmovc v22;
	(pc) =	sbr.rel @p0 .LBB2_4-.Ltmp1, $4  }
0x87: {  	s26 =	sadd.s32 $0x40, s26;
	v27 =	vmul.f32 $5.000000000e-01, v27;
	v22 =	vsub.f32 $1.500000000e+00, v26;
	v28 =	vmul.f32 v28, v20  }
0x88: {  	v29 =	vsub.s32 $0x5F3759DF, v29;
	v30 =	vmul.f32 v25, v16;
	v31 =	vmul.f32 v23, v17;
	v17 =	vmovc v25;
	v16 =	vmovc v18  }
0x89: {  	v26 =	vmul.f32 v29, v27;
	v18 =	vmovc v19;
	v19 =	vmovc v27;
	v22 =	vmul.f32 v21, v22;
	v21 =	vmov v29  }
0x8a: {  	v25 =	vsub.f32 $1.500000000e+00, v28;
	v23 =	vmul.f32 v30, v17;
	[tilespmem:s9+$0x17000] =	vst v31;
	s9 =	smov.u32 s8;
	s8 =	smov.u32 s10;
	s10 =	smov.u32 s1  }
0x8b: {  	v24 =	vmax.f32 v24, $1.000000000e+00  }
0x8c: {  	v27 =	vshrl.u32 v24, $0x1;
	v24 =	vmul.f32 $5.000000000e-01, v24  }
0x8d: {  	v27 =	vsub.s32 $0x5F3759DF, v27  }
0x8e: {  	v28 =	vmul.f32 v27, v24  }
0x8f: {  	v26 =	vmul.f32 v21, v26  }
0x90: {  	v28 =	vmul.f32 v27, v28  }
0x91: {  	v26 =	vsub.f32 $1.500000000e+00, v26  }
0x92: {  	v28 =	vsub.f32 $1.500000000e+00, v28  }
0x93: {  	v21 =	vmul.f32 v21, v26  }
0x94: {  	v26 =	vmul.f32 v22, v18;
	v27 =	vmul.f32 v27, v28  }
0x95: {  	v62 =	vmul.f32 v21, v19  }
0x96: {  	v26 =	vmul.f32 v26, v22;
	v29 =	vmul.f32 v27, v24  }
0x97: {  	v28 =	vmul.f32 v62, v21  }
0x98: {  	v26 =	vsub.f32 $1.500000000e+00, v26;
	v29 =	vmul.f32 v29, v27  }
0x99: {  	v20 =	vmul.f32 v25, v20;
	v25 =	vsub.f32 $1.500000000e+00, v28  }
0x9a: {  	v22 =	vmul.f32 v26, v22;
	v26 =	vsub.f32 $1.500000000e+00, v29  }
0x9b: {  	v16 =	vmul.f32 v20, v16;
	v21 =	vmul.f32 v25, v21  }
0x9c: {  	v18 =	vmul.f32 v22, v18;
	v25 =	vmul.f32 v26, v27  }
0x9d: {  	v16 =	vmul.f32 v16, v20;
	v19 =	vmul.f32 v21, v19  }
0x9e: {  	v23 =	vsub.f32 $1.500000000e+00, v23;
	v18 =	vmul.f32 v18, v22;
	v24 =	vmul.f32 v25, v24  }
0x9f: {  	v16 =	vsub.f32 $1.500000000e+00, v16;
	v19 =	vmul.f32 v19, v21  }
0xa0: {  	v17 =	vmul.f32 v23, v17;
	v18 =	vsub.f32 $1.500000000e+00, v18;
	v23 =	vmul.f32 v24, v25  }
0xa1: {  	v16 =	vmul.f32 v16, v20;
	v19 =	vsub.f32 $1.500000000e+00, v19  }
0xa2: {  	[tilespmem:s9+$0x17000] =	vst v17;
	v17 =	vmul.f32 v18, v22;
	v18 =	vsub.f32 $1.500000000e+00, v23  }
0xa3: {  	[tilespmem:s8+$0x17000] =	vst v16;
	v16 =	vmul.f32 v19, v21  }
0xa4: {  	[tilespmem:s10+$0x17000] =	vst v17;
	v17 =	vmul.f32 v18, v25  }
0xa5: {  	[tilespmem:s13+$0x17000] =	vst v16  }
0xa6: {  	s1 =	simm.s32 $0x0;
	s26 =	rddreg [dreg:$0xb];
	[tilespmem:s14+$0x17000] =	vst v17  }
0xa7: {  	[tilespmem:s24], [sflag:$0x9] =	stream.linear.gather [hbm4b:s26+s1], $0x280, $0x38;
	[tilespmem:$0x1C790] =	vst v63  }
0xa8: {  	_ =	swait.ge [sflag:s15], $0x280  }
0xa9: {  	[sflag:s15] =	ssyncset.done $0x0  }
0xaa: {  	s26 =	simm.s32 $0x0;
	[sflag:s15] =	ssyncadd.s32 $0xFFFFFD80  }
0xab: {  	v16 =	vld [tilespmem:s26+$0x17500];
	_ =	sdelay $0x4  }
0xac: {  	s9 =	simm.s32 $0x10;
	v16 =	vmax.f32 v16, $1.000000000e+00  }
0xad: {  	v17 =	vld [tilespmem:s9+$0x17500];
	v18 =	vshrl.u32 v16, $0x1;
	v22 =	vmul.f32 $5.000000000e-01, v16  }
0xae: {  	v18 =	vsub.s32 $0x5F3759DF, v18  }
0xaf: {  	v16 =	vmul.f32 v18, v22;
	_ =	sdelay $0x1  }
0xb0: {  	s10 =	simm.s32 $0x20;
	v19 =	vmul.f32 v18, v16  }
0xb1: {  	v16 =	vmax.f32 v17, $1.000000000e+00;
	v17 =	vld [tilespmem:s10+$0x17500]  }
0xb2: {  	v20 =	vshrl.u32 v16, $0x1;
	v16 =	vmul.f32 $5.000000000e-01, v16;
	v19 =	vsub.f32 $1.500000000e+00, v19  }
0xb3: {  	v20 =	vsub.s32 $0x5F3759DF, v20  }
0xb4: {  	v21 =	vmul.f32 v20, v16;
	v19 =	vmul.f32 v18, v19;
	_ =	sdelay $0x1  }
0xb5: {  	s13 =	simm.s32 $0x30;
	v17 =	vmax.f32 v17, $1.000000000e+00;
	v21 =	vmul.f32 v20, v21;
	v23 =	vmul.f32 v19, v22  }
0xb6: {  	v24 =	vld [tilespmem:s13+$0x17500];
	v25 =	vshrl.u32 v17, $0x1;
	v18 =	vmul.f32 $5.000000000e-01, v17  }
0xb7: {  	v17 =	vsub.f32 $1.500000000e+00, v21;
	v21 =	vmul.f32 v23, v19;
	v23 =	vsub.s32 $0x5F3759DF, v25  }
0xb8: {  	v25 =	vmul.f32 v23, v18  }
0xb9: {  	v20 =	vmul.f32 v20, v17;
	v17 =	vsub.f32 $1.500000000e+00, v21  }
0xba: {  	v21 =	vmul.f32 v23, v25  }
0xbb: {  	s14 =	simm.s32 $0x40;
	v24 =	vmax.f32 v24, $1.000000000e+00;
	v25 =	vmul.f32 v20, v16;
	v17 =	vmul.f32 v17, v19  }
0xbc: {  	v26 =	vshrl.u32 v24, $0x1;
	v19 =	vmul.f32 $5.000000000e-01, v24;
	v24 =	vld [tilespmem:s14+$0x17500];
	v27 =	vsub.f32 $1.500000000e+00, v21  }
0xbd: {  	v25 =	vmul.f32 v25, v20;
	v21 =	vsub.s32 $0x5F3759DF, v26;
	v63 =	vmul.f32 v17, v22  }
0xbe: {  	v26 =	vmul.f32 v21, v19  }
0xbf: {  	s31 =	simm.s32 $0x0;
	s8 =	simm.s32 $0x40;
	s1 =	simm.s32 $0x140;
	v22 =	vmul.f32 v23, v27;
	v25 =	vsub.f32 $1.500000000e+00, v25;
	v23 =	vmul.f32 v63, v17  }
.LBB2_6:
0xc0: {  	s24 =	smov.u32 s13  }
0xc1: {  	v27 =	vmax.f32 v24, $1.000000000e+00;
	v26 =	vmul.f32 v21, v26;
	v28 =	vmul.f32 v22, v18;
	s13 =	smov.u32 s14;
	s14 =	sshra.s32 s1, $0x2;
	p0 =	sne.s32 s1, $0x9C0  }
.Ltmp2:
0xc2: {  	v24 =	vld [tilespmem:s14+$0x17500];
	v29 =	vshrl.u32 v27, $0x1;
	v25 =	vmul.f32 v25, v20;
	v23 =	vsub.f32 $1.500000000e+00, v23;
	v20 =	vmovc v22;
	(pc) =	sbr.rel @p0 .LBB2_6-.Ltmp2, $4  }
0xc3: {  	s1 =	sadd.s32 $0x40, s1;
	v27 =	vmul.f32 $5.000000000e-01, v27;
	v22 =	vsub.f32 $1.500000000e+00, v26;
	v28 =	vmul.f32 v28, v20  }
0xc4: {  	v29 =	vsub.s32 $0x5F3759DF, v29;
	v30 =	vmul.f32 v25, v16;
	v31 =	vmul.f32 v23, v17;
	v17 =	vmovc v25;
	v16 =	vmovc v18  }
0xc5: {  	v26 =	vmul.f32 v29, v27;
	v18 =	vmovc v19;
	v19 =	vmovc v27;
	v22 =	vmul.f32 v21, v22;
	v21 =	vmov v29  }
0xc6: {  	v25 =	vsub.f32 $1.500000000e+00, v28;
	v23 =	vmul.f32 v30, v17;
	[tilespmem:s31+$0x17280] =	vst v31;
	s31 =	smov.u32 s9;
	s9 =	smov.u32 s10;
	s10 =	smov.u32 s24  }
0xc7: {  	v24 =	vmax.f32 v24, $1.000000000e+00  }
0xc8: {  	v27 =	vshrl.u32 v24, $0x1;
	v24 =	vmul.f32 $5.000000000e-01, v24  }
0xc9: {  	v27 =	vsub.s32 $0x5F3759DF, v27  }
0xca: {  	v28 =	vmul.f32 v27, v24  }
0xcb: {  	v26 =	vmul.f32 v21, v26  }
0xcc: {  	v28 =	vmul.f32 v27, v28  }
0xcd: {  	v26 =	vsub.f32 $1.500000000e+00, v26  }
0xce: {  	v28 =	vsub.f32 $1.500000000e+00, v28  }
0xcf: {  	v56 =	vmul.f32 v21, v26  }
0xd0: {  	v57 =	vmul.f32 v22, v18;
	v27 =	vmul.f32 v27, v28  }
0xd1: {  	v58 =	vmul.f32 v56, v19  }
0xd2: {  	v26 =	vmul.f32 v57, v22;
	v29 =	vmul.f32 v27, v24  }
0xd3: {  	v28 =	vmul.f32 v58, v56  }
0xd4: {  	v26 =	vsub.f32 $1.500000000e+00, v26;
	v29 =	vmul.f32 v29, v27  }
0xd5: {  	v20 =	vmul.f32 v25, v20;
	v59 =	vsub.f32 $1.500000000e+00, v28  }
0xd6: {  	v60 =	vmul.f32 v26, v22;
	v61 =	vsub.f32 $1.500000000e+00, v29  }
0xd7: {  	v16 =	vmul.f32 v20, v16;
	v21 =	vmul.f32 v59, v56  }
0xd8: {  	v18 =	vmul.f32 v60, v18;
	v62 =	vmul.f32 v61, v27  }
0xd9: {  	v16 =	vmul.f32 v16, v20;
	v19 =	vmul.f32 v21, v19  }
0xda: {  	v23 =	vsub.f32 $1.500000000e+00, v23;
	v18 =	vmul.f32 v18, v60;
	v24 =	vmul.f32 v62, v24  }
0xdb: {  	v16 =	vsub.f32 $1.500000000e+00, v16;
	v19 =	vmul.f32 v19, v21  }
0xdc: {  	v17 =	vmul.f32 v23, v17;
	v18 =	vsub.f32 $1.500000000e+00, v18;
	v63 =	vmul.f32 v24, v62  }
0xdd: {  	v16 =	vmul.f32 v16, v20;
	v19 =	vsub.f32 $1.500000000e+00, v19  }
0xde: {  	[tilespmem:s31+$0x17280] =	vst v17;
	v17 =	vmul.f32 v18, v60;
	v18 =	vsub.f32 $1.500000000e+00, v63  }
0xdf: {  	[tilespmem:s9+$0x17280] =	vst v16;
	v16 =	vmul.f32 v19, v21  }
0xe0: {  	[tilespmem:s10+$0x17280] =	vst v17;
	v17 =	vmul.f32 v18, v62  }
0xe1: {  	[tilespmem:s13+$0x17280] =	vst v16  }
0xe2: {  	s9 =	simm.s32 $0xA080;
	[tilespmem:s14+$0x17280] =	vst v17  }
0xe3: {  	s10 =	simm.s32 $0xA080;
	v16 =	vld [tilespmem:s9+$0xFFFFFFB0]  }
.LBB2_8:
0xe4: {  	p0 =	sne.s32 s8, $0x9C0;
	v17 =	vld [tilespmem:s26+$0x17000]  }
0xe5: {  	v18 =	vld [tilespmem:s9+$0xFFFFFF90]  }
0xe6: {  	v19 =	vld [tilespmem:s9+$0xFFFFFF80]  }
0xe7: {  	v20 =	vld [tilespmem:s9+$0xFFFFFFA0]  }
0xe8: {  	v21 =	vld [tilespmem:s9+$0xFFFFFFF0]  }
0xe9: {  	v22 =	vbroadcast v17, $0x0;
	v23 =	vbroadcast v17, $0x1;
	v24 =	vld [tilespmem:s9+$0xFFFFFFD0]  }
0xea: {  	v25 =	vbroadcast v17, $0x2;
	v26 =	vbroadcast v17, $0x3;
	v27 =	vld [tilespmem:s9+$0xFFFFFFC0]  }
0xeb: {  	v19 =	vmul.f32 v22, v19;
	v18 =	vmul.f32 v18, v23;
	v22 =	vld [tilespmem:s9+$0xFFFFFFE0]  }
0xec: {  	v16 =	vmul.f32 v16, v26;
	v20 =	vmul.f32 v20, v25;
	v23 =	vld [tilespmem:s9+$0x30]  }
0xed: {  	v25 =	vbroadcast v17, $0x5;
	[tilespmem:s9+$0xFFFFFF80] =	vst v19;
	v19 =	vbroadcast v17, $0x4;
	v26 =	vld [tilespmem:s9+$0x10]  }
0xee: {  	v28 =	vbroadcast v17, $0x7;
	[tilespmem:s9+$0xFFFFFF90] =	vst v18;
	v18 =	vbroadcast v17, $0x6;
	v29 =	vld [tilespmem:s9+$0x0]  }
0xef: {  	[tilespmem:s9+$0xFFFFFFA0] =	vst v20;
	v19 =	vmul.f32 v27, v19;
	v20 =	vmul.f32 v24, v25;
	v24 =	vld [tilespmem:s9+$0x20]  }
0xf0: {  	[tilespmem:s9+$0xFFFFFFB0] =	vst v16;
	v16 =	vmul.f32 v22, v18;
	v18 =	vmul.f32 v21, v28;
	v21 =	vld [tilespmem:s9+$0x70]  }
0xf1: {  	v22 =	vbroadcast v17, $0x9;
	[tilespmem:s9+$0xFFFFFFC0] =	vst v19;
	v19 =	vbroadcast v17, $0x8;
	v25 =	vld [tilespmem:s9+$0x50]  }
0xf2: {  	v27 =	vbroadcast v17, $0xB;
	[tilespmem:s9+$0xFFFFFFD0] =	vst v20;
	v20 =	vbroadcast v17, $0xA;
	v28 =	vld [tilespmem:s9+$0x40]  }
0xf3: {  	[tilespmem:s9+$0xFFFFFFE0] =	vst v16;
	v16 =	vmul.f32 v29, v19;
	v19 =	vmul.f32 v26, v22;
	v22 =	vld [tilespmem:s9+$0x60]  }
0xf4: {  	[tilespmem:s9+$0xFFFFFFF0] =	vst v18;
	v18 =	vmul.f32 v24, v20;
	v20 =	vmul.f32 v23, v27  }
0xf5: {  	v23 =	vbroadcast v17, $0xD;
	[tilespmem:s9+$0x0] =	vst v16;
	v16 =	vbroadcast v17, $0xC  }
0xf6: {  	[tilespmem:s9+$0x10] =	vst v19;
	v19 =	vbroadcast v17, $0xE;
	v17 =	vbroadcast v17, $0xF  }
0xf7: {  	[tilespmem:s9+$0x20] =	vst v18;
	v16 =	vmul.f32 v28, v16;
	v18 =	vmul.f32 v25, v23  }
.Ltmp3:
0xf8: {  	[tilespmem:s9+$0x30] =	vst v20;
	v19 =	vmul.f32 v22, v19;
	v17 =	vmul.f32 v21, v17;
	(pc) =	sbr.rel @p0 .LBB2_8-.Ltmp3, $4  }
0xf9: {  	[tilespmem:s9+$0x40] =	vst v16  }
0xfa: {  	[tilespmem:s9+$0x50] =	vst v18  }
0xfb: {  	s9 =	sadd.s32 $0x100, s9;
	[tilespmem:s10+$0x60] =	vst v19  }
0xfc: {  	s26 =	sshra.s32 s8, $0x2;
	s8 =	sadd.s32 $0x40, s8;
	v16 =	vld [tilespmem:s9+$0xFFFFFFB0];
	[tilespmem:s10+$0x70] =	vst v17;
	s10 =	smov.u32 s9  }
0xfd: {  	v17 =	vld [tilespmem:s26+$0x17000];
	_ =	sdelay $0x1  }
0xfe: {  	v18 =	vld [tilespmem:s9+$0xFFFFFF80]  }
0xff: {  	v19 =	vld [tilespmem:s9+$0xFFFFFF90]  }
0x100: {  	v20 =	vld [tilespmem:s9+$0xFFFFFFA0]  }
0x101: {  	v21 =	vbroadcast v17, $0x0  }
0x102: {  	v24 =	vld [tilespmem:s9+$0xFFFFFFD0];
	v22 =	vbroadcast v17, $0x1;
	v25 =	vbroadcast v17, $0x2  }
0x103: {  	v45 =	vld [tilespmem:s9+$0xFFFFFFE0];
	v44 =	vbroadcast v17, $0x3;
	v18 =	vmul.f32 v21, v18  }
0x104: {  	v49 =	vld [tilespmem:s9+$0x10];
	v46 =	vbroadcast v17, $0x4;
	v19 =	vmul.f32 v19, v22  }
0x105: {  	v23 =	vld [tilespmem:s9+$0xFFFFFFC0];
	v47 =	vbroadcast v17, $0x5;
	v20 =	vmul.f32 v20, v25;
	[tilespmem:s9+$0xFFFFFF80] =	vst v18  }
0x106: {  	v26 =	vld [tilespmem:s9+$0xFFFFFFF0];
	v27 =	vbroadcast v17, $0x6;
	v16 =	vmul.f32 v16, v44;
	[tilespmem:s9+$0xFFFFFF90] =	vst v19  }
0x107: {  	v51 =	vld [tilespmem:s9+$0x20];
	v53 =	vbroadcast v17, $0x9;
	v21 =	vmul.f32 v24, v47;
	[tilespmem:s9+$0xFFFFFFA0] =	vst v20  }
0x108: {  	v48 =	vld [tilespmem:s9+$0x0];
	v50 =	vbroadcast v17, $0x7;
	v22 =	vmul.f32 v45, v27;
	[tilespmem:s9+$0xFFFFFFB0] =	vst v16  }
0x109: {  	v55 =	vld [tilespmem:s9+$0x50];
	v52 =	vbroadcast v17, $0x8;
	v58 =	vmul.f32 v49, v53;
	[tilespmem:s9+$0xFFFFFFD0] =	vst v21  }
0x10a: {  	v54 =	vld [tilespmem:s9+$0x40];
	v56 =	vbroadcast v17, $0xA;
	v18 =	vmul.f32 v23, v46;
	[tilespmem:s9+$0xFFFFFFE0] =	vst v22  }
0x10b: {  	v57 =	vbroadcast v17, $0xB;
	v16 =	vld [tilespmem:s9+$0x30];
	v20 =	vmul.f32 v26, v50;
	[tilespmem:s9+$0x10] =	vst v58  }
0x10c: {  	v60 =	vld [tilespmem:s9+$0x70];
	v62 =	vbroadcast v17, $0xD;
	v23 =	vmul.f32 v51, v56;
	[tilespmem:s9+$0xFFFFFFC0] =	vst v18  }
0x10d: {  	v59 =	vld [tilespmem:s9+$0x60];
	v61 =	vbroadcast v17, $0xC;
	v18 =	vmul.f32 v48, v52;
	[tilespmem:s9+$0xFFFFFFF0] =	vst v20  }
0x10e: {  	v63 =	vbroadcast v17, $0xE;
	v19 =	vmul.f32 v55, v62;
	[tilespmem:s9+$0x20] =	vst v23  }
0x10f: {  	v17 =	vbroadcast v17, $0xF;
	[tilespmem:s9+$0x0] =	vst v18;
	v18 =	vmul.f32 v54, v61  }
0x110: {  	[tilespmem:s9+$0x50] =	vst v19;
	v16 =	vmul.f32 v16, v57  }
0x111: {  	v17 =	vmul.f32 v60, v17;
	[tilespmem:s9+$0x40] =	vst v18  }
0x112: {  	[tilespmem:s9+$0x30] =	vst v16;
	v16 =	vmul.f32 v59, v63  }
0x113: {  	[tilespmem:s10+$0x70] =	vst v17  }
0x114: {  	[tilespmem:s10+$0x60] =	vst v16  }
0x115: {  	[spmem:s11] =	stream.linear.scatter [tilespmem:s18], [sflag:$0x9], $0x2800, $0x38;
	[tilespmem:$0x1C790] =	vst v63  }
0x116: {  	_ =	swait.ge [sflag:s15], $0x2800  }
0x117: {  	[sflag:s15] =	ssyncset.done $0x0  }
0x118: {  	s13 =	simm.s32 $0xC800;
	[sflag:s15] =	ssyncadd.s32 $0xFFFFD800  }
0x119: {  	[spmem:s12] =	stream.linear.scatter [tilespmem:s13], [sflag:$0x9], $0x2800, $0x38;
	[tilespmem:$0x1C790] =	vst v63  }
0x11a: {  	_ =	swait.ge [sflag:s15], $0x2800  }
0x11b: {  	[sflag:s15] =	ssyncset.done $0x0  }
0x11c: {  	[sflag:s15] =	ssyncadd.s32 $0xFFFFD800  }
0x11d: {  	s1 =	simm.s32 $0x0;
	[bflag:$0x0] =	sbarrier.arrive $0xFFFF  }
0x11e: {  	[tilespmem:s22], [sflag:$0x1] =	stream.indirect.gather [spmem:s2], $0x10, s1, s21, $0xb8;
	[tilespmem:$0x1C790] =	vst v63  }
0x11f: {  	_ = 	snop  }
0x120: {  	[tilespmem:s23], [sflag:$0x2] =	stream.indirect.gather [spmem:s2], $0x10, s21, s21, $0xb8;
	[tilespmem:$0x1C790] =	vst v63  }
0x121: {  	s14 =	simm.s32 $0x400  }
0x122: {  	[tilespmem:s25], [sflag:$0x3] =	stream.indirect.gather [spmem:s2], $0x10, s14, s21, $0xb8;
	[tilespmem:$0x1C790] =	vst v63  }
0x123: {  	s24 =	simm.s32 $0x600  }
0x124: {  	[tilespmem:s28], [sflag:$0x4] =	stream.indirect.gather [spmem:s2], $0x10, s24, s21, $0xb8;
	[tilespmem:$0x1C790] =	vst v63  }
0x125: {  	_ =	swait.ge [sflag:s29], $0x2000  }
0x126: {  	[sflag:s29] =	ssyncset.done $0x0  }
0x127: {  	[sflag:s29] =	ssyncadd.s32 $0xFFFFE000  }
0x128: {  	[spmem:s3] =	stream.indirect.scatter.add.f32 [tilespmem:s22], [sflag:$0x5], $0x10, s16, s21, $0xb8;
	[tilespmem:$0x1C790] =	vst v63  }
0x129: {  	_ =	swait.ge [sflag:s30], $0x2000  }
0x12a: {  	[sflag:s30] =	ssyncset.done $0x0  }
0x12b: {  	s31 =	simm.s32 $0x5200;
	[sflag:s30] =	ssyncadd.s32 $0xFFFFE000  }
0x12c: {  	[spmem:s3] =	stream.indirect.scatter.add.f32 [tilespmem:s23], [sflag:$0x6], $0x10, s31, s21, $0xb8;
	[tilespmem:$0x1C790] =	vst v63  }
0x12d: {  	_ =	swait.ge [sflag:s0], $0x2000  }
0x12e: {  	[sflag:s0] =	ssyncset.done $0x0  }
0x12f: {  	s8 =	simm.s32 $0x5400;
	[sflag:s0] =	ssyncadd.s32 $0xFFFFE000  }
0x130: {  	[spmem:s3] =	stream.indirect.scatter.add.f32 [tilespmem:s25], [sflag:$0x7], $0x10, s8, s21, $0xb8;
	[tilespmem:$0x1C790] =	vst v63  }
0x131: {  	_ =	swait.ge [sflag:s17], $0x2000  }
0x132: {  	[sflag:s17] =	ssyncset.done $0x0  }
0x133: {  	s9 =	simm.s32 $0x800;
	[sflag:s17] =	ssyncadd.s32 $0xFFFFE000  }
0x134: {  	[tilespmem:s22], [sflag:$0x1] =	stream.indirect.gather [spmem:s2], $0x10, s9, s21, $0xb8;
	[tilespmem:$0x1C790] =	vst v63  }
0x135: {  	_ =	swait.ge [sflag:s19], $0x2000  }
0x136: {  	[sflag:s19] =	ssyncset.done $0x0  }
0x137: {  	s10 =	simm.s32 $0x5600;
	[sflag:s19] =	ssyncadd.s32 $0xFFFFE000  }
0x138: {  	[spmem:s3] =	stream.indirect.scatter.add.f32 [tilespmem:s28], [sflag:$0x8], $0x10, s10, s21, $0xb8;
	[tilespmem:$0x1C790] =	vst v63  }
0x139: {  	_ =	swait.ge [sflag:s20], $0x2000  }
0x13a: {  	[sflag:s20] =	ssyncset.done $0x0  }
0x13b: {  	s26 =	simm.s32 $0xA00;
	[sflag:s20] =	ssyncadd.s32 $0xFFFFE000  }
0x13c: {  	[tilespmem:s23], [sflag:$0x2] =	stream.indirect.gather [spmem:s2], $0x10, s26, s21, $0xb8;
	[tilespmem:$0x1C790] =	vst v63  }
0x13d: {  	_ =	swait.ge [sflag:s29], $0x2000  }
0x13e: {  	[sflag:s29] =	ssyncset.done $0x0  }
0x13f: {  	s8 =	simm.s32 $0x5800;
	[sflag:s29] =	ssyncadd.s32 $0xFFFFE000  }
0x140: {  	[spmem:s3] =	stream.indirect.scatter.add.f32 [tilespmem:s22], [sflag:$0x5], $0x10, s8, s21, $0xb8;
	[tilespmem:$0x1C790] =	vst v63  }
0x141: {  	_ =	swait.ge [sflag:s5], $0x2000  }
0x142: {  	[sflag:s5] =	ssyncset.done $0x0  }
0x143: {  	s9 =	simm.s32 $0xC00;
	[sflag:s5] =	ssyncadd.s32 $0xFFFFE000  }
0x144: {  	[tilespmem:s25], [sflag:$0x3] =	stream.indirect.gather [spmem:s2], $0x10, s9, s21, $0xb8;
	[tilespmem:$0x1C790] =	vst v63  }
0x145: {  	_ =	swait.ge [sflag:s30], $0x2000  }
0x146: {  	[sflag:s30] =	ssyncset.done $0x0  }
0x147: {  	s10 =	simm.s32 $0x5A00;
	[sflag:s30] =	ssyncadd.s32 $0xFFFFE000  }
0x148: {  	[spmem:s3] =	stream.indirect.scatter.add.f32 [tilespmem:s23], [sflag:$0x6], $0x10, s10, s21, $0xb8;
	[tilespmem:$0x1C790] =	vst v63  }
0x149: {  	_ =	swait.ge [sflag:s6], $0x2000  }
0x14a: {  	[sflag:s6] =	ssyncset.done $0x0  }
0x14b: {  	s26 =	simm.s32 $0xE00;
	[sflag:s6] =	ssyncadd.s32 $0xFFFFE000  }
0x14c: {  	[tilespmem:s28], [sflag:$0x4] =	stream.indirect.gather [spmem:s2], $0x10, s26, s21, $0xb8;
	[tilespmem:$0x1C790] =	vst v63  }
0x14d: {  	_ =	swait.ge [sflag:s0], $0x2000  }
0x14e: {  	[sflag:s0] =	ssyncset.done $0x0  }
0x14f: {  	s1 =	simm.s32 $0x5C00;
	s8 =	simm.s32 $0x2000;
	[sflag:s0] =	ssyncadd.s32 $0xFFFFE000  }
.LBB2_10:
0x150: {  	[spmem:s3] =	stream.indirect.scatter.add.f32 [tilespmem:s25], [sflag:$0x7], $0x10, s1, s21, $0xb8;
	[tilespmem:$0x1C790] =	vst v63  }
0x151: {  	s1 =	smov.u32 s8  }
0x152: {  	p0 =	sne.s32 s8, $0x10000;
	s8 =	sadd.s32 $0x2000, s8;
	_ =	swait.ge [sflag:s17], $0x2000  }
0x153: {  	s9 =	sshra.s32 s1, $0x2;
	[sflag:s17] =	ssyncset.done $0x0  }
0x154: {  	s1 =	sadd.s32 $0x800, s9;
	[sflag:s17] =	ssyncadd.s32 $0xFFFFE000  }
0x155: {  	[tilespmem:s22], [sflag:$0x1] =	stream.indirect.gather [spmem:s2], $0x10, s1, s21, $0xb8;
	[tilespmem:$0x1C790] =	vst v63  }
0x156: {  	_ =	swait.ge [sflag:s19], $0x2000  }
0x157: {  	[sflag:s19] =	ssyncset.done $0x0  }
0x158: {  	s1 =	sadd.s32 $0x5600, s9;
	[sflag:s19] =	ssyncadd.s32 $0xFFFFE000  }
0x159: {  	[spmem:s3] =	stream.indirect.scatter.add.f32 [tilespmem:s28], [sflag:$0x8], $0x10, s1, s21, $0xb8;
	[tilespmem:$0x1C790] =	vst v63  }
0x15a: {  	_ =	swait.ge [sflag:s20], $0x2000  }
0x15b: {  	[sflag:s20] =	ssyncset.done $0x0  }
0x15c: {  	s1 =	sadd.s32 $0xA00, s9;
	[sflag:s20] =	ssyncadd.s32 $0xFFFFE000  }
0x15d: {  	[tilespmem:s23], [sflag:$0x2] =	stream.indirect.gather [spmem:s2], $0x10, s1, s21, $0xb8;
	[tilespmem:$0x1C790] =	vst v63  }
0x15e: {  	_ =	swait.ge [sflag:s29], $0x2000  }
0x15f: {  	[sflag:s29] =	ssyncset.done $0x0  }
0x160: {  	s1 =	sadd.s32 $0x5800, s9;
	[sflag:s29] =	ssyncadd.s32 $0xFFFFE000  }
0x161: {  	[spmem:s3] =	stream.indirect.scatter.add.f32 [tilespmem:s22], [sflag:$0x5], $0x10, s1, s21, $0xb8;
	[tilespmem:$0x1C790] =	vst v63  }
0x162: {  	_ =	swait.ge [sflag:s5], $0x2000  }
0x163: {  	[sflag:s5] =	ssyncset.done $0x0  }
0x164: {  	s1 =	sadd.s32 $0xC00, s9;
	[sflag:s5] =	ssyncadd.s32 $0xFFFFE000  }
0x165: {  	[tilespmem:s25], [sflag:$0x3] =	stream.indirect.gather [spmem:s2], $0x10, s1, s21, $0xb8;
	[tilespmem:$0x1C790] =	vst v63  }
0x166: {  	_ =	swait.ge [sflag:s30], $0x2000  }
0x167: {  	[sflag:s30] =	ssyncset.done $0x0  }
0x168: {  	s1 =	sadd.s32 $0x5A00, s9;
	[sflag:s30] =	ssyncadd.s32 $0xFFFFE000  }
0x169: {  	[spmem:s3] =	stream.indirect.scatter.add.f32 [tilespmem:s23], [sflag:$0x6], $0x10, s1, s21, $0xb8;
	[tilespmem:$0x1C790] =	vst v63  }
0x16a: {  	_ =	swait.ge [sflag:s6], $0x2000  }
0x16b: {  	[sflag:s6] =	ssyncset.done $0x0  }
.Ltmp4:
0x16c: {  	s1 =	sadd.s32 $0xE00, s9;
	[sflag:s6] =	ssyncadd.s32 $0xFFFFE000;
	(pc) =	sbr.rel @p0 .LBB2_10-.Ltmp4, $4  }
0x16d: {  	[tilespmem:s28], [sflag:$0x4] =	stream.indirect.gather [spmem:s2], $0x10, s1, s21, $0xb8;
	[tilespmem:$0x1C790] =	vst v63  }
0x16e: {  	_ =	swait.ge [sflag:s0], $0x2000  }
0x16f: {  	[sflag:s0] =	ssyncset.done $0x0  }
0x170: {  	s1 =	sadd.s32 $0x5C00, s9;
	[sflag:s0] =	ssyncadd.s32 $0xFFFFE000  }
0x171: {  	[spmem:s3] =	stream.indirect.scatter.add.f32 [tilespmem:s25], [sflag:$0x7], $0x10, s1, s21, $0xb8;
	[tilespmem:$0x1C790] =	vst v63  }
0x172: {  	_ =	swait.ge [sflag:s19], $0x2000  }
0x173: {  	[sflag:s19] =	ssyncset.done $0x0  }
0x174: {  	s10 =	simm.s32 $0x9E00;
	[sflag:s19] =	ssyncadd.s32 $0xFFFFE000  }
0x175: {  	[spmem:s3] =	stream.indirect.scatter.add.f32 [tilespmem:s28], [sflag:$0x8], $0x10, s10, s21, $0xb8;
	[tilespmem:$0x1C790] =	vst v63  }
0x176: {  	_ =	swait.ge [sflag:s17], $0x2000  }
0x177: {  	[sflag:s17] =	ssyncset.done $0x0  }
0x178: {  	[sflag:s17] =	ssyncadd.s32 $0xFFFFE000  }
0x179: {  	_ =	swait.ge [sflag:s20], $0x2000  }
0x17a: {  	[sflag:s20] =	ssyncset.done $0x0  }
0x17b: {  	[sflag:s20] =	ssyncadd.s32 $0xFFFFE000  }
0x17c: {  	_ =	swait.ge [sflag:s5], $0x2000  }
0x17d: {  	[sflag:s5] =	ssyncset.done $0x0  }
0x17e: {  	[sflag:s5] =	ssyncadd.s32 $0xFFFFE000  }
0x17f: {  	_ =	swait.ge [sflag:s6], $0x2000  }
0x180: {  	[sflag:s6] =	ssyncset.done $0x0  }
0x181: {  	[sflag:s6] =	ssyncadd.s32 $0xFFFFE000  }
0x182: {  	[bflag:$0x0] =	sbarrier.arrive $0xFFFF  }
0x183: {  	[tilespmem:s18], [sflag:$0x9] =	stream.linear.gather [spmem:s12], $0x2800, $0x38;
	[tilespmem:$0x1C790] =	vst v63  }
0x184: {  	_ =	swait.ge [sflag:s15], $0x2800  }
0x185: {  	[sflag:s15] =	ssyncset.done $0x0  }
0x186: {  	[sflag:s15] =	ssyncadd.s32 $0xFFFFD800  }
0x187: {  	s9 =	simm.s32 $0xA080;
	v16 =	vld [tilespmem:$0x17780]  }
0x188: {  	v25 =	vld [tilespmem:s9+$0x40]  }
0x189: {  	s26 =	simm.s32 $0x0;
	v23 =	vld [tilespmem:s9+$0x50]  }
0x18a: {  	v17 =	vld [tilespmem:s26+$0x17000]  }
0x18b: {  	v19 =	vld [tilespmem:s26+$0x17280]  }
0x18c: {  	v18 =	vld [tilespmem:s9+$0xFFFFFF80]  }
0x18d: {  	v27 =	vld [tilespmem:s9+$0xFFFFFFE0]  }
0x18e: {  	v20 =	vld [tilespmem:s9+$0x20]  }
0x18f: {  	s8 =	simm.s32 $0xA080;
	s10 =	simm.s32 $0x40;
	v26 =	vld [tilespmem:s9+$0xFFFFFFD0];
	v24 =	vbroadcast v17, $0x6;
	v21 =	vbroadcast v17, $0xB  }
.LBB2_12:
0x190: {  	p0 =	sne.s32 s10, $0x9C0  }
0x191: {  	v28 =	vbroadcast v19, $0x5;
	v29 =	vbroadcast v19, $0xF;
	s9 =	sadd.s32 $0x100, s9;
	s26 =	smov.u32 s10;
	s10 =	sadd.s32 $0x40, s10  }
0x192: {  	v30 =	vbroadcast v19, $0x6;
	v22 =	vbroadcast v17, $0xE  }
0x193: {  	v31 =	vbroadcast v19, $0x3;
	v33 =	vbroadcast v19, $0xD;
	v32 =	vld [tilespmem:s8+$0xFFFFFFC0]  }
0x194: {  	v27 =	vmul.f32 v27, v30;
	v30 =	vbroadcast v17, $0xA;
	v34 =	vld [tilespmem:s8+$0x30]  }
0x195: {  	v35 =	vbroadcast v17, $0x9;
	v36 =	vbroadcast v19, $0xC  }
0x196: {  	v37 =	vbroadcast v17, $0x1;
	v39 =	vbroadcast v19, $0xA;
	v27 =	vadd.f32 v27, v16;
	v38 =	vld [tilespmem:s8+$0xFFFFFFF0]  }
0x197: {  	v25 =	vmul.f32 v25, v36;
	v36 =	vbroadcast v17, $0xF;
	v40 =	vld [tilespmem:s8+$0xFFFFFFB0]  }
0x198: {  	v41 =	vbroadcast v17, $0x3;
	v42 =	vbroadcast v19, $0x9;
	v27 =	vmax.f32 v27, $0.0e+00;
	v43 =	vld [tilespmem:s8+$0x70]  }
0x199: {  	v44 =	vbroadcast v17, $0x5;
	v23 =	vmul.f32 v23, v33;
	v25 =	vadd.f32 v25, v16;
	v45 =	vld [tilespmem:s8+$0x0]  }
0x19a: {  	v26 =	vmul.f32 v26, v28;
	v28 =	vbroadcast v17, $0xC;
	v33 =	vld [tilespmem:s8+$0xFFFFFF90]  }
0x19b: {  	v46 =	vbroadcast v19, $0x4;
	v48 =	vbroadcast v17, $0xD;
	v25 =	vmax.f32 v25, $0.0e+00;
	v47 =	vld [tilespmem:s8+$0x10]  }
0x19c: {  	v26 =	vadd.f32 v26, v16;
	v25 =	vmul.f32 v25, v28;
	v31 =	vmul.f32 v40, v31  }
0x19d: {  	v23 =	vadd.f32 v23, v16;
	v28 =	vbroadcast v17, $0x8;
	v29 =	vmul.f32 v43, v29  }
0x19e: {  	v40 =	vbroadcast v19, $0x7;
	v43 =	vbroadcast v19, $0xB;
	v31 =	vadd.f32 v31, v16;
	[tilespmem:s8+$0x40] =	vst v25  }
0x19f: {  	v24 =	vmul.f32 v27, v24;
	v25 =	vbroadcast v19, $0x8;
	v27 =	vadd.f32 v29, v16  }
0x1a0: {  	v23 =	vmax.f32 v23, $0.0e+00;
	v29 =	vmul.f32 v38, v40;
	v38 =	vmul.f32 v47, v42  }
0x1a1: {  	[tilespmem:s8+$0xFFFFFFE0] =	vst v24;
	v24 =	vmul.f32 v45, v25;
	v25 =	vmul.f32 v34, v43;
	v27 =	vmax.f32 v27, $0.0e+00  }
0x1a2: {  	v34 =	vbroadcast v19, $0x1;
	v29 =	vadd.f32 v29, v16;
	v38 =	vadd.f32 v38, v16  }
0x1a3: {  	v40 =	vbroadcast v19, $0x0;
	v42 =	vbroadcast v17, $0x7  }
0x1a4: {  	v33 =	vmul.f32 v33, v34;
	v29 =	vmax.f32 v29, $0.0e+00;
	v34 =	vmax.f32 v38, $0.0e+00  }
0x1a5: {  	v31 =	vmax.f32 v31, $0.0e+00;
	v29 =	vmul.f32 v29, v42;
	v34 =	vmul.f32 v34, v35  }
0x1a6: {  	v31 =	vmul.f32 v31, v41;
	v27 =	vmul.f32 v27, v36;
	v25 =	vadd.f32 v25, v16  }
0x1a7: {  	v32 =	vmul.f32 v32, v46;
	v23 =	vmul.f32 v23, v48;
	v26 =	vmax.f32 v26, $0.0e+00;
	v35 =	vld [tilespmem:s8+$0xFFFFFFA0];
	[tilespmem:s8+$0xFFFFFFF0] =	vst v29  }
0x1a8: {  	v26 =	vmul.f32 v26, v44;
	v24 =	vadd.f32 v24, v16;
	v25 =	vmax.f32 v25, $0.0e+00;
	[tilespmem:s8+$0x10] =	vst v34;
	v29 =	vld [tilespmem:s8+$0x60]  }
0x1a9: {  	v20 =	vmul.f32 v20, v39;
	v32 =	vadd.f32 v32, v16;
	v21 =	vmul.f32 v25, v21;
	[tilespmem:s8+$0x70] =	vst v27  }
0x1aa: {  	v24 =	vmax.f32 v24, $0.0e+00;
	v25 =	vbroadcast v19, $0x2;
	v27 =	vbroadcast v17, $0x4;
	[tilespmem:s8+$0xFFFFFFB0] =	vst v31  }
0x1ab: {  	v20 =	vadd.f32 v20, v16;
	v19 =	vbroadcast v19, $0xE;
	v31 =	vmax.f32 v32, $0.0e+00;
	[tilespmem:s8+$0x30] =	vst v21  }
0x1ac: {  	v21 =	vadd.f32 v33, v16;
	v27 =	vmul.f32 v31, v27;
	v32 =	vmul.f32 v35, v25;
	[tilespmem:s8+$0x50] =	vst v23  }
0x1ad: {  	s1 =	sshra.s32 s26, $0x2;
	v20 =	vmax.f32 v20, $0.0e+00;
	v24 =	vmul.f32 v24, v28;
	v19 =	vmul.f32 v29, v19  }
0x1ae: {  	v20 =	vmul.f32 v20, v30;
	v18 =	vmul.f32 v18, v40;
	v25 =	vld [tilespmem:s9+$0x40];
	v28 =	vadd.f32 v32, v16;
	[tilespmem:s8+$0xFFFFFFD0] =	vst v26  }
0x1af: {  	v21 =	vmax.f32 v21, $0.0e+00;
	v26 =	vbroadcast v17, $0x2;
	v23 =	vld [tilespmem:s9+$0x50];
	[tilespmem:s8+$0xFFFFFFC0] =	vst v27;
	v19 =	vadd.f32 v19, v16  }
0x1b0: {  	v18 =	vadd.f32 v18, v16;
	v21 =	vmul.f32 v21, v37;
	v27 =	vmax.f32 v28, $0.0e+00;
	[tilespmem:s8+$0x20] =	vst v20  }
0x1b1: {  	v17 =	vbroadcast v17, $0x0;
	v20 =	vmul.f32 v27, v26;
	[tilespmem:s8+$0x0] =	vst v24;
	v19 =	vmax.f32 v19, $0.0e+00  }
0x1b2: {  	v18 =	vmax.f32 v18, $0.0e+00;
	[tilespmem:s8+$0xFFFFFF90] =	vst v21;
	v19 =	vmul.f32 v19, v22  }
0x1b3: {  	v17 =	vmul.f32 v18, v17;
	[tilespmem:s8+$0xFFFFFFA0] =	vst v20  }
0x1b4: {  	[tilespmem:s8+$0x60] =	vst v19  }
0x1b5: {  	[tilespmem:s8+$0xFFFFFF80] =	vst v17;
	s8 =	smov.u32 s9  }
0x1b6: {  	v17 =	vld [tilespmem:s1+$0x17000]  }
.Ltmp5:
0x1b7: {  	v19 =	vld [tilespmem:s1+$0x17280];
	(pc) =	sbr.rel @p0 .LBB2_12-.Ltmp5, $4  }
0x1b8: {  	v18 =	vld [tilespmem:s9+$0xFFFFFF80]  }
0x1b9: {  	v27 =	vld [tilespmem:s9+$0xFFFFFFE0]  }
0x1ba: {  	v20 =	vld [tilespmem:s9+$0x20]  }
0x1bb: {  	v26 =	vld [tilespmem:s9+$0xFFFFFFD0];
	v24 =	vbroadcast v17, $0x6;
	v21 =	vbroadcast v17, $0xB  }
0x1bc: {  	v22 =	vbroadcast v19, $0x5  }
0x1bd: {  	v28 =	vbroadcast v19, $0xF;
	v29 =	vbroadcast v19, $0x6  }
0x1be: {  	v30 =	vbroadcast v17, $0xE;
	v31 =	vbroadcast v19, $0x3  }
0x1bf: {  	v32 =	vbroadcast v19, $0xD;
	v33 =	vbroadcast v17, $0x9  }
0x1c0: {  	v34 =	vbroadcast v19, $0xC;
	v35 =	vbroadcast v17, $0x1  }
0x1c1: {  	v36 =	vbroadcast v19, $0xA;
	v52 =	vbroadcast v17, $0xF  }
0x1c2: {  	v38 =	vbroadcast v17, $0x3;
	v39 =	vbroadcast v19, $0x9  }
0x1c3: {  	v42 =	vbroadcast v17, $0x5;
	v54 =	vbroadcast v17, $0xC  }
0x1c4: {  	v37 =	vld [tilespmem:s8+$0xFFFFFFB0];
	v43 =	vbroadcast v19, $0x4;
	v45 =	vbroadcast v17, $0xD  }
0x1c5: {  	v40 =	vld [tilespmem:s8+$0x70];
	v55 =	vbroadcast v19, $0x7;
	v56 =	vbroadcast v19, $0xB  }
0x1c6: {  	v41 =	vld [tilespmem:s8+$0x30];
	v57 =	vbroadcast v19, $0x8;
	v61 =	vbroadcast v19, $0x1  }
0x1c7: {  	v53 =	vld [tilespmem:s8+$0xFFFFFFF0];
	v62 =	vbroadcast v19, $0x0;
	v63 =	vbroadcast v17, $0x7  }
0x1c8: {  	v44 =	vld [tilespmem:s8+$0x10];
	v27 =	vmul.f32 v27, v29;
	v29 =	vbroadcast v17, $0xA  }
0x1c9: {  	v47 =	vld [tilespmem:s8+$0xFFFFFF90];
	v25 =	vmul.f32 v25, v34;
	v23 =	vmul.f32 v23, v32  }
0x1ca: {  	v60 =	vld [tilespmem:s8+$0xFFFFFFC0];
	v18 =	vmul.f32 v18, v62;
	v20 =	vmul.f32 v20, v36  }
0x1cb: {  	v22 =	vmul.f32 v26, v22;
	v26 =	vbroadcast v17, $0x8  }
0x1cc: {  	v25 =	vadd.f32 v25, v16;
	v31 =	vmul.f32 v37, v31;
	v28 =	vmul.f32 v40, v28  }
0x1cd: {  	v27 =	vadd.f32 v27, v16;
	v32 =	vmul.f32 v53, v55;
	v58 =	vmul.f32 v44, v39  }
0x1ce: {  	v46 =	vld [tilespmem:s8+$0x0];
	v23 =	vadd.f32 v23, v16;
	v59 =	vmul.f32 v41, v56;
	v41 =	vmul.f32 v47, v61  }
0x1cf: {  	v50 =	vmul.f32 v60, v43;
	v53 =	vbroadcast v19, $0x2;
	v20 =	vadd.f32 v20, v16  }
0x1d0: {  	v56 =	vbroadcast v19, $0xE;
	v25 =	vmax.f32 v25, $0.0e+00;
	v27 =	vmax.f32 v27, $0.0e+00  }
0x1d1: {  	v22 =	vadd.f32 v22, v16;
	v23 =	vmax.f32 v23, $0.0e+00;
	v25 =	vmul.f32 v25, v54  }
0x1d2: {  	v51 =	vld [tilespmem:s8+$0x60];
	v31 =	vadd.f32 v31, v16;
	v24 =	vmul.f32 v27, v24;
	v28 =	vadd.f32 v28, v16  }
0x1d3: {  	v27 =	vmul.f32 v46, v57;
	v32 =	vadd.f32 v32, v16;
	v37 =	vadd.f32 v58, v16  }
0x1d4: {  	v49 =	vld [tilespmem:s8+$0xFFFFFFA0];
	v48 =	vadd.f32 v59, v16;
	v23 =	vmul.f32 v23, v45;
	v20 =	vmax.f32 v20, $0.0e+00;
	[tilespmem:s8+$0x40] =	vst v25  }
0x1d5: {  	v54 =	vbroadcast v17, $0x4;
	v22 =	vmax.f32 v22, $0.0e+00;
	v20 =	vmul.f32 v20, v29;
	[tilespmem:s8+$0xFFFFFFE0] =	vst v24  }
0x1d6: {  	v57 =	vadd.f32 v41, v16;
	v32 =	vmax.f32 v32, $0.0e+00;
	v22 =	vmul.f32 v22, v42;
	[tilespmem:s8+$0x50] =	vst v23  }
0x1d7: {  	v19 =	vmul.f32 v51, v56;
	v37 =	vmax.f32 v37, $0.0e+00;
	v32 =	vmul.f32 v32, v63;
	[tilespmem:s8+$0x20] =	vst v20  }
0x1d8: {  	v28 =	vmax.f32 v28, $0.0e+00;
	v31 =	vmax.f32 v31, $0.0e+00;
	v33 =	vmul.f32 v37, v33;
	[tilespmem:s8+$0xFFFFFFD0] =	vst v22  }
0x1d9: {  	v27 =	vadd.f32 v27, v16;
	v24 =	vmul.f32 v49, v53;
	v28 =	vmul.f32 v28, v52;
	[tilespmem:s8+$0xFFFFFFF0] =	vst v32  }
0x1da: {  	v19 =	vadd.f32 v19, v16;
	v47 =	vmul.f32 v31, v38;
	v31 =	vmax.f32 v48, $0.0e+00;
	[tilespmem:s8+$0x10] =	vst v33  }
0x1db: {  	v52 =	vadd.f32 v50, v16;
	v21 =	vmul.f32 v31, v21;
	v27 =	vmax.f32 v27, $0.0e+00;
	[tilespmem:s8+$0x70] =	vst v28  }
0x1dc: {  	v59 =	vbroadcast v17, $0x2;
	v19 =	vmax.f32 v19, $0.0e+00;
	[tilespmem:s8+$0xFFFFFFB0] =	vst v47;
	v58 =	vmul.f32 v27, v26  }
0x1dd: {  	v24 =	vadd.f32 v24, v16;
	v55 =	vmax.f32 v52, $0.0e+00;
	v63 =	vmul.f32 v19, v30;
	[tilespmem:s8+$0x30] =	vst v21  }
0x1de: {  	v16 =	vadd.f32 v18, v16;
	v25 =	vmul.f32 v55, v54;
	v21 =	vmax.f32 v57, $0.0e+00;
	[tilespmem:s8+$0x0] =	vst v58  }
0x1df: {  	v17 =	vbroadcast v17, $0x0;
	v61 =	vmax.f32 v24, $0.0e+00;
	v60 =	vmul.f32 v21, v35;
	[tilespmem:s8+$0x60] =	vst v63  }
0x1e0: {  	v16 =	vmax.f32 v16, $0.0e+00;
	v62 =	vmul.f32 v61, v59;
	[tilespmem:s8+$0xFFFFFFC0] =	vst v25  }
0x1e1: {  	v16 =	vmul.f32 v16, v17;
	[tilespmem:s8+$0xFFFFFF90] =	vst v60  }
0x1e2: {  	[tilespmem:s8+$0xFFFFFFA0] =	vst v62  }
0x1e3: {  	[tilespmem:s8+$0xFFFFFF80] =	vst v16  }
0x1e4: {  	[spmem:s11] =	stream.linear.scatter [tilespmem:s18], [sflag:$0x9], $0x2800, $0x38;
	[tilespmem:$0x1C790] =	vst v63  }
0x1e5: {  	_ =	swait.ge [sflag:s15], $0x2800  }
0x1e6: {  	[sflag:s15] =	ssyncset.done $0x0  }
0x1e7: {  	[sflag:s15] =	ssyncadd.s32 $0xFFFFD800  }
0x1e8: {  	[spmem:s12] =	stream.linear.scatter [tilespmem:s13], [sflag:$0x9], $0x2800, $0x38;
	[tilespmem:$0x1C790] =	vst v63  }
0x1e9: {  	_ =	swait.ge [sflag:s15], $0x2800  }
0x1ea: {  	[sflag:s15] =	ssyncset.done $0x0  }
0x1eb: {  	[sflag:s15] =	ssyncadd.s32 $0xFFFFD800  }
0x1ec: {  	s1 =	simm.s32 $0x0;
	[bflag:$0x0] =	sbarrier.arrive $0xFFFF  }
0x1ed: {  	[tilespmem:s22], [sflag:$0x1] =	stream.indirect.gather [spmem:s2], $0x10, s1, s21, $0xb8;
	[tilespmem:$0x1C790] =	vst v63  }
0x1ee: {  	_ = 	snop  }
0x1ef: {  	[tilespmem:s23], [sflag:$0x2] =	stream.indirect.gather [spmem:s2], $0x10, s21, s21, $0xb8;
	[tilespmem:$0x1C790] =	vst v63  }
0x1f0: {  	_ = 	snop  }
0x1f1: {  	[tilespmem:s25], [sflag:$0x3] =	stream.indirect.gather [spmem:s2], $0x10, s14, s21, $0xb8;
	[tilespmem:$0x1C790] =	vst v63  }
0x1f2: {  	_ = 	snop  }
0x1f3: {  	[tilespmem:s28], [sflag:$0x4] =	stream.indirect.gather [spmem:s2], $0x10, s24, s21, $0xb8;
	[tilespmem:$0x1C790] =	vst v63  }
0x1f4: {  	_ =	swait.ge [sflag:s29], $0x2000  }
0x1f5: {  	[sflag:s29] =	ssyncset.done $0x0  }
0x1f6: {  	[sflag:s29] =	ssyncadd.s32 $0xFFFFE000  }
0x1f7: {  	[spmem:s3] =	stream.indirect.scatter.add.f32 [tilespmem:s22], [sflag:$0x5], $0x10, s16, s21, $0xb8;
	[tilespmem:$0x1C790] =	vst v63  }
0x1f8: {  	_ =	swait.ge [sflag:s30], $0x2000  }
0x1f9: {  	[sflag:s30] =	ssyncset.done $0x0  }
0x1fa: {  	[sflag:s30] =	ssyncadd.s32 $0xFFFFE000  }
0x1fb: {  	[spmem:s3] =	stream.indirect.scatter.add.f32 [tilespmem:s23], [sflag:$0x6], $0x10, s31, s21, $0xb8;
	[tilespmem:$0x1C790] =	vst v63  }
0x1fc: {  	_ =	swait.ge [sflag:s0], $0x2000  }
0x1fd: {  	[sflag:s0] =	ssyncset.done $0x0  }
0x1fe: {  	s8 =	simm.s32 $0x5400;
	[sflag:s0] =	ssyncadd.s32 $0xFFFFE000  }
0x1ff: {  	[spmem:s3] =	stream.indirect.scatter.add.f32 [tilespmem:s25], [sflag:$0x7], $0x10, s8, s21, $0xb8;
	[tilespmem:$0x1C790] =	vst v63  }
0x200: {  	_ =	swait.ge [sflag:s17], $0x2000  }
0x201: {  	[sflag:s17] =	ssyncset.done $0x0  }
0x202: {  	s9 =	simm.s32 $0x800;
	[sflag:s17] =	ssyncadd.s32 $0xFFFFE000  }
0x203: {  	[tilespmem:s22], [sflag:$0x1] =	stream.indirect.gather [spmem:s2], $0x10, s9, s21, $0xb8;
	[tilespmem:$0x1C790] =	vst v63  }
0x204: {  	_ =	swait.ge [sflag:s19], $0x2000  }
0x205: {  	[sflag:s19] =	ssyncset.done $0x0  }
0x206: {  	s10 =	simm.s32 $0x5600;
	[sflag:s19] =	ssyncadd.s32 $0xFFFFE000  }
0x207: {  	[spmem:s3] =	stream.indirect.scatter.add.f32 [tilespmem:s28], [sflag:$0x8], $0x10, s10, s21, $0xb8;
	[tilespmem:$0x1C790] =	vst v63  }
0x208: {  	_ =	swait.ge [sflag:s20], $0x2000  }
0x209: {  	[sflag:s20] =	ssyncset.done $0x0  }
0x20a: {  	s13 =	simm.s32 $0xA00;
	[sflag:s20] =	ssyncadd.s32 $0xFFFFE000  }
0x20b: {  	[tilespmem:s23], [sflag:$0x2] =	stream.indirect.gather [spmem:s2], $0x10, s13, s21, $0xb8;
	[tilespmem:$0x1C790] =	vst v63  }
0x20c: {  	_ =	swait.ge [sflag:s29], $0x2000  }
0x20d: {  	[sflag:s29] =	ssyncset.done $0x0  }
0x20e: {  	s14 =	simm.s32 $0x5800;
	[sflag:s29] =	ssyncadd.s32 $0xFFFFE000  }
0x20f: {  	[spmem:s3] =	stream.indirect.scatter.add.f32 [tilespmem:s22], [sflag:$0x5], $0x10, s14, s21, $0xb8;
	[tilespmem:$0x1C790] =	vst v63  }
0x210: {  	_ =	swait.ge [sflag:s5], $0x2000  }
0x211: {  	[sflag:s5] =	ssyncset.done $0x0  }
0x212: {  	s24 =	simm.s32 $0xC00;
	[sflag:s5] =	ssyncadd.s32 $0xFFFFE000  }
0x213: {  	[tilespmem:s25], [sflag:$0x3] =	stream.indirect.gather [spmem:s2], $0x10, s24, s21, $0xb8;
	[tilespmem:$0x1C790] =	vst v63  }
0x214: {  	_ =	swait.ge [sflag:s30], $0x2000  }
0x215: {  	[sflag:s30] =	ssyncset.done $0x0  }
0x216: {  	s26 =	simm.s32 $0x5A00;
	[sflag:s30] =	ssyncadd.s32 $0xFFFFE000  }
0x217: {  	[spmem:s3] =	stream.indirect.scatter.add.f32 [tilespmem:s23], [sflag:$0x6], $0x10, s26, s21, $0xb8;
	[tilespmem:$0x1C790] =	vst v63  }
0x218: {  	_ =	swait.ge [sflag:s6], $0x2000  }
0x219: {  	[sflag:s6] =	ssyncset.done $0x0  }
0x21a: {  	s31 =	simm.s32 $0xE00;
	[sflag:s6] =	ssyncadd.s32 $0xFFFFE000  }
0x21b: {  	[tilespmem:s28], [sflag:$0x4] =	stream.indirect.gather [spmem:s2], $0x10, s31, s21, $0xb8;
	[tilespmem:$0x1C790] =	vst v63  }
0x21c: {  	_ =	swait.ge [sflag:s0], $0x2000  }
0x21d: {  	s1 =	simm.s32 $0x5C00;
	[sflag:s0] =	ssyncset.done $0x0  }
0x21e: {  	s8 =	simm.s32 $0x2000;
	s24 =	simm.s32 $0x17500;
	[sflag:s0] =	ssyncadd.s32 $0xFFFFE000  }
.LBB2_14:
0x21f: {  	[spmem:s3] =	stream.indirect.scatter.add.f32 [tilespmem:s25], [sflag:$0x7], $0x10, s1, s21, $0xb8;
	[tilespmem:$0x1C790] =	vst v63  }
0x220: {  	s1 =	smov.u32 s8  }
0x221: {  	p0 =	sne.s32 s8, $0x10000;
	s8 =	sadd.s32 $0x2000, s8;
	_ =	swait.ge [sflag:s17], $0x2000  }
0x222: {  	s9 =	sshra.s32 s1, $0x2;
	[sflag:s17] =	ssyncset.done $0x0  }
0x223: {  	s1 =	sadd.s32 $0x800, s9;
	[sflag:s17] =	ssyncadd.s32 $0xFFFFE000  }
0x224: {  	[tilespmem:s22], [sflag:$0x1] =	stream.indirect.gather [spmem:s2], $0x10, s1, s21, $0xb8;
	[tilespmem:$0x1C790] =	vst v63  }
0x225: {  	_ =	swait.ge [sflag:s19], $0x2000  }
0x226: {  	[sflag:s19] =	ssyncset.done $0x0  }
0x227: {  	s1 =	sadd.s32 $0x5600, s9;
	[sflag:s19] =	ssyncadd.s32 $0xFFFFE000  }
0x228: {  	[spmem:s3] =	stream.indirect.scatter.add.f32 [tilespmem:s28], [sflag:$0x8], $0x10, s1, s21, $0xb8;
	[tilespmem:$0x1C790] =	vst v63  }
0x229: {  	_ =	swait.ge [sflag:s20], $0x2000  }
0x22a: {  	[sflag:s20] =	ssyncset.done $0x0  }
0x22b: {  	s1 =	sadd.s32 $0xA00, s9;
	[sflag:s20] =	ssyncadd.s32 $0xFFFFE000  }
0x22c: {  	[tilespmem:s23], [sflag:$0x2] =	stream.indirect.gather [spmem:s2], $0x10, s1, s21, $0xb8;
	[tilespmem:$0x1C790] =	vst v63  }
0x22d: {  	_ =	swait.ge [sflag:s29], $0x2000  }
0x22e: {  	[sflag:s29] =	ssyncset.done $0x0  }
0x22f: {  	s1 =	sadd.s32 $0x5800, s9;
	[sflag:s29] =	ssyncadd.s32 $0xFFFFE000  }
0x230: {  	[spmem:s3] =	stream.indirect.scatter.add.f32 [tilespmem:s22], [sflag:$0x5], $0x10, s1, s21, $0xb8;
	[tilespmem:$0x1C790] =	vst v63  }
0x231: {  	_ =	swait.ge [sflag:s5], $0x2000  }
0x232: {  	[sflag:s5] =	ssyncset.done $0x0  }
0x233: {  	s1 =	sadd.s32 $0xC00, s9;
	[sflag:s5] =	ssyncadd.s32 $0xFFFFE000  }
0x234: {  	[tilespmem:s25], [sflag:$0x3] =	stream.indirect.gather [spmem:s2], $0x10, s1, s21, $0xb8;
	[tilespmem:$0x1C790] =	vst v63  }
0x235: {  	_ =	swait.ge [sflag:s30], $0x2000  }
0x236: {  	[sflag:s30] =	ssyncset.done $0x0  }
0x237: {  	s1 =	sadd.s32 $0x5A00, s9;
	[sflag:s30] =	ssyncadd.s32 $0xFFFFE000  }
0x238: {  	[spmem:s3] =	stream.indirect.scatter.add.f32 [tilespmem:s23], [sflag:$0x6], $0x10, s1, s21, $0xb8;
	[tilespmem:$0x1C790] =	vst v63  }
0x239: {  	_ =	swait.ge [sflag:s6], $0x2000  }
0x23a: {  	[sflag:s6] =	ssyncset.done $0x0  }
.Ltmp6:
0x23b: {  	s1 =	sadd.s32 $0xE00, s9;
	[sflag:s6] =	ssyncadd.s32 $0xFFFFE000;
	(pc) =	sbr.rel @p0 .LBB2_14-.Ltmp6, $4  }
0x23c: {  	[tilespmem:s28], [sflag:$0x4] =	stream.indirect.gather [spmem:s2], $0x10, s1, s21, $0xb8;
	[tilespmem:$0x1C790] =	vst v63  }
0x23d: {  	_ =	swait.ge [sflag:s0], $0x2000  }
0x23e: {  	[sflag:s0] =	ssyncset.done $0x0  }
0x23f: {  	s1 =	sadd.s32 $0x5C00, s9;
	[sflag:s0] =	ssyncadd.s32 $0xFFFFE000  }
0x240: {  	[spmem:s3] =	stream.indirect.scatter.add.f32 [tilespmem:s25], [sflag:$0x7], $0x10, s1, s21, $0xb8;
	[tilespmem:$0x1C790] =	vst v63  }
0x241: {  	_ =	swait.ge [sflag:s19], $0x2000  }
0x242: {  	[sflag:s19] =	ssyncset.done $0x0  }
0x243: {  	s14 =	simm.s32 $0x9E00;
	[sflag:s19] =	ssyncadd.s32 $0xFFFFE000  }
0x244: {  	[spmem:s3] =	stream.indirect.scatter.add.f32 [tilespmem:s28], [sflag:$0x8], $0x10, s14, s21, $0xb8;
	[tilespmem:$0x1C790] =	vst v63  }
0x245: {  	_ =	swait.ge [sflag:s17], $0x2000  }
0x246: {  	[sflag:s17] =	ssyncset.done $0x0  }
0x247: {  	[sflag:s17] =	ssyncadd.s32 $0xFFFFE000  }
0x248: {  	_ =	swait.ge [sflag:s20], $0x2000  }
0x249: {  	[sflag:s20] =	ssyncset.done $0x0  }
0x24a: {  	[sflag:s20] =	ssyncadd.s32 $0xFFFFE000  }
0x24b: {  	_ =	swait.ge [sflag:s5], $0x2000  }
0x24c: {  	[sflag:s5] =	ssyncset.done $0x0  }
0x24d: {  	[sflag:s5] =	ssyncadd.s32 $0xFFFFE000  }
0x24e: {  	_ =	swait.ge [sflag:s6], $0x2000  }
0x24f: {  	[sflag:s6] =	ssyncset.done $0x0  }
0x250: {  	[sflag:s6] =	ssyncadd.s32 $0xFFFFE000  }
0x251: {  	[bflag:$0x0] =	sbarrier.arrive $0xFFFF  }
0x252: {  	[tilespmem:s18], [sflag:$0x9] =	stream.linear.gather [spmem:s12], $0x2800, $0x38;
	[tilespmem:$0x1C790] =	vst v63  }
0x253: {  	_ =	swait.ge [sflag:s15], $0x2800  }
0x254: {  	[sflag:s15] =	ssyncset.done $0x0  }
0x255: {  	s26 =	rddreg [dreg:$0xc];
	[sflag:s15] =	ssyncadd.s32 $0xFFFFD800  }
0x256: {  	[hbm4b:s26+s4] =	stream.linear.scatter [tilespmem:s18], [sflag:$0x9], $0x2800, $0x38;
	[tilespmem:$0x1C790] =	vst v63  }
0x257: {  	_ =	swait.ge [sflag:s15], $0x2800  }
0x258: {  	s7 =	sadd.s32 $0x1, s7;
	s31 =	rddreg [dreg:$0xd]  }
0x259: {  	p0 =	sne.s32 s7, s31  }
.Ltmp7:
0x25a: {  	_ = 	snop;
	(pc) =	sbr.rel @p0 .LBB2_1-.Ltmp7, $3  }
0x25b: {  	_ =	sdelay $0x1  }
0x25c: {  	[sflag:s15] =	ssyncset.done $0x0  }
0x25d: {  	[sflag:s15] =	ssyncadd.s32 $0xFFFFD800  }
0x25e: {  	_ =	sfence.sel $0x180000  }
0x25f: {  	[bflag:$0x0] =	sbarrier.arrive $0xFFFF  }
0x260: {  	_ =	strace $0x9000004A  }
0x261: {  	s0 =	stileid.u32;
	[bflag:$0x2] =	sbarrier.arrive $0xFFFF  }
0x262: {  	p0 =	sne.s32 s0, $0x0;
	s0 =	rddreg [dreg:$0x5]  }
0x263: {  	s0 =	sadd.s32 @!p0 $0x100000, s0  }
0x264: {  	[sflag:s0] =	ssyncadd.tile.s32 @!p0 $0x1;
	_ =	shalt  }
.Lfunc_end2:
_tile_overlayer_lowered:
.L_overlay_start_2:
0x265: {  	(tag) =	ssettag $0x2  }
0x266: {  	s0 =	rddreg [dreg:$0x0];
	s2 =	stileid.u32  }
0x267: {  	s1 =	rddreg [dreg:$0x1];
	p0 =	sne.s32 s2, $0x0  }
0x268: {  	s3 =	rddreg [dreg:$0x2];
	[bflag:$0x3] =	sbarrier.arrive $0xFFFF;
	s2 =	simm.s32 @!p0 $0x1C09  }
0x269: {  	[timem:s3], [sflag:s2] =	dma.local @!p0 [hbm:s0], s1  }
0x26a: {  	s0 =	simm.s32 @!p0 $0x9  }
0x26b: {  	_ =	swait.ge @!p0 [sflag:s0], s1  }
0x26c: {  	s1 =	ssub.s32 @!p0 $0x0, s1;
	[sflag:s0] =	ssyncset.done @!p0 $0x0  }
0x26d: {  	[sflag:s0] =	ssyncadd.s32 @!p0 s1  }
0x26e: {  	[bflag:$0x3] =	sbarrier.arrive $0xFFFF  }
0x26f: {  	_ =	shalt  }

</sc_bundles>
